<compile_context>
chip_gen: v7x
topology: tpu7x:2x2x1
jax: 0.10.2.dev20260603
libtpu: 0.0.44.dev20260713+nightly
codegen_flags: <defaults>
</compile_context>

<pallas_src>
import jax
import jax.numpy as jnp
from jax import lax
from jax.experimental import pallas as pl
from jax.experimental.pallas import tpu as pltpu
from jax.experimental.pallas import tpu_sc as plsc

N = 10000
E = 320000
D = 128

NC = 2
NS = 16
CHUNK = 128
NCHUNK = 2560
E_PAD = NCHUNK * CHUNK
CPW = NCHUNK // (NC * NS)
N_TAB = 10112
ZROWS = N_TAB // NS
GRP = 16

_MESH = plsc.VectorSubcoreMesh(
    core_axis_name="c", subcore_axis_name="s", num_cores=NC, num_subcores=NS)


def _sc_builder(kind):
  out_type = jax.ShapeDtypeStruct((NC, N_TAB, D), jnp.float32)
  scratch = [
      pltpu.VMEM((GRP, CHUNK), jnp.int32),
      pltpu.VMEM((GRP, CHUNK), jnp.int32),
      pltpu.VMEM((CHUNK, D), jnp.float32),
      pltpu.VMEM((CHUNK, D), jnp.float32),
      pltpu.VMEM_SHARED((N_TAB, D), jnp.float32),
      pltpu.SemaphoreType.DMA,
      pltpu.SemaphoreType.DMA,
  ]

  def body(table_hbm, src_hbm, dst_hbm, znd_hbm, p_hbm,
           srcv, dstv, rows_a, rows_b, agg_s, sem_a, sem_b):
    c = lax.axis_index("c")
    s = lax.axis_index("s")
    bufs = [rows_a, rows_b]
    sems = [sem_a, sem_b]

    pltpu.sync_copy(znd_hbm.at[pl.ds(s * ZROWS, ZROWS)],
                    agg_s.at[pl.ds(s * ZROWS, ZROWS)])
    if kind == "cnt":
      pltpu.sync_copy(table_hbm, rows_a)
    plsc.subcore_barrier()

    start = (c * NS + s) * CPW

    def group(g, carry):
      base = start + g * GRP
      if kind == "agg":
        pltpu.sync_copy(src_hbm.at[pl.ds(base, GRP)], srcv)
      pltpu.sync_copy(dst_hbm.at[pl.ds(base, GRP)], dstv)

      if kind == "agg":
        descs = [None, None]
        descs[0] = pltpu.async_copy(table_hbm.at[srcv.at[0]], bufs[0], sems[0])
        for j in range(GRP):
          if j + 1 < GRP:
            descs[(j + 1) % 2] = pltpu.async_copy(
                table_hbm.at[srcv.at[j + 1]], bufs[(j + 1) % 2],
                sems[(j + 1) % 2])
          descs[j % 2].wait()
          pltpu.sync_copy(bufs[j % 2], agg_s.at[dstv.at[j]], add=True)
      else:
        for j in range(GRP):
          pltpu.sync_copy(rows_a, agg_s.at[dstv.at[j]], add=True)
      return carry

    lax.fori_loop(0, CPW // GRP, group, 0)
    plsc.subcore_barrier()
    pltpu.sync_copy(agg_s.at[pl.ds(s * ZROWS, ZROWS)],
                    p_hbm.at[c, pl.ds(s * ZROWS, ZROWS)])

  return pl.kernel(body, out_type=out_type, mesh=_MESH, scratch_types=scratch)


_sc_agg = _sc_builder("agg")
_sc_cnt = _sc_builder("cnt")


def _tc_body(p_ref, c_ref, x_ref, wl_ref, b_ref, wr_ref, o_ref):
  cnt = jnp.maximum(c_ref[0, :, 0:1] + c_ref[1, :, 0:1], 1.0)
  agg = (p_ref[0] + p_ref[1]) / cnt
  o_ref[...] = jnp.maximum(
      jnp.dot(agg, wl_ref[...], preferred_element_type=jnp.float32)
      + b_ref[...]
      + jnp.dot(x_ref[...], wr_ref[...], preferred_element_type=jnp.float32),
      0.0)


_R = 1000


def _tc_layer(p, cnt128, x, wlT, b, wrT):
  return pl.pallas_call(
      _tc_body,
      grid=(N // _R,),
      in_specs=[
          pl.BlockSpec((NC, _R, D), lambda i: (0, i, 0)),
          pl.BlockSpec((NC, _R, D), lambda i: (0, i, 0)),
          pl.BlockSpec((_R, D), lambda i: (i, 0)),
          pl.BlockSpec((D, D), lambda i: (0, 0)),
          pl.BlockSpec((1, D), lambda i: (0, 0)),
          pl.BlockSpec((D, D), lambda i: (0, 0)),
      ],
      out_specs=pl.BlockSpec((_R, D), lambda i: (i, 0)),
      out_shape=jax.ShapeDtypeStruct((N, D), jnp.float32),
  )(p, cnt128, x, wlT, b.reshape(1, D), wrT)


def kernel(x, edge_index, W1l, b1, W1r, W2l, b2, W2r):
  src = edge_index[0].astype(jnp.int32)
  dst = edge_index[1].astype(jnp.int32)
  pad = E_PAD - E
  pad_idx = jnp.arange(pad, dtype=jnp.int32)
  pad_dst = N + (pad_idx % (N_TAB - N))
  pad_src = pad_idx % N
  src2 = jnp.concatenate([src, pad_src]).reshape(-1, CHUNK)
  dst2 = jnp.concatenate([dst, pad_dst]).reshape(-1, CHUNK)

  znd = jnp.zeros((N_TAB, D), jnp.float32)
  ones = jnp.ones((CHUNK, D), jnp.float32)

  cnt128 = _sc_cnt(ones, src2, dst2, znd)
  p1 = _sc_agg(x, src2, dst2, znd)
  h = _tc_layer(p1, cnt128, x, W1l.T, b1, W1r.T)
  p2 = _sc_agg(h, src2, dst2, znd)
  out = _tc_layer(p2, cnt128, h, W2l.T, b2, W2r.T)
  return out

# --- scband reference (transcript-rebuilt; emitter-appended) ---
"""Pipeline reference for scband-sage-7937099563499 (READ-ONLY COPY).

The authoritative reference and input builder live on the scoring server;
editing this copy changes nothing except your own understanding.
"""

import jax, jax.numpy as jnp
import numpy as np

N = 10000
E = 320000
D = 128


def sage_conv(x, edge_index, Wl, bl, Wr, num_nodes):
    # PyG SAGEConv with mean aggregation:
    # out = lin_l(mean_{j in N(i)} x_j) + lin_r(x_i)
    src = edge_index[0]
    dst = edge_index[1]
    msg = jnp.take(x, src, axis=0)                                   # gather
    agg = jax.ops.segment_sum(msg, dst, num_segments=num_nodes)      # scatter-add
    cnt = jax.ops.segment_sum(jnp.ones((msg.shape[0], 1), x.dtype), dst, num_segments=num_nodes)
    agg = agg / jnp.clip(cnt, 1.0, None)                             # mean
    return agg @ Wl.T + bl + x @ Wr.T


def setup_inputs(seed: int = 0) -> dict:
    key = jax.random.key(seed)
    ks = jax.random.split(key, 8)
    x = jax.random.normal(ks[0], (N, D), dtype=jnp.float32)
    edge_index = jax.random.randint(ks[1], (2, E), 0, N).astype(jnp.int64)
    s = 1.0 / np.sqrt(D)
    W1l = jax.random.normal(ks[2], (D, D), dtype=jnp.float32) * s
    b1 = jnp.zeros((D,), dtype=jnp.float32)
    W1r = jax.random.normal(ks[3], (D, D), dtype=jnp.float32) * s
    W2l = jax.random.normal(ks[4], (D, D), dtype=jnp.float32) * s
    b2 = jnp.zeros((D,), dtype=jnp.float32)
    W2r = jax.random.normal(ks[5], (D, D), dtype=jnp.float32) * s
    return {"x": x, "edge_index": edge_index, "W1l": W1l, "b1": b1, "W1r": W1r, "W2l": W2l, "b2": b2, "W2r": W2r}


def reference(x, edge_index, W1l, b1, W1r, W2l, b2, W2r):
    h = sage_conv(x, edge_index, W1l, b1, W1r, N)
    h = jax.nn.relu(h)
    h = sage_conv(h, edge_index, W2l, b2, W2r, N)
    h = jax.nn.relu(h)
    return h

if __name__ == "__main__":
    import jax
    _d = setup_inputs()
    print(jax.jit(kernel)(*tuple(_d.values())))

</pallas_src>

<mosaic_0001>
#map = affine_map<(d0, d1) -> (0, 0)>
#map1 = affine_map<(d0, d1) -> (0, 0, 0)>
module attributes {stable_mosaic.version = 14 : i64} {
  func.func @body(%arg0: i32, %arg1: i32, %arg2: memref<128x128xf32, #tpu.memory_space<hbm>>, %arg3: memref<2560x128xi32, #tpu.memory_space<hbm>>, %arg4: memref<2560x128xi32, #tpu.memory_space<hbm>>, %arg5: memref<10112x128xf32, #tpu.memory_space<hbm>>, %arg6: memref<2x10112x128xf32, #tpu.memory_space<hbm>>, %arg7: memref<16x128xi32, #tpu.memory_space<vmem>>, %arg8: memref<16x128xi32, #tpu.memory_space<vmem>>, %arg9: memref<128x128xf32, #tpu.memory_space<vmem>>, %arg10: memref<128x128xf32, #tpu.memory_space<vmem>>, %arg11: memref<10112x128xf32, #tpu.memory_space<vmem_shared>>, %arg12: memref<!tpu.dma_semaphore, #tpu.memory_space<semaphore_mem>>, %arg13: memref<!tpu.dma_semaphore, #tpu.memory_space<semaphore_mem>>) attributes {dimension_semantics = [#tpu.dimension_semantics<core_parallel>, #tpu.dimension_semantics<subcore_parallel>], iteration_bounds = array<i64: 2, 16>, scalar_prefetch = 0 : i64, scratch_operands = 7 : i64, tpu.core_type = #tpu.core_type<sc_vector_subcore>, window_params = [{transform_indices = #map}, {transform_indices = #map}, {transform_indices = #map}, {transform_indices = #map}, {transform_indices = #map1}]} {
    %mul3A = arith.constant 632 : i32
    %mul3A_0 = arith.muli %arg1, %mul3A : i32
    %mul3A_1 = arith.constant 632 : i32
    %mul3A_2 = arith.muli %arg1, %mul3A_1 : i32
    "tpu.region"() ({
      %run_scoped3A = tpu.sem_alloc : memref<!tpu.dma_semaphore, #tpu.memory_space<semaphore_mem>>
      %dma_start3A = arith.constant 0 : i32
      %dma_start3A_17 = tpu.memref_slice %arg11[%mul3A_2, %dma_start3A] : memref<10112x128xf32, #tpu.memory_space<vmem_shared>> -> memref<632x128xf32, #tpu.memory_space<vmem_shared>>
      %dma_start3A_18 = arith.constant 0 : i32
      %dma_start3A_19 = tpu.memref_slice %arg5[%mul3A_0, %dma_start3A_18] : memref<10112x128xf32, #tpu.memory_space<hbm>> -> memref<632x128xf32, #tpu.memory_space<hbm>>
      tpu.enqueue_dma source(%dma_start3A_19 : memref<632x128xf32, #tpu.memory_space<hbm>>) target(%dma_start3A_17 : memref<632x128xf32, #tpu.memory_space<vmem_shared>>) target_semaphore(%run_scoped3A : memref<!tpu.dma_semaphore, #tpu.memory_space<semaphore_mem>>)
      %dma_wait3A = arith.constant 0 : i32
      %dma_wait3A_20 = tpu.memref_slice %arg11[%mul3A_2, %dma_wait3A] : memref<10112x128xf32, #tpu.memory_space<vmem_shared>> -> memref<632x128xf32, #tpu.memory_space<vmem_shared>>
      %dma_wait3A_21 = arith.constant 0 : i32
      %dma_wait3A_22 = tpu.memref_slice %arg5[%mul3A_0, %dma_wait3A_21] : memref<10112x128xf32, #tpu.memory_space<hbm>> -> memref<632x128xf32, #tpu.memory_space<hbm>>
      tpu.wait_dma2 semaphore(%run_scoped3A : memref<!tpu.dma_semaphore, #tpu.memory_space<semaphore_mem>>) src(%dma_wait3A_22 : memref<632x128xf32, #tpu.memory_space<hbm>>) dst(%dma_wait3A_20 : memref<632x128xf32, #tpu.memory_space<vmem_shared>>)
      tpu.yield
    }) : () -> ()
    "tpu.region"() ({
      %run_scoped3A = tpu.sem_alloc : memref<!tpu.dma_semaphore, #tpu.memory_space<semaphore_mem>>
      tpu.enqueue_dma source(%arg2 : memref<128x128xf32, #tpu.memory_space<hbm>>) target(%arg9 : memref<128x128xf32, #tpu.memory_space<vmem>>) target_semaphore(%run_scoped3A : memref<!tpu.dma_semaphore, #tpu.memory_space<semaphore_mem>>)
      tpu.wait_dma2 semaphore(%run_scoped3A : memref<!tpu.dma_semaphore, #tpu.memory_space<semaphore_mem>>) src(%arg2 : memref<128x128xf32, #tpu.memory_space<hbm>>) dst(%arg9 : memref<128x128xf32, #tpu.memory_space<vmem>>)
      tpu.yield
    }) : () -> ()
    %barrier3A = arith.constant 0 : index
    tpu.barrier barrier_id(%barrier3A)
    %mul3A_3 = arith.constant 16 : i32
    %mul3A_4 = arith.muli %arg0, %mul3A_3 : i32
    %add3A = arith.addi %mul3A_4, %arg1 : i32
    %mul3A_5 = arith.constant 80 : i32
    %mul3A_6 = arith.muli %add3A, %mul3A_5 : i32
    %scan3A = arith.constant 0 : i32
    %scan3A_7 = arith.constant 0 : i32
    %scan3A_8 = arith.constant 5 : i32
    %scan3A_9 = arith.addi %scan3A_7, %scan3A_8 : i32
    %scan3A_10 = arith.constant 1 : i32
    scf.for %scan3A_17 = %scan3A_7 to %scan3A_9 step %scan3A_10  : i32 {
      %mul3A_18 = arith.constant 16 : i32
      %mul3A_19 = arith.muli %scan3A_17, %mul3A_18 : i32
      %add3A_20 = arith.addi %mul3A_6, %mul3A_19 : i32
      "tpu.region"() ({
        %run_scoped3A_36 = tpu.sem_alloc : memref<!tpu.dma_semaphore, #tpu.memory_space<semaphore_mem>>
        %dma_start3A = arith.constant 0 : i32
        %dma_start3A_37 = tpu.memref_slice %arg4[%add3A_20, %dma_start3A] : memref<2560x128xi32, #tpu.memory_space<hbm>> -> memref<16x128xi32, #tpu.memory_space<hbm>>
        %dma_start3A_38 = arith.constant 0 : i32
        %dma_start3A_39 = tpu.memref_slice %arg4[%add3A_20, %dma_start3A_38] : memref<2560x128xi32, #tpu.memory_space<hbm>> -> memref<16x128xi32, #tpu.memory_space<hbm>>
        tpu.enqueue_dma source(%dma_start3A_39 : memref<16x128xi32, #tpu.memory_space<hbm>>) target(%arg8 : memref<16x128xi32, #tpu.memory_space<vmem>>) target_semaphore(%run_scoped3A_36 : memref<!tpu.dma_semaphore, #tpu.memory_space<semaphore_mem>>)
        %dma_wait3A = arith.constant 0 : i32
        %dma_wait3A_40 = tpu.memref_slice %arg4[%add3A_20, %dma_wait3A] : memref<2560x128xi32, #tpu.memory_space<hbm>> -> memref<16x128xi32, #tpu.memory_space<hbm>>
        %dma_wait3A_41 = arith.constant 0 : i32
        %dma_wait3A_42 = tpu.memref_slice %arg4[%add3A_20, %dma_wait3A_41] : memref<2560x128xi32, #tpu.memory_space<hbm>> -> memref<16x128xi32, #tpu.memory_space<hbm>>
        tpu.wait_dma2 semaphore(%run_scoped3A_36 : memref<!tpu.dma_semaphore, #tpu.memory_space<semaphore_mem>>) src(%dma_wait3A_42 : memref<16x128xi32, #tpu.memory_space<hbm>>) dst(%arg8 : memref<16x128xi32, #tpu.memory_space<vmem>>)
        tpu.yield
      }) : () -> ()
      %run_scoped3A = arith.constant 0 : i32
      "tpu.region"() ({
        %run_scoped3A_36 = tpu.sem_alloc : memref<!tpu.dma_semaphore, #tpu.memory_space<semaphore_mem>>
        %dma_start3A = arith.constant 0 : i32
        %dma_start3A_37 = tpu.memref_slice %arg8[%run_scoped3A, %dma_start3A] : memref<16x128xi32, #tpu.memory_space<vmem>> -> memref<1x128xi32, #tpu.memory_space<vmem>>
        %dma_start3A_38 = tpu.memref_squeeze %dma_start3A_37 : memref<1x128xi32, #tpu.memory_space<vmem>> -> memref<128xi32, #tpu.memory_space<vmem>>
        %dma_start3A_39 = arith.constant 0 : i32
        %dma_start3A_40 = arith.constant 0 : i32
        %dma_start3A_41 = tpu.memref_slice %arg11[%dma_start3A_39, %dma_start3A_40] : memref<10112x128xf32, #tpu.memory_space<vmem_shared>> -> memref<10112x128xf32, #tpu.memory_space<vmem_shared>>
        tpu.enqueue_indirect_dma source(%arg9 : memref<128x128xf32, #tpu.memory_space<vmem>>) target(%dma_start3A_41 : memref<10112x128xf32, #tpu.memory_space<vmem_shared>>) offsets(%dma_start3A_38 : memref<128xi32, #tpu.memory_space<vmem>>) semaphore(%run_scoped3A_36 : memref<!tpu.dma_semaphore, #tpu.memory_space<semaphore_mem>>) {add = true}
        %dma_wait3A = arith.constant 0 : i32
        %dma_wait3A_42 = tpu.memref_slice %arg8[%run_scoped3A, %dma_wait3A] : memref<16x128xi32, #tpu.memory_space<vmem>> -> memref<1x128xi32, #tpu.memory_space<vmem>>
        %dma_wait3A_43 = tpu.memref_squeeze %dma_wait3A_42 : memref<1x128xi32, #tpu.memory_space<vmem>> -> memref<128xi32, #tpu.memory_space<vmem>>
        %dma_wait3A_44 = arith.constant 0 : i32
        %dma_wait3A_45 = arith.constant 0 : i32
        %dma_wait3A_46 = tpu.memref_slice %arg11[%dma_wait3A_44, %dma_wait3A_45] : memref<10112x128xf32, #tpu.memory_space<vmem_shared>> -> memref<10112x128xf32, #tpu.memory_space<vmem_shared>>
        tpu.wait_indirect_dma semaphore(%run_scoped3A_36 : memref<!tpu.dma_semaphore, #tpu.memory_space<semaphore_mem>>) src(%arg9 : memref<128x128xf32, #tpu.memory_space<vmem>>) dst(%dma_wait3A_46 : memref<10112x128xf32, #tpu.memory_space<vmem_shared>>)
        tpu.yield
      }) : () -> ()
      %run_scoped3A_21 = arith.constant 1 : i32
      "tpu.region"() ({
        %run_scoped3A_36 = tpu.sem_alloc : memref<!tpu.dma_semaphore, #tpu.memory_space<semaphore_mem>>
        %dma_start3A = arith.constant 0 : i32
        %dma_start3A_37 = tpu.memref_slice %arg8[%run_scoped3A_21, %dma_start3A] : memref<16x128xi32, #tpu.memory_space<vmem>> -> memref<1x128xi32, #tpu.memory_space<vmem>>
        %dma_start3A_38 = tpu.memref_squeeze %dma_start3A_37 : memref<1x128xi32, #tpu.memory_space<vmem>> -> memref<128xi32, #tpu.memory_space<vmem>>
        %dma_start3A_39 = arith.constant 0 : i32
        %dma_start3A_40 = arith.constant 0 : i32
        %dma_start3A_41 = tpu.memref_slice %arg11[%dma_start3A_39, %dma_start3A_40] : memref<10112x128xf32, #tpu.memory_space<vmem_shared>> -> memref<10112x128xf32, #tpu.memory_space<vmem_shared>>
        tpu.enqueue_indirect_dma source(%arg9 : memref<128x128xf32, #tpu.memory_space<vmem>>) target(%dma_start3A_41 : memref<10112x128xf32, #tpu.memory_space<vmem_shared>>) offsets(%dma_start3A_38 : memref<128xi32, #tpu.memory_space<vmem>>) semaphore(%run_scoped3A_36 : memref<!tpu.dma_semaphore, #tpu.memory_space<semaphore_mem>>) {add = true}
        %dma_wait3A = arith.constant 0 : i32
        %dma_wait3A_42 = tpu.memref_slice %arg8[%run_scoped3A_21, %dma_wait3A] : memref<16x128xi32, #tpu.memory_space<vmem>> -> memref<1x128xi32, #tpu.memory_space<vmem>>
        %dma_wait3A_43 = tpu.memref_squeeze %dma_wait3A_42 : memref<1x128xi32, #tpu.memory_space<vmem>> -> memref<128xi32, #tpu.memory_space<vmem>>
        %dma_wait3A_44 = arith.constant 0 : i32
        %dma_wait3A_45 = arith.constant 0 : i32
        %dma_wait3A_46 = tpu.memref_slice %arg11[%dma_wait3A_44, %dma_wait3A_45] : memref<10112x128xf32, #tpu.memory_space<vmem_shared>> -> memref<10112x128xf32, #tpu.memory_space<vmem_shared>>
        tpu.wait_indirect_dma semaphore(%run_scoped3A_36 : memref<!tpu.dma_semaphore, #tpu.memory_space<semaphore_mem>>) src(%arg9 : memref<128x128xf32, #tpu.memory_space<vmem>>) dst(%dma_wait3A_46 : memref<10112x128xf32, #tpu.memory_space<vmem_shared>>)
        tpu.yield
      }) : () -> ()
      %run_scoped3A_22 = arith.constant 2 : i32
      "tpu.region"() ({
        %run_scoped3A_36 = tpu.sem_alloc : memref<!tpu.dma_semaphore, #tpu.memory_space<semaphore_mem>>
        %dma_start3A = arith.constant 0 : i32
        %dma_start3A_37 = tpu.memref_slice %arg8[%run_scoped3A_22, %dma_start3A] : memref<16x128xi32, #tpu.memory_space<vmem>> -> memref<1x128xi32, #tpu.memory_space<vmem>>
        %dma_start3A_38 = tpu.memref_squeeze %dma_start3A_37 : memref<1x128xi32, #tpu.memory_space<vmem>> -> memref<128xi32, #tpu.memory_space<vmem>>
        %dma_start3A_39 = arith.constant 0 : i32
        %dma_start3A_40 = arith.constant 0 : i32
        %dma_start3A_41 = tpu.memref_slice %arg11[%dma_start3A_39, %dma_start3A_40] : memref<10112x128xf32, #tpu.memory_space<vmem_shared>> -> memref<10112x128xf32, #tpu.memory_space<vmem_shared>>
        tpu.enqueue_indirect_dma source(%arg9 : memref<128x128xf32, #tpu.memory_space<vmem>>) target(%dma_start3A_41 : memref<10112x128xf32, #tpu.memory_space<vmem_shared>>) offsets(%dma_start3A_38 : memref<128xi32, #tpu.memory_space<vmem>>) semaphore(%run_scoped3A_36 : memref<!tpu.dma_semaphore, #tpu.memory_space<semaphore_mem>>) {add = true}
        %dma_wait3A = arith.constant 0 : i32
        %dma_wait3A_42 = tpu.memref_slice %arg8[%run_scoped3A_22, %dma_wait3A] : memref<16x128xi32, #tpu.memory_space<vmem>> -> memref<1x128xi32, #tpu.memory_space<vmem>>
        %dma_wait3A_43 = tpu.memref_squeeze %dma_wait3A_42 : memref<1x128xi32, #tpu.memory_space<vmem>> -> memref<128xi32, #tpu.memory_space<vmem>>
        %dma_wait3A_44 = arith.constant 0 : i32
        %dma_wait3A_45 = arith.constant 0 : i32
        %dma_wait3A_46 = tpu.memref_slice %arg11[%dma_wait3A_44, %dma_wait3A_45] : memref<10112x128xf32, #tpu.memory_space<vmem_shared>> -> memref<10112x128xf32, #tpu.memory_space<vmem_shared>>
        tpu.wait_indirect_dma semaphore(%run_scoped3A_36 : memref<!tpu.dma_semaphore, #tpu.memory_space<semaphore_mem>>) src(%arg9 : memref<128x128xf32, #tpu.memory_space<vmem>>) dst(%dma_wait3A_46 : memref<10112x128xf32, #tpu.memory_space<vmem_shared>>)
        tpu.yield
      }) : () -> ()
      %run_scoped3A_23 = arith.constant 3 : i32
      "tpu.region"() ({
        %run_scoped3A_36 = tpu.sem_alloc : memref<!tpu.dma_semaphore, #tpu.memory_space<semaphore_mem>>
        %dma_start3A = arith.constant 0 : i32
        %dma_start3A_37 = tpu.memref_slice %arg8[%run_scoped3A_23, %dma_start3A] : memref<16x128xi32, #tpu.memory_space<vmem>> -> memref<1x128xi32, #tpu.memory_space<vmem>>
        %dma_start3A_38 = tpu.memref_squeeze %dma_start3A_37 : memref<1x128xi32, #tpu.memory_space<vmem>> -> memref<128xi32, #tpu.memory_space<vmem>>
        %dma_start3A_39 = arith.constant 0 : i32
        %dma_start3A_40 = arith.constant 0 : i32
        %dma_start3A_41 = tpu.memref_slice %arg11[%dma_start3A_39, %dma_start3A_40] : memref<10112x128xf32, #tpu.memory_space<vmem_shared>> -> memref<10112x128xf32, #tpu.memory_space<vmem_shared>>
        tpu.enqueue_indirect_dma source(%arg9 : memref<128x128xf32, #tpu.memory_space<vmem>>) target(%dma_start3A_41 : memref<10112x128xf32, #tpu.memory_space<vmem_shared>>) offsets(%dma_start3A_38 : memref<128xi32, #tpu.memory_space<vmem>>) semaphore(%run_scoped3A_36 : memref<!tpu.dma_semaphore, #tpu.memory_space<semaphore_mem>>) {add = true}
        %dma_wait3A = arith.constant 0 : i32
        %dma_wait3A_42 = tpu.memref_slice %arg8[%run_scoped3A_23, %dma_wait3A] : memref<16x128xi32, #tpu.memory_space<vmem>> -> memref<1x128xi32, #tpu.memory_space<vmem>>
        %dma_wait3A_43 = tpu.memref_squeeze %dma_wait3A_42 : memref<1x128xi32, #tpu.memory_space<vmem>> -> memref<128xi32, #tpu.memory_space<vmem>>
        %dma_wait3A_44 = arith.constant 0 : i32
        %dma_wait3A_45 = arith.constant 0 : i32
        %dma_wait3A_46 = tpu.memref_slice %arg11[%dma_wait3A_44, %dma_wait3A_45] : memref<10112x128xf32, #tpu.memory_space<vmem_shared>> -> memref<10112x128xf32, #tpu.memory_space<vmem_shared>>
        tpu.wait_indirect_dma semaphore(%run_scoped3A_36 : memref<!tpu.dma_semaphore, #tpu.memory_space<semaphore_mem>>) src(%arg9 : memref<128x128xf32, #tpu.memory_space<vmem>>) dst(%dma_wait3A_46 : memref<10112x128xf32, #tpu.memory_space<vmem_shared>>)
        tpu.yield
      }) : () -> ()
      %run_scoped3A_24 = arith.constant 4 : i32
      "tpu.region"() ({
        %run_scoped3A_36 = tpu.sem_alloc : memref<!tpu.dma_semaphore, #tpu.memory_space<semaphore_mem>>
        %dma_start3A = arith.constant 0 : i32
        %dma_start3A_37 = tpu.memref_slice %arg8[%run_scoped3A_24, %dma_start3A] : memref<16x128xi32, #tpu.memory_space<vmem>> -> memref<1x128xi32, #tpu.memory_space<vmem>>
        %dma_start3A_38 = tpu.memref_squeeze %dma_start3A_37 : memref<1x128xi32, #tpu.memory_space<vmem>> -> memref<128xi32, #tpu.memory_space<vmem>>
        %dma_start3A_39 = arith.constant 0 : i32
        %dma_start3A_40 = arith.constant 0 : i32
        %dma_start3A_41 = tpu.memref_slice %arg11[%dma_start3A_39, %dma_start3A_40] : memref<10112x128xf32, #tpu.memory_space<vmem_shared>> -> memref<10112x128xf32, #tpu.memory_space<vmem_shared>>
        tpu.enqueue_indirect_dma source(%arg9 : memref<128x128xf32, #tpu.memory_space<vmem>>) target(%dma_start3A_41 : memref<10112x128xf32, #tpu.memory_space<vmem_shared>>) offsets(%dma_start3A_38 : memref<128xi32, #tpu.memory_space<vmem>>) semaphore(%run_scoped3A_36 : memref<!tpu.dma_semaphore, #tpu.memory_space<semaphore_mem>>) {add = true}
        %dma_wait3A = arith.constant 0 : i32
        %dma_wait3A_42 = tpu.memref_slice %arg8[%run_scoped3A_24, %dma_wait3A] : memref<16x128xi32, #tpu.memory_space<vmem>> -> memref<1x128xi32, #tpu.memory_space<vmem>>
        %dma_wait3A_43 = tpu.memref_squeeze %dma_wait3A_42 : memref<1x128xi32, #tpu.memory_space<vmem>> -> memref<128xi32, #tpu.memory_space<vmem>>
        %dma_wait3A_44 = arith.constant 0 : i32
        %dma_wait3A_45 = arith.constant 0 : i32
        %dma_wait3A_46 = tpu.memref_slice %arg11[%dma_wait3A_44, %dma_wait3A_45] : memref<10112x128xf32, #tpu.memory_space<vmem_shared>> -> memref<10112x128xf32, #tpu.memory_space<vmem_shared>>
        tpu.wait_indirect_dma semaphore(%run_scoped3A_36 : memref<!tpu.dma_semaphore, #tpu.memory_space<semaphore_mem>>) src(%arg9 : memref<128x128xf32, #tpu.memory_space<vmem>>) dst(%dma_wait3A_46 : memref<10112x128xf32, #tpu.memory_space<vmem_shared>>)
        tpu.yield
      }) : () -> ()
      %run_scoped3A_25 = arith.constant 5 : i32
      "tpu.region"() ({
        %run_scoped3A_36 = tpu.sem_alloc : memref<!tpu.dma_semaphore, #tpu.memory_space<semaphore_mem>>
        %dma_start3A = arith.constant 0 : i32
        %dma_start3A_37 = tpu.memref_slice %arg8[%run_scoped3A_25, %dma_start3A] : memref<16x128xi32, #tpu.memory_space<vmem>> -> memref<1x128xi32, #tpu.memory_space<vmem>>
        %dma_start3A_38 = tpu.memref_squeeze %dma_start3A_37 : memref<1x128xi32, #tpu.memory_space<vmem>> -> memref<128xi32, #tpu.memory_space<vmem>>
        %dma_start3A_39 = arith.constant 0 : i32
        %dma_start3A_40 = arith.constant 0 : i32
        %dma_start3A_41 = tpu.memref_slice %arg11[%dma_start3A_39, %dma_start3A_40] : memref<10112x128xf32, #tpu.memory_space<vmem_shared>> -> memref<10112x128xf32, #tpu.memory_space<vmem_shared>>
        tpu.enqueue_indirect_dma source(%arg9 : memref<128x128xf32, #tpu.memory_space<vmem>>) target(%dma_start3A_41 : memref<10112x128xf32, #tpu.memory_space<vmem_shared>>) offsets(%dma_start3A_38 : memref<128xi32, #tpu.memory_space<vmem>>) semaphore(%run_scoped3A_36 : memref<!tpu.dma_semaphore, #tpu.memory_space<semaphore_mem>>) {add = true}
        %dma_wait3A = arith.constant 0 : i32
        %dma_wait3A_42 = tpu.memref_slice %arg8[%run_scoped3A_25, %dma_wait3A] : memref<16x128xi32, #tpu.memory_space<vmem>> -> memref<1x128xi32, #tpu.memory_space<vmem>>
        %dma_wait3A_43 = tpu.memref_squeeze %dma_wait3A_42 : memref<1x128xi32, #tpu.memory_space<vmem>> -> memref<128xi32, #tpu.memory_space<vmem>>
        %dma_wait3A_44 = arith.constant 0 : i32
        %dma_wait3A_45 = arith.constant 0 : i32
        %dma_wait3A_46 = tpu.memref_slice %arg11[%dma_wait3A_44, %dma_wait3A_45] : memref<10112x128xf32, #tpu.memory_space<vmem_shared>> -> memref<10112x128xf32, #tpu.memory_space<vmem_shared>>
        tpu.wait_indirect_dma semaphore(%run_scoped3A_36 : memref<!tpu.dma_semaphore, #tpu.memory_space<semaphore_mem>>) src(%arg9 : memref<128x128xf32, #tpu.memory_space<vmem>>) dst(%dma_wait3A_46 : memref<10112x128xf32, #tpu.memory_space<vmem_shared>>)
        tpu.yield
      }) : () -> ()
      %run_scoped3A_26 = arith.constant 6 : i32
      "tpu.region"() ({
        %run_scoped3A_36 = tpu.sem_alloc : memref<!tpu.dma_semaphore, #tpu.memory_space<semaphore_mem>>
        %dma_start3A = arith.constant 0 : i32
        %dma_start3A_37 = tpu.memref_slice %arg8[%run_scoped3A_26, %dma_start3A] : memref<16x128xi32, #tpu.memory_space<vmem>> -> memref<1x128xi32, #tpu.memory_space<vmem>>
        %dma_start3A_38 = tpu.memref_squeeze %dma_start3A_37 : memref<1x128xi32, #tpu.memory_space<vmem>> -> memref<128xi32, #tpu.memory_space<vmem>>
        %dma_start3A_39 = arith.constant 0 : i32
        %dma_start3A_40 = arith.constant 0 : i32
        %dma_start3A_41 = tpu.memref_slice %arg11[%dma_start3A_39, %dma_start3A_40] : memref<10112x128xf32, #tpu.memory_space<vmem_shared>> -> memref<10112x128xf32, #tpu.memory_space<vmem_shared>>
        tpu.enqueue_indirect_dma source(%arg9 : memref<128x128xf32, #tpu.memory_space<vmem>>) target(%dma_start3A_41 : memref<10112x128xf32, #tpu.memory_space<vmem_shared>>) offsets(%dma_start3A_38 : memref<128xi32, #tpu.memory_space<vmem>>) semaphore(%run_scoped3A_36 : memref<!tpu.dma_semaphore, #tpu.memory_space<semaphore_mem>>) {add = true}
        %dma_wait3A = arith.constant 0 : i32
        %dma_wait3A_42 = tpu.memref_slice %arg8[%run_scoped3A_26, %dma_wait3A] : memref<16x128xi32, #tpu.memory_space<vmem>> -> memref<1x128xi32, #tpu.memory_space<vmem>>
        %dma_wait3A_43 = tpu.memref_squeeze %dma_wait3A_42 : memref<1x128xi32, #tpu.memory_space<vmem>> -> memref<128xi32, #tpu.memory_space<vmem>>
        %dma_wait3A_44 = arith.constant 0 : i32
        %dma_wait3A_45 = arith.constant 0 : i32
        %dma_wait3A_46 = tpu.memref_slice %arg11[%dma_wait3A_44, %dma_wait3A_45] : memref<10112x128xf32, #tpu.memory_space<vmem_shared>> -> memref<10112x128xf32, #tpu.memory_space<vmem_shared>>
        tpu.wait_indirect_dma semaphore(%run_scoped3A_36 : memref<!tpu.dma_semaphore, #tpu.memory_space<semaphore_mem>>) src(%arg9 : memref<128x128xf32, #tpu.memory_space<vmem>>) dst(%dma_wait3A_46 : memref<10112x128xf32, #tpu.memory_space<vmem_shared>>)
        tpu.yield
      }) : () -> ()
      %run_scoped3A_27 = arith.constant 7 : i32
      "tpu.region"() ({
        %run_scoped3A_36 = tpu.sem_alloc : memref<!tpu.dma_semaphore, #tpu.memory_space<semaphore_mem>>
        %dma_start3A = arith.constant 0 : i32
        %dma_start3A_37 = tpu.memref_slice %arg8[%run_scoped3A_27, %dma_start3A] : memref<16x128xi32, #tpu.memory_space<vmem>> -> memref<1x128xi32, #tpu.memory_space<vmem>>
        %dma_start3A_38 = tpu.memref_squeeze %dma_start3A_37 : memref<1x128xi32, #tpu.memory_space<vmem>> -> memref<128xi32, #tpu.memory_space<vmem>>
        %dma_start3A_39 = arith.constant 0 : i32
        %dma_start3A_40 = arith.constant 0 : i32
        %dma_start3A_41 = tpu.memref_slice %arg11[%dma_start3A_39, %dma_start3A_40] : memref<10112x128xf32, #tpu.memory_space<vmem_shared>> -> memref<10112x128xf32, #tpu.memory_space<vmem_shared>>
        tpu.enqueue_indirect_dma source(%arg9 : memref<128x128xf32, #tpu.memory_space<vmem>>) target(%dma_start3A_41 : memref<10112x128xf32, #tpu.memory_space<vmem_shared>>) offsets(%dma_start3A_38 : memref<128xi32, #tpu.memory_space<vmem>>) semaphore(%run_scoped3A_36 : memref<!tpu.dma_semaphore, #tpu.memory_space<semaphore_mem>>) {add = true}
        %dma_wait3A = arith.constant 0 : i32
        %dma_wait3A_42 = tpu.memref_slice %arg8[%run_scoped3A_27, %dma_wait3A] : memref<16x128xi32, #tpu.memory_space<vmem>> -> memref<1x128xi32, #tpu.memory_space<vmem>>
        %dma_wait3A_43 = tpu.memref_squeeze %dma_wait3A_42 : memref<1x128xi32, #tpu.memory_space<vmem>> -> memref<128xi32, #tpu.memory_space<vmem>>
        %dma_wait3A_44 = arith.constant 0 : i32
        %dma_wait3A_45 = arith.constant 0 : i32
        %dma_wait3A_46 = tpu.memref_slice %arg11[%dma_wait3A_44, %dma_wait3A_45] : memref<10112x128xf32, #tpu.memory_space<vmem_shared>> -> memref<10112x128xf32, #tpu.memory_space<vmem_shared>>
        tpu.wait_indirect_dma semaphore(%run_scoped3A_36 : memref<!tpu.dma_semaphore, #tpu.memory_space<semaphore_mem>>) src(%arg9 : memref<128x128xf32, #tpu.memory_space<vmem>>) dst(%dma_wait3A_46 : memref<10112x128xf32, #tpu.memory_space<vmem_shared>>)
        tpu.yield
      }) : () -> ()
      %run_scoped3A_28 = arith.constant 8 : i32
      "tpu.region"() ({
        %run_scoped3A_36 = tpu.sem_alloc : memref<!tpu.dma_semaphore, #tpu.memory_space<semaphore_mem>>
        %dma_start3A = arith.constant 0 : i32
        %dma_start3A_37 = tpu.memref_slice %arg8[%run_scoped3A_28, %dma_start3A] : memref<16x128xi32, #tpu.memory_space<vmem>> -> memref<1x128xi32, #tpu.memory_space<vmem>>
        %dma_start3A_38 = tpu.memref_squeeze %dma_start3A_37 : memref<1x128xi32, #tpu.memory_space<vmem>> -> memref<128xi32, #tpu.memory_space<vmem>>
        %dma_start3A_39 = arith.constant 0 : i32
        %dma_start3A_40 = arith.constant 0 : i32
        %dma_start3A_41 = tpu.memref_slice %arg11[%dma_start3A_39, %dma_start3A_40] : memref<10112x128xf32, #tpu.memory_space<vmem_shared>> -> memref<10112x128xf32, #tpu.memory_space<vmem_shared>>
        tpu.enqueue_indirect_dma source(%arg9 : memref<128x128xf32, #tpu.memory_space<vmem>>) target(%dma_start3A_41 : memref<10112x128xf32, #tpu.memory_space<vmem_shared>>) offsets(%dma_start3A_38 : memref<128xi32, #tpu.memory_space<vmem>>) semaphore(%run_scoped3A_36 : memref<!tpu.dma_semaphore, #tpu.memory_space<semaphore_mem>>) {add = true}
        %dma_wait3A = arith.constant 0 : i32
        %dma_wait3A_42 = tpu.memref_slice %arg8[%run_scoped3A_28, %dma_wait3A] : memref<16x128xi32, #tpu.memory_space<vmem>> -> memref<1x128xi32, #tpu.memory_space<vmem>>
        %dma_wait3A_43 = tpu.memref_squeeze %dma_wait3A_42 : memref<1x128xi32, #tpu.memory_space<vmem>> -> memref<128xi32, #tpu.memory_space<vmem>>
        %dma_wait3A_44 = arith.constant 0 : i32
        %dma_wait3A_45 = arith.constant 0 : i32
        %dma_wait3A_46 = tpu.memref_slice %arg11[%dma_wait3A_44, %dma_wait3A_45] : memref<10112x128xf32, #tpu.memory_space<vmem_shared>> -> memref<10112x128xf32, #tpu.memory_space<vmem_shared>>
        tpu.wait_indirect_dma semaphore(%run_scoped3A_36 : memref<!tpu.dma_semaphore, #tpu.memory_space<semaphore_mem>>) src(%arg9 : memref<128x128xf32, #tpu.memory_space<vmem>>) dst(%dma_wait3A_46 : memref<10112x128xf32, #tpu.memory_space<vmem_shared>>)
        tpu.yield
      }) : () -> ()
      %run_scoped3A_29 = arith.constant 9 : i32
      "tpu.region"() ({
        %run_scoped3A_36 = tpu.sem_alloc : memref<!tpu.dma_semaphore, #tpu.memory_space<semaphore_mem>>
        %dma_start3A = arith.constant 0 : i32
        %dma_start3A_37 = tpu.memref_slice %arg8[%run_scoped3A_29, %dma_start3A] : memref<16x128xi32, #tpu.memory_space<vmem>> -> memref<1x128xi32, #tpu.memory_space<vmem>>
        %dma_start3A_38 = tpu.memref_squeeze %dma_start3A_37 : memref<1x128xi32, #tpu.memory_space<vmem>> -> memref<128xi32, #tpu.memory_space<vmem>>
        %dma_start3A_39 = arith.constant 0 : i32
        %dma_start3A_40 = arith.constant 0 : i32
        %dma_start3A_41 = tpu.memref_slice %arg11[%dma_start3A_39, %dma_start3A_40] : memref<10112x128xf32, #tpu.memory_space<vmem_shared>> -> memref<10112x128xf32, #tpu.memory_space<vmem_shared>>
        tpu.enqueue_indirect_dma source(%arg9 : memref<128x128xf32, #tpu.memory_space<vmem>>) target(%dma_start3A_41 : memref<10112x128xf32, #tpu.memory_space<vmem_shared>>) offsets(%dma_start3A_38 : memref<128xi32, #tpu.memory_space<vmem>>) semaphore(%run_scoped3A_36 : memref<!tpu.dma_semaphore, #tpu.memory_space<semaphore_mem>>) {add = true}
        %dma_wait3A = arith.constant 0 : i32
        %dma_wait3A_42 = tpu.memref_slice %arg8[%run_scoped3A_29, %dma_wait3A] : memref<16x128xi32, #tpu.memory_space<vmem>> -> memref<1x128xi32, #tpu.memory_space<vmem>>
        %dma_wait3A_43 = tpu.memref_squeeze %dma_wait3A_42 : memref<1x128xi32, #tpu.memory_space<vmem>> -> memref<128xi32, #tpu.memory_space<vmem>>
        %dma_wait3A_44 = arith.constant 0 : i32
        %dma_wait3A_45 = arith.constant 0 : i32
        %dma_wait3A_46 = tpu.memref_slice %arg11[%dma_wait3A_44, %dma_wait3A_45] : memref<10112x128xf32, #tpu.memory_space<vmem_shared>> -> memref<10112x128xf32, #tpu.memory_space<vmem_shared>>
        tpu.wait_indirect_dma semaphore(%run_scoped3A_36 : memref<!tpu.dma_semaphore, #tpu.memory_space<semaphore_mem>>) src(%arg9 : memref<128x128xf32, #tpu.memory_space<vmem>>) dst(%dma_wait3A_46 : memref<10112x128xf32, #tpu.memory_space<vmem_shared>>)
        tpu.yield
      }) : () -> ()
      %run_scoped3A_30 = arith.constant 10 : i32
      "tpu.region"() ({
        %run_scoped3A_36 = tpu.sem_alloc : memref<!tpu.dma_semaphore, #tpu.memory_space<semaphore_mem>>
        %dma_start3A = arith.constant 0 : i32
        %dma_start3A_37 = tpu.memref_slice %arg8[%run_scoped3A_30, %dma_start3A] : memref<16x128xi32, #tpu.memory_space<vmem>> -> memref<1x128xi32, #tpu.memory_space<vmem>>
        %dma_start3A_38 = tpu.memref_squeeze %dma_start3A_37 : memref<1x128xi32, #tpu.memory_space<vmem>> -> memref<128xi32, #tpu.memory_space<vmem>>
        %dma_start3A_39 = arith.constant 0 : i32
        %dma_start3A_40 = arith.constant 0 : i32
        %dma_start3A_41 = tpu.memref_slice %arg11[%dma_start3A_39, %dma_start3A_40] : memref<10112x128xf32, #tpu.memory_space<vmem_shared>> -> memref<10112x128xf32, #tpu.memory_space<vmem_shared>>
        tpu.enqueue_indirect_dma source(%arg9 : memref<128x128xf32, #tpu.memory_space<vmem>>) target(%dma_start3A_41 : memref<10112x128xf32, #tpu.memory_space<vmem_shared>>) offsets(%dma_start3A_38 : memref<128xi32, #tpu.memory_space<vmem>>) semaphore(%run_scoped3A_36 : memref<!tpu.dma_semaphore, #tpu.memory_space<semaphore_mem>>) {add = true}
        %dma_wait3A = arith.constant 0 : i32
        %dma_wait3A_42 = tpu.memref_slice %arg8[%run_scoped3A_30, %dma_wait3A] : memref<16x128xi32, #tpu.memory_space<vmem>> -> memref<1x128xi32, #tpu.memory_space<vmem>>
        %dma_wait3A_43 = tpu.memref_squeeze %dma_wait3A_42 : memref<1x128xi32, #tpu.memory_space<vmem>> -> memref<128xi32, #tpu.memory_space<vmem>>
        %dma_wait3A_44 = arith.constant 0 : i32
        %dma_wait3A_45 = arith.constant 0 : i32
        %dma_wait3A_46 = tpu.memref_slice %arg11[%dma_wait3A_44, %dma_wait3A_45] : memref<10112x128xf32, #tpu.memory_space<vmem_shared>> -> memref<10112x128xf32, #tpu.memory_space<vmem_shared>>
        tpu.wait_indirect_dma semaphore(%run_scoped3A_36 : memref<!tpu.dma_semaphore, #tpu.memory_space<semaphore_mem>>) src(%arg9 : memref<128x128xf32, #tpu.memory_space<vmem>>) dst(%dma_wait3A_46 : memref<10112x128xf32, #tpu.memory_space<vmem_shared>>)
        tpu.yield
      }) : () -> ()
      %run_scoped3A_31 = arith.constant 11 : i32
      "tpu.region"() ({
        %run_scoped3A_36 = tpu.sem_alloc : memref<!tpu.dma_semaphore, #tpu.memory_space<semaphore_mem>>
        %dma_start3A = arith.constant 0 : i32
        %dma_start3A_37 = tpu.memref_slice %arg8[%run_scoped3A_31, %dma_start3A] : memref<16x128xi32, #tpu.memory_space<vmem>> -> memref<1x128xi32, #tpu.memory_space<vmem>>
        %dma_start3A_38 = tpu.memref_squeeze %dma_start3A_37 : memref<1x128xi32, #tpu.memory_space<vmem>> -> memref<128xi32, #tpu.memory_space<vmem>>
        %dma_start3A_39 = arith.constant 0 : i32
        %dma_start3A_40 = arith.constant 0 : i32
        %dma_start3A_41 = tpu.memref_slice %arg11[%dma_start3A_39, %dma_start3A_40] : memref<10112x128xf32, #tpu.memory_space<vmem_shared>> -> memref<10112x128xf32, #tpu.memory_space<vmem_shared>>
        tpu.enqueue_indirect_dma source(%arg9 : memref<128x128xf32, #tpu.memory_space<vmem>>) target(%dma_start3A_41 : memref<10112x128xf32, #tpu.memory_space<vmem_shared>>) offsets(%dma_start3A_38 : memref<128xi32, #tpu.memory_space<vmem>>) semaphore(%run_scoped3A_36 : memref<!tpu.dma_semaphore, #tpu.memory_space<semaphore_mem>>) {add = true}
        %dma_wait3A = arith.constant 0 : i32
        %dma_wait3A_42 = tpu.memref_slice %arg8[%run_scoped3A_31, %dma_wait3A] : memref<16x128xi32, #tpu.memory_space<vmem>> -> memref<1x128xi32, #tpu.memory_space<vmem>>
        %dma_wait3A_43 = tpu.memref_squeeze %dma_wait3A_42 : memref<1x128xi32, #tpu.memory_space<vmem>> -> memref<128xi32, #tpu.memory_space<vmem>>
        %dma_wait3A_44 = arith.constant 0 : i32
        %dma_wait3A_45 = arith.constant 0 : i32
        %dma_wait3A_46 = tpu.memref_slice %arg11[%dma_wait3A_44, %dma_wait3A_45] : memref<10112x128xf32, #tpu.memory_space<vmem_shared>> -> memref<10112x128xf32, #tpu.memory_space<vmem_shared>>
        tpu.wait_indirect_dma semaphore(%run_scoped3A_36 : memref<!tpu.dma_semaphore, #tpu.memory_space<semaphore_mem>>) src(%arg9 : memref<128x128xf32, #tpu.memory_space<vmem>>) dst(%dma_wait3A_46 : memref<10112x128xf32, #tpu.memory_space<vmem_shared>>)
        tpu.yield
      }) : () -> ()
      %run_scoped3A_32 = arith.constant 12 : i32
      "tpu.region"() ({
        %run_scoped3A_36 = tpu.sem_alloc : memref<!tpu.dma_semaphore, #tpu.memory_space<semaphore_mem>>
        %dma_start3A = arith.constant 0 : i32
        %dma_start3A_37 = tpu.memref_slice %arg8[%run_scoped3A_32, %dma_start3A] : memref<16x128xi32, #tpu.memory_space<vmem>> -> memref<1x128xi32, #tpu.memory_space<vmem>>
        %dma_start3A_38 = tpu.memref_squeeze %dma_start3A_37 : memref<1x128xi32, #tpu.memory_space<vmem>> -> memref<128xi32, #tpu.memory_space<vmem>>
        %dma_start3A_39 = arith.constant 0 : i32
        %dma_start3A_40 = arith.constant 0 : i32
        %dma_start3A_41 = tpu.memref_slice %arg11[%dma_start3A_39, %dma_start3A_40] : memref<10112x128xf32, #tpu.memory_space<vmem_shared>> -> memref<10112x128xf32, #tpu.memory_space<vmem_shared>>
        tpu.enqueue_indirect_dma source(%arg9 : memref<128x128xf32, #tpu.memory_space<vmem>>) target(%dma_start3A_41 : memref<10112x128xf32, #tpu.memory_space<vmem_shared>>) offsets(%dma_start3A_38 : memref<128xi32, #tpu.memory_space<vmem>>) semaphore(%run_scoped3A_36 : memref<!tpu.dma_semaphore, #tpu.memory_space<semaphore_mem>>) {add = true}
        %dma_wait3A = arith.constant 0 : i32
        %dma_wait3A_42 = tpu.memref_slice %arg8[%run_scoped3A_32, %dma_wait3A] : memref<16x128xi32, #tpu.memory_space<vmem>> -> memref<1x128xi32, #tpu.memory_space<vmem>>
        %dma_wait3A_43 = tpu.memref_squeeze %dma_wait3A_42 : memref<1x128xi32, #tpu.memory_space<vmem>> -> memref<128xi32, #tpu.memory_space<vmem>>
        %dma_wait3A_44 = arith.constant 0 : i32
        %dma_wait3A_45 = arith.constant 0 : i32
        %dma_wait3A_46 = tpu.memref_slice %arg11[%dma_wait3A_44, %dma_wait3A_45] : memref<10112x128xf32, #tpu.memory_space<vmem_shared>> -> memref<10112x128xf32, #tpu.memory_space<vmem_shared>>
        tpu.wait_indirect_dma semaphore(%run_scoped3A_36 : memref<!tpu.dma_semaphore, #tpu.memory_space<semaphore_mem>>) src(%arg9 : memref<128x128xf32, #tpu.memory_space<vmem>>) dst(%dma_wait3A_46 : memref<10112x128xf32, #tpu.memory_space<vmem_shared>>)
        tpu.yield
      }) : () -> ()
      %run_scoped3A_33 = arith.constant 13 : i32
      "tpu.region"() ({
        %run_scoped3A_36 = tpu.sem_alloc : memref<!tpu.dma_semaphore, #tpu.memory_space<semaphore_mem>>
        %dma_start3A = arith.constant 0 : i32
        %dma_start3A_37 = tpu.memref_slice %arg8[%run_scoped3A_33, %dma_start3A] : memref<16x128xi32, #tpu.memory_space<vmem>> -> memref<1x128xi32, #tpu.memory_space<vmem>>
        %dma_start3A_38 = tpu.memref_squeeze %dma_start3A_37 : memref<1x128xi32, #tpu.memory_space<vmem>> -> memref<128xi32, #tpu.memory_space<vmem>>
        %dma_start3A_39 = arith.constant 0 : i32
        %dma_start3A_40 = arith.constant 0 : i32
        %dma_start3A_41 = tpu.memref_slice %arg11[%dma_start3A_39, %dma_start3A_40] : memref<10112x128xf32, #tpu.memory_space<vmem_shared>> -> memref<10112x128xf32, #tpu.memory_space<vmem_shared>>
        tpu.enqueue_indirect_dma source(%arg9 : memref<128x128xf32, #tpu.memory_space<vmem>>) target(%dma_start3A_41 : memref<10112x128xf32, #tpu.memory_space<vmem_shared>>) offsets(%dma_start3A_38 : memref<128xi32, #tpu.memory_space<vmem>>) semaphore(%run_scoped3A_36 : memref<!tpu.dma_semaphore, #tpu.memory_space<semaphore_mem>>) {add = true}
        %dma_wait3A = arith.constant 0 : i32
        %dma_wait3A_42 = tpu.memref_slice %arg8[%run_scoped3A_33, %dma_wait3A] : memref<16x128xi32, #tpu.memory_space<vmem>> -> memref<1x128xi32, #tpu.memory_space<vmem>>
        %dma_wait3A_43 = tpu.memref_squeeze %dma_wait3A_42 : memref<1x128xi32, #tpu.memory_space<vmem>> -> memref<128xi32, #tpu.memory_space<vmem>>
        %dma_wait3A_44 = arith.constant 0 : i32
        %dma_wait3A_45 = arith.constant 0 : i32
        %dma_wait3A_46 = tpu.memref_slice %arg11[%dma_wait3A_44, %dma_wait3A_45] : memref<10112x128xf32, #tpu.memory_space<vmem_shared>> -> memref<10112x128xf32, #tpu.memory_space<vmem_shared>>
        tpu.wait_indirect_dma semaphore(%run_scoped3A_36 : memref<!tpu.dma_semaphore, #tpu.memory_space<semaphore_mem>>) src(%arg9 : memref<128x128xf32, #tpu.memory_space<vmem>>) dst(%dma_wait3A_46 : memref<10112x128xf32, #tpu.memory_space<vmem_shared>>)
        tpu.yield
      }) : () -> ()
      %run_scoped3A_34 = arith.constant 14 : i32
      "tpu.region"() ({
        %run_scoped3A_36 = tpu.sem_alloc : memref<!tpu.dma_semaphore, #tpu.memory_space<semaphore_mem>>
        %dma_start3A = arith.constant 0 : i32
        %dma_start3A_37 = tpu.memref_slice %arg8[%run_scoped3A_34, %dma_start3A] : memref<16x128xi32, #tpu.memory_space<vmem>> -> memref<1x128xi32, #tpu.memory_space<vmem>>
        %dma_start3A_38 = tpu.memref_squeeze %dma_start3A_37 : memref<1x128xi32, #tpu.memory_space<vmem>> -> memref<128xi32, #tpu.memory_space<vmem>>
        %dma_start3A_39 = arith.constant 0 : i32
        %dma_start3A_40 = arith.constant 0 : i32
        %dma_start3A_41 = tpu.memref_slice %arg11[%dma_start3A_39, %dma_start3A_40] : memref<10112x128xf32, #tpu.memory_space<vmem_shared>> -> memref<10112x128xf32, #tpu.memory_space<vmem_shared>>
        tpu.enqueue_indirect_dma source(%arg9 : memref<128x128xf32, #tpu.memory_space<vmem>>) target(%dma_start3A_41 : memref<10112x128xf32, #tpu.memory_space<vmem_shared>>) offsets(%dma_start3A_38 : memref<128xi32, #tpu.memory_space<vmem>>) semaphore(%run_scoped3A_36 : memref<!tpu.dma_semaphore, #tpu.memory_space<semaphore_mem>>) {add = true}
        %dma_wait3A = arith.constant 0 : i32
        %dma_wait3A_42 = tpu.memref_slice %arg8[%run_scoped3A_34, %dma_wait3A] : memref<16x128xi32, #tpu.memory_space<vmem>> -> memref<1x128xi32, #tpu.memory_space<vmem>>
        %dma_wait3A_43 = tpu.memref_squeeze %dma_wait3A_42 : memref<1x128xi32, #tpu.memory_space<vmem>> -> memref<128xi32, #tpu.memory_space<vmem>>
        %dma_wait3A_44 = arith.constant 0 : i32
        %dma_wait3A_45 = arith.constant 0 : i32
        %dma_wait3A_46 = tpu.memref_slice %arg11[%dma_wait3A_44, %dma_wait3A_45] : memref<10112x128xf32, #tpu.memory_space<vmem_shared>> -> memref<10112x128xf32, #tpu.memory_space<vmem_shared>>
        tpu.wait_indirect_dma semaphore(%run_scoped3A_36 : memref<!tpu.dma_semaphore, #tpu.memory_space<semaphore_mem>>) src(%arg9 : memref<128x128xf32, #tpu.memory_space<vmem>>) dst(%dma_wait3A_46 : memref<10112x128xf32, #tpu.memory_space<vmem_shared>>)
        tpu.yield
      }) : () -> ()
      %run_scoped3A_35 = arith.constant 15 : i32
      "tpu.region"() ({
        %run_scoped3A_36 = tpu.sem_alloc : memref<!tpu.dma_semaphore, #tpu.memory_space<semaphore_mem>>
        %dma_start3A = arith.constant 0 : i32
        %dma_start3A_37 = tpu.memref_slice %arg8[%run_scoped3A_35, %dma_start3A] : memref<16x128xi32, #tpu.memory_space<vmem>> -> memref<1x128xi32, #tpu.memory_space<vmem>>
        %dma_start3A_38 = tpu.memref_squeeze %dma_start3A_37 : memref<1x128xi32, #tpu.memory_space<vmem>> -> memref<128xi32, #tpu.memory_space<vmem>>
        %dma_start3A_39 = arith.constant 0 : i32
        %dma_start3A_40 = arith.constant 0 : i32
        %dma_start3A_41 = tpu.memref_slice %arg11[%dma_start3A_39, %dma_start3A_40] : memref<10112x128xf32, #tpu.memory_space<vmem_shared>> -> memref<10112x128xf32, #tpu.memory_space<vmem_shared>>
        tpu.enqueue_indirect_dma source(%arg9 : memref<128x128xf32, #tpu.memory_space<vmem>>) target(%dma_start3A_41 : memref<10112x128xf32, #tpu.memory_space<vmem_shared>>) offsets(%dma_start3A_38 : memref<128xi32, #tpu.memory_space<vmem>>) semaphore(%run_scoped3A_36 : memref<!tpu.dma_semaphore, #tpu.memory_space<semaphore_mem>>) {add = true}
        %dma_wait3A = arith.constant 0 : i32
        %dma_wait3A_42 = tpu.memref_slice %arg8[%run_scoped3A_35, %dma_wait3A] : memref<16x128xi32, #tpu.memory_space<vmem>> -> memref<1x128xi32, #tpu.memory_space<vmem>>
        %dma_wait3A_43 = tpu.memref_squeeze %dma_wait3A_42 : memref<1x128xi32, #tpu.memory_space<vmem>> -> memref<128xi32, #tpu.memory_space<vmem>>
        %dma_wait3A_44 = arith.constant 0 : i32
        %dma_wait3A_45 = arith.constant 0 : i32
        %dma_wait3A_46 = tpu.memref_slice %arg11[%dma_wait3A_44, %dma_wait3A_45] : memref<10112x128xf32, #tpu.memory_space<vmem_shared>> -> memref<10112x128xf32, #tpu.memory_space<vmem_shared>>
        tpu.wait_indirect_dma semaphore(%run_scoped3A_36 : memref<!tpu.dma_semaphore, #tpu.memory_space<semaphore_mem>>) src(%arg9 : memref<128x128xf32, #tpu.memory_space<vmem>>) dst(%dma_wait3A_46 : memref<10112x128xf32, #tpu.memory_space<vmem_shared>>)
        tpu.yield
      }) : () -> ()
    }
    %scan3A_11 = arith.constant 5 : i32
    %barrier3A_12 = arith.constant 0 : index
    tpu.barrier barrier_id(%barrier3A_12)
    %mul3A_13 = arith.constant 632 : i32
    %mul3A_14 = arith.muli %arg1, %mul3A_13 : i32
    %mul3A_15 = arith.constant 632 : i32
    %mul3A_16 = arith.muli %arg1, %mul3A_15 : i32
    "tpu.region"() ({
      %run_scoped3A = tpu.sem_alloc : memref<!tpu.dma_semaphore, #tpu.memory_space<semaphore_mem>>
      %dma_start3A = arith.constant 0 : i32
      %dma_start3A_17 = tpu.memref_slice %arg6[%arg0, %mul3A_16, %dma_start3A] : memref<2x10112x128xf32, #tpu.memory_space<hbm>> -> memref<1x632x128xf32, #tpu.memory_space<hbm>>
      %dma_start3A_18 = tpu.memref_squeeze %dma_start3A_17 : memref<1x632x128xf32, #tpu.memory_space<hbm>> -> memref<632x128xf32, #tpu.memory_space<hbm>>
      %dma_start3A_19 = arith.constant 0 : i32
      %dma_start3A_20 = tpu.memref_slice %arg11[%mul3A_14, %dma_start3A_19] : memref<10112x128xf32, #tpu.memory_space<vmem_shared>> -> memref<632x128xf32, #tpu.memory_space<vmem_shared>>
      tpu.enqueue_dma source(%dma_start3A_20 : memref<632x128xf32, #tpu.memory_space<vmem_shared>>) target(%dma_start3A_18 : memref<632x128xf32, #tpu.memory_space<hbm>>) target_semaphore(%run_scoped3A : memref<!tpu.dma_semaphore, #tpu.memory_space<semaphore_mem>>)
      %dma_wait3A = arith.constant 0 : i32
      %dma_wait3A_21 = tpu.memref_slice %arg6[%arg0, %mul3A_16, %dma_wait3A] : memref<2x10112x128xf32, #tpu.memory_space<hbm>> -> memref<1x632x128xf32, #tpu.memory_space<hbm>>
      %dma_wait3A_22 = tpu.memref_squeeze %dma_wait3A_21 : memref<1x632x128xf32, #tpu.memory_space<hbm>> -> memref<632x128xf32, #tpu.memory_space<hbm>>
      %dma_wait3A_23 = arith.constant 0 : i32
      %dma_wait3A_24 = tpu.memref_slice %arg11[%mul3A_14, %dma_wait3A_23] : memref<10112x128xf32, #tpu.memory_space<vmem_shared>> -> memref<632x128xf32, #tpu.memory_space<vmem_shared>>
      tpu.wait_dma2 semaphore(%run_scoped3A : memref<!tpu.dma_semaphore, #tpu.memory_space<semaphore_mem>>) src(%dma_wait3A_24 : memref<632x128xf32, #tpu.memory_space<vmem_shared>>) dst(%dma_wait3A_22 : memref<632x128xf32, #tpu.memory_space<hbm>>)
      tpu.yield
    }) : () -> ()
    return
  }
}

#map = affine_map<(d0, d1) -> (0, 0)>
#map1 = affine_map<(d0, d1) -> (0, 0, 0)>
module attributes {stable_mosaic.version = 14 : i64} {
  func.func @body(%arg0: i32, %arg1: i32, %arg2: memref<10000x128xf32, #tpu.memory_space<hbm>>, %arg3: memref<2560x128xi32, #tpu.memory_space<hbm>>, %arg4: memref<2560x128xi32, #tpu.memory_space<hbm>>, %arg5: memref<10112x128xf32, #tpu.memory_space<hbm>>, %arg6: memref<2x10112x128xf32, #tpu.memory_space<hbm>>, %arg7: memref<16x128xi32, #tpu.memory_space<vmem>>, %arg8: memref<16x128xi32, #tpu.memory_space<vmem>>, %arg9: memref<128x128xf32, #tpu.memory_space<vmem>>, %arg10: memref<128x128xf32, #tpu.memory_space<vmem>>, %arg11: memref<10112x128xf32, #tpu.memory_space<vmem_shared>>, %arg12: memref<!tpu.dma_semaphore, #tpu.memory_space<semaphore_mem>>, %arg13: memref<!tpu.dma_semaphore, #tpu.memory_space<semaphore_mem>>) attributes {dimension_semantics = [#tpu.dimension_semantics<core_parallel>, #tpu.dimension_semantics<subcore_parallel>], iteration_bounds = array<i64: 2, 16>, scalar_prefetch = 0 : i64, scratch_operands = 7 : i64, tpu.core_type = #tpu.core_type<sc_vector_subcore>, window_params = [{transform_indices = #map}, {transform_indices = #map}, {transform_indices = #map}, {transform_indices = #map}, {transform_indices = #map1}]} {
    %mul3A = arith.constant 632 : i32
    %mul3A_0 = arith.muli %arg1, %mul3A : i32
    %mul3A_1 = arith.constant 632 : i32
    %mul3A_2 = arith.muli %arg1, %mul3A_1 : i32
    "tpu.region"() ({
      %run_scoped3A = tpu.sem_alloc : memref<!tpu.dma_semaphore, #tpu.memory_space<semaphore_mem>>
      %dma_start3A = arith.constant 0 : i32
      %dma_start3A_17 = tpu.memref_slice %arg11[%mul3A_2, %dma_start3A] : memref<10112x128xf32, #tpu.memory_space<vmem_shared>> -> memref<632x128xf32, #tpu.memory_space<vmem_shared>>
      %dma_start3A_18 = arith.constant 0 : i32
      %dma_start3A_19 = tpu.memref_slice %arg5[%mul3A_0, %dma_start3A_18] : memref<10112x128xf32, #tpu.memory_space<hbm>> -> memref<632x128xf32, #tpu.memory_space<hbm>>
      tpu.enqueue_dma source(%dma_start3A_19 : memref<632x128xf32, #tpu.memory_space<hbm>>) target(%dma_start3A_17 : memref<632x128xf32, #tpu.memory_space<vmem_shared>>) target_semaphore(%run_scoped3A : memref<!tpu.dma_semaphore, #tpu.memory_space<semaphore_mem>>)
      %dma_wait3A = arith.constant 0 : i32
      %dma_wait3A_20 = tpu.memref_slice %arg11[%mul3A_2, %dma_wait3A] : memref<10112x128xf32, #tpu.memory_space<vmem_shared>> -> memref<632x128xf32, #tpu.memory_space<vmem_shared>>
      %dma_wait3A_21 = arith.constant 0 : i32
      %dma_wait3A_22 = tpu.memref_slice %arg5[%mul3A_0, %dma_wait3A_21] : memref<10112x128xf32, #tpu.memory_space<hbm>> -> memref<632x128xf32, #tpu.memory_space<hbm>>
      tpu.wait_dma2 semaphore(%run_scoped3A : memref<!tpu.dma_semaphore, #tpu.memory_space<semaphore_mem>>) src(%dma_wait3A_22 : memref<632x128xf32, #tpu.memory_space<hbm>>) dst(%dma_wait3A_20 : memref<632x128xf32, #tpu.memory_space<vmem_shared>>)
      tpu.yield
    }) : () -> ()
    %barrier3A = arith.constant 0 : index
    tpu.barrier barrier_id(%barrier3A)
    %mul3A_3 = arith.constant 16 : i32
    %mul3A_4 = arith.muli %arg0, %mul3A_3 : i32
    %add3A = arith.addi %mul3A_4, %arg1 : i32
    %mul3A_5 = arith.constant 80 : i32
    %mul3A_6 = arith.muli %add3A, %mul3A_5 : i32
    %scan3A = arith.constant 0 : i32
    %scan3A_7 = arith.constant 0 : i32
    %scan3A_8 = arith.constant 5 : i32
    %scan3A_9 = arith.addi %scan3A_7, %scan3A_8 : i32
    %scan3A_10 = arith.constant 1 : i32
    scf.for %scan3A_17 = %scan3A_7 to %scan3A_9 step %scan3A_10  : i32 {
      %mul3A_18 = arith.constant 16 : i32
      %mul3A_19 = arith.muli %scan3A_17, %mul3A_18 : i32
      %add3A_20 = arith.addi %mul3A_6, %mul3A_19 : i32
      "tpu.region"() ({
        %run_scoped3A_258 = tpu.sem_alloc : memref<!tpu.dma_semaphore, #tpu.memory_space<semaphore_mem>>
        %dma_start3A_259 = arith.constant 0 : i32
        %dma_start3A_260 = tpu.memref_slice %arg3[%add3A_20, %dma_start3A_259] : memref<2560x128xi32, #tpu.memory_space<hbm>> -> memref<16x128xi32, #tpu.memory_space<hbm>>
        %dma_start3A_261 = arith.constant 0 : i32
        %dma_start3A_262 = tpu.memref_slice %arg3[%add3A_20, %dma_start3A_261] : memref<2560x128xi32, #tpu.memory_space<hbm>> -> memref<16x128xi32, #tpu.memory_space<hbm>>
        tpu.enqueue_dma source(%dma_start3A_262 : memref<16x128xi32, #tpu.memory_space<hbm>>) target(%arg7 : memref<16x128xi32, #tpu.memory_space<vmem>>) target_semaphore(%run_scoped3A_258 : memref<!tpu.dma_semaphore, #tpu.memory_space<semaphore_mem>>)
        %dma_wait3A_263 = arith.constant 0 : i32
        %dma_wait3A_264 = tpu.memref_slice %arg3[%add3A_20, %dma_wait3A_263] : memref<2560x128xi32, #tpu.memory_space<hbm>> -> memref<16x128xi32, #tpu.memory_space<hbm>>
        %dma_wait3A_265 = arith.constant 0 : i32
        %dma_wait3A_266 = tpu.memref_slice %arg3[%add3A_20, %dma_wait3A_265] : memref<2560x128xi32, #tpu.memory_space<hbm>> -> memref<16x128xi32, #tpu.memory_space<hbm>>
        tpu.wait_dma2 semaphore(%run_scoped3A_258 : memref<!tpu.dma_semaphore, #tpu.memory_space<semaphore_mem>>) src(%dma_wait3A_266 : memref<16x128xi32, #tpu.memory_space<hbm>>) dst(%arg7 : memref<16x128xi32, #tpu.memory_space<vmem>>)
        tpu.yield
      }) : () -> ()
      "tpu.region"() ({
        %run_scoped3A_258 = tpu.sem_alloc : memref<!tpu.dma_semaphore, #tpu.memory_space<semaphore_mem>>
        %dma_start3A_259 = arith.constant 0 : i32
        %dma_start3A_260 = tpu.memref_slice %arg4[%add3A_20, %dma_start3A_259] : memref<2560x128xi32, #tpu.memory_space<hbm>> -> memref<16x128xi32, #tpu.memory_space<hbm>>
        %dma_start3A_261 = arith.constant 0 : i32
        %dma_start3A_262 = tpu.memref_slice %arg4[%add3A_20, %dma_start3A_261] : memref<2560x128xi32, #tpu.memory_space<hbm>> -> memref<16x128xi32, #tpu.memory_space<hbm>>
        tpu.enqueue_dma source(%dma_start3A_262 : memref<16x128xi32, #tpu.memory_space<hbm>>) target(%arg8 : memref<16x128xi32, #tpu.memory_space<vmem>>) target_semaphore(%run_scoped3A_258 : memref<!tpu.dma_semaphore, #tpu.memory_space<semaphore_mem>>)
        %dma_wait3A_263 = arith.constant 0 : i32
        %dma_wait3A_264 = tpu.memref_slice %arg4[%add3A_20, %dma_wait3A_263] : memref<2560x128xi32, #tpu.memory_space<hbm>> -> memref<16x128xi32, #tpu.memory_space<hbm>>
        %dma_wait3A_265 = arith.constant 0 : i32
        %dma_wait3A_266 = tpu.memref_slice %arg4[%add3A_20, %dma_wait3A_265] : memref<2560x128xi32, #tpu.memory_space<hbm>> -> memref<16x128xi32, #tpu.memory_space<hbm>>
        tpu.wait_dma2 semaphore(%run_scoped3A_258 : memref<!tpu.dma_semaphore, #tpu.memory_space<semaphore_mem>>) src(%dma_wait3A_266 : memref<16x128xi32, #tpu.memory_space<hbm>>) dst(%arg8 : memref<16x128xi32, #tpu.memory_space<vmem>>)
        tpu.yield
      }) : () -> ()
      %dma_start3A = arith.constant 0 : i32
      %dma_start3A_21 = arith.constant 0 : i32
      %dma_start3A_22 = tpu.memref_slice %arg7[%dma_start3A, %dma_start3A_21] : memref<16x128xi32, #tpu.memory_space<vmem>> -> memref<1x128xi32, #tpu.memory_space<vmem>>
      %dma_start3A_23 = tpu.memref_squeeze %dma_start3A_22 : memref<1x128xi32, #tpu.memory_space<vmem>> -> memref<128xi32, #tpu.memory_space<vmem>>
      %dma_start3A_24 = arith.constant 0 : i32
      %dma_start3A_25 = arith.constant 0 : i32
      %dma_start3A_26 = tpu.memref_slice %arg2[%dma_start3A_24, %dma_start3A_25] : memref<10000x128xf32, #tpu.memory_space<hbm>> -> memref<10000x128xf32, #tpu.memory_space<hbm>>
      tpu.enqueue_indirect_dma source(%dma_start3A_26 : memref<10000x128xf32, #tpu.memory_space<hbm>>) target(%arg9 : memref<128x128xf32, #tpu.memory_space<vmem>>) offsets(%dma_start3A_23 : memref<128xi32, #tpu.memory_space<vmem>>) semaphore(%arg12 : memref<!tpu.dma_semaphore, #tpu.memory_space<semaphore_mem>>)
      %dma_start3A_27 = arith.constant 1 : i32
      %dma_start3A_28 = arith.constant 0 : i32
      %dma_start3A_29 = tpu.memref_slice %arg7[%dma_start3A_27, %dma_start3A_28] : memref<16x128xi32, #tpu.memory_space<vmem>> -> memref<1x128xi32, #tpu.memory_space<vmem>>
      %dma_start3A_30 = tpu.memref_squeeze %dma_start3A_29 : memref<1x128xi32, #tpu.memory_space<vmem>> -> memref<128xi32, #tpu.memory_space<vmem>>
      %dma_start3A_31 = arith.constant 0 : i32
      %dma_start3A_32 = arith.constant 0 : i32
      %dma_start3A_33 = tpu.memref_slice %arg2[%dma_start3A_31, %dma_start3A_32] : memref<10000x128xf32, #tpu.memory_space<hbm>> -> memref<10000x128xf32, #tpu.memory_space<hbm>>
      tpu.enqueue_indirect_dma source(%dma_start3A_33 : memref<10000x128xf32, #tpu.memory_space<hbm>>) target(%arg10 : memref<128x128xf32, #tpu.memory_space<vmem>>) offsets(%dma_start3A_30 : memref<128xi32, #tpu.memory_space<vmem>>) semaphore(%arg13 : memref<!tpu.dma_semaphore, #tpu.memory_space<semaphore_mem>>)
      %dma_wait3A = arith.constant 0 : i32
      %dma_wait3A_34 = arith.constant 0 : i32
      %dma_wait3A_35 = tpu.memref_slice %arg7[%dma_wait3A, %dma_wait3A_34] : memref<16x128xi32, #tpu.memory_space<vmem>> -> memref<1x128xi32, #tpu.memory_space<vmem>>
      %dma_wait3A_36 = tpu.memref_squeeze %dma_wait3A_35 : memref<1x128xi32, #tpu.memory_space<vmem>> -> memref<128xi32, #tpu.memory_space<vmem>>
      %dma_wait3A_37 = arith.constant 0 : i32
      %dma_wait3A_38 = arith.constant 0 : i32
      %dma_wait3A_39 = tpu.memref_slice %arg2[%dma_wait3A_37, %dma_wait3A_38] : memref<10000x128xf32, #tpu.memory_space<hbm>> -> memref<10000x128xf32, #tpu.memory_space<hbm>>
      tpu.wait_indirect_dma semaphore(%arg12 : memref<!tpu.dma_semaphore, #tpu.memory_space<semaphore_mem>>) src(%dma_wait3A_39 : memref<10000x128xf32, #tpu.memory_space<hbm>>) dst(%arg9 : memref<128x128xf32, #tpu.memory_space<vmem>>)
      %run_scoped3A = arith.constant 0 : i32
      "tpu.region"() ({
        %run_scoped3A_258 = tpu.sem_alloc : memref<!tpu.dma_semaphore, #tpu.memory_space<semaphore_mem>>
        %dma_start3A_259 = arith.constant 0 : i32
        %dma_start3A_260 = tpu.memref_slice %arg8[%run_scoped3A, %dma_start3A_259] : memref<16x128xi32, #tpu.memory_space<vmem>> -> memref<1x128xi32, #tpu.memory_space<vmem>>
        %dma_start3A_261 = tpu.memref_squeeze %dma_start3A_260 : memref<1x128xi32, #tpu.memory_space<vmem>> -> memref<128xi32, #tpu.memory_space<vmem>>
        %dma_start3A_262 = arith.constant 0 : i32
        %dma_start3A_263 = arith.constant 0 : i32
        %dma_start3A_264 = tpu.memref_slice %arg11[%dma_start3A_262, %dma_start3A_263] : memref<10112x128xf32, #tpu.memory_space<vmem_shared>> -> memref<10112x128xf32, #tpu.memory_space<vmem_shared>>
        tpu.enqueue_indirect_dma source(%arg9 : memref<128x128xf32, #tpu.memory_space<vmem>>) target(%dma_start3A_264 : memref<10112x128xf32, #tpu.memory_space<vmem_shared>>) offsets(%dma_start3A_261 : memref<128xi32, #tpu.memory_space<vmem>>) semaphore(%run_scoped3A_258 : memref<!tpu.dma_semaphore, #tpu.memory_space<semaphore_mem>>) {add = true}
        %dma_wait3A_265 = arith.constant 0 : i32
        %dma_wait3A_266 = tpu.memref_slice %arg8[%run_scoped3A, %dma_wait3A_265] : memref<16x128xi32, #tpu.memory_space<vmem>> -> memref<1x128xi32, #tpu.memory_space<vmem>>
        %dma_wait3A_267 = tpu.memref_squeeze %dma_wait3A_266 : memref<1x128xi32, #tpu.memory_space<vmem>> -> memref<128xi32, #tpu.memory_space<vmem>>
        %dma_wait3A_268 = arith.constant 0 : i32
        %dma_wait3A_269 = arith.constant 0 : i32
        %dma_wait3A_270 = tpu.memref_slice %arg11[%dma_wait3A_268, %dma_wait3A_269] : memref<10112x128xf32, #tpu.memory_space<vmem_shared>> -> memref<10112x128xf32, #tpu.memory_space<vmem_shared>>
        tpu.wait_indirect_dma semaphore(%run_scoped3A_258 : memref<!tpu.dma_semaphore, #tpu.memory_space<semaphore_mem>>) src(%arg9 : memref<128x128xf32, #tpu.memory_space<vmem>>) dst(%dma_wait3A_270 : memref<10112x128xf32, #tpu.memory_space<vmem_shared>>)
        tpu.yield
      }) : () -> ()
      %dma_start3A_40 = arith.constant 2 : i32
      %dma_start3A_41 = arith.constant 0 : i32
      %dma_start3A_42 = tpu.memref_slice %arg7[%dma_start3A_40, %dma_start3A_41] : memref<16x128xi32, #tpu.memory_space<vmem>> -> memref<1x128xi32, #tpu.memory_space<vmem>>
      %dma_start3A_43 = tpu.memref_squeeze %dma_start3A_42 : memref<1x128xi32, #tpu.memory_space<vmem>> -> memref<128xi32, #tpu.memory_space<vmem>>
      %dma_start3A_44 = arith.constant 0 : i32
      %dma_start3A_45 = arith.constant 0 : i32
      %dma_start3A_46 = tpu.memref_slice %arg2[%dma_start3A_44, %dma_start3A_45] : memref<10000x128xf32, #tpu.memory_space<hbm>> -> memref<10000x128xf32, #tpu.memory_space<hbm>>
      tpu.enqueue_indirect_dma source(%dma_start3A_46 : memref<10000x128xf32, #tpu.memory_space<hbm>>) target(%arg9 : memref<128x128xf32, #tpu.memory_space<vmem>>) offsets(%dma_start3A_43 : memref<128xi32, #tpu.memory_space<vmem>>) semaphore(%arg12 : memref<!tpu.dma_semaphore, #tpu.memory_space<semaphore_mem>>)
      %dma_wait3A_47 = arith.constant 1 : i32
      %dma_wait3A_48 = arith.constant 0 : i32
      %dma_wait3A_49 = tpu.memref_slice %arg7[%dma_wait3A_47, %dma_wait3A_48] : memref<16x128xi32, #tpu.memory_space<vmem>> -> memref<1x128xi32, #tpu.memory_space<vmem>>
      %dma_wait3A_50 = tpu.memref_squeeze %dma_wait3A_49 : memref<1x128xi32, #tpu.memory_space<vmem>> -> memref<128xi32, #tpu.memory_space<vmem>>
      %dma_wait3A_51 = arith.constant 0 : i32
      %dma_wait3A_52 = arith.constant 0 : i32
      %dma_wait3A_53 = tpu.memref_slice %arg2[%dma_wait3A_51, %dma_wait3A_52] : memref<10000x128xf32, #tpu.memory_space<hbm>> -> memref<10000x128xf32, #tpu.memory_space<hbm>>
      tpu.wait_indirect_dma semaphore(%arg13 : memref<!tpu.dma_semaphore, #tpu.memory_space<semaphore_mem>>) src(%dma_wait3A_53 : memref<10000x128xf32, #tpu.memory_space<hbm>>) dst(%arg10 : memref<128x128xf32, #tpu.memory_space<vmem>>)
      %run_scoped3A_54 = arith.constant 1 : i32
      "tpu.region"() ({
        %run_scoped3A_258 = tpu.sem_alloc : memref<!tpu.dma_semaphore, #tpu.memory_space<semaphore_mem>>
        %dma_start3A_259 = arith.constant 0 : i32
        %dma_start3A_260 = tpu.memref_slice %arg8[%run_scoped3A_54, %dma_start3A_259] : memref<16x128xi32, #tpu.memory_space<vmem>> -> memref<1x128xi32, #tpu.memory_space<vmem>>
        %dma_start3A_261 = tpu.memref_squeeze %dma_start3A_260 : memref<1x128xi32, #tpu.memory_space<vmem>> -> memref<128xi32, #tpu.memory_space<vmem>>
        %dma_start3A_262 = arith.constant 0 : i32
        %dma_start3A_263 = arith.constant 0 : i32
        %dma_start3A_264 = tpu.memref_slice %arg11[%dma_start3A_262, %dma_start3A_263] : memref<10112x128xf32, #tpu.memory_space<vmem_shared>> -> memref<10112x128xf32, #tpu.memory_space<vmem_shared>>
        tpu.enqueue_indirect_dma source(%arg10 : memref<128x128xf32, #tpu.memory_space<vmem>>) target(%dma_start3A_264 : memref<10112x128xf32, #tpu.memory_space<vmem_shared>>) offsets(%dma_start3A_261 : memref<128xi32, #tpu.memory_space<vmem>>) semaphore(%run_scoped3A_258 : memref<!tpu.dma_semaphore, #tpu.memory_space<semaphore_mem>>) {add = true}
        %dma_wait3A_265 = arith.constant 0 : i32
        %dma_wait3A_266 = tpu.memref_slice %arg8[%run_scoped3A_54, %dma_wait3A_265] : memref<16x128xi32, #tpu.memory_space<vmem>> -> memref<1x128xi32, #tpu.memory_space<vmem>>
        %dma_wait3A_267 = tpu.memref_squeeze %dma_wait3A_266 : memref<1x128xi32, #tpu.memory_space<vmem>> -> memref<128xi32, #tpu.memory_space<vmem>>
        %dma_wait3A_268 = arith.constant 0 : i32
        %dma_wait3A_269 = arith.constant 0 : i32
        %dma_wait3A_270 = tpu.memref_slice %arg11[%dma_wait3A_268, %dma_wait3A_269] : memref<10112x128xf32, #tpu.memory_space<vmem_shared>> -> memref<10112x128xf32, #tpu.memory_space<vmem_shared>>
        tpu.wait_indirect_dma semaphore(%run_scoped3A_258 : memref<!tpu.dma_semaphore, #tpu.memory_space<semaphore_mem>>) src(%arg10 : memref<128x128xf32, #tpu.memory_space<vmem>>) dst(%dma_wait3A_270 : memref<10112x128xf32, #tpu.memory_space<vmem_shared>>)
        tpu.yield
      }) : () -> ()
      %dma_start3A_55 = arith.constant 3 : i32
      %dma_start3A_56 = arith.constant 0 : i32
      %dma_start3A_57 = tpu.memref_slice %arg7[%dma_start3A_55, %dma_start3A_56] : memref<16x128xi32, #tpu.memory_space<vmem>> -> memref<1x128xi32, #tpu.memory_space<vmem>>
      %dma_start3A_58 = tpu.memref_squeeze %dma_start3A_57 : memref<1x128xi32, #tpu.memory_space<vmem>> -> memref<128xi32, #tpu.memory_space<vmem>>
      %dma_start3A_59 = arith.constant 0 : i32
      %dma_start3A_60 = arith.constant 0 : i32
      %dma_start3A_61 = tpu.memref_slice %arg2[%dma_start3A_59, %dma_start3A_60] : memref<10000x128xf32, #tpu.memory_space<hbm>> -> memref<10000x128xf32, #tpu.memory_space<hbm>>
      tpu.enqueue_indirect_dma source(%dma_start3A_61 : memref<10000x128xf32, #tpu.memory_space<hbm>>) target(%arg10 : memref<128x128xf32, #tpu.memory_space<vmem>>) offsets(%dma_start3A_58 : memref<128xi32, #tpu.memory_space<vmem>>) semaphore(%arg13 : memref<!tpu.dma_semaphore, #tpu.memory_space<semaphore_mem>>)
      %dma_wait3A_62 = arith.constant 2 : i32
      %dma_wait3A_63 = arith.constant 0 : i32
      %dma_wait3A_64 = tpu.memref_slice %arg7[%dma_wait3A_62, %dma_wait3A_63] : memref<16x128xi32, #tpu.memory_space<vmem>> -> memref<1x128xi32, #tpu.memory_space<vmem>>
      %dma_wait3A_65 = tpu.memref_squeeze %dma_wait3A_64 : memref<1x128xi32, #tpu.memory_space<vmem>> -> memref<128xi32, #tpu.memory_space<vmem>>
      %dma_wait3A_66 = arith.constant 0 : i32
      %dma_wait3A_67 = arith.constant 0 : i32
      %dma_wait3A_68 = tpu.memref_slice %arg2[%dma_wait3A_66, %dma_wait3A_67] : memref<10000x128xf32, #tpu.memory_space<hbm>> -> memref<10000x128xf32, #tpu.memory_space<hbm>>
      tpu.wait_indirect_dma semaphore(%arg12 : memref<!tpu.dma_semaphore, #tpu.memory_space<semaphore_mem>>) src(%dma_wait3A_68 : memref<10000x128xf32, #tpu.memory_space<hbm>>) dst(%arg9 : memref<128x128xf32, #tpu.memory_space<vmem>>)
      %run_scoped3A_69 = arith.constant 2 : i32
      "tpu.region"() ({
        %run_scoped3A_258 = tpu.sem_alloc : memref<!tpu.dma_semaphore, #tpu.memory_space<semaphore_mem>>
        %dma_start3A_259 = arith.constant 0 : i32
        %dma_start3A_260 = tpu.memref_slice %arg8[%run_scoped3A_69, %dma_start3A_259] : memref<16x128xi32, #tpu.memory_space<vmem>> -> memref<1x128xi32, #tpu.memory_space<vmem>>
        %dma_start3A_261 = tpu.memref_squeeze %dma_start3A_260 : memref<1x128xi32, #tpu.memory_space<vmem>> -> memref<128xi32, #tpu.memory_space<vmem>>
        %dma_start3A_262 = arith.constant 0 : i32
        %dma_start3A_263 = arith.constant 0 : i32
        %dma_start3A_264 = tpu.memref_slice %arg11[%dma_start3A_262, %dma_start3A_263] : memref<10112x128xf32, #tpu.memory_space<vmem_shared>> -> memref<10112x128xf32, #tpu.memory_space<vmem_shared>>
        tpu.enqueue_indirect_dma source(%arg9 : memref<128x128xf32, #tpu.memory_space<vmem>>) target(%dma_start3A_264 : memref<10112x128xf32, #tpu.memory_space<vmem_shared>>) offsets(%dma_start3A_261 : memref<128xi32, #tpu.memory_space<vmem>>) semaphore(%run_scoped3A_258 : memref<!tpu.dma_semaphore, #tpu.memory_space<semaphore_mem>>) {add = true}
        %dma_wait3A_265 = arith.constant 0 : i32
        %dma_wait3A_266 = tpu.memref_slice %arg8[%run_scoped3A_69, %dma_wait3A_265] : memref<16x128xi32, #tpu.memory_space<vmem>> -> memref<1x128xi32, #tpu.memory_space<vmem>>
        %dma_wait3A_267 = tpu.memref_squeeze %dma_wait3A_266 : memref<1x128xi32, #tpu.memory_space<vmem>> -> memref<128xi32, #tpu.memory_space<vmem>>
        %dma_wait3A_268 = arith.constant 0 : i32
        %dma_wait3A_269 = arith.constant 0 : i32
        %dma_wait3A_270 = tpu.memref_slice %arg11[%dma_wait3A_268, %dma_wait3A_269] : memref<10112x128xf32, #tpu.memory_space<vmem_shared>> -> memref<10112x128xf32, #tpu.memory_space<vmem_shared>>
        tpu.wait_indirect_dma semaphore(%run_scoped3A_258 : memref<!tpu.dma_semaphore, #tpu.memory_space<semaphore_mem>>) src(%arg9 : memref<128x128xf32, #tpu.memory_space<vmem>>) dst(%dma_wait3A_270 : memref<10112x128xf32, #tpu.memory_space<vmem_shared>>)
        tpu.yield
      }) : () -> ()
      %dma_start3A_70 = arith.constant 4 : i32
      %dma_start3A_71 = arith.constant 0 : i32
      %dma_start3A_72 = tpu.memref_slice %arg7[%dma_start3A_70, %dma_start3A_71] : memref<16x128xi32, #tpu.memory_space<vmem>> -> memref<1x128xi32, #tpu.memory_space<vmem>>
      %dma_start3A_73 = tpu.memref_squeeze %dma_start3A_72 : memref<1x128xi32, #tpu.memory_space<vmem>> -> memref<128xi32, #tpu.memory_space<vmem>>
      %dma_start3A_74 = arith.constant 0 : i32
      %dma_start3A_75 = arith.constant 0 : i32
      %dma_start3A_76 = tpu.memref_slice %arg2[%dma_start3A_74, %dma_start3A_75] : memref<10000x128xf32, #tpu.memory_space<hbm>> -> memref<10000x128xf32, #tpu.memory_space<hbm>>
      tpu.enqueue_indirect_dma source(%dma_start3A_76 : memref<10000x128xf32, #tpu.memory_space<hbm>>) target(%arg9 : memref<128x128xf32, #tpu.memory_space<vmem>>) offsets(%dma_start3A_73 : memref<128xi32, #tpu.memory_space<vmem>>) semaphore(%arg12 : memref<!tpu.dma_semaphore, #tpu.memory_space<semaphore_mem>>)
      %dma_wait3A_77 = arith.constant 3 : i32
      %dma_wait3A_78 = arith.constant 0 : i32
      %dma_wait3A_79 = tpu.memref_slice %arg7[%dma_wait3A_77, %dma_wait3A_78] : memref<16x128xi32, #tpu.memory_space<vmem>> -> memref<1x128xi32, #tpu.memory_space<vmem>>
      %dma_wait3A_80 = tpu.memref_squeeze %dma_wait3A_79 : memref<1x128xi32, #tpu.memory_space<vmem>> -> memref<128xi32, #tpu.memory_space<vmem>>
      %dma_wait3A_81 = arith.constant 0 : i32
      %dma_wait3A_82 = arith.constant 0 : i32
      %dma_wait3A_83 = tpu.memref_slice %arg2[%dma_wait3A_81, %dma_wait3A_82] : memref<10000x128xf32, #tpu.memory_space<hbm>> -> memref<10000x128xf32, #tpu.memory_space<hbm>>
      tpu.wait_indirect_dma semaphore(%arg13 : memref<!tpu.dma_semaphore, #tpu.memory_space<semaphore_mem>>) src(%dma_wait3A_83 : memref<10000x128xf32, #tpu.memory_space<hbm>>) dst(%arg10 : memref<128x128xf32, #tpu.memory_space<vmem>>)
      %run_scoped3A_84 = arith.constant 3 : i32
      "tpu.region"() ({
        %run_scoped3A_258 = tpu.sem_alloc : memref<!tpu.dma_semaphore, #tpu.memory_space<semaphore_mem>>
        %dma_start3A_259 = arith.constant 0 : i32
        %dma_start3A_260 = tpu.memref_slice %arg8[%run_scoped3A_84, %dma_start3A_259] : memref<16x128xi32, #tpu.memory_space<vmem>> -> memref<1x128xi32, #tpu.memory_space<vmem>>
        %dma_start3A_261 = tpu.memref_squeeze %dma_start3A_260 : memref<1x128xi32, #tpu.memory_space<vmem>> -> memref<128xi32, #tpu.memory_space<vmem>>
        %dma_start3A_262 = arith.constant 0 : i32
        %dma_start3A_263 = arith.constant 0 : i32
        %dma_start3A_264 = tpu.memref_slice %arg11[%dma_start3A_262, %dma_start3A_263] : memref<10112x128xf32, #tpu.memory_space<vmem_shared>> -> memref<10112x128xf32, #tpu.memory_space<vmem_shared>>
        tpu.enqueue_indirect_dma source(%arg10 : memref<128x128xf32, #tpu.memory_space<vmem>>) target(%dma_start3A_264 : memref<10112x128xf32, #tpu.memory_space<vmem_shared>>) offsets(%dma_start3A_261 : memref<128xi32, #tpu.memory_space<vmem>>) semaphore(%run_scoped3A_258 : memref<!tpu.dma_semaphore, #tpu.memory_space<semaphore_mem>>) {add = true}
        %dma_wait3A_265 = arith.constant 0 : i32
        %dma_wait3A_266 = tpu.memref_slice %arg8[%run_scoped3A_84, %dma_wait3A_265] : memref<16x128xi32, #tpu.memory_space<vmem>> -> memref<1x128xi32, #tpu.memory_space<vmem>>
        %dma_wait3A_267 = tpu.memref_squeeze %dma_wait3A_266 : memref<1x128xi32, #tpu.memory_space<vmem>> -> memref<128xi32, #tpu.memory_space<vmem>>
        %dma_wait3A_268 = arith.constant 0 : i32
        %dma_wait3A_269 = arith.constant 0 : i32
        %dma_wait3A_270 = tpu.memref_slice %arg11[%dma_wait3A_268, %dma_wait3A_269] : memref<10112x128xf32, #tpu.memory_space<vmem_shared>> -> memref<10112x128xf32, #tpu.memory_space<vmem_shared>>
        tpu.wait_indirect_dma semaphore(%run_scoped3A_258 : memref<!tpu.dma_semaphore, #tpu.memory_space<semaphore_mem>>) src(%arg10 : memref<128x128xf32, #tpu.memory_space<vmem>>) dst(%dma_wait3A_270 : memref<10112x128xf32, #tpu.memory_space<vmem_shared>>)
        tpu.yield
      }) : () -> ()
      %dma_start3A_85 = arith.constant 5 : i32
      %dma_start3A_86 = arith.constant 0 : i32
      %dma_start3A_87 = tpu.memref_slice %arg7[%dma_start3A_85, %dma_start3A_86] : memref<16x128xi32, #tpu.memory_space<vmem>> -> memref<1x128xi32, #tpu.memory_space<vmem>>
      %dma_start3A_88 = tpu.memref_squeeze %dma_start3A_87 : memref<1x128xi32, #tpu.memory_space<vmem>> -> memref<128xi32, #tpu.memory_space<vmem>>
      %dma_start3A_89 = arith.constant 0 : i32
      %dma_start3A_90 = arith.constant 0 : i32
      %dma_start3A_91 = tpu.memref_slice %arg2[%dma_start3A_89, %dma_start3A_90] : memref<10000x128xf32, #tpu.memory_space<hbm>> -> memref<10000x128xf32, #tpu.memory_space<hbm>>
      tpu.enqueue_indirect_dma source(%dma_start3A_91 : memref<10000x128xf32, #tpu.memory_space<hbm>>) target(%arg10 : memref<128x128xf32, #tpu.memory_space<vmem>>) offsets(%dma_start3A_88 : memref<128xi32, #tpu.memory_space<vmem>>) semaphore(%arg13 : memref<!tpu.dma_semaphore, #tpu.memory_space<semaphore_mem>>)
      %dma_wait3A_92 = arith.constant 4 : i32
      %dma_wait3A_93 = arith.constant 0 : i32
      %dma_wait3A_94 = tpu.memref_slice %arg7[%dma_wait3A_92, %dma_wait3A_93] : memref<16x128xi32, #tpu.memory_space<vmem>> -> memref<1x128xi32, #tpu.memory_space<vmem>>
      %dma_wait3A_95 = tpu.memref_squeeze %dma_wait3A_94 : memref<1x128xi32, #tpu.memory_space<vmem>> -> memref<128xi32, #tpu.memory_space<vmem>>
      %dma_wait3A_96 = arith.constant 0 : i32
      %dma_wait3A_97 = arith.constant 0 : i32
      %dma_wait3A_98 = tpu.memref_slice %arg2[%dma_wait3A_96, %dma_wait3A_97] : memref<10000x128xf32, #tpu.memory_space<hbm>> -> memref<10000x128xf32, #tpu.memory_space<hbm>>
      tpu.wait_indirect_dma semaphore(%arg12 : memref<!tpu.dma_semaphore, #tpu.memory_space<semaphore_mem>>) src(%dma_wait3A_98 : memref<10000x128xf32, #tpu.memory_space<hbm>>) dst(%arg9 : memref<128x128xf32, #tpu.memory_space<vmem>>)
      %run_scoped3A_99 = arith.constant 4 : i32
      "tpu.region"() ({
        %run_scoped3A_258 = tpu.sem_alloc : memref<!tpu.dma_semaphore, #tpu.memory_space<semaphore_mem>>
        %dma_start3A_259 = arith.constant 0 : i32
        %dma_start3A_260 = tpu.memref_slice %arg8[%run_scoped3A_99, %dma_start3A_259] : memref<16x128xi32, #tpu.memory_space<vmem>> -> memref<1x128xi32, #tpu.memory_space<vmem>>
        %dma_start3A_261 = tpu.memref_squeeze %dma_start3A_260 : memref<1x128xi32, #tpu.memory_space<vmem>> -> memref<128xi32, #tpu.memory_space<vmem>>
        %dma_start3A_262 = arith.constant 0 : i32
        %dma_start3A_263 = arith.constant 0 : i32
        %dma_start3A_264 = tpu.memref_slice %arg11[%dma_start3A_262, %dma_start3A_263] : memref<10112x128xf32, #tpu.memory_space<vmem_shared>> -> memref<10112x128xf32, #tpu.memory_space<vmem_shared>>
        tpu.enqueue_indirect_dma source(%arg9 : memref<128x128xf32, #tpu.memory_space<vmem>>) target(%dma_start3A_264 : memref<10112x128xf32, #tpu.memory_space<vmem_shared>>) offsets(%dma_start3A_261 : memref<128xi32, #tpu.memory_space<vmem>>) semaphore(%run_scoped3A_258 : memref<!tpu.dma_semaphore, #tpu.memory_space<semaphore_mem>>) {add = true}
        %dma_wait3A_265 = arith.constant 0 : i32
        %dma_wait3A_266 = tpu.memref_slice %arg8[%run_scoped3A_99, %dma_wait3A_265] : memref<16x128xi32, #tpu.memory_space<vmem>> -> memref<1x128xi32, #tpu.memory_space<vmem>>
        %dma_wait3A_267 = tpu.memref_squeeze %dma_wait3A_266 : memref<1x128xi32, #tpu.memory_space<vmem>> -> memref<128xi32, #tpu.memory_space<vmem>>
        %dma_wait3A_268 = arith.constant 0 : i32
        %dma_wait3A_269 = arith.constant 0 : i32
        %dma_wait3A_270 = tpu.memref_slice %arg11[%dma_wait3A_268, %dma_wait3A_269] : memref<10112x128xf32, #tpu.memory_space<vmem_shared>> -> memref<10112x128xf32, #tpu.memory_space<vmem_shared>>
        tpu.wait_indirect_dma semaphore(%run_scoped3A_258 : memref<!tpu.dma_semaphore, #tpu.memory_space<semaphore_mem>>) src(%arg9 : memref<128x128xf32, #tpu.memory_space<vmem>>) dst(%dma_wait3A_270 : memref<10112x128xf32, #tpu.memory_space<vmem_shared>>)
        tpu.yield
      }) : () -> ()
      %dma_start3A_100 = arith.constant 6 : i32
      %dma_start3A_101 = arith.constant 0 : i32
      %dma_start3A_102 = tpu.memref_slice %arg7[%dma_start3A_100, %dma_start3A_101] : memref<16x128xi32, #tpu.memory_space<vmem>> -> memref<1x128xi32, #tpu.memory_space<vmem>>
      %dma_start3A_103 = tpu.memref_squeeze %dma_start3A_102 : memref<1x128xi32, #tpu.memory_space<vmem>> -> memref<128xi32, #tpu.memory_space<vmem>>
      %dma_start3A_104 = arith.constant 0 : i32
      %dma_start3A_105 = arith.constant 0 : i32
      %dma_start3A_106 = tpu.memref_slice %arg2[%dma_start3A_104, %dma_start3A_105] : memref<10000x128xf32, #tpu.memory_space<hbm>> -> memref<10000x128xf32, #tpu.memory_space<hbm>>
      tpu.enqueue_indirect_dma source(%dma_start3A_106 : memref<10000x128xf32, #tpu.memory_space<hbm>>) target(%arg9 : memref<128x128xf32, #tpu.memory_space<vmem>>) offsets(%dma_start3A_103 : memref<128xi32, #tpu.memory_space<vmem>>) semaphore(%arg12 : memref<!tpu.dma_semaphore, #tpu.memory_space<semaphore_mem>>)
      %dma_wait3A_107 = arith.constant 5 : i32
      %dma_wait3A_108 = arith.constant 0 : i32
      %dma_wait3A_109 = tpu.memref_slice %arg7[%dma_wait3A_107, %dma_wait3A_108] : memref<16x128xi32, #tpu.memory_space<vmem>> -> memref<1x128xi32, #tpu.memory_space<vmem>>
      %dma_wait3A_110 = tpu.memref_squeeze %dma_wait3A_109 : memref<1x128xi32, #tpu.memory_space<vmem>> -> memref<128xi32, #tpu.memory_space<vmem>>
      %dma_wait3A_111 = arith.constant 0 : i32
      %dma_wait3A_112 = arith.constant 0 : i32
      %dma_wait3A_113 = tpu.memref_slice %arg2[%dma_wait3A_111, %dma_wait3A_112] : memref<10000x128xf32, #tpu.memory_space<hbm>> -> memref<10000x128xf32, #tpu.memory_space<hbm>>
      tpu.wait_indirect_dma semaphore(%arg13 : memref<!tpu.dma_semaphore, #tpu.memory_space<semaphore_mem>>) src(%dma_wait3A_113 : memref<10000x128xf32, #tpu.memory_space<hbm>>) dst(%arg10 : memref<128x128xf32, #tpu.memory_space<vmem>>)
      %run_scoped3A_114 = arith.constant 5 : i32
      "tpu.region"() ({
        %run_scoped3A_258 = tpu.sem_alloc : memref<!tpu.dma_semaphore, #tpu.memory_space<semaphore_mem>>
        %dma_start3A_259 = arith.constant 0 : i32
        %dma_start3A_260 = tpu.memref_slice %arg8[%run_scoped3A_114, %dma_start3A_259] : memref<16x128xi32, #tpu.memory_space<vmem>> -> memref<1x128xi32, #tpu.memory_space<vmem>>
        %dma_start3A_261 = tpu.memref_squeeze %dma_start3A_260 : memref<1x128xi32, #tpu.memory_space<vmem>> -> memref<128xi32, #tpu.memory_space<vmem>>
        %dma_start3A_262 = arith.constant 0 : i32
        %dma_start3A_263 = arith.constant 0 : i32
        %dma_start3A_264 = tpu.memref_slice %arg11[%dma_start3A_262, %dma_start3A_263] : memref<10112x128xf32, #tpu.memory_space<vmem_shared>> -> memref<10112x128xf32, #tpu.memory_space<vmem_shared>>
        tpu.enqueue_indirect_dma source(%arg10 : memref<128x128xf32, #tpu.memory_space<vmem>>) target(%dma_start3A_264 : memref<10112x128xf32, #tpu.memory_space<vmem_shared>>) offsets(%dma_start3A_261 : memref<128xi32, #tpu.memory_space<vmem>>) semaphore(%run_scoped3A_258 : memref<!tpu.dma_semaphore, #tpu.memory_space<semaphore_mem>>) {add = true}
        %dma_wait3A_265 = arith.constant 0 : i32
        %dma_wait3A_266 = tpu.memref_slice %arg8[%run_scoped3A_114, %dma_wait3A_265] : memref<16x128xi32, #tpu.memory_space<vmem>> -> memref<1x128xi32, #tpu.memory_space<vmem>>
        %dma_wait3A_267 = tpu.memref_squeeze %dma_wait3A_266 : memref<1x128xi32, #tpu.memory_space<vmem>> -> memref<128xi32, #tpu.memory_space<vmem>>
        %dma_wait3A_268 = arith.constant 0 : i32
        %dma_wait3A_269 = arith.constant 0 : i32
        %dma_wait3A_270 = tpu.memref_slice %arg11[%dma_wait3A_268, %dma_wait3A_269] : memref<10112x128xf32, #tpu.memory_space<vmem_shared>> -> memref<10112x128xf32, #tpu.memory_space<vmem_shared>>
        tpu.wait_indirect_dma semaphore(%run_scoped3A_258 : memref<!tpu.dma_semaphore, #tpu.memory_space<semaphore_mem>>) src(%arg10 : memref<128x128xf32, #tpu.memory_space<vmem>>) dst(%dma_wait3A_270 : memref<10112x128xf32, #tpu.memory_space<vmem_shared>>)
        tpu.yield
      }) : () -> ()
      %dma_start3A_115 = arith.constant 7 : i32
      %dma_start3A_116 = arith.constant 0 : i32
      %dma_start3A_117 = tpu.memref_slice %arg7[%dma_start3A_115, %dma_start3A_116] : memref<16x128xi32, #tpu.memory_space<vmem>> -> memref<1x128xi32, #tpu.memory_space<vmem>>
      %dma_start3A_118 = tpu.memref_squeeze %dma_start3A_117 : memref<1x128xi32, #tpu.memory_space<vmem>> -> memref<128xi32, #tpu.memory_space<vmem>>
      %dma_start3A_119 = arith.constant 0 : i32
      %dma_start3A_120 = arith.constant 0 : i32
      %dma_start3A_121 = tpu.memref_slice %arg2[%dma_start3A_119, %dma_start3A_120] : memref<10000x128xf32, #tpu.memory_space<hbm>> -> memref<10000x128xf32, #tpu.memory_space<hbm>>
      tpu.enqueue_indirect_dma source(%dma_start3A_121 : memref<10000x128xf32, #tpu.memory_space<hbm>>) target(%arg10 : memref<128x128xf32, #tpu.memory_space<vmem>>) offsets(%dma_start3A_118 : memref<128xi32, #tpu.memory_space<vmem>>) semaphore(%arg13 : memref<!tpu.dma_semaphore, #tpu.memory_space<semaphore_mem>>)
      %dma_wait3A_122 = arith.constant 6 : i32
      %dma_wait3A_123 = arith.constant 0 : i32
      %dma_wait3A_124 = tpu.memref_slice %arg7[%dma_wait3A_122, %dma_wait3A_123] : memref<16x128xi32, #tpu.memory_space<vmem>> -> memref<1x128xi32, #tpu.memory_space<vmem>>
      %dma_wait3A_125 = tpu.memref_squeeze %dma_wait3A_124 : memref<1x128xi32, #tpu.memory_space<vmem>> -> memref<128xi32, #tpu.memory_space<vmem>>
      %dma_wait3A_126 = arith.constant 0 : i32
      %dma_wait3A_127 = arith.constant 0 : i32
      %dma_wait3A_128 = tpu.memref_slice %arg2[%dma_wait3A_126, %dma_wait3A_127] : memref<10000x128xf32, #tpu.memory_space<hbm>> -> memref<10000x128xf32, #tpu.memory_space<hbm>>
      tpu.wait_indirect_dma semaphore(%arg12 : memref<!tpu.dma_semaphore, #tpu.memory_space<semaphore_mem>>) src(%dma_wait3A_128 : memref<10000x128xf32, #tpu.memory_space<hbm>>) dst(%arg9 : memref<128x128xf32, #tpu.memory_space<vmem>>)
      %run_scoped3A_129 = arith.constant 6 : i32
      "tpu.region"() ({
        %run_scoped3A_258 = tpu.sem_alloc : memref<!tpu.dma_semaphore, #tpu.memory_space<semaphore_mem>>
        %dma_start3A_259 = arith.constant 0 : i32
        %dma_start3A_260 = tpu.memref_slice %arg8[%run_scoped3A_129, %dma_start3A_259] : memref<16x128xi32, #tpu.memory_space<vmem>> -> memref<1x128xi32, #tpu.memory_space<vmem>>
        %dma_start3A_261 = tpu.memref_squeeze %dma_start3A_260 : memref<1x128xi32, #tpu.memory_space<vmem>> -> memref<128xi32, #tpu.memory_space<vmem>>
        %dma_start3A_262 = arith.constant 0 : i32
        %dma_start3A_263 = arith.constant 0 : i32
        %dma_start3A_264 = tpu.memref_slice %arg11[%dma_start3A_262, %dma_start3A_263] : memref<10112x128xf32, #tpu.memory_space<vmem_shared>> -> memref<10112x128xf32, #tpu.memory_space<vmem_shared>>
        tpu.enqueue_indirect_dma source(%arg9 : memref<128x128xf32, #tpu.memory_space<vmem>>) target(%dma_start3A_264 : memref<10112x128xf32, #tpu.memory_space<vmem_shared>>) offsets(%dma_start3A_261 : memref<128xi32, #tpu.memory_space<vmem>>) semaphore(%run_scoped3A_258 : memref<!tpu.dma_semaphore, #tpu.memory_space<semaphore_mem>>) {add = true}
        %dma_wait3A_265 = arith.constant 0 : i32
        %dma_wait3A_266 = tpu.memref_slice %arg8[%run_scoped3A_129, %dma_wait3A_265] : memref<16x128xi32, #tpu.memory_space<vmem>> -> memref<1x128xi32, #tpu.memory_space<vmem>>
        %dma_wait3A_267 = tpu.memref_squeeze %dma_wait3A_266 : memref<1x128xi32, #tpu.memory_space<vmem>> -> memref<128xi32, #tpu.memory_space<vmem>>
        %dma_wait3A_268 = arith.constant 0 : i32
        %dma_wait3A_269 = arith.constant 0 : i32
        %dma_wait3A_270 = tpu.memref_slice %arg11[%dma_wait3A_268, %dma_wait3A_269] : memref<10112x128xf32, #tpu.memory_space<vmem_shared>> -> memref<10112x128xf32, #tpu.memory_space<vmem_shared>>
        tpu.wait_indirect_dma semaphore(%run_scoped3A_258 : memref<!tpu.dma_semaphore, #tpu.memory_space<semaphore_mem>>) src(%arg9 : memref<128x128xf32, #tpu.memory_space<vmem>>) dst(%dma_wait3A_270 : memref<10112x128xf32, #tpu.memory_space<vmem_shared>>)
        tpu.yield
      }) : () -> ()
      %dma_start3A_130 = arith.constant 8 : i32
      %dma_start3A_131 = arith.constant 0 : i32
      %dma_start3A_132 = tpu.memref_slice %arg7[%dma_start3A_130, %dma_start3A_131] : memref<16x128xi32, #tpu.memory_space<vmem>> -> memref<1x128xi32, #tpu.memory_space<vmem>>
      %dma_start3A_133 = tpu.memref_squeeze %dma_start3A_132 : memref<1x128xi32, #tpu.memory_space<vmem>> -> memref<128xi32, #tpu.memory_space<vmem>>
      %dma_start3A_134 = arith.constant 0 : i32
      %dma_start3A_135 = arith.constant 0 : i32
      %dma_start3A_136 = tpu.memref_slice %arg2[%dma_start3A_134, %dma_start3A_135] : memref<10000x128xf32, #tpu.memory_space<hbm>> -> memref<10000x128xf32, #tpu.memory_space<hbm>>
      tpu.enqueue_indirect_dma source(%dma_start3A_136 : memref<10000x128xf32, #tpu.memory_space<hbm>>) target(%arg9 : memref<128x128xf32, #tpu.memory_space<vmem>>) offsets(%dma_start3A_133 : memref<128xi32, #tpu.memory_space<vmem>>) semaphore(%arg12 : memref<!tpu.dma_semaphore, #tpu.memory_space<semaphore_mem>>)
      %dma_wait3A_137 = arith.constant 7 : i32
      %dma_wait3A_138 = arith.constant 0 : i32
      %dma_wait3A_139 = tpu.memref_slice %arg7[%dma_wait3A_137, %dma_wait3A_138] : memref<16x128xi32, #tpu.memory_space<vmem>> -> memref<1x128xi32, #tpu.memory_space<vmem>>
      %dma_wait3A_140 = tpu.memref_squeeze %dma_wait3A_139 : memref<1x128xi32, #tpu.memory_space<vmem>> -> memref<128xi32, #tpu.memory_space<vmem>>
      %dma_wait3A_141 = arith.constant 0 : i32
      %dma_wait3A_142 = arith.constant 0 : i32
      %dma_wait3A_143 = tpu.memref_slice %arg2[%dma_wait3A_141, %dma_wait3A_142] : memref<10000x128xf32, #tpu.memory_space<hbm>> -> memref<10000x128xf32, #tpu.memory_space<hbm>>
      tpu.wait_indirect_dma semaphore(%arg13 : memref<!tpu.dma_semaphore, #tpu.memory_space<semaphore_mem>>) src(%dma_wait3A_143 : memref<10000x128xf32, #tpu.memory_space<hbm>>) dst(%arg10 : memref<128x128xf32, #tpu.memory_space<vmem>>)
      %run_scoped3A_144 = arith.constant 7 : i32
      "tpu.region"() ({
        %run_scoped3A_258 = tpu.sem_alloc : memref<!tpu.dma_semaphore, #tpu.memory_space<semaphore_mem>>
        %dma_start3A_259 = arith.constant 0 : i32
        %dma_start3A_260 = tpu.memref_slice %arg8[%run_scoped3A_144, %dma_start3A_259] : memref<16x128xi32, #tpu.memory_space<vmem>> -> memref<1x128xi32, #tpu.memory_space<vmem>>
        %dma_start3A_261 = tpu.memref_squeeze %dma_start3A_260 : memref<1x128xi32, #tpu.memory_space<vmem>> -> memref<128xi32, #tpu.memory_space<vmem>>
        %dma_start3A_262 = arith.constant 0 : i32
        %dma_start3A_263 = arith.constant 0 : i32
        %dma_start3A_264 = tpu.memref_slice %arg11[%dma_start3A_262, %dma_start3A_263] : memref<10112x128xf32, #tpu.memory_space<vmem_shared>> -> memref<10112x128xf32, #tpu.memory_space<vmem_shared>>
        tpu.enqueue_indirect_dma source(%arg10 : memref<128x128xf32, #tpu.memory_space<vmem>>) target(%dma_start3A_264 : memref<10112x128xf32, #tpu.memory_space<vmem_shared>>) offsets(%dma_start3A_261 : memref<128xi32, #tpu.memory_space<vmem>>) semaphore(%run_scoped3A_258 : memref<!tpu.dma_semaphore, #tpu.memory_space<semaphore_mem>>) {add = true}
        %dma_wait3A_265 = arith.constant 0 : i32
        %dma_wait3A_266 = tpu.memref_slice %arg8[%run_scoped3A_144, %dma_wait3A_265] : memref<16x128xi32, #tpu.memory_space<vmem>> -> memref<1x128xi32, #tpu.memory_space<vmem>>
        %dma_wait3A_267 = tpu.memref_squeeze %dma_wait3A_266 : memref<1x128xi32, #tpu.memory_space<vmem>> -> memref<128xi32, #tpu.memory_space<vmem>>
        %dma_wait3A_268 = arith.constant 0 : i32
        %dma_wait3A_269 = arith.constant 0 : i32
        %dma_wait3A_270 = tpu.memref_slice %arg11[%dma_wait3A_268, %dma_wait3A_269] : memref<10112x128xf32, #tpu.memory_space<vmem_shared>> -> memref<10112x128xf32, #tpu.memory_space<vmem_shared>>
        tpu.wait_indirect_dma semaphore(%run_scoped3A_258 : memref<!tpu.dma_semaphore, #tpu.memory_space<semaphore_mem>>) src(%arg10 : memref<128x128xf32, #tpu.memory_space<vmem>>) dst(%dma_wait3A_270 : memref<10112x128xf32, #tpu.memory_space<vmem_shared>>)
        tpu.yield
      }) : () -> ()
      %dma_start3A_145 = arith.constant 9 : i32
      %dma_start3A_146 = arith.constant 0 : i32
      %dma_start3A_147 = tpu.memref_slice %arg7[%dma_start3A_145, %dma_start3A_146] : memref<16x128xi32, #tpu.memory_space<vmem>> -> memref<1x128xi32, #tpu.memory_space<vmem>>
      %dma_start3A_148 = tpu.memref_squeeze %dma_start3A_147 : memref<1x128xi32, #tpu.memory_space<vmem>> -> memref<128xi32, #tpu.memory_space<vmem>>
      %dma_start3A_149 = arith.constant 0 : i32
      %dma_start3A_150 = arith.constant 0 : i32
      %dma_start3A_151 = tpu.memref_slice %arg2[%dma_start3A_149, %dma_start3A_150] : memref<10000x128xf32, #tpu.memory_space<hbm>> -> memref<10000x128xf32, #tpu.memory_space<hbm>>
      tpu.enqueue_indirect_dma source(%dma_start3A_151 : memref<10000x128xf32, #tpu.memory_space<hbm>>) target(%arg10 : memref<128x128xf32, #tpu.memory_space<vmem>>) offsets(%dma_start3A_148 : memref<128xi32, #tpu.memory_space<vmem>>) semaphore(%arg13 : memref<!tpu.dma_semaphore, #tpu.memory_space<semaphore_mem>>)
      %dma_wait3A_152 = arith.constant 8 : i32
      %dma_wait3A_153 = arith.constant 0 : i32
      %dma_wait3A_154 = tpu.memref_slice %arg7[%dma_wait3A_152, %dma_wait3A_153] : memref<16x128xi32, #tpu.memory_space<vmem>> -> memref<1x128xi32, #tpu.memory_space<vmem>>
      %dma_wait3A_155 = tpu.memref_squeeze %dma_wait3A_154 : memref<1x128xi32, #tpu.memory_space<vmem>> -> memref<128xi32, #tpu.memory_space<vmem>>
      %dma_wait3A_156 = arith.constant 0 : i32
      %dma_wait3A_157 = arith.constant 0 : i32
      %dma_wait3A_158 = tpu.memref_slice %arg2[%dma_wait3A_156, %dma_wait3A_157] : memref<10000x128xf32, #tpu.memory_space<hbm>> -> memref<10000x128xf32, #tpu.memory_space<hbm>>
      tpu.wait_indirect_dma semaphore(%arg12 : memref<!tpu.dma_semaphore, #tpu.memory_space<semaphore_mem>>) src(%dma_wait3A_158 : memref<10000x128xf32, #tpu.memory_space<hbm>>) dst(%arg9 : memref<128x128xf32, #tpu.memory_space<vmem>>)
      %run_scoped3A_159 = arith.constant 8 : i32
      "tpu.region"() ({
        %run_scoped3A_258 = tpu.sem_alloc : memref<!tpu.dma_semaphore, #tpu.memory_space<semaphore_mem>>
        %dma_start3A_259 = arith.constant 0 : i32
        %dma_start3A_260 = tpu.memref_slice %arg8[%run_scoped3A_159, %dma_start3A_259] : memref<16x128xi32, #tpu.memory_space<vmem>> -> memref<1x128xi32, #tpu.memory_space<vmem>>
        %dma_start3A_261 = tpu.memref_squeeze %dma_start3A_260 : memref<1x128xi32, #tpu.memory_space<vmem>> -> memref<128xi32, #tpu.memory_space<vmem>>
        %dma_start3A_262 = arith.constant 0 : i32
        %dma_start3A_263 = arith.constant 0 : i32
        %dma_start3A_264 = tpu.memref_slice %arg11[%dma_start3A_262, %dma_start3A_263] : memref<10112x128xf32, #tpu.memory_space<vmem_shared>> -> memref<10112x128xf32, #tpu.memory_space<vmem_shared>>
        tpu.enqueue_indirect_dma source(%arg9 : memref<128x128xf32, #tpu.memory_space<vmem>>) target(%dma_start3A_264 : memref<10112x128xf32, #tpu.memory_space<vmem_shared>>) offsets(%dma_start3A_261 : memref<128xi32, #tpu.memory_space<vmem>>) semaphore(%run_scoped3A_258 : memref<!tpu.dma_semaphore, #tpu.memory_space<semaphore_mem>>) {add = true}
        %dma_wait3A_265 = arith.constant 0 : i32
        %dma_wait3A_266 = tpu.memref_slice %arg8[%run_scoped3A_159, %dma_wait3A_265] : memref<16x128xi32, #tpu.memory_space<vmem>> -> memref<1x128xi32, #tpu.memory_space<vmem>>
        %dma_wait3A_267 = tpu.memref_squeeze %dma_wait3A_266 : memref<1x128xi32, #tpu.memory_space<vmem>> -> memref<128xi32, #tpu.memory_space<vmem>>
        %dma_wait3A_268 = arith.constant 0 : i32
        %dma_wait3A_269 = arith.constant 0 : i32
        %dma_wait3A_270 = tpu.memref_slice %arg11[%dma_wait3A_268, %dma_wait3A_269] : memref<10112x128xf32, #tpu.memory_space<vmem_shared>> -> memref<10112x128xf32, #tpu.memory_space<vmem_shared>>
        tpu.wait_indirect_dma semaphore(%run_scoped3A_258 : memref<!tpu.dma_semaphore, #tpu.memory_space<semaphore_mem>>) src(%arg9 : memref<128x128xf32, #tpu.memory_space<vmem>>) dst(%dma_wait3A_270 : memref<10112x128xf32, #tpu.memory_space<vmem_shared>>)
        tpu.yield
      }) : () -> ()
      %dma_start3A_160 = arith.constant 10 : i32
      %dma_start3A_161 = arith.constant 0 : i32
      %dma_start3A_162 = tpu.memref_slice %arg7[%dma_start3A_160, %dma_start3A_161] : memref<16x128xi32, #tpu.memory_space<vmem>> -> memref<1x128xi32, #tpu.memory_space<vmem>>
      %dma_start3A_163 = tpu.memref_squeeze %dma_start3A_162 : memref<1x128xi32, #tpu.memory_space<vmem>> -> memref<128xi32, #tpu.memory_space<vmem>>
      %dma_start3A_164 = arith.constant 0 : i32
      %dma_start3A_165 = arith.constant 0 : i32
      %dma_start3A_166 = tpu.memref_slice %arg2[%dma_start3A_164, %dma_start3A_165] : memref<10000x128xf32, #tpu.memory_space<hbm>> -> memref<10000x128xf32, #tpu.memory_space<hbm>>
      tpu.enqueue_indirect_dma source(%dma_start3A_166 : memref<10000x128xf32, #tpu.memory_space<hbm>>) target(%arg9 : memref<128x128xf32, #tpu.memory_space<vmem>>) offsets(%dma_start3A_163 : memref<128xi32, #tpu.memory_space<vmem>>) semaphore(%arg12 : memref<!tpu.dma_semaphore, #tpu.memory_space<semaphore_mem>>)
      %dma_wait3A_167 = arith.constant 9 : i32
      %dma_wait3A_168 = arith.constant 0 : i32
      %dma_wait3A_169 = tpu.memref_slice %arg7[%dma_wait3A_167, %dma_wait3A_168] : memref<16x128xi32, #tpu.memory_space<vmem>> -> memref<1x128xi32, #tpu.memory_space<vmem>>
      %dma_wait3A_170 = tpu.memref_squeeze %dma_wait3A_169 : memref<1x128xi32, #tpu.memory_space<vmem>> -> memref<128xi32, #tpu.memory_space<vmem>>
      %dma_wait3A_171 = arith.constant 0 : i32
      %dma_wait3A_172 = arith.constant 0 : i32
      %dma_wait3A_173 = tpu.memref_slice %arg2[%dma_wait3A_171, %dma_wait3A_172] : memref<10000x128xf32, #tpu.memory_space<hbm>> -> memref<10000x128xf32, #tpu.memory_space<hbm>>
      tpu.wait_indirect_dma semaphore(%arg13 : memref<!tpu.dma_semaphore, #tpu.memory_space<semaphore_mem>>) src(%dma_wait3A_173 : memref<10000x128xf32, #tpu.memory_space<hbm>>) dst(%arg10 : memref<128x128xf32, #tpu.memory_space<vmem>>)
      %run_scoped3A_174 = arith.constant 9 : i32
      "tpu.region"() ({
        %run_scoped3A_258 = tpu.sem_alloc : memref<!tpu.dma_semaphore, #tpu.memory_space<semaphore_mem>>
        %dma_start3A_259 = arith.constant 0 : i32
        %dma_start3A_260 = tpu.memref_slice %arg8[%run_scoped3A_174, %dma_start3A_259] : memref<16x128xi32, #tpu.memory_space<vmem>> -> memref<1x128xi32, #tpu.memory_space<vmem>>
        %dma_start3A_261 = tpu.memref_squeeze %dma_start3A_260 : memref<1x128xi32, #tpu.memory_space<vmem>> -> memref<128xi32, #tpu.memory_space<vmem>>
        %dma_start3A_262 = arith.constant 0 : i32
        %dma_start3A_263 = arith.constant 0 : i32
        %dma_start3A_264 = tpu.memref_slice %arg11[%dma_start3A_262, %dma_start3A_263] : memref<10112x128xf32, #tpu.memory_space<vmem_shared>> -> memref<10112x128xf32, #tpu.memory_space<vmem_shared>>
        tpu.enqueue_indirect_dma source(%arg10 : memref<128x128xf32, #tpu.memory_space<vmem>>) target(%dma_start3A_264 : memref<10112x128xf32, #tpu.memory_space<vmem_shared>>) offsets(%dma_start3A_261 : memref<128xi32, #tpu.memory_space<vmem>>) semaphore(%run_scoped3A_258 : memref<!tpu.dma_semaphore, #tpu.memory_space<semaphore_mem>>) {add = true}
        %dma_wait3A_265 = arith.constant 0 : i32
        %dma_wait3A_266 = tpu.memref_slice %arg8[%run_scoped3A_174, %dma_wait3A_265] : memref<16x128xi32, #tpu.memory_space<vmem>> -> memref<1x128xi32, #tpu.memory_space<vmem>>
        %dma_wait3A_267 = tpu.memref_squeeze %dma_wait3A_266 : memref<1x128xi32, #tpu.memory_space<vmem>> -> memref<128xi32, #tpu.memory_space<vmem>>
        %dma_wait3A_268 = arith.constant 0 : i32
        %dma_wait3A_269 = arith.constant 0 : i32
        %dma_wait3A_270 = tpu.memref_slice %arg11[%dma_wait3A_268, %dma_wait3A_269] : memref<10112x128xf32, #tpu.memory_space<vmem_shared>> -> memref<10112x128xf32, #tpu.memory_space<vmem_shared>>
        tpu.wait_indirect_dma semaphore(%run_scoped3A_258 : memref<!tpu.dma_semaphore, #tpu.memory_space<semaphore_mem>>) src(%arg10 : memref<128x128xf32, #tpu.memory_space<vmem>>) dst(%dma_wait3A_270 : memref<10112x128xf32, #tpu.memory_space<vmem_shared>>)
        tpu.yield
      }) : () -> ()
      %dma_start3A_175 = arith.constant 11 : i32
      %dma_start3A_176 = arith.constant 0 : i32
      %dma_start3A_177 = tpu.memref_slice %arg7[%dma_start3A_175, %dma_start3A_176] : memref<16x128xi32, #tpu.memory_space<vmem>> -> memref<1x128xi32, #tpu.memory_space<vmem>>
      %dma_start3A_178 = tpu.memref_squeeze %dma_start3A_177 : memref<1x128xi32, #tpu.memory_space<vmem>> -> memref<128xi32, #tpu.memory_space<vmem>>
      %dma_start3A_179 = arith.constant 0 : i32
      %dma_start3A_180 = arith.constant 0 : i32
      %dma_start3A_181 = tpu.memref_slice %arg2[%dma_start3A_179, %dma_start3A_180] : memref<10000x128xf32, #tpu.memory_space<hbm>> -> memref<10000x128xf32, #tpu.memory_space<hbm>>
      tpu.enqueue_indirect_dma source(%dma_start3A_181 : memref<10000x128xf32, #tpu.memory_space<hbm>>) target(%arg10 : memref<128x128xf32, #tpu.memory_space<vmem>>) offsets(%dma_start3A_178 : memref<128xi32, #tpu.memory_space<vmem>>) semaphore(%arg13 : memref<!tpu.dma_semaphore, #tpu.memory_space<semaphore_mem>>)
      %dma_wait3A_182 = arith.constant 10 : i32
      %dma_wait3A_183 = arith.constant 0 : i32
      %dma_wait3A_184 = tpu.memref_slice %arg7[%dma_wait3A_182, %dma_wait3A_183] : memref<16x128xi32, #tpu.memory_space<vmem>> -> memref<1x128xi32, #tpu.memory_space<vmem>>
      %dma_wait3A_185 = tpu.memref_squeeze %dma_wait3A_184 : memref<1x128xi32, #tpu.memory_space<vmem>> -> memref<128xi32, #tpu.memory_space<vmem>>
      %dma_wait3A_186 = arith.constant 0 : i32
      %dma_wait3A_187 = arith.constant 0 : i32
      %dma_wait3A_188 = tpu.memref_slice %arg2[%dma_wait3A_186, %dma_wait3A_187] : memref<10000x128xf32, #tpu.memory_space<hbm>> -> memref<10000x128xf32, #tpu.memory_space<hbm>>
      tpu.wait_indirect_dma semaphore(%arg12 : memref<!tpu.dma_semaphore, #tpu.memory_space<semaphore_mem>>) src(%dma_wait3A_188 : memref<10000x128xf32, #tpu.memory_space<hbm>>) dst(%arg9 : memref<128x128xf32, #tpu.memory_space<vmem>>)
      %run_scoped3A_189 = arith.constant 10 : i32
      "tpu.region"() ({
        %run_scoped3A_258 = tpu.sem_alloc : memref<!tpu.dma_semaphore, #tpu.memory_space<semaphore_mem>>
        %dma_start3A_259 = arith.constant 0 : i32
        %dma_start3A_260 = tpu.memref_slice %arg8[%run_scoped3A_189, %dma_start3A_259] : memref<16x128xi32, #tpu.memory_space<vmem>> -> memref<1x128xi32, #tpu.memory_space<vmem>>
        %dma_start3A_261 = tpu.memref_squeeze %dma_start3A_260 : memref<1x128xi32, #tpu.memory_space<vmem>> -> memref<128xi32, #tpu.memory_space<vmem>>
        %dma_start3A_262 = arith.constant 0 : i32
        %dma_start3A_263 = arith.constant 0 : i32
        %dma_start3A_264 = tpu.memref_slice %arg11[%dma_start3A_262, %dma_start3A_263] : memref<10112x128xf32, #tpu.memory_space<vmem_shared>> -> memref<10112x128xf32, #tpu.memory_space<vmem_shared>>
        tpu.enqueue_indirect_dma source(%arg9 : memref<128x128xf32, #tpu.memory_space<vmem>>) target(%dma_start3A_264 : memref<10112x128xf32, #tpu.memory_space<vmem_shared>>) offsets(%dma_start3A_261 : memref<128xi32, #tpu.memory_space<vmem>>) semaphore(%run_scoped3A_258 : memref<!tpu.dma_semaphore, #tpu.memory_space<semaphore_mem>>) {add = true}
        %dma_wait3A_265 = arith.constant 0 : i32
        %dma_wait3A_266 = tpu.memref_slice %arg8[%run_scoped3A_189, %dma_wait3A_265] : memref<16x128xi32, #tpu.memory_space<vmem>> -> memref<1x128xi32, #tpu.memory_space<vmem>>
        %dma_wait3A_267 = tpu.memref_squeeze %dma_wait3A_266 : memref<1x128xi32, #tpu.memory_space<vmem>> -> memref<128xi32, #tpu.memory_space<vmem>>
        %dma_wait3A_268 = arith.constant 0 : i32
        %dma_wait3A_269 = arith.constant 0 : i32
        %dma_wait3A_270 = tpu.memref_slice %arg11[%dma_wait3A_268, %dma_wait3A_269] : memref<10112x128xf32, #tpu.memory_space<vmem_shared>> -> memref<10112x128xf32, #tpu.memory_space<vmem_shared>>
        tpu.wait_indirect_dma semaphore(%run_scoped3A_258 : memref<!tpu.dma_semaphore, #tpu.memory_space<semaphore_mem>>) src(%arg9 : memref<128x128xf32, #tpu.memory_space<vmem>>) dst(%dma_wait3A_270 : memref<10112x128xf32, #tpu.memory_space<vmem_shared>>)
        tpu.yield
      }) : () -> ()
      %dma_start3A_190 = arith.constant 12 : i32
      %dma_start3A_191 = arith.constant 0 : i32
      %dma_start3A_192 = tpu.memref_slice %arg7[%dma_start3A_190, %dma_start3A_191] : memref<16x128xi32, #tpu.memory_space<vmem>> -> memref<1x128xi32, #tpu.memory_space<vmem>>
      %dma_start3A_193 = tpu.memref_squeeze %dma_start3A_192 : memref<1x128xi32, #tpu.memory_space<vmem>> -> memref<128xi32, #tpu.memory_space<vmem>>
      %dma_start3A_194 = arith.constant 0 : i32
      %dma_start3A_195 = arith.constant 0 : i32
      %dma_start3A_196 = tpu.memref_slice %arg2[%dma_start3A_194, %dma_start3A_195] : memref<10000x128xf32, #tpu.memory_space<hbm>> -> memref<10000x128xf32, #tpu.memory_space<hbm>>
      tpu.enqueue_indirect_dma source(%dma_start3A_196 : memref<10000x128xf32, #tpu.memory_space<hbm>>) target(%arg9 : memref<128x128xf32, #tpu.memory_space<vmem>>) offsets(%dma_start3A_193 : memref<128xi32, #tpu.memory_space<vmem>>) semaphore(%arg12 : memref<!tpu.dma_semaphore, #tpu.memory_space<semaphore_mem>>)
      %dma_wait3A_197 = arith.constant 11 : i32
      %dma_wait3A_198 = arith.constant 0 : i32
      %dma_wait3A_199 = tpu.memref_slice %arg7[%dma_wait3A_197, %dma_wait3A_198] : memref<16x128xi32, #tpu.memory_space<vmem>> -> memref<1x128xi32, #tpu.memory_space<vmem>>
      %dma_wait3A_200 = tpu.memref_squeeze %dma_wait3A_199 : memref<1x128xi32, #tpu.memory_space<vmem>> -> memref<128xi32, #tpu.memory_space<vmem>>
      %dma_wait3A_201 = arith.constant 0 : i32
      %dma_wait3A_202 = arith.constant 0 : i32
      %dma_wait3A_203 = tpu.memref_slice %arg2[%dma_wait3A_201, %dma_wait3A_202] : memref<10000x128xf32, #tpu.memory_space<hbm>> -> memref<10000x128xf32, #tpu.memory_space<hbm>>
      tpu.wait_indirect_dma semaphore(%arg13 : memref<!tpu.dma_semaphore, #tpu.memory_space<semaphore_mem>>) src(%dma_wait3A_203 : memref<10000x128xf32, #tpu.memory_space<hbm>>) dst(%arg10 : memref<128x128xf32, #tpu.memory_space<vmem>>)
      %run_scoped3A_204 = arith.constant 11 : i32
      "tpu.region"() ({
        %run_scoped3A_258 = tpu.sem_alloc : memref<!tpu.dma_semaphore, #tpu.memory_space<semaphore_mem>>
        %dma_start3A_259 = arith.constant 0 : i32
        %dma_start3A_260 = tpu.memref_slice %arg8[%run_scoped3A_204, %dma_start3A_259] : memref<16x128xi32, #tpu.memory_space<vmem>> -> memref<1x128xi32, #tpu.memory_space<vmem>>
        %dma_start3A_261 = tpu.memref_squeeze %dma_start3A_260 : memref<1x128xi32, #tpu.memory_space<vmem>> -> memref<128xi32, #tpu.memory_space<vmem>>
        %dma_start3A_262 = arith.constant 0 : i32
        %dma_start3A_263 = arith.constant 0 : i32
        %dma_start3A_264 = tpu.memref_slice %arg11[%dma_start3A_262, %dma_start3A_263] : memref<10112x128xf32, #tpu.memory_space<vmem_shared>> -> memref<10112x128xf32, #tpu.memory_space<vmem_shared>>
        tpu.enqueue_indirect_dma source(%arg10 : memref<128x128xf32, #tpu.memory_space<vmem>>) target(%dma_start3A_264 : memref<10112x128xf32, #tpu.memory_space<vmem_shared>>) offsets(%dma_start3A_261 : memref<128xi32, #tpu.memory_space<vmem>>) semaphore(%run_scoped3A_258 : memref<!tpu.dma_semaphore, #tpu.memory_space<semaphore_mem>>) {add = true}
        %dma_wait3A_265 = arith.constant 0 : i32
        %dma_wait3A_266 = tpu.memref_slice %arg8[%run_scoped3A_204, %dma_wait3A_265] : memref<16x128xi32, #tpu.memory_space<vmem>> -> memref<1x128xi32, #tpu.memory_space<vmem>>
        %dma_wait3A_267 = tpu.memref_squeeze %dma_wait3A_266 : memref<1x128xi32, #tpu.memory_space<vmem>> -> memref<128xi32, #tpu.memory_space<vmem>>
        %dma_wait3A_268 = arith.constant 0 : i32
        %dma_wait3A_269 = arith.constant 0 : i32
        %dma_wait3A_270 = tpu.memref_slice %arg11[%dma_wait3A_268, %dma_wait3A_269] : memref<10112x128xf32, #tpu.memory_space<vmem_shared>> -> memref<10112x128xf32, #tpu.memory_space<vmem_shared>>
        tpu.wait_indirect_dma semaphore(%run_scoped3A_258 : memref<!tpu.dma_semaphore, #tpu.memory_space<semaphore_mem>>) src(%arg10 : memref<128x128xf32, #tpu.memory_space<vmem>>) dst(%dma_wait3A_270 : memref<10112x128xf32, #tpu.memory_space<vmem_shared>>)
        tpu.yield
      }) : () -> ()
      %dma_start3A_205 = arith.constant 13 : i32
      %dma_start3A_206 = arith.constant 0 : i32
      %dma_start3A_207 = tpu.memref_slice %arg7[%dma_start3A_205, %dma_start3A_206] : memref<16x128xi32, #tpu.memory_space<vmem>> -> memref<1x128xi32, #tpu.memory_space<vmem>>
      %dma_start3A_208 = tpu.memref_squeeze %dma_start3A_207 : memref<1x128xi32, #tpu.memory_space<vmem>> -> memref<128xi32, #tpu.memory_space<vmem>>
      %dma_start3A_209 = arith.constant 0 : i32
      %dma_start3A_210 = arith.constant 0 : i32
      %dma_start3A_211 = tpu.memref_slice %arg2[%dma_start3A_209, %dma_start3A_210] : memref<10000x128xf32, #tpu.memory_space<hbm>> -> memref<10000x128xf32, #tpu.memory_space<hbm>>
      tpu.enqueue_indirect_dma source(%dma_start3A_211 : memref<10000x128xf32, #tpu.memory_space<hbm>>) target(%arg10 : memref<128x128xf32, #tpu.memory_space<vmem>>) offsets(%dma_start3A_208 : memref<128xi32, #tpu.memory_space<vmem>>) semaphore(%arg13 : memref<!tpu.dma_semaphore, #tpu.memory_space<semaphore_mem>>)
      %dma_wait3A_212 = arith.constant 12 : i32
      %dma_wait3A_213 = arith.constant 0 : i32
      %dma_wait3A_214 = tpu.memref_slice %arg7[%dma_wait3A_212, %dma_wait3A_213] : memref<16x128xi32, #tpu.memory_space<vmem>> -> memref<1x128xi32, #tpu.memory_space<vmem>>
      %dma_wait3A_215 = tpu.memref_squeeze %dma_wait3A_214 : memref<1x128xi32, #tpu.memory_space<vmem>> -> memref<128xi32, #tpu.memory_space<vmem>>
      %dma_wait3A_216 = arith.constant 0 : i32
      %dma_wait3A_217 = arith.constant 0 : i32
      %dma_wait3A_218 = tpu.memref_slice %arg2[%dma_wait3A_216, %dma_wait3A_217] : memref<10000x128xf32, #tpu.memory_space<hbm>> -> memref<10000x128xf32, #tpu.memory_space<hbm>>
      tpu.wait_indirect_dma semaphore(%arg12 : memref<!tpu.dma_semaphore, #tpu.memory_space<semaphore_mem>>) src(%dma_wait3A_218 : memref<10000x128xf32, #tpu.memory_space<hbm>>) dst(%arg9 : memref<128x128xf32, #tpu.memory_space<vmem>>)
      %run_scoped3A_219 = arith.constant 12 : i32
      "tpu.region"() ({
        %run_scoped3A_258 = tpu.sem_alloc : memref<!tpu.dma_semaphore, #tpu.memory_space<semaphore_mem>>
        %dma_start3A_259 = arith.constant 0 : i32
        %dma_start3A_260 = tpu.memref_slice %arg8[%run_scoped3A_219, %dma_start3A_259] : memref<16x128xi32, #tpu.memory_space<vmem>> -> memref<1x128xi32, #tpu.memory_space<vmem>>
        %dma_start3A_261 = tpu.memref_squeeze %dma_start3A_260 : memref<1x128xi32, #tpu.memory_space<vmem>> -> memref<128xi32, #tpu.memory_space<vmem>>
        %dma_start3A_262 = arith.constant 0 : i32
        %dma_start3A_263 = arith.constant 0 : i32
        %dma_start3A_264 = tpu.memref_slice %arg11[%dma_start3A_262, %dma_start3A_263] : memref<10112x128xf32, #tpu.memory_space<vmem_shared>> -> memref<10112x128xf32, #tpu.memory_space<vmem_shared>>
        tpu.enqueue_indirect_dma source(%arg9 : memref<128x128xf32, #tpu.memory_space<vmem>>) target(%dma_start3A_264 : memref<10112x128xf32, #tpu.memory_space<vmem_shared>>) offsets(%dma_start3A_261 : memref<128xi32, #tpu.memory_space<vmem>>) semaphore(%run_scoped3A_258 : memref<!tpu.dma_semaphore, #tpu.memory_space<semaphore_mem>>) {add = true}
        %dma_wait3A_265 = arith.constant 0 : i32
        %dma_wait3A_266 = tpu.memref_slice %arg8[%run_scoped3A_219, %dma_wait3A_265] : memref<16x128xi32, #tpu.memory_space<vmem>> -> memref<1x128xi32, #tpu.memory_space<vmem>>
        %dma_wait3A_267 = tpu.memref_squeeze %dma_wait3A_266 : memref<1x128xi32, #tpu.memory_space<vmem>> -> memref<128xi32, #tpu.memory_space<vmem>>
        %dma_wait3A_268 = arith.constant 0 : i32
        %dma_wait3A_269 = arith.constant 0 : i32
        %dma_wait3A_270 = tpu.memref_slice %arg11[%dma_wait3A_268, %dma_wait3A_269] : memref<10112x128xf32, #tpu.memory_space<vmem_shared>> -> memref<10112x128xf32, #tpu.memory_space<vmem_shared>>
        tpu.wait_indirect_dma semaphore(%run_scoped3A_258 : memref<!tpu.dma_semaphore, #tpu.memory_space<semaphore_mem>>) src(%arg9 : memref<128x128xf32, #tpu.memory_space<vmem>>) dst(%dma_wait3A_270 : memref<10112x128xf32, #tpu.memory_space<vmem_shared>>)
        tpu.yield
      }) : () -> ()
      %dma_start3A_220 = arith.constant 14 : i32
      %dma_start3A_221 = arith.constant 0 : i32
      %dma_start3A_222 = tpu.memref_slice %arg7[%dma_start3A_220, %dma_start3A_221] : memref<16x128xi32, #tpu.memory_space<vmem>> -> memref<1x128xi32, #tpu.memory_space<vmem>>
      %dma_start3A_223 = tpu.memref_squeeze %dma_start3A_222 : memref<1x128xi32, #tpu.memory_space<vmem>> -> memref<128xi32, #tpu.memory_space<vmem>>
      %dma_start3A_224 = arith.constant 0 : i32
      %dma_start3A_225 = arith.constant 0 : i32
      %dma_start3A_226 = tpu.memref_slice %arg2[%dma_start3A_224, %dma_start3A_225] : memref<10000x128xf32, #tpu.memory_space<hbm>> -> memref<10000x128xf32, #tpu.memory_space<hbm>>
      tpu.enqueue_indirect_dma source(%dma_start3A_226 : memref<10000x128xf32, #tpu.memory_space<hbm>>) target(%arg9 : memref<128x128xf32, #tpu.memory_space<vmem>>) offsets(%dma_start3A_223 : memref<128xi32, #tpu.memory_space<vmem>>) semaphore(%arg12 : memref<!tpu.dma_semaphore, #tpu.memory_space<semaphore_mem>>)
      %dma_wait3A_227 = arith.constant 13 : i32
      %dma_wait3A_228 = arith.constant 0 : i32
      %dma_wait3A_229 = tpu.memref_slice %arg7[%dma_wait3A_227, %dma_wait3A_228] : memref<16x128xi32, #tpu.memory_space<vmem>> -> memref<1x128xi32, #tpu.memory_space<vmem>>
      %dma_wait3A_230 = tpu.memref_squeeze %dma_wait3A_229 : memref<1x128xi32, #tpu.memory_space<vmem>> -> memref<128xi32, #tpu.memory_space<vmem>>
      %dma_wait3A_231 = arith.constant 0 : i32
      %dma_wait3A_232 = arith.constant 0 : i32
      %dma_wait3A_233 = tpu.memref_slice %arg2[%dma_wait3A_231, %dma_wait3A_232] : memref<10000x128xf32, #tpu.memory_space<hbm>> -> memref<10000x128xf32, #tpu.memory_space<hbm>>
      tpu.wait_indirect_dma semaphore(%arg13 : memref<!tpu.dma_semaphore, #tpu.memory_space<semaphore_mem>>) src(%dma_wait3A_233 : memref<10000x128xf32, #tpu.memory_space<hbm>>) dst(%arg10 : memref<128x128xf32, #tpu.memory_space<vmem>>)
      %run_scoped3A_234 = arith.constant 13 : i32
      "tpu.region"() ({
        %run_scoped3A_258 = tpu.sem_alloc : memref<!tpu.dma_semaphore, #tpu.memory_space<semaphore_mem>>
        %dma_start3A_259 = arith.constant 0 : i32
        %dma_start3A_260 = tpu.memref_slice %arg8[%run_scoped3A_234, %dma_start3A_259] : memref<16x128xi32, #tpu.memory_space<vmem>> -> memref<1x128xi32, #tpu.memory_space<vmem>>
        %dma_start3A_261 = tpu.memref_squeeze %dma_start3A_260 : memref<1x128xi32, #tpu.memory_space<vmem>> -> memref<128xi32, #tpu.memory_space<vmem>>
        %dma_start3A_262 = arith.constant 0 : i32
        %dma_start3A_263 = arith.constant 0 : i32
        %dma_start3A_264 = tpu.memref_slice %arg11[%dma_start3A_262, %dma_start3A_263] : memref<10112x128xf32, #tpu.memory_space<vmem_shared>> -> memref<10112x128xf32, #tpu.memory_space<vmem_shared>>
        tpu.enqueue_indirect_dma source(%arg10 : memref<128x128xf32, #tpu.memory_space<vmem>>) target(%dma_start3A_264 : memref<10112x128xf32, #tpu.memory_space<vmem_shared>>) offsets(%dma_start3A_261 : memref<128xi32, #tpu.memory_space<vmem>>) semaphore(%run_scoped3A_258 : memref<!tpu.dma_semaphore, #tpu.memory_space<semaphore_mem>>) {add = true}
        %dma_wait3A_265 = arith.constant 0 : i32
        %dma_wait3A_266 = tpu.memref_slice %arg8[%run_scoped3A_234, %dma_wait3A_265] : memref<16x128xi32, #tpu.memory_space<vmem>> -> memref<1x128xi32, #tpu.memory_space<vmem>>
        %dma_wait3A_267 = tpu.memref_squeeze %dma_wait3A_266 : memref<1x128xi32, #tpu.memory_space<vmem>> -> memref<128xi32, #tpu.memory_space<vmem>>
        %dma_wait3A_268 = arith.constant 0 : i32
        %dma_wait3A_269 = arith.constant 0 : i32
        %dma_wait3A_270 = tpu.memref_slice %arg11[%dma_wait3A_268, %dma_wait3A_269] : memref<10112x128xf32, #tpu.memory_space<vmem_shared>> -> memref<10112x128xf32, #tpu.memory_space<vmem_shared>>
        tpu.wait_indirect_dma semaphore(%run_scoped3A_258 : memref<!tpu.dma_semaphore, #tpu.memory_space<semaphore_mem>>) src(%arg10 : memref<128x128xf32, #tpu.memory_space<vmem>>) dst(%dma_wait3A_270 : memref<10112x128xf32, #tpu.memory_space<vmem_shared>>)
        tpu.yield
      }) : () -> ()
      %dma_start3A_235 = arith.constant 15 : i32
      %dma_start3A_236 = arith.constant 0 : i32
      %dma_start3A_237 = tpu.memref_slice %arg7[%dma_start3A_235, %dma_start3A_236] : memref<16x128xi32, #tpu.memory_space<vmem>> -> memref<1x128xi32, #tpu.memory_space<vmem>>
      %dma_start3A_238 = tpu.memref_squeeze %dma_start3A_237 : memref<1x128xi32, #tpu.memory_space<vmem>> -> memref<128xi32, #tpu.memory_space<vmem>>
      %dma_start3A_239 = arith.constant 0 : i32
      %dma_start3A_240 = arith.constant 0 : i32
      %dma_start3A_241 = tpu.memref_slice %arg2[%dma_start3A_239, %dma_start3A_240] : memref<10000x128xf32, #tpu.memory_space<hbm>> -> memref<10000x128xf32, #tpu.memory_space<hbm>>
      tpu.enqueue_indirect_dma source(%dma_start3A_241 : memref<10000x128xf32, #tpu.memory_space<hbm>>) target(%arg10 : memref<128x128xf32, #tpu.memory_space<vmem>>) offsets(%dma_start3A_238 : memref<128xi32, #tpu.memory_space<vmem>>) semaphore(%arg13 : memref<!tpu.dma_semaphore, #tpu.memory_space<semaphore_mem>>)
      %dma_wait3A_242 = arith.constant 14 : i32
      %dma_wait3A_243 = arith.constant 0 : i32
      %dma_wait3A_244 = tpu.memref_slice %arg7[%dma_wait3A_242, %dma_wait3A_243] : memref<16x128xi32, #tpu.memory_space<vmem>> -> memref<1x128xi32, #tpu.memory_space<vmem>>
      %dma_wait3A_245 = tpu.memref_squeeze %dma_wait3A_244 : memref<1x128xi32, #tpu.memory_space<vmem>> -> memref<128xi32, #tpu.memory_space<vmem>>
      %dma_wait3A_246 = arith.constant 0 : i32
      %dma_wait3A_247 = arith.constant 0 : i32
      %dma_wait3A_248 = tpu.memref_slice %arg2[%dma_wait3A_246, %dma_wait3A_247] : memref<10000x128xf32, #tpu.memory_space<hbm>> -> memref<10000x128xf32, #tpu.memory_space<hbm>>
      tpu.wait_indirect_dma semaphore(%arg12 : memref<!tpu.dma_semaphore, #tpu.memory_space<semaphore_mem>>) src(%dma_wait3A_248 : memref<10000x128xf32, #tpu.memory_space<hbm>>) dst(%arg9 : memref<128x128xf32, #tpu.memory_space<vmem>>)
      %run_scoped3A_249 = arith.constant 14 : i32
      "tpu.region"() ({
        %run_scoped3A_258 = tpu.sem_alloc : memref<!tpu.dma_semaphore, #tpu.memory_space<semaphore_mem>>
        %dma_start3A_259 = arith.constant 0 : i32
        %dma_start3A_260 = tpu.memref_slice %arg8[%run_scoped3A_249, %dma_start3A_259] : memref<16x128xi32, #tpu.memory_space<vmem>> -> memref<1x128xi32, #tpu.memory_space<vmem>>
        %dma_start3A_261 = tpu.memref_squeeze %dma_start3A_260 : memref<1x128xi32, #tpu.memory_space<vmem>> -> memref<128xi32, #tpu.memory_space<vmem>>
        %dma_start3A_262 = arith.constant 0 : i32
        %dma_start3A_263 = arith.constant 0 : i32
        %dma_start3A_264 = tpu.memref_slice %arg11[%dma_start3A_262, %dma_start3A_263] : memref<10112x128xf32, #tpu.memory_space<vmem_shared>> -> memref<10112x128xf32, #tpu.memory_space<vmem_shared>>
        tpu.enqueue_indirect_dma source(%arg9 : memref<128x128xf32, #tpu.memory_space<vmem>>) target(%dma_start3A_264 : memref<10112x128xf32, #tpu.memory_space<vmem_shared>>) offsets(%dma_start3A_261 : memref<128xi32, #tpu.memory_space<vmem>>) semaphore(%run_scoped3A_258 : memref<!tpu.dma_semaphore, #tpu.memory_space<semaphore_mem>>) {add = true}
        %dma_wait3A_265 = arith.constant 0 : i32
        %dma_wait3A_266 = tpu.memref_slice %arg8[%run_scoped3A_249, %dma_wait3A_265] : memref<16x128xi32, #tpu.memory_space<vmem>> -> memref<1x128xi32, #tpu.memory_space<vmem>>
        %dma_wait3A_267 = tpu.memref_squeeze %dma_wait3A_266 : memref<1x128xi32, #tpu.memory_space<vmem>> -> memref<128xi32, #tpu.memory_space<vmem>>
        %dma_wait3A_268 = arith.constant 0 : i32
        %dma_wait3A_269 = arith.constant 0 : i32
        %dma_wait3A_270 = tpu.memref_slice %arg11[%dma_wait3A_268, %dma_wait3A_269] : memref<10112x128xf32, #tpu.memory_space<vmem_shared>> -> memref<10112x128xf32, #tpu.memory_space<vmem_shared>>
        tpu.wait_indirect_dma semaphore(%run_scoped3A_258 : memref<!tpu.dma_semaphore, #tpu.memory_space<semaphore_mem>>) src(%arg9 : memref<128x128xf32, #tpu.memory_space<vmem>>) dst(%dma_wait3A_270 : memref<10112x128xf32, #tpu.memory_space<vmem_shared>>)
        tpu.yield
      }) : () -> ()
      %dma_wait3A_250 = arith.constant 15 : i32
      %dma_wait3A_251 = arith.constant 0 : i32
      %dma_wait3A_252 = tpu.memref_slice %arg7[%dma_wait3A_250, %dma_wait3A_251] : memref<16x128xi32, #tpu.memory_space<vmem>> -> memref<1x128xi32, #tpu.memory_space<vmem>>
      %dma_wait3A_253 = tpu.memref_squeeze %dma_wait3A_252 : memref<1x128xi32, #tpu.memory_space<vmem>> -> memref<128xi32, #tpu.memory_space<vmem>>
      %dma_wait3A_254 = arith.constant 0 : i32
      %dma_wait3A_255 = arith.constant 0 : i32
      %dma_wait3A_256 = tpu.memref_slice %arg2[%dma_wait3A_254, %dma_wait3A_255] : memref<10000x128xf32, #tpu.memory_space<hbm>> -> memref<10000x128xf32, #tpu.memory_space<hbm>>
      tpu.wait_indirect_dma semaphore(%arg13 : memref<!tpu.dma_semaphore, #tpu.memory_space<semaphore_mem>>) src(%dma_wait3A_256 : memref<10000x128xf32, #tpu.memory_space<hbm>>) dst(%arg10 : memref<128x128xf32, #tpu.memory_space<vmem>>)
      %run_scoped3A_257 = arith.constant 15 : i32
      "tpu.region"() ({
        %run_scoped3A_258 = tpu.sem_alloc : memref<!tpu.dma_semaphore, #tpu.memory_space<semaphore_mem>>
        %dma_start3A_259 = arith.constant 0 : i32
        %dma_start3A_260 = tpu.memref_slice %arg8[%run_scoped3A_257, %dma_start3A_259] : memref<16x128xi32, #tpu.memory_space<vmem>> -> memref<1x128xi32, #tpu.memory_space<vmem>>
        %dma_start3A_261 = tpu.memref_squeeze %dma_start3A_260 : memref<1x128xi32, #tpu.memory_space<vmem>> -> memref<128xi32, #tpu.memory_space<vmem>>
        %dma_start3A_262 = arith.constant 0 : i32
        %dma_start3A_263 = arith.constant 0 : i32
        %dma_start3A_264 = tpu.memref_slice %arg11[%dma_start3A_262, %dma_start3A_263] : memref<10112x128xf32, #tpu.memory_space<vmem_shared>> -> memref<10112x128xf32, #tpu.memory_space<vmem_shared>>
        tpu.enqueue_indirect_dma source(%arg10 : memref<128x128xf32, #tpu.memory_space<vmem>>) target(%dma_start3A_264 : memref<10112x128xf32, #tpu.memory_space<vmem_shared>>) offsets(%dma_start3A_261 : memref<128xi32, #tpu.memory_space<vmem>>) semaphore(%run_scoped3A_258 : memref<!tpu.dma_semaphore, #tpu.memory_space<semaphore_mem>>) {add = true}
        %dma_wait3A_265 = arith.constant 0 : i32
        %dma_wait3A_266 = tpu.memref_slice %arg8[%run_scoped3A_257, %dma_wait3A_265] : memref<16x128xi32, #tpu.memory_space<vmem>> -> memref<1x128xi32, #tpu.memory_space<vmem>>
        %dma_wait3A_267 = tpu.memref_squeeze %dma_wait3A_266 : memref<1x128xi32, #tpu.memory_space<vmem>> -> memref<128xi32, #tpu.memory_space<vmem>>
        %dma_wait3A_268 = arith.constant 0 : i32
        %dma_wait3A_269 = arith.constant 0 : i32
        %dma_wait3A_270 = tpu.memref_slice %arg11[%dma_wait3A_268, %dma_wait3A_269] : memref<10112x128xf32, #tpu.memory_space<vmem_shared>> -> memref<10112x128xf32, #tpu.memory_space<vmem_shared>>
        tpu.wait_indirect_dma semaphore(%run_scoped3A_258 : memref<!tpu.dma_semaphore, #tpu.memory_space<semaphore_mem>>) src(%arg10 : memref<128x128xf32, #tpu.memory_space<vmem>>) dst(%dma_wait3A_270 : memref<10112x128xf32, #tpu.memory_space<vmem_shared>>)
        tpu.yield
      }) : () -> ()
    }
    %scan3A_11 = arith.constant 5 : i32
    %barrier3A_12 = arith.constant 0 : index
    tpu.barrier barrier_id(%barrier3A_12)
    %mul3A_13 = arith.constant 632 : i32
    %mul3A_14 = arith.muli %arg1, %mul3A_13 : i32
    %mul3A_15 = arith.constant 632 : i32
    %mul3A_16 = arith.muli %arg1, %mul3A_15 : i32
    "tpu.region"() ({
      %run_scoped3A = tpu.sem_alloc : memref<!tpu.dma_semaphore, #tpu.memory_space<semaphore_mem>>
      %dma_start3A = arith.constant 0 : i32
      %dma_start3A_17 = tpu.memref_slice %arg6[%arg0, %mul3A_16, %dma_start3A] : memref<2x10112x128xf32, #tpu.memory_space<hbm>> -> memref<1x632x128xf32, #tpu.memory_space<hbm>>
      %dma_start3A_18 = tpu.memref_squeeze %dma_start3A_17 : memref<1x632x128xf32, #tpu.memory_space<hbm>> -> memref<632x128xf32, #tpu.memory_space<hbm>>
      %dma_start3A_19 = arith.constant 0 : i32
      %dma_start3A_20 = tpu.memref_slice %arg11[%mul3A_14, %dma_start3A_19] : memref<10112x128xf32, #tpu.memory_space<vmem_shared>> -> memref<632x128xf32, #tpu.memory_space<vmem_shared>>
      tpu.enqueue_dma source(%dma_start3A_20 : memref<632x128xf32, #tpu.memory_space<vmem_shared>>) target(%dma_start3A_18 : memref<632x128xf32, #tpu.memory_space<hbm>>) target_semaphore(%run_scoped3A : memref<!tpu.dma_semaphore, #tpu.memory_space<semaphore_mem>>)
      %dma_wait3A = arith.constant 0 : i32
      %dma_wait3A_21 = tpu.memref_slice %arg6[%arg0, %mul3A_16, %dma_wait3A] : memref<2x10112x128xf32, #tpu.memory_space<hbm>> -> memref<1x632x128xf32, #tpu.memory_space<hbm>>
      %dma_wait3A_22 = tpu.memref_squeeze %dma_wait3A_21 : memref<1x632x128xf32, #tpu.memory_space<hbm>> -> memref<632x128xf32, #tpu.memory_space<hbm>>
      %dma_wait3A_23 = arith.constant 0 : i32
      %dma_wait3A_24 = tpu.memref_slice %arg11[%mul3A_14, %dma_wait3A_23] : memref<10112x128xf32, #tpu.memory_space<vmem_shared>> -> memref<632x128xf32, #tpu.memory_space<vmem_shared>>
      tpu.wait_dma2 semaphore(%run_scoped3A : memref<!tpu.dma_semaphore, #tpu.memory_space<semaphore_mem>>) src(%dma_wait3A_24 : memref<632x128xf32, #tpu.memory_space<vmem_shared>>) dst(%dma_wait3A_22 : memref<632x128xf32, #tpu.memory_space<hbm>>)
      tpu.yield
    }) : () -> ()
    return
  }
}

#map = affine_map<(d0, d1) -> (0, 0)>
#map1 = affine_map<(d0, d1) -> (0, 0, 0)>
module attributes {stable_mosaic.version = 14 : i64} {
  func.func @body(%arg0: i32, %arg1: i32, %arg2: memref<10000x128xf32, #tpu.memory_space<hbm>>, %arg3: memref<2560x128xi32, #tpu.memory_space<hbm>>, %arg4: memref<2560x128xi32, #tpu.memory_space<hbm>>, %arg5: memref<10112x128xf32, #tpu.memory_space<hbm>>, %arg6: memref<2x10112x128xf32, #tpu.memory_space<hbm>>, %arg7: memref<16x128xi32, #tpu.memory_space<vmem>>, %arg8: memref<16x128xi32, #tpu.memory_space<vmem>>, %arg9: memref<128x128xf32, #tpu.memory_space<vmem>>, %arg10: memref<128x128xf32, #tpu.memory_space<vmem>>, %arg11: memref<10112x128xf32, #tpu.memory_space<vmem_shared>>, %arg12: memref<!tpu.dma_semaphore, #tpu.memory_space<semaphore_mem>>, %arg13: memref<!tpu.dma_semaphore, #tpu.memory_space<semaphore_mem>>) attributes {dimension_semantics = [#tpu.dimension_semantics<core_parallel>, #tpu.dimension_semantics<subcore_parallel>], iteration_bounds = array<i64: 2, 16>, scalar_prefetch = 0 : i64, scratch_operands = 7 : i64, tpu.core_type = #tpu.core_type<sc_vector_subcore>, window_params = [{transform_indices = #map}, {transform_indices = #map}, {transform_indices = #map}, {transform_indices = #map}, {transform_indices = #map1}]} {
    %mul3A = arith.constant 632 : i32
    %mul3A_0 = arith.muli %arg1, %mul3A : i32
    %mul3A_1 = arith.constant 632 : i32
    %mul3A_2 = arith.muli %arg1, %mul3A_1 : i32
    "tpu.region"() ({
      %run_scoped3A = tpu.sem_alloc : memref<!tpu.dma_semaphore, #tpu.memory_space<semaphore_mem>>
      %dma_start3A = arith.constant 0 : i32
      %dma_start3A_17 = tpu.memref_slice %arg11[%mul3A_2, %dma_start3A] : memref<10112x128xf32, #tpu.memory_space<vmem_shared>> -> memref<632x128xf32, #tpu.memory_space<vmem_shared>>
      %dma_start3A_18 = arith.constant 0 : i32
      %dma_start3A_19 = tpu.memref_slice %arg5[%mul3A_0, %dma_start3A_18] : memref<10112x128xf32, #tpu.memory_space<hbm>> -> memref<632x128xf32, #tpu.memory_space<hbm>>
      tpu.enqueue_dma source(%dma_start3A_19 : memref<632x128xf32, #tpu.memory_space<hbm>>) target(%dma_start3A_17 : memref<632x128xf32, #tpu.memory_space<vmem_shared>>) target_semaphore(%run_scoped3A : memref<!tpu.dma_semaphore, #tpu.memory_space<semaphore_mem>>)
      %dma_wait3A = arith.constant 0 : i32
      %dma_wait3A_20 = tpu.memref_slice %arg11[%mul3A_2, %dma_wait3A] : memref<10112x128xf32, #tpu.memory_space<vmem_shared>> -> memref<632x128xf32, #tpu.memory_space<vmem_shared>>
      %dma_wait3A_21 = arith.constant 0 : i32
      %dma_wait3A_22 = tpu.memref_slice %arg5[%mul3A_0, %dma_wait3A_21] : memref<10112x128xf32, #tpu.memory_space<hbm>> -> memref<632x128xf32, #tpu.memory_space<hbm>>
      tpu.wait_dma2 semaphore(%run_scoped3A : memref<!tpu.dma_semaphore, #tpu.memory_space<semaphore_mem>>) src(%dma_wait3A_22 : memref<632x128xf32, #tpu.memory_space<hbm>>) dst(%dma_wait3A_20 : memref<632x128xf32, #tpu.memory_space<vmem_shared>>)
      tpu.yield
    }) : () -> ()
    %barrier3A = arith.constant 0 : index
    tpu.barrier barrier_id(%barrier3A)
    %mul3A_3 = arith.constant 16 : i32
    %mul3A_4 = arith.muli %arg0, %mul3A_3 : i32
    %add3A = arith.addi %mul3A_4, %arg1 : i32
    %mul3A_5 = arith.constant 80 : i32
    %mul3A_6 = arith.muli %add3A, %mul3A_5 : i32
    %scan3A = arith.constant 0 : i32
    %scan3A_7 = arith.constant 0 : i32
    %scan3A_8 = arith.constant 5 : i32
    %scan3A_9 = arith.addi %scan3A_7, %scan3A_8 : i32
    %scan3A_10 = arith.constant 1 : i32
    scf.for %scan3A_17 = %scan3A_7 to %scan3A_9 step %scan3A_10  : i32 {
      %mul3A_18 = arith.constant 16 : i32
      %mul3A_19 = arith.muli %scan3A_17, %mul3A_18 : i32
      %add3A_20 = arith.addi %mul3A_6, %mul3A_19 : i32
      "tpu.region"() ({
        %run_scoped3A_258 = tpu.sem_alloc : memref<!tpu.dma_semaphore, #tpu.memory_space<semaphore_mem>>
        %dma_start3A_259 = arith.constant 0 : i32
        %dma_start3A_260 = tpu.memref_slice %arg3[%add3A_20, %dma_start3A_259] : memref<2560x128xi32, #tpu.memory_space<hbm>> -> memref<16x128xi32, #tpu.memory_space<hbm>>
        %dma_start3A_261 = arith.constant 0 : i32
        %dma_start3A_262 = tpu.memref_slice %arg3[%add3A_20, %dma_start3A_261] : memref<2560x128xi32, #tpu.memory_space<hbm>> -> memref<16x128xi32, #tpu.memory_space<hbm>>
        tpu.enqueue_dma source(%dma_start3A_262 : memref<16x128xi32, #tpu.memory_space<hbm>>) target(%arg7 : memref<16x128xi32, #tpu.memory_space<vmem>>) target_semaphore(%run_scoped3A_258 : memref<!tpu.dma_semaphore, #tpu.memory_space<semaphore_mem>>)
        %dma_wait3A_263 = arith.constant 0 : i32
        %dma_wait3A_264 = tpu.memref_slice %arg3[%add3A_20, %dma_wait3A_263] : memref<2560x128xi32, #tpu.memory_space<hbm>> -> memref<16x128xi32, #tpu.memory_space<hbm>>
        %dma_wait3A_265 = arith.constant 0 : i32
        %dma_wait3A_266 = tpu.memref_slice %arg3[%add3A_20, %dma_wait3A_265] : memref<2560x128xi32, #tpu.memory_space<hbm>> -> memref<16x128xi32, #tpu.memory_space<hbm>>
        tpu.wait_dma2 semaphore(%run_scoped3A_258 : memref<!tpu.dma_semaphore, #tpu.memory_space<semaphore_mem>>) src(%dma_wait3A_266 : memref<16x128xi32, #tpu.memory_space<hbm>>) dst(%arg7 : memref<16x128xi32, #tpu.memory_space<vmem>>)
        tpu.yield
      }) : () -> ()
      "tpu.region"() ({
        %run_scoped3A_258 = tpu.sem_alloc : memref<!tpu.dma_semaphore, #tpu.memory_space<semaphore_mem>>
        %dma_start3A_259 = arith.constant 0 : i32
        %dma_start3A_260 = tpu.memref_slice %arg4[%add3A_20, %dma_start3A_259] : memref<2560x128xi32, #tpu.memory_space<hbm>> -> memref<16x128xi32, #tpu.memory_space<hbm>>
        %dma_start3A_261 = arith.constant 0 : i32
        %dma_start3A_262 = tpu.memref_slice %arg4[%add3A_20, %dma_start3A_261] : memref<2560x128xi32, #tpu.memory_space<hbm>> -> memref<16x128xi32, #tpu.memory_space<hbm>>
        tpu.enqueue_dma source(%dma_start3A_262 : memref<16x128xi32, #tpu.memory_space<hbm>>) target(%arg8 : memref<16x128xi32, #tpu.memory_space<vmem>>) target_semaphore(%run_scoped3A_258 : memref<!tpu.dma_semaphore, #tpu.memory_space<semaphore_mem>>)
        %dma_wait3A_263 = arith.constant 0 : i32
        %dma_wait3A_264 = tpu.memref_slice %arg4[%add3A_20, %dma_wait3A_263] : memref<2560x128xi32, #tpu.memory_space<hbm>> -> memref<16x128xi32, #tpu.memory_space<hbm>>
        %dma_wait3A_265 = arith.constant 0 : i32
        %dma_wait3A_266 = tpu.memref_slice %arg4[%add3A_20, %dma_wait3A_265] : memref<2560x128xi32, #tpu.memory_space<hbm>> -> memref<16x128xi32, #tpu.memory_space<hbm>>
        tpu.wait_dma2 semaphore(%run_scoped3A_258 : memref<!tpu.dma_semaphore, #tpu.memory_space<semaphore_mem>>) src(%dma_wait3A_266 : memref<16x128xi32, #tpu.memory_space<hbm>>) dst(%arg8 : memref<16x128xi32, #tpu.memory_space<vmem>>)
        tpu.yield
      }) : () -> ()
      %dma_start3A = arith.constant 0 : i32
      %dma_start3A_21 = arith.constant 0 : i32
      %dma_start3A_22 = tpu.memref_slice %arg7[%dma_start3A, %dma_start3A_21] : memref<16x128xi32, #tpu.memory_space<vmem>> -> memref<1x128xi32, #tpu.memory_space<vmem>>
      %dma_start3A_23 = tpu.memref_squeeze %dma_start3A_22 : memref<1x128xi32, #tpu.memory_space<vmem>> -> memref<128xi32, #tpu.memory_space<vmem>>
      %dma_start3A_24 = arith.constant 0 : i32
      %dma_start3A_25 = arith.constant 0 : i32
      %dma_start3A_26 = tpu.memref_slice %arg2[%dma_start3A_24, %dma_start3A_25] : memref<10000x128xf32, #tpu.memory_space<hbm>> -> memref<10000x128xf32, #tpu.memory_space<hbm>>
      tpu.enqueue_indirect_dma source(%dma_start3A_26 : memref<10000x128xf32, #tpu.memory_space<hbm>>) target(%arg9 : memref<128x128xf32, #tpu.memory_space<vmem>>) offsets(%dma_start3A_23 : memref<128xi32, #tpu.memory_space<vmem>>) semaphore(%arg12 : memref<!tpu.dma_semaphore, #tpu.memory_space<semaphore_mem>>)
      %dma_start3A_27 = arith.constant 1 : i32
      %dma_start3A_28 = arith.constant 0 : i32
      %dma_start3A_29 = tpu.memref_slice %arg7[%dma_start3A_27, %dma_start3A_28] : memref<16x128xi32, #tpu.memory_space<vmem>> -> memref<1x128xi32, #tpu.memory_space<vmem>>
      %dma_start3A_30 = tpu.memref_squeeze %dma_start3A_29 : memref<1x128xi32, #tpu.memory_space<vmem>> -> memref<128xi32, #tpu.memory_space<vmem>>
      %dma_start3A_31 = arith.constant 0 : i32
      %dma_start3A_32 = arith.constant 0 : i32
      %dma_start3A_33 = tpu.memref_slice %arg2[%dma_start3A_31, %dma_start3A_32] : memref<10000x128xf32, #tpu.memory_space<hbm>> -> memref<10000x128xf32, #tpu.memory_space<hbm>>
      tpu.enqueue_indirect_dma source(%dma_start3A_33 : memref<10000x128xf32, #tpu.memory_space<hbm>>) target(%arg10 : memref<128x128xf32, #tpu.memory_space<vmem>>) offsets(%dma_start3A_30 : memref<128xi32, #tpu.memory_space<vmem>>) semaphore(%arg13 : memref<!tpu.dma_semaphore, #tpu.memory_space<semaphore_mem>>)
      %dma_wait3A = arith.constant 0 : i32
      %dma_wait3A_34 = arith.constant 0 : i32
      %dma_wait3A_35 = tpu.memref_slice %arg7[%dma_wait3A, %dma_wait3A_34] : memref<16x128xi32, #tpu.memory_space<vmem>> -> memref<1x128xi32, #tpu.memory_space<vmem>>
      %dma_wait3A_36 = tpu.memref_squeeze %dma_wait3A_35 : memref<1x128xi32, #tpu.memory_space<vmem>> -> memref<128xi32, #tpu.memory_space<vmem>>
      %dma_wait3A_37 = arith.constant 0 : i32
      %dma_wait3A_38 = arith.constant 0 : i32
      %dma_wait3A_39 = tpu.memref_slice %arg2[%dma_wait3A_37, %dma_wait3A_38] : memref<10000x128xf32, #tpu.memory_space<hbm>> -> memref<10000x128xf32, #tpu.memory_space<hbm>>
      tpu.wait_indirect_dma semaphore(%arg12 : memref<!tpu.dma_semaphore, #tpu.memory_space<semaphore_mem>>) src(%dma_wait3A_39 : memref<10000x128xf32, #tpu.memory_space<hbm>>) dst(%arg9 : memref<128x128xf32, #tpu.memory_space<vmem>>)
      %run_scoped3A = arith.constant 0 : i32
      "tpu.region"() ({
        %run_scoped3A_258 = tpu.sem_alloc : memref<!tpu.dma_semaphore, #tpu.memory_space<semaphore_mem>>
        %dma_start3A_259 = arith.constant 0 : i32
        %dma_start3A_260 = tpu.memref_slice %arg8[%run_scoped3A, %dma_start3A_259] : memref<16x128xi32, #tpu.memory_space<vmem>> -> memref<1x128xi32, #tpu.memory_space<vmem>>
        %dma_start3A_261 = tpu.memref_squeeze %dma_start3A_260 : memref<1x128xi32, #tpu.memory_space<vmem>> -> memref<128xi32, #tpu.memory_space<vmem>>
        %dma_start3A_262 = arith.constant 0 : i32
        %dma_start3A_263 = arith.constant 0 : i32
        %dma_start3A_264 = tpu.memref_slice %arg11[%dma_start3A_262, %dma_start3A_263] : memref<10112x128xf32, #tpu.memory_space<vmem_shared>> -> memref<10112x128xf32, #tpu.memory_space<vmem_shared>>
        tpu.enqueue_indirect_dma source(%arg9 : memref<128x128xf32, #tpu.memory_space<vmem>>) target(%dma_start3A_264 : memref<10112x128xf32, #tpu.memory_space<vmem_shared>>) offsets(%dma_start3A_261 : memref<128xi32, #tpu.memory_space<vmem>>) semaphore(%run_scoped3A_258 : memref<!tpu.dma_semaphore, #tpu.memory_space<semaphore_mem>>) {add = true}
        %dma_wait3A_265 = arith.constant 0 : i32
        %dma_wait3A_266 = tpu.memref_slice %arg8[%run_scoped3A, %dma_wait3A_265] : memref<16x128xi32, #tpu.memory_space<vmem>> -> memref<1x128xi32, #tpu.memory_space<vmem>>
        %dma_wait3A_267 = tpu.memref_squeeze %dma_wait3A_266 : memref<1x128xi32, #tpu.memory_space<vmem>> -> memref<128xi32, #tpu.memory_space<vmem>>
        %dma_wait3A_268 = arith.constant 0 : i32
        %dma_wait3A_269 = arith.constant 0 : i32
        %dma_wait3A_270 = tpu.memref_slice %arg11[%dma_wait3A_268, %dma_wait3A_269] : memref<10112x128xf32, #tpu.memory_space<vmem_shared>> -> memref<10112x128xf32, #tpu.memory_space<vmem_shared>>
        tpu.wait_indirect_dma semaphore(%run_scoped3A_258 : memref<!tpu.dma_semaphore, #tpu.memory_space<semaphore_mem>>) src(%arg9 : memref<128x128xf32, #tpu.memory_space<vmem>>) dst(%dma_wait3A_270 : memref<10112x128xf32, #tpu.memory_space<vmem_shared>>)
        tpu.yield
      }) : () -> ()
      %dma_start3A_40 = arith.constant 2 : i32
      %dma_start3A_41 = arith.constant 0 : i32
      %dma_start3A_42 = tpu.memref_slice %arg7[%dma_start3A_40, %dma_start3A_41] : memref<16x128xi32, #tpu.memory_space<vmem>> -> memref<1x128xi32, #tpu.memory_space<vmem>>
      %dma_start3A_43 = tpu.memref_squeeze %dma_start3A_42 : memref<1x128xi32, #tpu.memory_space<vmem>> -> memref<128xi32, #tpu.memory_space<vmem>>
      %dma_start3A_44 = arith.constant 0 : i32
      %dma_start3A_45 = arith.constant 0 : i32
      %dma_start3A_46 = tpu.memref_slice %arg2[%dma_start3A_44, %dma_start3A_45] : memref<10000x128xf32, #tpu.memory_space<hbm>> -> memref<10000x128xf32, #tpu.memory_space<hbm>>
      tpu.enqueue_indirect_dma source(%dma_start3A_46 : memref<10000x128xf32, #tpu.memory_space<hbm>>) target(%arg9 : memref<128x128xf32, #tpu.memory_space<vmem>>) offsets(%dma_start3A_43 : memref<128xi32, #tpu.memory_space<vmem>>) semaphore(%arg12 : memref<!tpu.dma_semaphore, #tpu.memory_space<semaphore_mem>>)
      %dma_wait3A_47 = arith.constant 1 : i32
      %dma_wait3A_48 = arith.constant 0 : i32
      %dma_wait3A_49 = tpu.memref_slice %arg7[%dma_wait3A_47, %dma_wait3A_48] : memref<16x128xi32, #tpu.memory_space<vmem>> -> memref<1x128xi32, #tpu.memory_space<vmem>>
      %dma_wait3A_50 = tpu.memref_squeeze %dma_wait3A_49 : memref<1x128xi32, #tpu.memory_space<vmem>> -> memref<128xi32, #tpu.memory_space<vmem>>
      %dma_wait3A_51 = arith.constant 0 : i32
      %dma_wait3A_52 = arith.constant 0 : i32
      %dma_wait3A_53 = tpu.memref_slice %arg2[%dma_wait3A_51, %dma_wait3A_52] : memref<10000x128xf32, #tpu.memory_space<hbm>> -> memref<10000x128xf32, #tpu.memory_space<hbm>>
      tpu.wait_indirect_dma semaphore(%arg13 : memref<!tpu.dma_semaphore, #tpu.memory_space<semaphore_mem>>) src(%dma_wait3A_53 : memref<10000x128xf32, #tpu.memory_space<hbm>>) dst(%arg10 : memref<128x128xf32, #tpu.memory_space<vmem>>)
      %run_scoped3A_54 = arith.constant 1 : i32
      "tpu.region"() ({
        %run_scoped3A_258 = tpu.sem_alloc : memref<!tpu.dma_semaphore, #tpu.memory_space<semaphore_mem>>
        %dma_start3A_259 = arith.constant 0 : i32
        %dma_start3A_260 = tpu.memref_slice %arg8[%run_scoped3A_54, %dma_start3A_259] : memref<16x128xi32, #tpu.memory_space<vmem>> -> memref<1x128xi32, #tpu.memory_space<vmem>>
        %dma_start3A_261 = tpu.memref_squeeze %dma_start3A_260 : memref<1x128xi32, #tpu.memory_space<vmem>> -> memref<128xi32, #tpu.memory_space<vmem>>
        %dma_start3A_262 = arith.constant 0 : i32
        %dma_start3A_263 = arith.constant 0 : i32
        %dma_start3A_264 = tpu.memref_slice %arg11[%dma_start3A_262, %dma_start3A_263] : memref<10112x128xf32, #tpu.memory_space<vmem_shared>> -> memref<10112x128xf32, #tpu.memory_space<vmem_shared>>
        tpu.enqueue_indirect_dma source(%arg10 : memref<128x128xf32, #tpu.memory_space<vmem>>) target(%dma_start3A_264 : memref<10112x128xf32, #tpu.memory_space<vmem_shared>>) offsets(%dma_start3A_261 : memref<128xi32, #tpu.memory_space<vmem>>) semaphore(%run_scoped3A_258 : memref<!tpu.dma_semaphore, #tpu.memory_space<semaphore_mem>>) {add = true}
        %dma_wait3A_265 = arith.constant 0 : i32
        %dma_wait3A_266 = tpu.memref_slice %arg8[%run_scoped3A_54, %dma_wait3A_265] : memref<16x128xi32, #tpu.memory_space<vmem>> -> memref<1x128xi32, #tpu.memory_space<vmem>>
        %dma_wait3A_267 = tpu.memref_squeeze %dma_wait3A_266 : memref<1x128xi32, #tpu.memory_space<vmem>> -> memref<128xi32, #tpu.memory_space<vmem>>
        %dma_wait3A_268 = arith.constant 0 : i32
        %dma_wait3A_269 = arith.constant 0 : i32
        %dma_wait3A_270 = tpu.memref_slice %arg11[%dma_wait3A_268, %dma_wait3A_269] : memref<10112x128xf32, #tpu.memory_space<vmem_shared>> -> memref<10112x128xf32, #tpu.memory_space<vmem_shared>>
        tpu.wait_indirect_dma semaphore(%run_scoped3A_258 : memref<!tpu.dma_semaphore, #tpu.memory_space<semaphore_mem>>) src(%arg10 : memref<128x128xf32, #tpu.memory_space<vmem>>) dst(%dma_wait3A_270 : memref<10112x128xf32, #tpu.memory_space<vmem_shared>>)
        tpu.yield
      }) : () -> ()
      %dma_start3A_55 = arith.constant 3 : i32
      %dma_start3A_56 = arith.constant 0 : i32
      %dma_start3A_57 = tpu.memref_slice %arg7[%dma_start3A_55, %dma_start3A_56] : memref<16x128xi32, #tpu.memory_space<vmem>> -> memref<1x128xi32, #tpu.memory_space<vmem>>
      %dma_start3A_58 = tpu.memref_squeeze %dma_start3A_57 : memref<1x128xi32, #tpu.memory_space<vmem>> -> memref<128xi32, #tpu.memory_space<vmem>>
      %dma_start3A_59 = arith.constant 0 : i32
      %dma_start3A_60 = arith.constant 0 : i32
      %dma_start3A_61 = tpu.memref_slice %arg2[%dma_start3A_59, %dma_start3A_60] : memref<10000x128xf32, #tpu.memory_space<hbm>> -> memref<10000x128xf32, #tpu.memory_space<hbm>>
      tpu.enqueue_indirect_dma source(%dma_start3A_61 : memref<10000x128xf32, #tpu.memory_space<hbm>>) target(%arg10 : memref<128x128xf32, #tpu.memory_space<vmem>>) offsets(%dma_start3A_58 : memref<128xi32, #tpu.memory_space<vmem>>) semaphore(%arg13 : memref<!tpu.dma_semaphore, #tpu.memory_space<semaphore_mem>>)
      %dma_wait3A_62 = arith.constant 2 : i32
      %dma_wait3A_63 = arith.constant 0 : i32
      %dma_wait3A_64 = tpu.memref_slice %arg7[%dma_wait3A_62, %dma_wait3A_63] : memref<16x128xi32, #tpu.memory_space<vmem>> -> memref<1x128xi32, #tpu.memory_space<vmem>>
      %dma_wait3A_65 = tpu.memref_squeeze %dma_wait3A_64 : memref<1x128xi32, #tpu.memory_space<vmem>> -> memref<128xi32, #tpu.memory_space<vmem>>
      %dma_wait3A_66 = arith.constant 0 : i32
      %dma_wait3A_67 = arith.constant 0 : i32
      %dma_wait3A_68 = tpu.memref_slice %arg2[%dma_wait3A_66, %dma_wait3A_67] : memref<10000x128xf32, #tpu.memory_space<hbm>> -> memref<10000x128xf32, #tpu.memory_space<hbm>>
      tpu.wait_indirect_dma semaphore(%arg12 : memref<!tpu.dma_semaphore, #tpu.memory_space<semaphore_mem>>) src(%dma_wait3A_68 : memref<10000x128xf32, #tpu.memory_space<hbm>>) dst(%arg9 : memref<128x128xf32, #tpu.memory_space<vmem>>)
      %run_scoped3A_69 = arith.constant 2 : i32
      "tpu.region"() ({
        %run_scoped3A_258 = tpu.sem_alloc : memref<!tpu.dma_semaphore, #tpu.memory_space<semaphore_mem>>
        %dma_start3A_259 = arith.constant 0 : i32
        %dma_start3A_260 = tpu.memref_slice %arg8[%run_scoped3A_69, %dma_start3A_259] : memref<16x128xi32, #tpu.memory_space<vmem>> -> memref<1x128xi32, #tpu.memory_space<vmem>>
        %dma_start3A_261 = tpu.memref_squeeze %dma_start3A_260 : memref<1x128xi32, #tpu.memory_space<vmem>> -> memref<128xi32, #tpu.memory_space<vmem>>
        %dma_start3A_262 = arith.constant 0 : i32
        %dma_start3A_263 = arith.constant 0 : i32
        %dma_start3A_264 = tpu.memref_slice %arg11[%dma_start3A_262, %dma_start3A_263] : memref<10112x128xf32, #tpu.memory_space<vmem_shared>> -> memref<10112x128xf32, #tpu.memory_space<vmem_shared>>
        tpu.enqueue_indirect_dma source(%arg9 : memref<128x128xf32, #tpu.memory_space<vmem>>) target(%dma_start3A_264 : memref<10112x128xf32, #tpu.memory_space<vmem_shared>>) offsets(%dma_start3A_261 : memref<128xi32, #tpu.memory_space<vmem>>) semaphore(%run_scoped3A_258 : memref<!tpu.dma_semaphore, #tpu.memory_space<semaphore_mem>>) {add = true}
        %dma_wait3A_265 = arith.constant 0 : i32
        %dma_wait3A_266 = tpu.memref_slice %arg8[%run_scoped3A_69, %dma_wait3A_265] : memref<16x128xi32, #tpu.memory_space<vmem>> -> memref<1x128xi32, #tpu.memory_space<vmem>>
        %dma_wait3A_267 = tpu.memref_squeeze %dma_wait3A_266 : memref<1x128xi32, #tpu.memory_space<vmem>> -> memref<128xi32, #tpu.memory_space<vmem>>
        %dma_wait3A_268 = arith.constant 0 : i32
        %dma_wait3A_269 = arith.constant 0 : i32
        %dma_wait3A_270 = tpu.memref_slice %arg11[%dma_wait3A_268, %dma_wait3A_269] : memref<10112x128xf32, #tpu.memory_space<vmem_shared>> -> memref<10112x128xf32, #tpu.memory_space<vmem_shared>>
        tpu.wait_indirect_dma semaphore(%run_scoped3A_258 : memref<!tpu.dma_semaphore, #tpu.memory_space<semaphore_mem>>) src(%arg9 : memref<128x128xf32, #tpu.memory_space<vmem>>) dst(%dma_wait3A_270 : memref<10112x128xf32, #tpu.memory_space<vmem_shared>>)
        tpu.yield
      }) : () -> ()
      %dma_start3A_70 = arith.constant 4 : i32
      %dma_start3A_71 = arith.constant 0 : i32
      %dma_start3A_72 = tpu.memref_slice %arg7[%dma_start3A_70, %dma_start3A_71] : memref<16x128xi32, #tpu.memory_space<vmem>> -> memref<1x128xi32, #tpu.memory_space<vmem>>
      %dma_start3A_73 = tpu.memref_squeeze %dma_start3A_72 : memref<1x128xi32, #tpu.memory_space<vmem>> -> memref<128xi32, #tpu.memory_space<vmem>>
      %dma_start3A_74 = arith.constant 0 : i32
      %dma_start3A_75 = arith.constant 0 : i32
      %dma_start3A_76 = tpu.memref_slice %arg2[%dma_start3A_74, %dma_start3A_75] : memref<10000x128xf32, #tpu.memory_space<hbm>> -> memref<10000x128xf32, #tpu.memory_space<hbm>>
      tpu.enqueue_indirect_dma source(%dma_start3A_76 : memref<10000x128xf32, #tpu.memory_space<hbm>>) target(%arg9 : memref<128x128xf32, #tpu.memory_space<vmem>>) offsets(%dma_start3A_73 : memref<128xi32, #tpu.memory_space<vmem>>) semaphore(%arg12 : memref<!tpu.dma_semaphore, #tpu.memory_space<semaphore_mem>>)
      %dma_wait3A_77 = arith.constant 3 : i32
      %dma_wait3A_78 = arith.constant 0 : i32
      %dma_wait3A_79 = tpu.memref_slice %arg7[%dma_wait3A_77, %dma_wait3A_78] : memref<16x128xi32, #tpu.memory_space<vmem>> -> memref<1x128xi32, #tpu.memory_space<vmem>>
      %dma_wait3A_80 = tpu.memref_squeeze %dma_wait3A_79 : memref<1x128xi32, #tpu.memory_space<vmem>> -> memref<128xi32, #tpu.memory_space<vmem>>
      %dma_wait3A_81 = arith.constant 0 : i32
      %dma_wait3A_82 = arith.constant 0 : i32
      %dma_wait3A_83 = tpu.memref_slice %arg2[%dma_wait3A_81, %dma_wait3A_82] : memref<10000x128xf32, #tpu.memory_space<hbm>> -> memref<10000x128xf32, #tpu.memory_space<hbm>>
      tpu.wait_indirect_dma semaphore(%arg13 : memref<!tpu.dma_semaphore, #tpu.memory_space<semaphore_mem>>) src(%dma_wait3A_83 : memref<10000x128xf32, #tpu.memory_space<hbm>>) dst(%arg10 : memref<128x128xf32, #tpu.memory_space<vmem>>)
      %run_scoped3A_84 = arith.constant 3 : i32
      "tpu.region"() ({
        %run_scoped3A_258 = tpu.sem_alloc : memref<!tpu.dma_semaphore, #tpu.memory_space<semaphore_mem>>
        %dma_start3A_259 = arith.constant 0 : i32
        %dma_start3A_260 = tpu.memref_slice %arg8[%run_scoped3A_84, %dma_start3A_259] : memref<16x128xi32, #tpu.memory_space<vmem>> -> memref<1x128xi32, #tpu.memory_space<vmem>>
        %dma_start3A_261 = tpu.memref_squeeze %dma_start3A_260 : memref<1x128xi32, #tpu.memory_space<vmem>> -> memref<128xi32, #tpu.memory_space<vmem>>
        %dma_start3A_262 = arith.constant 0 : i32
        %dma_start3A_263 = arith.constant 0 : i32
        %dma_start3A_264 = tpu.memref_slice %arg11[%dma_start3A_262, %dma_start3A_263] : memref<10112x128xf32, #tpu.memory_space<vmem_shared>> -> memref<10112x128xf32, #tpu.memory_space<vmem_shared>>
        tpu.enqueue_indirect_dma source(%arg10 : memref<128x128xf32, #tpu.memory_space<vmem>>) target(%dma_start3A_264 : memref<10112x128xf32, #tpu.memory_space<vmem_shared>>) offsets(%dma_start3A_261 : memref<128xi32, #tpu.memory_space<vmem>>) semaphore(%run_scoped3A_258 : memref<!tpu.dma_semaphore, #tpu.memory_space<semaphore_mem>>) {add = true}
        %dma_wait3A_265 = arith.constant 0 : i32
        %dma_wait3A_266 = tpu.memref_slice %arg8[%run_scoped3A_84, %dma_wait3A_265] : memref<16x128xi32, #tpu.memory_space<vmem>> -> memref<1x128xi32, #tpu.memory_space<vmem>>
        %dma_wait3A_267 = tpu.memref_squeeze %dma_wait3A_266 : memref<1x128xi32, #tpu.memory_space<vmem>> -> memref<128xi32, #tpu.memory_space<vmem>>
        %dma_wait3A_268 = arith.constant 0 : i32
        %dma_wait3A_269 = arith.constant 0 : i32
        %dma_wait3A_270 = tpu.memref_slice %arg11[%dma_wait3A_268, %dma_wait3A_269] : memref<10112x128xf32, #tpu.memory_space<vmem_shared>> -> memref<10112x128xf32, #tpu.memory_space<vmem_shared>>
        tpu.wait_indirect_dma semaphore(%run_scoped3A_258 : memref<!tpu.dma_semaphore, #tpu.memory_space<semaphore_mem>>) src(%arg10 : memref<128x128xf32, #tpu.memory_space<vmem>>) dst(%dma_wait3A_270 : memref<10112x128xf32, #tpu.memory_space<vmem_shared>>)
        tpu.yield
      }) : () -> ()
      %dma_start3A_85 = arith.constant 5 : i32
      %dma_start3A_86 = arith.constant 0 : i32
      %dma_start3A_87 = tpu.memref_slice %arg7[%dma_start3A_85, %dma_start3A_86] : memref<16x128xi32, #tpu.memory_space<vmem>> -> memref<1x128xi32, #tpu.memory_space<vmem>>
      %dma_start3A_88 = tpu.memref_squeeze %dma_start3A_87 : memref<1x128xi32, #tpu.memory_space<vmem>> -> memref<128xi32, #tpu.memory_space<vmem>>
      %dma_start3A_89 = arith.constant 0 : i32
      %dma_start3A_90 = arith.constant 0 : i32
      %dma_start3A_91 = tpu.memref_slice %arg2[%dma_start3A_89, %dma_start3A_90] : memref<10000x128xf32, #tpu.memory_space<hbm>> -> memref<10000x128xf32, #tpu.memory_space<hbm>>
      tpu.enqueue_indirect_dma source(%dma_start3A_91 : memref<10000x128xf32, #tpu.memory_space<hbm>>) target(%arg10 : memref<128x128xf32, #tpu.memory_space<vmem>>) offsets(%dma_start3A_88 : memref<128xi32, #tpu.memory_space<vmem>>) semaphore(%arg13 : memref<!tpu.dma_semaphore, #tpu.memory_space<semaphore_mem>>)
      %dma_wait3A_92 = arith.constant 4 : i32
      %dma_wait3A_93 = arith.constant 0 : i32
      %dma_wait3A_94 = tpu.memref_slice %arg7[%dma_wait3A_92, %dma_wait3A_93] : memref<16x128xi32, #tpu.memory_space<vmem>> -> memref<1x128xi32, #tpu.memory_space<vmem>>
      %dma_wait3A_95 = tpu.memref_squeeze %dma_wait3A_94 : memref<1x128xi32, #tpu.memory_space<vmem>> -> memref<128xi32, #tpu.memory_space<vmem>>
      %dma_wait3A_96 = arith.constant 0 : i32
      %dma_wait3A_97 = arith.constant 0 : i32
      %dma_wait3A_98 = tpu.memref_slice %arg2[%dma_wait3A_96, %dma_wait3A_97] : memref<10000x128xf32, #tpu.memory_space<hbm>> -> memref<10000x128xf32, #tpu.memory_space<hbm>>
      tpu.wait_indirect_dma semaphore(%arg12 : memref<!tpu.dma_semaphore, #tpu.memory_space<semaphore_mem>>) src(%dma_wait3A_98 : memref<10000x128xf32, #tpu.memory_space<hbm>>) dst(%arg9 : memref<128x128xf32, #tpu.memory_space<vmem>>)
      %run_scoped3A_99 = arith.constant 4 : i32
      "tpu.region"() ({
        %run_scoped3A_258 = tpu.sem_alloc : memref<!tpu.dma_semaphore, #tpu.memory_space<semaphore_mem>>
        %dma_start3A_259 = arith.constant 0 : i32
        %dma_start3A_260 = tpu.memref_slice %arg8[%run_scoped3A_99, %dma_start3A_259] : memref<16x128xi32, #tpu.memory_space<vmem>> -> memref<1x128xi32, #tpu.memory_space<vmem>>
        %dma_start3A_261 = tpu.memref_squeeze %dma_start3A_260 : memref<1x128xi32, #tpu.memory_space<vmem>> -> memref<128xi32, #tpu.memory_space<vmem>>
        %dma_start3A_262 = arith.constant 0 : i32
        %dma_start3A_263 = arith.constant 0 : i32
        %dma_start3A_264 = tpu.memref_slice %arg11[%dma_start3A_262, %dma_start3A_263] : memref<10112x128xf32, #tpu.memory_space<vmem_shared>> -> memref<10112x128xf32, #tpu.memory_space<vmem_shared>>
        tpu.enqueue_indirect_dma source(%arg9 : memref<128x128xf32, #tpu.memory_space<vmem>>) target(%dma_start3A_264 : memref<10112x128xf32, #tpu.memory_space<vmem_shared>>) offsets(%dma_start3A_261 : memref<128xi32, #tpu.memory_space<vmem>>) semaphore(%run_scoped3A_258 : memref<!tpu.dma_semaphore, #tpu.memory_space<semaphore_mem>>) {add = true}
        %dma_wait3A_265 = arith.constant 0 : i32
        %dma_wait3A_266 = tpu.memref_slice %arg8[%run_scoped3A_99, %dma_wait3A_265] : memref<16x128xi32, #tpu.memory_space<vmem>> -> memref<1x128xi32, #tpu.memory_space<vmem>>
        %dma_wait3A_267 = tpu.memref_squeeze %dma_wait3A_266 : memref<1x128xi32, #tpu.memory_space<vmem>> -> memref<128xi32, #tpu.memory_space<vmem>>
        %dma_wait3A_268 = arith.constant 0 : i32
        %dma_wait3A_269 = arith.constant 0 : i32
        %dma_wait3A_270 = tpu.memref_slice %arg11[%dma_wait3A_268, %dma_wait3A_269] : memref<10112x128xf32, #tpu.memory_space<vmem_shared>> -> memref<10112x128xf32, #tpu.memory_space<vmem_shared>>
        tpu.wait_indirect_dma semaphore(%run_scoped3A_258 : memref<!tpu.dma_semaphore, #tpu.memory_space<semaphore_mem>>) src(%arg9 : memref<128x128xf32, #tpu.memory_space<vmem>>) dst(%dma_wait3A_270 : memref<10112x128xf32, #tpu.memory_space<vmem_shared>>)
        tpu.yield
      }) : () -> ()
      %dma_start3A_100 = arith.constant 6 : i32
      %dma_start3A_101 = arith.constant 0 : i32
      %dma_start3A_102 = tpu.memref_slice %arg7[%dma_start3A_100, %dma_start3A_101] : memref<16x128xi32, #tpu.memory_space<vmem>> -> memref<1x128xi32, #tpu.memory_space<vmem>>
      %dma_start3A_103 = tpu.memref_squeeze %dma_start3A_102 : memref<1x128xi32, #tpu.memory_space<vmem>> -> memref<128xi32, #tpu.memory_space<vmem>>
      %dma_start3A_104 = arith.constant 0 : i32
      %dma_start3A_105 = arith.constant 0 : i32
      %dma_start3A_106 = tpu.memref_slice %arg2[%dma_start3A_104, %dma_start3A_105] : memref<10000x128xf32, #tpu.memory_space<hbm>> -> memref<10000x128xf32, #tpu.memory_space<hbm>>
      tpu.enqueue_indirect_dma source(%dma_start3A_106 : memref<10000x128xf32, #tpu.memory_space<hbm>>) target(%arg9 : memref<128x128xf32, #tpu.memory_space<vmem>>) offsets(%dma_start3A_103 : memref<128xi32, #tpu.memory_space<vmem>>) semaphore(%arg12 : memref<!tpu.dma_semaphore, #tpu.memory_space<semaphore_mem>>)
      %dma_wait3A_107 = arith.constant 5 : i32
      %dma_wait3A_108 = arith.constant 0 : i32
      %dma_wait3A_109 = tpu.memref_slice %arg7[%dma_wait3A_107, %dma_wait3A_108] : memref<16x128xi32, #tpu.memory_space<vmem>> -> memref<1x128xi32, #tpu.memory_space<vmem>>
      %dma_wait3A_110 = tpu.memref_squeeze %dma_wait3A_109 : memref<1x128xi32, #tpu.memory_space<vmem>> -> memref<128xi32, #tpu.memory_space<vmem>>
      %dma_wait3A_111 = arith.constant 0 : i32
      %dma_wait3A_112 = arith.constant 0 : i32
      %dma_wait3A_113 = tpu.memref_slice %arg2[%dma_wait3A_111, %dma_wait3A_112] : memref<10000x128xf32, #tpu.memory_space<hbm>> -> memref<10000x128xf32, #tpu.memory_space<hbm>>
      tpu.wait_indirect_dma semaphore(%arg13 : memref<!tpu.dma_semaphore, #tpu.memory_space<semaphore_mem>>) src(%dma_wait3A_113 : memref<10000x128xf32, #tpu.memory_space<hbm>>) dst(%arg10 : memref<128x128xf32, #tpu.memory_space<vmem>>)
      %run_scoped3A_114 = arith.constant 5 : i32
      "tpu.region"() ({
        %run_scoped3A_258 = tpu.sem_alloc : memref<!tpu.dma_semaphore, #tpu.memory_space<semaphore_mem>>
        %dma_start3A_259 = arith.constant 0 : i32
        %dma_start3A_260 = tpu.memref_slice %arg8[%run_scoped3A_114, %dma_start3A_259] : memref<16x128xi32, #tpu.memory_space<vmem>> -> memref<1x128xi32, #tpu.memory_space<vmem>>
        %dma_start3A_261 = tpu.memref_squeeze %dma_start3A_260 : memref<1x128xi32, #tpu.memory_space<vmem>> -> memref<128xi32, #tpu.memory_space<vmem>>
        %dma_start3A_262 = arith.constant 0 : i32
        %dma_start3A_263 = arith.constant 0 : i32
        %dma_start3A_264 = tpu.memref_slice %arg11[%dma_start3A_262, %dma_start3A_263] : memref<10112x128xf32, #tpu.memory_space<vmem_shared>> -> memref<10112x128xf32, #tpu.memory_space<vmem_shared>>
        tpu.enqueue_indirect_dma source(%arg10 : memref<128x128xf32, #tpu.memory_space<vmem>>) target(%dma_start3A_264 : memref<10112x128xf32, #tpu.memory_space<vmem_shared>>) offsets(%dma_start3A_261 : memref<128xi32, #tpu.memory_space<vmem>>) semaphore(%run_scoped3A_258 : memref<!tpu.dma_semaphore, #tpu.memory_space<semaphore_mem>>) {add = true}
        %dma_wait3A_265 = arith.constant 0 : i32
        %dma_wait3A_266 = tpu.memref_slice %arg8[%run_scoped3A_114, %dma_wait3A_265] : memref<16x128xi32, #tpu.memory_space<vmem>> -> memref<1x128xi32, #tpu.memory_space<vmem>>
        %dma_wait3A_267 = tpu.memref_squeeze %dma_wait3A_266 : memref<1x128xi32, #tpu.memory_space<vmem>> -> memref<128xi32, #tpu.memory_space<vmem>>
        %dma_wait3A_268 = arith.constant 0 : i32
        %dma_wait3A_269 = arith.constant 0 : i32
        %dma_wait3A_270 = tpu.memref_slice %arg11[%dma_wait3A_268, %dma_wait3A_269] : memref<10112x128xf32, #tpu.memory_space<vmem_shared>> -> memref<10112x128xf32, #tpu.memory_space<vmem_shared>>
        tpu.wait_indirect_dma semaphore(%run_scoped3A_258 : memref<!tpu.dma_semaphore, #tpu.memory_space<semaphore_mem>>) src(%arg10 : memref<128x128xf32, #tpu.memory_space<vmem>>) dst(%dma_wait3A_270 : memref<10112x128xf32, #tpu.memory_space<vmem_shared>>)
        tpu.yield
      }) : () -> ()
      %dma_start3A_115 = arith.constant 7 : i32
      %dma_start3A_116 = arith.constant 0 : i32
      %dma_start3A_117 = tpu.memref_slice %arg7[%dma_start3A_115, %dma_start3A_116] : memref<16x128xi32, #tpu.memory_space<vmem>> -> memref<1x128xi32, #tpu.memory_space<vmem>>
      %dma_start3A_118 = tpu.memref_squeeze %dma_start3A_117 : memref<1x128xi32, #tpu.memory_space<vmem>> -> memref<128xi32, #tpu.memory_space<vmem>>
      %dma_start3A_119 = arith.constant 0 : i32
      %dma_start3A_120 = arith.constant 0 : i32
      %dma_start3A_121 = tpu.memref_slice %arg2[%dma_start3A_119, %dma_start3A_120] : memref<10000x128xf32, #tpu.memory_space<hbm>> -> memref<10000x128xf32, #tpu.memory_space<hbm>>
      tpu.enqueue_indirect_dma source(%dma_start3A_121 : memref<10000x128xf32, #tpu.memory_space<hbm>>) target(%arg10 : memref<128x128xf32, #tpu.memory_space<vmem>>) offsets(%dma_start3A_118 : memref<128xi32, #tpu.memory_space<vmem>>) semaphore(%arg13 : memref<!tpu.dma_semaphore, #tpu.memory_space<semaphore_mem>>)
      %dma_wait3A_122 = arith.constant 6 : i32
      %dma_wait3A_123 = arith.constant 0 : i32
      %dma_wait3A_124 = tpu.memref_slice %arg7[%dma_wait3A_122, %dma_wait3A_123] : memref<16x128xi32, #tpu.memory_space<vmem>> -> memref<1x128xi32, #tpu.memory_space<vmem>>
      %dma_wait3A_125 = tpu.memref_squeeze %dma_wait3A_124 : memref<1x128xi32, #tpu.memory_space<vmem>> -> memref<128xi32, #tpu.memory_space<vmem>>
      %dma_wait3A_126 = arith.constant 0 : i32
      %dma_wait3A_127 = arith.constant 0 : i32
      %dma_wait3A_128 = tpu.memref_slice %arg2[%dma_wait3A_126, %dma_wait3A_127] : memref<10000x128xf32, #tpu.memory_space<hbm>> -> memref<10000x128xf32, #tpu.memory_space<hbm>>
      tpu.wait_indirect_dma semaphore(%arg12 : memref<!tpu.dma_semaphore, #tpu.memory_space<semaphore_mem>>) src(%dma_wait3A_128 : memref<10000x128xf32, #tpu.memory_space<hbm>>) dst(%arg9 : memref<128x128xf32, #tpu.memory_space<vmem>>)
      %run_scoped3A_129 = arith.constant 6 : i32
      "tpu.region"() ({
        %run_scoped3A_258 = tpu.sem_alloc : memref<!tpu.dma_semaphore, #tpu.memory_space<semaphore_mem>>
        %dma_start3A_259 = arith.constant 0 : i32
        %dma_start3A_260 = tpu.memref_slice %arg8[%run_scoped3A_129, %dma_start3A_259] : memref<16x128xi32, #tpu.memory_space<vmem>> -> memref<1x128xi32, #tpu.memory_space<vmem>>
        %dma_start3A_261 = tpu.memref_squeeze %dma_start3A_260 : memref<1x128xi32, #tpu.memory_space<vmem>> -> memref<128xi32, #tpu.memory_space<vmem>>
        %dma_start3A_262 = arith.constant 0 : i32
        %dma_start3A_263 = arith.constant 0 : i32
        %dma_start3A_264 = tpu.memref_slice %arg11[%dma_start3A_262, %dma_start3A_263] : memref<10112x128xf32, #tpu.memory_space<vmem_shared>> -> memref<10112x128xf32, #tpu.memory_space<vmem_shared>>
        tpu.enqueue_indirect_dma source(%arg9 : memref<128x128xf32, #tpu.memory_space<vmem>>) target(%dma_start3A_264 : memref<10112x128xf32, #tpu.memory_space<vmem_shared>>) offsets(%dma_start3A_261 : memref<128xi32, #tpu.memory_space<vmem>>) semaphore(%run_scoped3A_258 : memref<!tpu.dma_semaphore, #tpu.memory_space<semaphore_mem>>) {add = true}
        %dma_wait3A_265 = arith.constant 0 : i32
        %dma_wait3A_266 = tpu.memref_slice %arg8[%run_scoped3A_129, %dma_wait3A_265] : memref<16x128xi32, #tpu.memory_space<vmem>> -> memref<1x128xi32, #tpu.memory_space<vmem>>
        %dma_wait3A_267 = tpu.memref_squeeze %dma_wait3A_266 : memref<1x128xi32, #tpu.memory_space<vmem>> -> memref<128xi32, #tpu.memory_space<vmem>>
        %dma_wait3A_268 = arith.constant 0 : i32
        %dma_wait3A_269 = arith.constant 0 : i32
        %dma_wait3A_270 = tpu.memref_slice %arg11[%dma_wait3A_268, %dma_wait3A_269] : memref<10112x128xf32, #tpu.memory_space<vmem_shared>> -> memref<10112x128xf32, #tpu.memory_space<vmem_shared>>
        tpu.wait_indirect_dma semaphore(%run_scoped3A_258 : memref<!tpu.dma_semaphore, #tpu.memory_space<semaphore_mem>>) src(%arg9 : memref<128x128xf32, #tpu.memory_space<vmem>>) dst(%dma_wait3A_270 : memref<10112x128xf32, #tpu.memory_space<vmem_shared>>)
        tpu.yield
      }) : () -> ()
      %dma_start3A_130 = arith.constant 8 : i32
      %dma_start3A_131 = arith.constant 0 : i32
      %dma_start3A_132 = tpu.memref_slice %arg7[%dma_start3A_130, %dma_start3A_131] : memref<16x128xi32, #tpu.memory_space<vmem>> -> memref<1x128xi32, #tpu.memory_space<vmem>>
      %dma_start3A_133 = tpu.memref_squeeze %dma_start3A_132 : memref<1x128xi32, #tpu.memory_space<vmem>> -> memref<128xi32, #tpu.memory_space<vmem>>
      %dma_start3A_134 = arith.constant 0 : i32
      %dma_start3A_135 = arith.constant 0 : i32
      %dma_start3A_136 = tpu.memref_slice %arg2[%dma_start3A_134, %dma_start3A_135] : memref<10000x128xf32, #tpu.memory_space<hbm>> -> memref<10000x128xf32, #tpu.memory_space<hbm>>
      tpu.enqueue_indirect_dma source(%dma_start3A_136 : memref<10000x128xf32, #tpu.memory_space<hbm>>) target(%arg9 : memref<128x128xf32, #tpu.memory_space<vmem>>) offsets(%dma_start3A_133 : memref<128xi32, #tpu.memory_space<vmem>>) semaphore(%arg12 : memref<!tpu.dma_semaphore, #tpu.memory_space<semaphore_mem>>)
      %dma_wait3A_137 = arith.constant 7 : i32
      %dma_wait3A_138 = arith.constant 0 : i32
      %dma_wait3A_139 = tpu.memref_slice %arg7[%dma_wait3A_137, %dma_wait3A_138] : memref<16x128xi32, #tpu.memory_space<vmem>> -> memref<1x128xi32, #tpu.memory_space<vmem>>
      %dma_wait3A_140 = tpu.memref_squeeze %dma_wait3A_139 : memref<1x128xi32, #tpu.memory_space<vmem>> -> memref<128xi32, #tpu.memory_space<vmem>>
      %dma_wait3A_141 = arith.constant 0 : i32
      %dma_wait3A_142 = arith.constant 0 : i32
      %dma_wait3A_143 = tpu.memref_slice %arg2[%dma_wait3A_141, %dma_wait3A_142] : memref<10000x128xf32, #tpu.memory_space<hbm>> -> memref<10000x128xf32, #tpu.memory_space<hbm>>
      tpu.wait_indirect_dma semaphore(%arg13 : memref<!tpu.dma_semaphore, #tpu.memory_space<semaphore_mem>>) src(%dma_wait3A_143 : memref<10000x128xf32, #tpu.memory_space<hbm>>) dst(%arg10 : memref<128x128xf32, #tpu.memory_space<vmem>>)
      %run_scoped3A_144 = arith.constant 7 : i32
      "tpu.region"() ({
        %run_scoped3A_258 = tpu.sem_alloc : memref<!tpu.dma_semaphore, #tpu.memory_space<semaphore_mem>>
        %dma_start3A_259 = arith.constant 0 : i32
        %dma_start3A_260 = tpu.memref_slice %arg8[%run_scoped3A_144, %dma_start3A_259] : memref<16x128xi32, #tpu.memory_space<vmem>> -> memref<1x128xi32, #tpu.memory_space<vmem>>
        %dma_start3A_261 = tpu.memref_squeeze %dma_start3A_260 : memref<1x128xi32, #tpu.memory_space<vmem>> -> memref<128xi32, #tpu.memory_space<vmem>>
        %dma_start3A_262 = arith.constant 0 : i32
        %dma_start3A_263 = arith.constant 0 : i32
        %dma_start3A_264 = tpu.memref_slice %arg11[%dma_start3A_262, %dma_start3A_263] : memref<10112x128xf32, #tpu.memory_space<vmem_shared>> -> memref<10112x128xf32, #tpu.memory_space<vmem_shared>>
        tpu.enqueue_indirect_dma source(%arg10 : memref<128x128xf32, #tpu.memory_space<vmem>>) target(%dma_start3A_264 : memref<10112x128xf32, #tpu.memory_space<vmem_shared>>) offsets(%dma_start3A_261 : memref<128xi32, #tpu.memory_space<vmem>>) semaphore(%run_scoped3A_258 : memref<!tpu.dma_semaphore, #tpu.memory_space<semaphore_mem>>) {add = true}
        %dma_wait3A_265 = arith.constant 0 : i32
        %dma_wait3A_266 = tpu.memref_slice %arg8[%run_scoped3A_144, %dma_wait3A_265] : memref<16x128xi32, #tpu.memory_space<vmem>> -> memref<1x128xi32, #tpu.memory_space<vmem>>
        %dma_wait3A_267 = tpu.memref_squeeze %dma_wait3A_266 : memref<1x128xi32, #tpu.memory_space<vmem>> -> memref<128xi32, #tpu.memory_space<vmem>>
        %dma_wait3A_268 = arith.constant 0 : i32
        %dma_wait3A_269 = arith.constant 0 : i32
        %dma_wait3A_270 = tpu.memref_slice %arg11[%dma_wait3A_268, %dma_wait3A_269] : memref<10112x128xf32, #tpu.memory_space<vmem_shared>> -> memref<10112x128xf32, #tpu.memory_space<vmem_shared>>
        tpu.wait_indirect_dma semaphore(%run_scoped3A_258 : memref<!tpu.dma_semaphore, #tpu.memory_space<semaphore_mem>>) src(%arg10 : memref<128x128xf32, #tpu.memory_space<vmem>>) dst(%dma_wait3A_270 : memref<10112x128xf32, #tpu.memory_space<vmem_shared>>)
        tpu.yield
      }) : () -> ()
      %dma_start3A_145 = arith.constant 9 : i32
      %dma_start3A_146 = arith.constant 0 : i32
      %dma_start3A_147 = tpu.memref_slice %arg7[%dma_start3A_145, %dma_start3A_146] : memref<16x128xi32, #tpu.memory_space<vmem>> -> memref<1x128xi32, #tpu.memory_space<vmem>>
      %dma_start3A_148 = tpu.memref_squeeze %dma_start3A_147 : memref<1x128xi32, #tpu.memory_space<vmem>> -> memref<128xi32, #tpu.memory_space<vmem>>
      %dma_start3A_149 = arith.constant 0 : i32
      %dma_start3A_150 = arith.constant 0 : i32
      %dma_start3A_151 = tpu.memref_slice %arg2[%dma_start3A_149, %dma_start3A_150] : memref<10000x128xf32, #tpu.memory_space<hbm>> -> memref<10000x128xf32, #tpu.memory_space<hbm>>
      tpu.enqueue_indirect_dma source(%dma_start3A_151 : memref<10000x128xf32, #tpu.memory_space<hbm>>) target(%arg10 : memref<128x128xf32, #tpu.memory_space<vmem>>) offsets(%dma_start3A_148 : memref<128xi32, #tpu.memory_space<vmem>>) semaphore(%arg13 : memref<!tpu.dma_semaphore, #tpu.memory_space<semaphore_mem>>)
      %dma_wait3A_152 = arith.constant 8 : i32
      %dma_wait3A_153 = arith.constant 0 : i32
      %dma_wait3A_154 = tpu.memref_slice %arg7[%dma_wait3A_152, %dma_wait3A_153] : memref<16x128xi32, #tpu.memory_space<vmem>> -> memref<1x128xi32, #tpu.memory_space<vmem>>
      %dma_wait3A_155 = tpu.memref_squeeze %dma_wait3A_154 : memref<1x128xi32, #tpu.memory_space<vmem>> -> memref<128xi32, #tpu.memory_space<vmem>>
      %dma_wait3A_156 = arith.constant 0 : i32
      %dma_wait3A_157 = arith.constant 0 : i32
      %dma_wait3A_158 = tpu.memref_slice %arg2[%dma_wait3A_156, %dma_wait3A_157] : memref<10000x128xf32, #tpu.memory_space<hbm>> -> memref<10000x128xf32, #tpu.memory_space<hbm>>
      tpu.wait_indirect_dma semaphore(%arg12 : memref<!tpu.dma_semaphore, #tpu.memory_space<semaphore_mem>>) src(%dma_wait3A_158 : memref<10000x128xf32, #tpu.memory_space<hbm>>) dst(%arg9 : memref<128x128xf32, #tpu.memory_space<vmem>>)
      %run_scoped3A_159 = arith.constant 8 : i32
      "tpu.region"() ({
        %run_scoped3A_258 = tpu.sem_alloc : memref<!tpu.dma_semaphore, #tpu.memory_space<semaphore_mem>>
        %dma_start3A_259 = arith.constant 0 : i32
        %dma_start3A_260 = tpu.memref_slice %arg8[%run_scoped3A_159, %dma_start3A_259] : memref<16x128xi32, #tpu.memory_space<vmem>> -> memref<1x128xi32, #tpu.memory_space<vmem>>
        %dma_start3A_261 = tpu.memref_squeeze %dma_start3A_260 : memref<1x128xi32, #tpu.memory_space<vmem>> -> memref<128xi32, #tpu.memory_space<vmem>>
        %dma_start3A_262 = arith.constant 0 : i32
        %dma_start3A_263 = arith.constant 0 : i32
        %dma_start3A_264 = tpu.memref_slice %arg11[%dma_start3A_262, %dma_start3A_263] : memref<10112x128xf32, #tpu.memory_space<vmem_shared>> -> memref<10112x128xf32, #tpu.memory_space<vmem_shared>>
        tpu.enqueue_indirect_dma source(%arg9 : memref<128x128xf32, #tpu.memory_space<vmem>>) target(%dma_start3A_264 : memref<10112x128xf32, #tpu.memory_space<vmem_shared>>) offsets(%dma_start3A_261 : memref<128xi32, #tpu.memory_space<vmem>>) semaphore(%run_scoped3A_258 : memref<!tpu.dma_semaphore, #tpu.memory_space<semaphore_mem>>) {add = true}
        %dma_wait3A_265 = arith.constant 0 : i32
        %dma_wait3A_266 = tpu.memref_slice %arg8[%run_scoped3A_159, %dma_wait3A_265] : memref<16x128xi32, #tpu.memory_space<vmem>> -> memref<1x128xi32, #tpu.memory_space<vmem>>
        %dma_wait3A_267 = tpu.memref_squeeze %dma_wait3A_266 : memref<1x128xi32, #tpu.memory_space<vmem>> -> memref<128xi32, #tpu.memory_space<vmem>>
        %dma_wait3A_268 = arith.constant 0 : i32
        %dma_wait3A_269 = arith.constant 0 : i32
        %dma_wait3A_270 = tpu.memref_slice %arg11[%dma_wait3A_268, %dma_wait3A_269] : memref<10112x128xf32, #tpu.memory_space<vmem_shared>> -> memref<10112x128xf32, #tpu.memory_space<vmem_shared>>
        tpu.wait_indirect_dma semaphore(%run_scoped3A_258 : memref<!tpu.dma_semaphore, #tpu.memory_space<semaphore_mem>>) src(%arg9 : memref<128x128xf32, #tpu.memory_space<vmem>>) dst(%dma_wait3A_270 : memref<10112x128xf32, #tpu.memory_space<vmem_shared>>)
        tpu.yield
      }) : () -> ()
      %dma_start3A_160 = arith.constant 10 : i32
      %dma_start3A_161 = arith.constant 0 : i32
      %dma_start3A_162 = tpu.memref_slice %arg7[%dma_start3A_160, %dma_start3A_161] : memref<16x128xi32, #tpu.memory_space<vmem>> -> memref<1x128xi32, #tpu.memory_space<vmem>>
      %dma_start3A_163 = tpu.memref_squeeze %dma_start3A_162 : memref<1x128xi32, #tpu.memory_space<vmem>> -> memref<128xi32, #tpu.memory_space<vmem>>
      %dma_start3A_164 = arith.constant 0 : i32
      %dma_start3A_165 = arith.constant 0 : i32
      %dma_start3A_166 = tpu.memref_slice %arg2[%dma_start3A_164, %dma_start3A_165] : memref<10000x128xf32, #tpu.memory_space<hbm>> -> memref<10000x128xf32, #tpu.memory_space<hbm>>
      tpu.enqueue_indirect_dma source(%dma_start3A_166 : memref<10000x128xf32, #tpu.memory_space<hbm>>) target(%arg9 : memref<128x128xf32, #tpu.memory_space<vmem>>) offsets(%dma_start3A_163 : memref<128xi32, #tpu.memory_space<vmem>>) semaphore(%arg12 : memref<!tpu.dma_semaphore, #tpu.memory_space<semaphore_mem>>)
      %dma_wait3A_167 = arith.constant 9 : i32
      %dma_wait3A_168 = arith.constant 0 : i32
      %dma_wait3A_169 = tpu.memref_slice %arg7[%dma_wait3A_167, %dma_wait3A_168] : memref<16x128xi32, #tpu.memory_space<vmem>> -> memref<1x128xi32, #tpu.memory_space<vmem>>
      %dma_wait3A_170 = tpu.memref_squeeze %dma_wait3A_169 : memref<1x128xi32, #tpu.memory_space<vmem>> -> memref<128xi32, #tpu.memory_space<vmem>>
      %dma_wait3A_171 = arith.constant 0 : i32
      %dma_wait3A_172 = arith.constant 0 : i32
      %dma_wait3A_173 = tpu.memref_slice %arg2[%dma_wait3A_171, %dma_wait3A_172] : memref<10000x128xf32, #tpu.memory_space<hbm>> -> memref<10000x128xf32, #tpu.memory_space<hbm>>
      tpu.wait_indirect_dma semaphore(%arg13 : memref<!tpu.dma_semaphore, #tpu.memory_space<semaphore_mem>>) src(%dma_wait3A_173 : memref<10000x128xf32, #tpu.memory_space<hbm>>) dst(%arg10 : memref<128x128xf32, #tpu.memory_space<vmem>>)
      %run_scoped3A_174 = arith.constant 9 : i32
      "tpu.region"() ({
        %run_scoped3A_258 = tpu.sem_alloc : memref<!tpu.dma_semaphore, #tpu.memory_space<semaphore_mem>>
        %dma_start3A_259 = arith.constant 0 : i32
        %dma_start3A_260 = tpu.memref_slice %arg8[%run_scoped3A_174, %dma_start3A_259] : memref<16x128xi32, #tpu.memory_space<vmem>> -> memref<1x128xi32, #tpu.memory_space<vmem>>
        %dma_start3A_261 = tpu.memref_squeeze %dma_start3A_260 : memref<1x128xi32, #tpu.memory_space<vmem>> -> memref<128xi32, #tpu.memory_space<vmem>>
        %dma_start3A_262 = arith.constant 0 : i32
        %dma_start3A_263 = arith.constant 0 : i32
        %dma_start3A_264 = tpu.memref_slice %arg11[%dma_start3A_262, %dma_start3A_263] : memref<10112x128xf32, #tpu.memory_space<vmem_shared>> -> memref<10112x128xf32, #tpu.memory_space<vmem_shared>>
        tpu.enqueue_indirect_dma source(%arg10 : memref<128x128xf32, #tpu.memory_space<vmem>>) target(%dma_start3A_264 : memref<10112x128xf32, #tpu.memory_space<vmem_shared>>) offsets(%dma_start3A_261 : memref<128xi32, #tpu.memory_space<vmem>>) semaphore(%run_scoped3A_258 : memref<!tpu.dma_semaphore, #tpu.memory_space<semaphore_mem>>) {add = true}
        %dma_wait3A_265 = arith.constant 0 : i32
        %dma_wait3A_266 = tpu.memref_slice %arg8[%run_scoped3A_174, %dma_wait3A_265] : memref<16x128xi32, #tpu.memory_space<vmem>> -> memref<1x128xi32, #tpu.memory_space<vmem>>
        %dma_wait3A_267 = tpu.memref_squeeze %dma_wait3A_266 : memref<1x128xi32, #tpu.memory_space<vmem>> -> memref<128xi32, #tpu.memory_space<vmem>>
        %dma_wait3A_268 = arith.constant 0 : i32
        %dma_wait3A_269 = arith.constant 0 : i32
        %dma_wait3A_270 = tpu.memref_slice %arg11[%dma_wait3A_268, %dma_wait3A_269] : memref<10112x128xf32, #tpu.memory_space<vmem_shared>> -> memref<10112x128xf32, #tpu.memory_space<vmem_shared>>
        tpu.wait_indirect_dma semaphore(%run_scoped3A_258 : memref<!tpu.dma_semaphore, #tpu.memory_space<semaphore_mem>>) src(%arg10 : memref<128x128xf32, #tpu.memory_space<vmem>>) dst(%dma_wait3A_270 : memref<10112x128xf32, #tpu.memory_space<vmem_shared>>)
        tpu.yield
      }) : () -> ()
      %dma_start3A_175 = arith.constant 11 : i32
      %dma_start3A_176 = arith.constant 0 : i32
      %dma_start3A_177 = tpu.memref_slice %arg7[%dma_start3A_175, %dma_start3A_176] : memref<16x128xi32, #tpu.memory_space<vmem>> -> memref<1x128xi32, #tpu.memory_space<vmem>>
      %dma_start3A_178 = tpu.memref_squeeze %dma_start3A_177 : memref<1x128xi32, #tpu.memory_space<vmem>> -> memref<128xi32, #tpu.memory_space<vmem>>
      %dma_start3A_179 = arith.constant 0 : i32
      %dma_start3A_180 = arith.constant 0 : i32
      %dma_start3A_181 = tpu.memref_slice %arg2[%dma_start3A_179, %dma_start3A_180] : memref<10000x128xf32, #tpu.memory_space<hbm>> -> memref<10000x128xf32, #tpu.memory_space<hbm>>
      tpu.enqueue_indirect_dma source(%dma_start3A_181 : memref<10000x128xf32, #tpu.memory_space<hbm>>) target(%arg10 : memref<128x128xf32, #tpu.memory_space<vmem>>) offsets(%dma_start3A_178 : memref<128xi32, #tpu.memory_space<vmem>>) semaphore(%arg13 : memref<!tpu.dma_semaphore, #tpu.memory_space<semaphore_mem>>)
      %dma_wait3A_182 = arith.constant 10 : i32
      %dma_wait3A_183 = arith.constant 0 : i32
      %dma_wait3A_184 = tpu.memref_slice %arg7[%dma_wait3A_182, %dma_wait3A_183] : memref<16x128xi32, #tpu.memory_space<vmem>> -> memref<1x128xi32, #tpu.memory_space<vmem>>
      %dma_wait3A_185 = tpu.memref_squeeze %dma_wait3A_184 : memref<1x128xi32, #tpu.memory_space<vmem>> -> memref<128xi32, #tpu.memory_space<vmem>>
      %dma_wait3A_186 = arith.constant 0 : i32
      %dma_wait3A_187 = arith.constant 0 : i32
      %dma_wait3A_188 = tpu.memref_slice %arg2[%dma_wait3A_186, %dma_wait3A_187] : memref<10000x128xf32, #tpu.memory_space<hbm>> -> memref<10000x128xf32, #tpu.memory_space<hbm>>
      tpu.wait_indirect_dma semaphore(%arg12 : memref<!tpu.dma_semaphore, #tpu.memory_space<semaphore_mem>>) src(%dma_wait3A_188 : memref<10000x128xf32, #tpu.memory_space<hbm>>) dst(%arg9 : memref<128x128xf32, #tpu.memory_space<vmem>>)
      %run_scoped3A_189 = arith.constant 10 : i32
      "tpu.region"() ({
        %run_scoped3A_258 = tpu.sem_alloc : memref<!tpu.dma_semaphore, #tpu.memory_space<semaphore_mem>>
        %dma_start3A_259 = arith.constant 0 : i32
        %dma_start3A_260 = tpu.memref_slice %arg8[%run_scoped3A_189, %dma_start3A_259] : memref<16x128xi32, #tpu.memory_space<vmem>> -> memref<1x128xi32, #tpu.memory_space<vmem>>
        %dma_start3A_261 = tpu.memref_squeeze %dma_start3A_260 : memref<1x128xi32, #tpu.memory_space<vmem>> -> memref<128xi32, #tpu.memory_space<vmem>>
        %dma_start3A_262 = arith.constant 0 : i32
        %dma_start3A_263 = arith.constant 0 : i32
        %dma_start3A_264 = tpu.memref_slice %arg11[%dma_start3A_262, %dma_start3A_263] : memref<10112x128xf32, #tpu.memory_space<vmem_shared>> -> memref<10112x128xf32, #tpu.memory_space<vmem_shared>>
        tpu.enqueue_indirect_dma source(%arg9 : memref<128x128xf32, #tpu.memory_space<vmem>>) target(%dma_start3A_264 : memref<10112x128xf32, #tpu.memory_space<vmem_shared>>) offsets(%dma_start3A_261 : memref<128xi32, #tpu.memory_space<vmem>>) semaphore(%run_scoped3A_258 : memref<!tpu.dma_semaphore, #tpu.memory_space<semaphore_mem>>) {add = true}
        %dma_wait3A_265 = arith.constant 0 : i32
        %dma_wait3A_266 = tpu.memref_slice %arg8[%run_scoped3A_189, %dma_wait3A_265] : memref<16x128xi32, #tpu.memory_space<vmem>> -> memref<1x128xi32, #tpu.memory_space<vmem>>
        %dma_wait3A_267 = tpu.memref_squeeze %dma_wait3A_266 : memref<1x128xi32, #tpu.memory_space<vmem>> -> memref<128xi32, #tpu.memory_space<vmem>>
        %dma_wait3A_268 = arith.constant 0 : i32
        %dma_wait3A_269 = arith.constant 0 : i32
        %dma_wait3A_270 = tpu.memref_slice %arg11[%dma_wait3A_268, %dma_wait3A_269] : memref<10112x128xf32, #tpu.memory_space<vmem_shared>> -> memref<10112x128xf32, #tpu.memory_space<vmem_shared>>
        tpu.wait_indirect_dma semaphore(%run_scoped3A_258 : memref<!tpu.dma_semaphore, #tpu.memory_space<semaphore_mem>>) src(%arg9 : memref<128x128xf32, #tpu.memory_space<vmem>>) dst(%dma_wait3A_270 : memref<10112x128xf32, #tpu.memory_space<vmem_shared>>)
        tpu.yield
      }) : () -> ()
      %dma_start3A_190 = arith.constant 12 : i32
      %dma_start3A_191 = arith.constant 0 : i32
      %dma_start3A_192 = tpu.memref_slice %arg7[%dma_start3A_190, %dma_start3A_191] : memref<16x128xi32, #tpu.memory_space<vmem>> -> memref<1x128xi32, #tpu.memory_space<vmem>>
      %dma_start3A_193 = tpu.memref_squeeze %dma_start3A_192 : memref<1x128xi32, #tpu.memory_space<vmem>> -> memref<128xi32, #tpu.memory_space<vmem>>
      %dma_start3A_194 = arith.constant 0 : i32
      %dma_start3A_195 = arith.constant 0 : i32
      %dma_start3A_196 = tpu.memref_slice %arg2[%dma_start3A_194, %dma_start3A_195] : memref<10000x128xf32, #tpu.memory_space<hbm>> -> memref<10000x128xf32, #tpu.memory_space<hbm>>
      tpu.enqueue_indirect_dma source(%dma_start3A_196 : memref<10000x128xf32, #tpu.memory_space<hbm>>) target(%arg9 : memref<128x128xf32, #tpu.memory_space<vmem>>) offsets(%dma_start3A_193 : memref<128xi32, #tpu.memory_space<vmem>>) semaphore(%arg12 : memref<!tpu.dma_semaphore, #tpu.memory_space<semaphore_mem>>)
      %dma_wait3A_197 = arith.constant 11 : i32
      %dma_wait3A_198 = arith.constant 0 : i32
      %dma_wait3A_199 = tpu.memref_slice %arg7[%dma_wait3A_197, %dma_wait3A_198] : memref<16x128xi32, #tpu.memory_space<vmem>> -> memref<1x128xi32, #tpu.memory_space<vmem>>
      %dma_wait3A_200 = tpu.memref_squeeze %dma_wait3A_199 : memref<1x128xi32, #tpu.memory_space<vmem>> -> memref<128xi32, #tpu.memory_space<vmem>>
      %dma_wait3A_201 = arith.constant 0 : i32
      %dma_wait3A_202 = arith.constant 0 : i32
      %dma_wait3A_203 = tpu.memref_slice %arg2[%dma_wait3A_201, %dma_wait3A_202] : memref<10000x128xf32, #tpu.memory_space<hbm>> -> memref<10000x128xf32, #tpu.memory_space<hbm>>
      tpu.wait_indirect_dma semaphore(%arg13 : memref<!tpu.dma_semaphore, #tpu.memory_space<semaphore_mem>>) src(%dma_wait3A_203 : memref<10000x128xf32, #tpu.memory_space<hbm>>) dst(%arg10 : memref<128x128xf32, #tpu.memory_space<vmem>>)
      %run_scoped3A_204 = arith.constant 11 : i32
      "tpu.region"() ({
        %run_scoped3A_258 = tpu.sem_alloc : memref<!tpu.dma_semaphore, #tpu.memory_space<semaphore_mem>>
        %dma_start3A_259 = arith.constant 0 : i32
        %dma_start3A_260 = tpu.memref_slice %arg8[%run_scoped3A_204, %dma_start3A_259] : memref<16x128xi32, #tpu.memory_space<vmem>> -> memref<1x128xi32, #tpu.memory_space<vmem>>
        %dma_start3A_261 = tpu.memref_squeeze %dma_start3A_260 : memref<1x128xi32, #tpu.memory_space<vmem>> -> memref<128xi32, #tpu.memory_space<vmem>>
        %dma_start3A_262 = arith.constant 0 : i32
        %dma_start3A_263 = arith.constant 0 : i32
        %dma_start3A_264 = tpu.memref_slice %arg11[%dma_start3A_262, %dma_start3A_263] : memref<10112x128xf32, #tpu.memory_space<vmem_shared>> -> memref<10112x128xf32, #tpu.memory_space<vmem_shared>>
        tpu.enqueue_indirect_dma source(%arg10 : memref<128x128xf32, #tpu.memory_space<vmem>>) target(%dma_start3A_264 : memref<10112x128xf32, #tpu.memory_space<vmem_shared>>) offsets(%dma_start3A_261 : memref<128xi32, #tpu.memory_space<vmem>>) semaphore(%run_scoped3A_258 : memref<!tpu.dma_semaphore, #tpu.memory_space<semaphore_mem>>) {add = true}
        %dma_wait3A_265 = arith.constant 0 : i32
        %dma_wait3A_266 = tpu.memref_slice %arg8[%run_scoped3A_204, %dma_wait3A_265] : memref<16x128xi32, #tpu.memory_space<vmem>> -> memref<1x128xi32, #tpu.memory_space<vmem>>
        %dma_wait3A_267 = tpu.memref_squeeze %dma_wait3A_266 : memref<1x128xi32, #tpu.memory_space<vmem>> -> memref<128xi32, #tpu.memory_space<vmem>>
        %dma_wait3A_268 = arith.constant 0 : i32
        %dma_wait3A_269 = arith.constant 0 : i32
        %dma_wait3A_270 = tpu.memref_slice %arg11[%dma_wait3A_268, %dma_wait3A_269] : memref<10112x128xf32, #tpu.memory_space<vmem_shared>> -> memref<10112x128xf32, #tpu.memory_space<vmem_shared>>
        tpu.wait_indirect_dma semaphore(%run_scoped3A_258 : memref<!tpu.dma_semaphore, #tpu.memory_space<semaphore_mem>>) src(%arg10 : memref<128x128xf32, #tpu.memory_space<vmem>>) dst(%dma_wait3A_270 : memref<10112x128xf32, #tpu.memory_space<vmem_shared>>)
        tpu.yield
      }) : () -> ()
      %dma_start3A_205 = arith.constant 13 : i32
      %dma_start3A_206 = arith.constant 0 : i32
      %dma_start3A_207 = tpu.memref_slice %arg7[%dma_start3A_205, %dma_start3A_206] : memref<16x128xi32, #tpu.memory_space<vmem>> -> memref<1x128xi32, #tpu.memory_space<vmem>>
      %dma_start3A_208 = tpu.memref_squeeze %dma_start3A_207 : memref<1x128xi32, #tpu.memory_space<vmem>> -> memref<128xi32, #tpu.memory_space<vmem>>
      %dma_start3A_209 = arith.constant 0 : i32
      %dma_start3A_210 = arith.constant 0 : i32
      %dma_start3A_211 = tpu.memref_slice %arg2[%dma_start3A_209, %dma_start3A_210] : memref<10000x128xf32, #tpu.memory_space<hbm>> -> memref<10000x128xf32, #tpu.memory_space<hbm>>
      tpu.enqueue_indirect_dma source(%dma_start3A_211 : memref<10000x128xf32, #tpu.memory_space<hbm>>) target(%arg10 : memref<128x128xf32, #tpu.memory_space<vmem>>) offsets(%dma_start3A_208 : memref<128xi32, #tpu.memory_space<vmem>>) semaphore(%arg13 : memref<!tpu.dma_semaphore, #tpu.memory_space<semaphore_mem>>)
      %dma_wait3A_212 = arith.constant 12 : i32
      %dma_wait3A_213 = arith.constant 0 : i32
      %dma_wait3A_214 = tpu.memref_slice %arg7[%dma_wait3A_212, %dma_wait3A_213] : memref<16x128xi32, #tpu.memory_space<vmem>> -> memref<1x128xi32, #tpu.memory_space<vmem>>
      %dma_wait3A_215 = tpu.memref_squeeze %dma_wait3A_214 : memref<1x128xi32, #tpu.memory_space<vmem>> -> memref<128xi32, #tpu.memory_space<vmem>>
      %dma_wait3A_216 = arith.constant 0 : i32
      %dma_wait3A_217 = arith.constant 0 : i32
      %dma_wait3A_218 = tpu.memref_slice %arg2[%dma_wait3A_216, %dma_wait3A_217] : memref<10000x128xf32, #tpu.memory_space<hbm>> -> memref<10000x128xf32, #tpu.memory_space<hbm>>
      tpu.wait_indirect_dma semaphore(%arg12 : memref<!tpu.dma_semaphore, #tpu.memory_space<semaphore_mem>>) src(%dma_wait3A_218 : memref<10000x128xf32, #tpu.memory_space<hbm>>) dst(%arg9 : memref<128x128xf32, #tpu.memory_space<vmem>>)
      %run_scoped3A_219 = arith.constant 12 : i32
      "tpu.region"() ({
        %run_scoped3A_258 = tpu.sem_alloc : memref<!tpu.dma_semaphore, #tpu.memory_space<semaphore_mem>>
        %dma_start3A_259 = arith.constant 0 : i32
        %dma_start3A_260 = tpu.memref_slice %arg8[%run_scoped3A_219, %dma_start3A_259] : memref<16x128xi32, #tpu.memory_space<vmem>> -> memref<1x128xi32, #tpu.memory_space<vmem>>
        %dma_start3A_261 = tpu.memref_squeeze %dma_start3A_260 : memref<1x128xi32, #tpu.memory_space<vmem>> -> memref<128xi32, #tpu.memory_space<vmem>>
        %dma_start3A_262 = arith.constant 0 : i32
        %dma_start3A_263 = arith.constant 0 : i32
        %dma_start3A_264 = tpu.memref_slice %arg11[%dma_start3A_262, %dma_start3A_263] : memref<10112x128xf32, #tpu.memory_space<vmem_shared>> -> memref<10112x128xf32, #tpu.memory_space<vmem_shared>>
        tpu.enqueue_indirect_dma source(%arg9 : memref<128x128xf32, #tpu.memory_space<vmem>>) target(%dma_start3A_264 : memref<10112x128xf32, #tpu.memory_space<vmem_shared>>) offsets(%dma_start3A_261 : memref<128xi32, #tpu.memory_space<vmem>>) semaphore(%run_scoped3A_258 : memref<!tpu.dma_semaphore, #tpu.memory_space<semaphore_mem>>) {add = true}
        %dma_wait3A_265 = arith.constant 0 : i32
        %dma_wait3A_266 = tpu.memref_slice %arg8[%run_scoped3A_219, %dma_wait3A_265] : memref<16x128xi32, #tpu.memory_space<vmem>> -> memref<1x128xi32, #tpu.memory_space<vmem>>
        %dma_wait3A_267 = tpu.memref_squeeze %dma_wait3A_266 : memref<1x128xi32, #tpu.memory_space<vmem>> -> memref<128xi32, #tpu.memory_space<vmem>>
        %dma_wait3A_268 = arith.constant 0 : i32
        %dma_wait3A_269 = arith.constant 0 : i32
        %dma_wait3A_270 = tpu.memref_slice %arg11[%dma_wait3A_268, %dma_wait3A_269] : memref<10112x128xf32, #tpu.memory_space<vmem_shared>> -> memref<10112x128xf32, #tpu.memory_space<vmem_shared>>
        tpu.wait_indirect_dma semaphore(%run_scoped3A_258 : memref<!tpu.dma_semaphore, #tpu.memory_space<semaphore_mem>>) src(%arg9 : memref<128x128xf32, #tpu.memory_space<vmem>>) dst(%dma_wait3A_270 : memref<10112x128xf32, #tpu.memory_space<vmem_shared>>)
        tpu.yield
      }) : () -> ()
      %dma_start3A_220 = arith.constant 14 : i32
      %dma_start3A_221 = arith.constant 0 : i32
      %dma_start3A_222 = tpu.memref_slice %arg7[%dma_start3A_220, %dma_start3A_221] : memref<16x128xi32, #tpu.memory_space<vmem>> -> memref<1x128xi32, #tpu.memory_space<vmem>>
      %dma_start3A_223 = tpu.memref_squeeze %dma_start3A_222 : memref<1x128xi32, #tpu.memory_space<vmem>> -> memref<128xi32, #tpu.memory_space<vmem>>
      %dma_start3A_224 = arith.constant 0 : i32
      %dma_start3A_225 = arith.constant 0 : i32
      %dma_start3A_226 = tpu.memref_slice %arg2[%dma_start3A_224, %dma_start3A_225] : memref<10000x128xf32, #tpu.memory_space<hbm>> -> memref<10000x128xf32, #tpu.memory_space<hbm>>
      tpu.enqueue_indirect_dma source(%dma_start3A_226 : memref<10000x128xf32, #tpu.memory_space<hbm>>) target(%arg9 : memref<128x128xf32, #tpu.memory_space<vmem>>) offsets(%dma_start3A_223 : memref<128xi32, #tpu.memory_space<vmem>>) semaphore(%arg12 : memref<!tpu.dma_semaphore, #tpu.memory_space<semaphore_mem>>)
      %dma_wait3A_227 = arith.constant 13 : i32
      %dma_wait3A_228 = arith.constant 0 : i32
      %dma_wait3A_229 = tpu.memref_slice %arg7[%dma_wait3A_227, %dma_wait3A_228] : memref<16x128xi32, #tpu.memory_space<vmem>> -> memref<1x128xi32, #tpu.memory_space<vmem>>
      %dma_wait3A_230 = tpu.memref_squeeze %dma_wait3A_229 : memref<1x128xi32, #tpu.memory_space<vmem>> -> memref<128xi32, #tpu.memory_space<vmem>>
      %dma_wait3A_231 = arith.constant 0 : i32
      %dma_wait3A_232 = arith.constant 0 : i32
      %dma_wait3A_233 = tpu.memref_slice %arg2[%dma_wait3A_231, %dma_wait3A_232] : memref<10000x128xf32, #tpu.memory_space<hbm>> -> memref<10000x128xf32, #tpu.memory_space<hbm>>
      tpu.wait_indirect_dma semaphore(%arg13 : memref<!tpu.dma_semaphore, #tpu.memory_space<semaphore_mem>>) src(%dma_wait3A_233 : memref<10000x128xf32, #tpu.memory_space<hbm>>) dst(%arg10 : memref<128x128xf32, #tpu.memory_space<vmem>>)
      %run_scoped3A_234 = arith.constant 13 : i32
      "tpu.region"() ({
        %run_scoped3A_258 = tpu.sem_alloc : memref<!tpu.dma_semaphore, #tpu.memory_space<semaphore_mem>>
        %dma_start3A_259 = arith.constant 0 : i32
        %dma_start3A_260 = tpu.memref_slice %arg8[%run_scoped3A_234, %dma_start3A_259] : memref<16x128xi32, #tpu.memory_space<vmem>> -> memref<1x128xi32, #tpu.memory_space<vmem>>
        %dma_start3A_261 = tpu.memref_squeeze %dma_start3A_260 : memref<1x128xi32, #tpu.memory_space<vmem>> -> memref<128xi32, #tpu.memory_space<vmem>>
        %dma_start3A_262 = arith.constant 0 : i32
        %dma_start3A_263 = arith.constant 0 : i32
        %dma_start3A_264 = tpu.memref_slice %arg11[%dma_start3A_262, %dma_start3A_263] : memref<10112x128xf32, #tpu.memory_space<vmem_shared>> -> memref<10112x128xf32, #tpu.memory_space<vmem_shared>>
        tpu.enqueue_indirect_dma source(%arg10 : memref<128x128xf32, #tpu.memory_space<vmem>>) target(%dma_start3A_264 : memref<10112x128xf32, #tpu.memory_space<vmem_shared>>) offsets(%dma_start3A_261 : memref<128xi32, #tpu.memory_space<vmem>>) semaphore(%run_scoped3A_258 : memref<!tpu.dma_semaphore, #tpu.memory_space<semaphore_mem>>) {add = true}
        %dma_wait3A_265 = arith.constant 0 : i32
        %dma_wait3A_266 = tpu.memref_slice %arg8[%run_scoped3A_234, %dma_wait3A_265] : memref<16x128xi32, #tpu.memory_space<vmem>> -> memref<1x128xi32, #tpu.memory_space<vmem>>
        %dma_wait3A_267 = tpu.memref_squeeze %dma_wait3A_266 : memref<1x128xi32, #tpu.memory_space<vmem>> -> memref<128xi32, #tpu.memory_space<vmem>>
        %dma_wait3A_268 = arith.constant 0 : i32
        %dma_wait3A_269 = arith.constant 0 : i32
        %dma_wait3A_270 = tpu.memref_slice %arg11[%dma_wait3A_268, %dma_wait3A_269] : memref<10112x128xf32, #tpu.memory_space<vmem_shared>> -> memref<10112x128xf32, #tpu.memory_space<vmem_shared>>
        tpu.wait_indirect_dma semaphore(%run_scoped3A_258 : memref<!tpu.dma_semaphore, #tpu.memory_space<semaphore_mem>>) src(%arg10 : memref<128x128xf32, #tpu.memory_space<vmem>>) dst(%dma_wait3A_270 : memref<10112x128xf32, #tpu.memory_space<vmem_shared>>)
        tpu.yield
      }) : () -> ()
      %dma_start3A_235 = arith.constant 15 : i32
      %dma_start3A_236 = arith.constant 0 : i32
      %dma_start3A_237 = tpu.memref_slice %arg7[%dma_start3A_235, %dma_start3A_236] : memref<16x128xi32, #tpu.memory_space<vmem>> -> memref<1x128xi32, #tpu.memory_space<vmem>>
      %dma_start3A_238 = tpu.memref_squeeze %dma_start3A_237 : memref<1x128xi32, #tpu.memory_space<vmem>> -> memref<128xi32, #tpu.memory_space<vmem>>
      %dma_start3A_239 = arith.constant 0 : i32
      %dma_start3A_240 = arith.constant 0 : i32
      %dma_start3A_241 = tpu.memref_slice %arg2[%dma_start3A_239, %dma_start3A_240] : memref<10000x128xf32, #tpu.memory_space<hbm>> -> memref<10000x128xf32, #tpu.memory_space<hbm>>
      tpu.enqueue_indirect_dma source(%dma_start3A_241 : memref<10000x128xf32, #tpu.memory_space<hbm>>) target(%arg10 : memref<128x128xf32, #tpu.memory_space<vmem>>) offsets(%dma_start3A_238 : memref<128xi32, #tpu.memory_space<vmem>>) semaphore(%arg13 : memref<!tpu.dma_semaphore, #tpu.memory_space<semaphore_mem>>)
      %dma_wait3A_242 = arith.constant 14 : i32
      %dma_wait3A_243 = arith.constant 0 : i32
      %dma_wait3A_244 = tpu.memref_slice %arg7[%dma_wait3A_242, %dma_wait3A_243] : memref<16x128xi32, #tpu.memory_space<vmem>> -> memref<1x128xi32, #tpu.memory_space<vmem>>
      %dma_wait3A_245 = tpu.memref_squeeze %dma_wait3A_244 : memref<1x128xi32, #tpu.memory_space<vmem>> -> memref<128xi32, #tpu.memory_space<vmem>>
      %dma_wait3A_246 = arith.constant 0 : i32
      %dma_wait3A_247 = arith.constant 0 : i32
      %dma_wait3A_248 = tpu.memref_slice %arg2[%dma_wait3A_246, %dma_wait3A_247] : memref<10000x128xf32, #tpu.memory_space<hbm>> -> memref<10000x128xf32, #tpu.memory_space<hbm>>
      tpu.wait_indirect_dma semaphore(%arg12 : memref<!tpu.dma_semaphore, #tpu.memory_space<semaphore_mem>>) src(%dma_wait3A_248 : memref<10000x128xf32, #tpu.memory_space<hbm>>) dst(%arg9 : memref<128x128xf32, #tpu.memory_space<vmem>>)
      %run_scoped3A_249 = arith.constant 14 : i32
      "tpu.region"() ({
        %run_scoped3A_258 = tpu.sem_alloc : memref<!tpu.dma_semaphore, #tpu.memory_space<semaphore_mem>>
        %dma_start3A_259 = arith.constant 0 : i32
        %dma_start3A_260 = tpu.memref_slice %arg8[%run_scoped3A_249, %dma_start3A_259] : memref<16x128xi32, #tpu.memory_space<vmem>> -> memref<1x128xi32, #tpu.memory_space<vmem>>
        %dma_start3A_261 = tpu.memref_squeeze %dma_start3A_260 : memref<1x128xi32, #tpu.memory_space<vmem>> -> memref<128xi32, #tpu.memory_space<vmem>>
        %dma_start3A_262 = arith.constant 0 : i32
        %dma_start3A_263 = arith.constant 0 : i32
        %dma_start3A_264 = tpu.memref_slice %arg11[%dma_start3A_262, %dma_start3A_263] : memref<10112x128xf32, #tpu.memory_space<vmem_shared>> -> memref<10112x128xf32, #tpu.memory_space<vmem_shared>>
        tpu.enqueue_indirect_dma source(%arg9 : memref<128x128xf32, #tpu.memory_space<vmem>>) target(%dma_start3A_264 : memref<10112x128xf32, #tpu.memory_space<vmem_shared>>) offsets(%dma_start3A_261 : memref<128xi32, #tpu.memory_space<vmem>>) semaphore(%run_scoped3A_258 : memref<!tpu.dma_semaphore, #tpu.memory_space<semaphore_mem>>) {add = true}
        %dma_wait3A_265 = arith.constant 0 : i32
        %dma_wait3A_266 = tpu.memref_slice %arg8[%run_scoped3A_249, %dma_wait3A_265] : memref<16x128xi32, #tpu.memory_space<vmem>> -> memref<1x128xi32, #tpu.memory_space<vmem>>
        %dma_wait3A_267 = tpu.memref_squeeze %dma_wait3A_266 : memref<1x128xi32, #tpu.memory_space<vmem>> -> memref<128xi32, #tpu.memory_space<vmem>>
        %dma_wait3A_268 = arith.constant 0 : i32
        %dma_wait3A_269 = arith.constant 0 : i32
        %dma_wait3A_270 = tpu.memref_slice %arg11[%dma_wait3A_268, %dma_wait3A_269] : memref<10112x128xf32, #tpu.memory_space<vmem_shared>> -> memref<10112x128xf32, #tpu.memory_space<vmem_shared>>
        tpu.wait_indirect_dma semaphore(%run_scoped3A_258 : memref<!tpu.dma_semaphore, #tpu.memory_space<semaphore_mem>>) src(%arg9 : memref<128x128xf32, #tpu.memory_space<vmem>>) dst(%dma_wait3A_270 : memref<10112x128xf32, #tpu.memory_space<vmem_shared>>)
        tpu.yield
      }) : () -> ()
      %dma_wait3A_250 = arith.constant 15 : i32
      %dma_wait3A_251 = arith.constant 0 : i32
      %dma_wait3A_252 = tpu.memref_slice %arg7[%dma_wait3A_250, %dma_wait3A_251] : memref<16x128xi32, #tpu.memory_space<vmem>> -> memref<1x128xi32, #tpu.memory_space<vmem>>
      %dma_wait3A_253 = tpu.memref_squeeze %dma_wait3A_252 : memref<1x128xi32, #tpu.memory_space<vmem>> -> memref<128xi32, #tpu.memory_space<vmem>>
      %dma_wait3A_254 = arith.constant 0 : i32
      %dma_wait3A_255 = arith.constant 0 : i32
      %dma_wait3A_256 = tpu.memref_slice %arg2[%dma_wait3A_254, %dma_wait3A_255] : memref<10000x128xf32, #tpu.memory_space<hbm>> -> memref<10000x128xf32, #tpu.memory_space<hbm>>
      tpu.wait_indirect_dma semaphore(%arg13 : memref<!tpu.dma_semaphore, #tpu.memory_space<semaphore_mem>>) src(%dma_wait3A_256 : memref<10000x128xf32, #tpu.memory_space<hbm>>) dst(%arg10 : memref<128x128xf32, #tpu.memory_space<vmem>>)
      %run_scoped3A_257 = arith.constant 15 : i32
      "tpu.region"() ({
        %run_scoped3A_258 = tpu.sem_alloc : memref<!tpu.dma_semaphore, #tpu.memory_space<semaphore_mem>>
        %dma_start3A_259 = arith.constant 0 : i32
        %dma_start3A_260 = tpu.memref_slice %arg8[%run_scoped3A_257, %dma_start3A_259] : memref<16x128xi32, #tpu.memory_space<vmem>> -> memref<1x128xi32, #tpu.memory_space<vmem>>
        %dma_start3A_261 = tpu.memref_squeeze %dma_start3A_260 : memref<1x128xi32, #tpu.memory_space<vmem>> -> memref<128xi32, #tpu.memory_space<vmem>>
        %dma_start3A_262 = arith.constant 0 : i32
        %dma_start3A_263 = arith.constant 0 : i32
        %dma_start3A_264 = tpu.memref_slice %arg11[%dma_start3A_262, %dma_start3A_263] : memref<10112x128xf32, #tpu.memory_space<vmem_shared>> -> memref<10112x128xf32, #tpu.memory_space<vmem_shared>>
        tpu.enqueue_indirect_dma source(%arg10 : memref<128x128xf32, #tpu.memory_space<vmem>>) target(%dma_start3A_264 : memref<10112x128xf32, #tpu.memory_space<vmem_shared>>) offsets(%dma_start3A_261 : memref<128xi32, #tpu.memory_space<vmem>>) semaphore(%run_scoped3A_258 : memref<!tpu.dma_semaphore, #tpu.memory_space<semaphore_mem>>) {add = true}
        %dma_wait3A_265 = arith.constant 0 : i32
        %dma_wait3A_266 = tpu.memref_slice %arg8[%run_scoped3A_257, %dma_wait3A_265] : memref<16x128xi32, #tpu.memory_space<vmem>> -> memref<1x128xi32, #tpu.memory_space<vmem>>
        %dma_wait3A_267 = tpu.memref_squeeze %dma_wait3A_266 : memref<1x128xi32, #tpu.memory_space<vmem>> -> memref<128xi32, #tpu.memory_space<vmem>>
        %dma_wait3A_268 = arith.constant 0 : i32
        %dma_wait3A_269 = arith.constant 0 : i32
        %dma_wait3A_270 = tpu.memref_slice %arg11[%dma_wait3A_268, %dma_wait3A_269] : memref<10112x128xf32, #tpu.memory_space<vmem_shared>> -> memref<10112x128xf32, #tpu.memory_space<vmem_shared>>
        tpu.wait_indirect_dma semaphore(%run_scoped3A_258 : memref<!tpu.dma_semaphore, #tpu.memory_space<semaphore_mem>>) src(%arg10 : memref<128x128xf32, #tpu.memory_space<vmem>>) dst(%dma_wait3A_270 : memref<10112x128xf32, #tpu.memory_space<vmem_shared>>)
        tpu.yield
      }) : () -> ()
    }
    %scan3A_11 = arith.constant 5 : i32
    %barrier3A_12 = arith.constant 0 : index
    tpu.barrier barrier_id(%barrier3A_12)
    %mul3A_13 = arith.constant 632 : i32
    %mul3A_14 = arith.muli %arg1, %mul3A_13 : i32
    %mul3A_15 = arith.constant 632 : i32
    %mul3A_16 = arith.muli %arg1, %mul3A_15 : i32
    "tpu.region"() ({
      %run_scoped3A = tpu.sem_alloc : memref<!tpu.dma_semaphore, #tpu.memory_space<semaphore_mem>>
      %dma_start3A = arith.constant 0 : i32
      %dma_start3A_17 = tpu.memref_slice %arg6[%arg0, %mul3A_16, %dma_start3A] : memref<2x10112x128xf32, #tpu.memory_space<hbm>> -> memref<1x632x128xf32, #tpu.memory_space<hbm>>
      %dma_start3A_18 = tpu.memref_squeeze %dma_start3A_17 : memref<1x632x128xf32, #tpu.memory_space<hbm>> -> memref<632x128xf32, #tpu.memory_space<hbm>>
      %dma_start3A_19 = arith.constant 0 : i32
      %dma_start3A_20 = tpu.memref_slice %arg11[%mul3A_14, %dma_start3A_19] : memref<10112x128xf32, #tpu.memory_space<vmem_shared>> -> memref<632x128xf32, #tpu.memory_space<vmem_shared>>
      tpu.enqueue_dma source(%dma_start3A_20 : memref<632x128xf32, #tpu.memory_space<vmem_shared>>) target(%dma_start3A_18 : memref<632x128xf32, #tpu.memory_space<hbm>>) target_semaphore(%run_scoped3A : memref<!tpu.dma_semaphore, #tpu.memory_space<semaphore_mem>>)
      %dma_wait3A = arith.constant 0 : i32
      %dma_wait3A_21 = tpu.memref_slice %arg6[%arg0, %mul3A_16, %dma_wait3A] : memref<2x10112x128xf32, #tpu.memory_space<hbm>> -> memref<1x632x128xf32, #tpu.memory_space<hbm>>
      %dma_wait3A_22 = tpu.memref_squeeze %dma_wait3A_21 : memref<1x632x128xf32, #tpu.memory_space<hbm>> -> memref<632x128xf32, #tpu.memory_space<hbm>>
      %dma_wait3A_23 = arith.constant 0 : i32
      %dma_wait3A_24 = tpu.memref_slice %arg11[%mul3A_14, %dma_wait3A_23] : memref<10112x128xf32, #tpu.memory_space<vmem_shared>> -> memref<632x128xf32, #tpu.memory_space<vmem_shared>>
      tpu.wait_dma2 semaphore(%run_scoped3A : memref<!tpu.dma_semaphore, #tpu.memory_space<semaphore_mem>>) src(%dma_wait3A_24 : memref<632x128xf32, #tpu.memory_space<vmem_shared>>) dst(%dma_wait3A_22 : memref<632x128xf32, #tpu.memory_space<hbm>>)
      tpu.yield
    }) : () -> ()
    return
  }
}

module attributes {stable_mosaic.version = 14 : i64} {
  func.func @_tc_body(%arg0: i32, %arg1: memref<2x1000x128xf32, #tpu.memory_space<vmem>>, %arg2: memref<2x1000x128xf32, #tpu.memory_space<vmem>>, %arg3: memref<1000x128xf32, #tpu.memory_space<vmem>>, %arg4: memref<128x128xf32, #tpu.memory_space<vmem>>, %arg5: memref<1x128xf32, #tpu.memory_space<vmem>>, %arg6: memref<128x128xf32, #tpu.memory_space<vmem>>, %arg7: memref<1000x128xf32, #tpu.memory_space<vmem>>) attributes {dimension_semantics = [#tpu.dimension_semantics<arbitrary>], iteration_bounds = array<i64: 10>, scalar_prefetch = 0 : i64, scratch_operands = 0 : i64, tpu.core_type = #tpu.core_type<tc>, window_params = [{transform_indices = @transform_0, window_bounds = array<i64: 2, 1000, 128>}, {transform_indices = @transform_1, window_bounds = array<i64: 2, 1000, 128>}, {transform_indices = @transform_2, window_bounds = array<i64: 1000, 128>}, {pipeline_mode = #tpu.pipeline_mode<synchronous>, transform_indices = @transform_3, window_bounds = array<i64: 128, 128>}, {pipeline_mode = #tpu.pipeline_mode<synchronous>, transform_indices = @transform_4, window_bounds = array<i64: 1, 128>}, {pipeline_mode = #tpu.pipeline_mode<synchronous>, transform_indices = @transform_5, window_bounds = array<i64: 128, 128>}, {transform_indices = @transform_6, window_bounds = array<i64: 1000, 128>}]} {
    %get3A = arith.constant 0 : index
    %get3A_0 = arith.constant 0 : index
    %get3A_1 = arith.constant 0 : index
    %get3A_2 = vector.load %arg2[%get3A, %get3A_0, %get3A_1] : memref<2x1000x128xf32, #tpu.memory_space<vmem>>, vector<1x1000x1xf32>
    %get3A_3 = vector.shape_cast %get3A_2 : vector<1x1000x1xf32> to vector<1000x1xf32>
    %get3A_4 = arith.constant 1 : index
    %get3A_5 = arith.constant 0 : index
    %get3A_6 = arith.constant 0 : index
    %get3A_7 = vector.load %arg2[%get3A_4, %get3A_5, %get3A_6] : memref<2x1000x128xf32, #tpu.memory_space<vmem>>, vector<1x1000x1xf32>
    %get3A_8 = vector.shape_cast %get3A_7 : vector<1x1000x1xf32> to vector<1000x1xf32>
    %add3A = arith.addf %get3A_3, %get3A_8 : vector<1000x1xf32>
    %max3A = arith.constant 1.000000e+00 : f32
    %max3A_9 = vector.broadcast %max3A : f32 to vector<1000x1xf32>
    %max3A_10 = arith.maximumf %add3A, %max3A_9 : vector<1000x1xf32>
    %get3A_11 = arith.constant 0 : index
    %get3A_12 = arith.constant 0 : index
    %get3A_13 = arith.constant 0 : index
    %get3A_14 = vector.load %arg1[%get3A_11, %get3A_12, %get3A_13] : memref<2x1000x128xf32, #tpu.memory_space<vmem>>, vector<1x1000x128xf32>
    %get3A_15 = vector.shape_cast %get3A_14 : vector<1x1000x128xf32> to vector<1000x128xf32>
    %get3A_16 = arith.constant 1 : index
    %get3A_17 = arith.constant 0 : index
    %get3A_18 = arith.constant 0 : index
    %get3A_19 = vector.load %arg1[%get3A_16, %get3A_17, %get3A_18] : memref<2x1000x128xf32, #tpu.memory_space<vmem>>, vector<1x1000x128xf32>
    %get3A_20 = vector.shape_cast %get3A_19 : vector<1x1000x128xf32> to vector<1000x128xf32>
    %add3A_21 = arith.addf %get3A_15, %get3A_20 : vector<1000x128xf32>
    %div3A = vector.broadcast %max3A_10 : vector<1000x1xf32> to vector<1000x128xf32>
    %div3A_22 = arith.divf %add3A_21, %div3A : vector<1000x128xf32>
    %get3A_23 = arith.constant 0 : index
    %get3A_24 = arith.constant 0 : index
    %get3A_25 = vector.load %arg4[%get3A_23, %get3A_24] : memref<128x128xf32, #tpu.memory_space<vmem>>, vector<128x128xf32>
    %dot_general3A = arith.constant dense<0.000000e+00> : vector<1000x128xf32>
    %dot_general3A_26 = tpu.matmul %div3A_22, %get3A_25, %dot_general3A {dimension_numbers = #tpu.dot_dimension_numbers<[1], [0], [0], [1], [0, 0, 1, 1], [], []>, transpose_lhs_hint = false} : vector<1000x128xf32>, vector<128x128xf32>, vector<1000x128xf32> -> vector<1000x128xf32>
    %get3A_27 = arith.constant 0 : index
    %get3A_28 = arith.constant 0 : index
    %get3A_29 = vector.load %arg5[%get3A_27, %get3A_28] : memref<1x128xf32, #tpu.memory_space<vmem>>, vector<1x128xf32>
    %add3A_30 = vector.broadcast %get3A_29 : vector<1x128xf32> to vector<1000x128xf32>
    %add3A_31 = arith.addf %dot_general3A_26, %add3A_30 : vector<1000x128xf32>
    %get3A_32 = arith.constant 0 : index
    %get3A_33 = arith.constant 0 : index
    %get3A_34 = vector.load %arg3[%get3A_32, %get3A_33] : memref<1000x128xf32, #tpu.memory_space<vmem>>, vector<1000x128xf32>
    %get3A_35 = arith.constant 0 : index
    %get3A_36 = arith.constant 0 : index
    %get3A_37 = vector.load %arg6[%get3A_35, %get3A_36] : memref<128x128xf32, #tpu.memory_space<vmem>>, vector<128x128xf32>
    %dot_general3A_38 = arith.constant dense<0.000000e+00> : vector<1000x128xf32>
    %dot_general3A_39 = tpu.matmul %get3A_34, %get3A_37, %dot_general3A_38 {dimension_numbers = #tpu.dot_dimension_numbers<[1], [0], [0], [1], [0, 0, 1, 1], [], []>, transpose_lhs_hint = false} : vector<1000x128xf32>, vector<128x128xf32>, vector<1000x128xf32> -> vector<1000x128xf32>
    %add3A_40 = arith.addf %add3A_31, %dot_general3A_39 : vector<1000x128xf32>
    %max3A_41 = arith.constant 0.000000e+00 : f32
    %max3A_42 = vector.broadcast %max3A_41 : f32 to vector<1000x128xf32>
    %max3A_43 = arith.maximumf %add3A_40, %max3A_42 : vector<1000x128xf32>
    %swap3A = arith.constant 0 : index
    %swap3A_44 = arith.constant 0 : index
    %swap3A_45 = vector.load %arg7[%swap3A, %swap3A_44] : memref<1000x128xf32, #tpu.memory_space<vmem>>, vector<1000x128xf32>
    tpu.vector_store %arg7[%swap3A, %swap3A_44], %max3A_43 {strides = array<i32>} : memref<1000x128xf32, #tpu.memory_space<vmem>>, vector<1000x128xf32>,
    return
  }
  func.func @transform_0(%arg0: i32) -> (i32, i32, i32) {
    %c0_i32 = arith.constant 0 : i32
    %c0_i32_0 = arith.constant 0 : i32
    %c0_i32_1 = arith.constant 0 : i32
    return %c0_i32, %arg0, %c0_i32_0 : i32, i32, i32
  }
  func.func @transform_1(%arg0: i32) -> (i32, i32, i32) {
    %c0_i32 = arith.constant 0 : i32
    %c0_i32_0 = arith.constant 0 : i32
    %c0_i32_1 = arith.constant 0 : i32
    return %c0_i32, %arg0, %c0_i32_0 : i32, i32, i32
  }
  func.func @transform_2(%arg0: i32) -> (i32, i32) {
    %c0_i32 = arith.constant 0 : i32
    %c0_i32_0 = arith.constant 0 : i32
    return %arg0, %c0_i32 : i32, i32
  }
  func.func @transform_3(%arg0: i32) -> (i32, i32) {
    %c0_i32 = arith.constant 0 : i32
    %c0_i32_0 = arith.constant 0 : i32
    %c0_i32_1 = arith.constant 0 : i32
    return %c0_i32, %c0_i32_0 : i32, i32
  }
  func.func @transform_4(%arg0: i32) -> (i32, i32) {
    %c0_i32 = arith.constant 0 : i32
    %c0_i32_0 = arith.constant 0 : i32
    %c0_i32_1 = arith.constant 0 : i32
    return %c0_i32, %c0_i32_0 : i32, i32
  }
  func.func @transform_5(%arg0: i32) -> (i32, i32) {
    %c0_i32 = arith.constant 0 : i32
    %c0_i32_0 = arith.constant 0 : i32
    %c0_i32_1 = arith.constant 0 : i32
    return %c0_i32, %c0_i32_0 : i32, i32
  }
  func.func @transform_6(%arg0: i32) -> (i32, i32) {
    %c0_i32 = arith.constant 0 : i32
    %c0_i32_0 = arith.constant 0 : i32
    return %arg0, %c0_i32 : i32, i32
  }
}

module attributes {stable_mosaic.version = 14 : i64} {
  func.func @_tc_body(%arg0: i32, %arg1: memref<2x1000x128xf32, #tpu.memory_space<vmem>>, %arg2: memref<2x1000x128xf32, #tpu.memory_space<vmem>>, %arg3: memref<1000x128xf32, #tpu.memory_space<vmem>>, %arg4: memref<128x128xf32, #tpu.memory_space<vmem>>, %arg5: memref<1x128xf32, #tpu.memory_space<vmem>>, %arg6: memref<128x128xf32, #tpu.memory_space<vmem>>, %arg7: memref<1000x128xf32, #tpu.memory_space<vmem>>) attributes {dimension_semantics = [#tpu.dimension_semantics<arbitrary>], iteration_bounds = array<i64: 10>, scalar_prefetch = 0 : i64, scratch_operands = 0 : i64, tpu.core_type = #tpu.core_type<tc>, window_params = [{transform_indices = @transform_0, window_bounds = array<i64: 2, 1000, 128>}, {transform_indices = @transform_1, window_bounds = array<i64: 2, 1000, 128>}, {transform_indices = @transform_2, window_bounds = array<i64: 1000, 128>}, {pipeline_mode = #tpu.pipeline_mode<synchronous>, transform_indices = @transform_3, window_bounds = array<i64: 128, 128>}, {pipeline_mode = #tpu.pipeline_mode<synchronous>, transform_indices = @transform_4, window_bounds = array<i64: 1, 128>}, {pipeline_mode = #tpu.pipeline_mode<synchronous>, transform_indices = @transform_5, window_bounds = array<i64: 128, 128>}, {transform_indices = @transform_6, window_bounds = array<i64: 1000, 128>}]} {
    %get3A = arith.constant 0 : index
    %get3A_0 = arith.constant 0 : index
    %get3A_1 = arith.constant 0 : index
    %get3A_2 = vector.load %arg2[%get3A, %get3A_0, %get3A_1] : memref<2x1000x128xf32, #tpu.memory_space<vmem>>, vector<1x1000x1xf32>
    %get3A_3 = vector.shape_cast %get3A_2 : vector<1x1000x1xf32> to vector<1000x1xf32>
    %get3A_4 = arith.constant 1 : index
    %get3A_5 = arith.constant 0 : index
    %get3A_6 = arith.constant 0 : index
    %get3A_7 = vector.load %arg2[%get3A_4, %get3A_5, %get3A_6] : memref<2x1000x128xf32, #tpu.memory_space<vmem>>, vector<1x1000x1xf32>
    %get3A_8 = vector.shape_cast %get3A_7 : vector<1x1000x1xf32> to vector<1000x1xf32>
    %add3A = arith.addf %get3A_3, %get3A_8 : vector<1000x1xf32>
    %max3A = arith.constant 1.000000e+00 : f32
    %max3A_9 = vector.broadcast %max3A : f32 to vector<1000x1xf32>
    %max3A_10 = arith.maximumf %add3A, %max3A_9 : vector<1000x1xf32>
    %get3A_11 = arith.constant 0 : index
    %get3A_12 = arith.constant 0 : index
    %get3A_13 = arith.constant 0 : index
    %get3A_14 = vector.load %arg1[%get3A_11, %get3A_12, %get3A_13] : memref<2x1000x128xf32, #tpu.memory_space<vmem>>, vector<1x1000x128xf32>
    %get3A_15 = vector.shape_cast %get3A_14 : vector<1x1000x128xf32> to vector<1000x128xf32>
    %get3A_16 = arith.constant 1 : index
    %get3A_17 = arith.constant 0 : index
    %get3A_18 = arith.constant 0 : index
    %get3A_19 = vector.load %arg1[%get3A_16, %get3A_17, %get3A_18] : memref<2x1000x128xf32, #tpu.memory_space<vmem>>, vector<1x1000x128xf32>
    %get3A_20 = vector.shape_cast %get3A_19 : vector<1x1000x128xf32> to vector<1000x128xf32>
    %add3A_21 = arith.addf %get3A_15, %get3A_20 : vector<1000x128xf32>
    %div3A = vector.broadcast %max3A_10 : vector<1000x1xf32> to vector<1000x128xf32>
    %div3A_22 = arith.divf %add3A_21, %div3A : vector<1000x128xf32>
    %get3A_23 = arith.constant 0 : index
    %get3A_24 = arith.constant 0 : index
    %get3A_25 = vector.load %arg4[%get3A_23, %get3A_24] : memref<128x128xf32, #tpu.memory_space<vmem>>, vector<128x128xf32>
    %dot_general3A = arith.constant dense<0.000000e+00> : vector<1000x128xf32>
    %dot_general3A_26 = tpu.matmul %div3A_22, %get3A_25, %dot_general3A {dimension_numbers = #tpu.dot_dimension_numbers<[1], [0], [0], [1], [0, 0, 1, 1], [], []>, transpose_lhs_hint = false} : vector<1000x128xf32>, vector<128x128xf32>, vector<1000x128xf32> -> vector<1000x128xf32>
    %get3A_27 = arith.constant 0 : index
    %get3A_28 = arith.constant 0 : index
    %get3A_29 = vector.load %arg5[%get3A_27, %get3A_28] : memref<1x128xf32, #tpu.memory_space<vmem>>, vector<1x128xf32>
    %add3A_30 = vector.broadcast %get3A_29 : vector<1x128xf32> to vector<1000x128xf32>
    %add3A_31 = arith.addf %dot_general3A_26, %add3A_30 : vector<1000x128xf32>
    %get3A_32 = arith.constant 0 : index
    %get3A_33 = arith.constant 0 : index
    %get3A_34 = vector.load %arg3[%get3A_32, %get3A_33] : memref<1000x128xf32, #tpu.memory_space<vmem>>, vector<1000x128xf32>
    %get3A_35 = arith.constant 0 : index
    %get3A_36 = arith.constant 0 : index
    %get3A_37 = vector.load %arg6[%get3A_35, %get3A_36] : memref<128x128xf32, #tpu.memory_space<vmem>>, vector<128x128xf32>
    %dot_general3A_38 = arith.constant dense<0.000000e+00> : vector<1000x128xf32>
    %dot_general3A_39 = tpu.matmul %get3A_34, %get3A_37, %dot_general3A_38 {dimension_numbers = #tpu.dot_dimension_numbers<[1], [0], [0], [1], [0, 0, 1, 1], [], []>, transpose_lhs_hint = false} : vector<1000x128xf32>, vector<128x128xf32>, vector<1000x128xf32> -> vector<1000x128xf32>
    %add3A_40 = arith.addf %add3A_31, %dot_general3A_39 : vector<1000x128xf32>
    %max3A_41 = arith.constant 0.000000e+00 : f32
    %max3A_42 = vector.broadcast %max3A_41 : f32 to vector<1000x128xf32>
    %max3A_43 = arith.maximumf %add3A_40, %max3A_42 : vector<1000x128xf32>
    %swap3A = arith.constant 0 : index
    %swap3A_44 = arith.constant 0 : index
    %swap3A_45 = vector.load %arg7[%swap3A, %swap3A_44] : memref<1000x128xf32, #tpu.memory_space<vmem>>, vector<1000x128xf32>
    tpu.vector_store %arg7[%swap3A, %swap3A_44], %max3A_43 {strides = array<i32>} : memref<1000x128xf32, #tpu.memory_space<vmem>>, vector<1000x128xf32>,
    return
  }
  func.func @transform_0(%arg0: i32) -> (i32, i32, i32) {
    %c0_i32 = arith.constant 0 : i32
    %c0_i32_0 = arith.constant 0 : i32
    %c0_i32_1 = arith.constant 0 : i32
    return %c0_i32, %arg0, %c0_i32_0 : i32, i32, i32
  }
  func.func @transform_1(%arg0: i32) -> (i32, i32, i32) {
    %c0_i32 = arith.constant 0 : i32
    %c0_i32_0 = arith.constant 0 : i32
    %c0_i32_1 = arith.constant 0 : i32
    return %c0_i32, %arg0, %c0_i32_0 : i32, i32, i32
  }
  func.func @transform_2(%arg0: i32) -> (i32, i32) {
    %c0_i32 = arith.constant 0 : i32
    %c0_i32_0 = arith.constant 0 : i32
    return %arg0, %c0_i32 : i32, i32
  }
  func.func @transform_3(%arg0: i32) -> (i32, i32) {
    %c0_i32 = arith.constant 0 : i32
    %c0_i32_0 = arith.constant 0 : i32
    %c0_i32_1 = arith.constant 0 : i32
    return %c0_i32, %c0_i32_0 : i32, i32
  }
  func.func @transform_4(%arg0: i32) -> (i32, i32) {
    %c0_i32 = arith.constant 0 : i32
    %c0_i32_0 = arith.constant 0 : i32
    %c0_i32_1 = arith.constant 0 : i32
    return %c0_i32, %c0_i32_0 : i32, i32
  }
  func.func @transform_5(%arg0: i32) -> (i32, i32) {
    %c0_i32 = arith.constant 0 : i32
    %c0_i32_0 = arith.constant 0 : i32
    %c0_i32_1 = arith.constant 0 : i32
    return %c0_i32, %c0_i32_0 : i32, i32
  }
  func.func @transform_6(%arg0: i32) -> (i32, i32) {
    %c0_i32 = arith.constant 0 : i32
    %c0_i32_0 = arith.constant 0 : i32
    return %arg0, %c0_i32 : i32, i32
  }
}

</mosaic_0001>

<sc_bundles>
// kernel: kernel.10.cloned.1.call-start
scs
__scs_entry_jumppad:
0x0: {  	(pc) =	sbr.rel $0x88, $3  }
0x1: {  	(tag) =	ssettag $0x0;
	lr =	simm.s32 $0x1  }
0x2: {  	[smem:$0x3F99] =	sst lr;
	_ =	strace $0xD0000000  }
0x3: {  	_ = 	snop  }
0x4: {  	_ = 	snop  }
0x5: {  	_ = 	snop  }
0x6: {  	_ = 	snop  }
0x7: {  	_ = 	snop  }
__scs_overlays_trampoline_lowered:
0x8: {  	[smem:$0x3FA8] =	sst s0  }
0x9: {  	[smem:$0x3FA9] =	sst s1  }
0xa: {  	[smem:$0x3FAA] =	sst s2  }
0xb: {  	[smem:$0x3FAB] =	sst s3  }
0xc: {  	[smem:$0x3FAC] =	sst s4  }
0xd: {  	[smem:$0x3FAD] =	sst s5  }
0xe: {  	[smem:$0x3FAE] =	sst s6  }
0xf: {  	[smem:$0x3FAF] =	sst s7  }
0x10: {  	[smem:$0x3FB0] =	sst s8  }
0x11: {  	[smem:$0x3FB1] =	sst s9;
	s0 =	simm.s32 @!p0 $0x0  }
0x12: {  	s1 =	sld [smem:$0x3F97];
	s0 =	simm.s32 @p0 $0x1  }
0x13: {  	[smem:$0x3FB2] =	sst s0;
	s0 =	simm.s32 @!p1 $0x0  }
0x14: {  	s2 =	sld [smem:$0x3F96];
	s0 =	simm.s32 @p1 $0x1  }
0x15: {  	[smem:$0x3FB3] =	sst s0;
	s0 =	simm.s32 @!p2 $0x0  }
0x16: {  	s3 =	sld [smem:$0x3FDB];
	s0 =	simm.s32 @p2 $0x1  }
0x17: {  	s4 =	simm.s32 $0x1BF5;
	[smem:$0x3FB5] =	sst s0  }
0x18: {  	s0 =	sld [smem:$0x3F98];
	_ =	swait.ge [sflag:s4], $0x0  }
0x19: {  	s7 =	sld [smem:$0x3F99]  }
0x1a: {  	s8 =	sadd.s32 $0xFFFFE003, lr  }
0x1b: {  	s9 =	sadd.s32 $0xFFFFFEF7, lr;
	s5 =	simm.s32 $0xFFFFFFFF;
	p2 =	slt.u32 s8, $0xFFFFF086  }
0x1c: {  	p1 =	slt.u32 s9, $0xF7A;
	s5 =	simm.s32 @!p2 $0x0  }
0x1d: {  	s5 =	simm.s32 @p1 $0x1;
	p0 =	seq.s32 s7, s2  }
0x1e: {  	s7 =	smul.u32 @!p0 $0xF7A, s2;
	p2 =	seq.s32 @!p0 s5, $0x0  }
0x1f: {  	s9 =	smul.u32 $0xF7A, s1;
	s8 =	simm.s32 @!p0 $0x1BF5;
	p2 =	por !p2, p0  }
0x20: {  	[sflag:s8] =	ssyncset.s32 @!p0 $0xFFFFF086;
	s6 =	sadd.s32 @!p0 s3, s7;
	s7 =	simm.s32 @!p0 $0x108  }
0x21: {  	s3 =	sadd.s32 s3, s9;
	s6 =	sadd.s32 @!p0 $0x88, s6;
	s7 =	simm.s32 @p2 $0x1082  }
0x22: {  	[simem:s7], [sflag:s8] =	dma.local @!p0 [hbm:s6], $0xF7A  }
0x23: {  	s9 =	sor.u32 $0xD0000000, s2;
	s6 =	simm.s32 $0x108;
	_ =	swait.ge @!p0 [sflag:s8], $0x0  }
0x24: {  	s3 =	sadd.s32 $0x88, s3;
	s6 =	simm.s32 @!p1 $0x1082;
	[sflag:s4] =	ssyncset.s32 $0xFFFFF086  }
0x25: {  	[simem:s6], [sflag:s4] =	dma.local [hbm:s3], $0xF7A  }
0x26: {  	[smem:$0x3F99] =	sst s1;
	(tag) =	ssettag s2;
	_ =	strace s9  }
0x27: {  	s1 =	sld [smem:$0x3FA9]  }
0x28: {  	s2 =	sld [smem:$0x3FAA]  }
0x29: {  	s4 =	sld [smem:$0x3FAC]  }
0x2a: {  	p0 =	seq.s32 s5, $0x0;
	s5 =	sld [smem:$0x3FAD]  }
0x2b: {  	s6 =	sld [smem:$0x3FAE]  }
0x2c: {  	s7 =	sld [smem:$0x3FAF]  }
0x2d: {  	s3 =	simm.s32 $0x108;
	s8 =	sld [smem:$0x3FB0]  }
0x2e: {  	s3 =	simm.s32 @!p0 $0x1082;
	s9 =	sld [smem:$0x3FB1]  }
0x2f: {  	lr =	sadd.s32 s0, s3;
	s0 =	sld [smem:$0x3FA8]  }
0x30: {  	s3 =	sld [smem:$0x3FAB]  }
0x31: {  	[smem:$0x3FB4] =	sst s10  }
0x32: {  	s10 =	sld [smem:$0x3FB2];
	_ =	sdelay $0x3  }
0x33: {  	p0 =	seq.s32 s10, $0x1;
	s10 =	sld [smem:$0x3FB4];
	_ =	sdelay $0x3  }
0x34: {  	[smem:$0x3FB4] =	sst s10  }
0x35: {  	s10 =	sld [smem:$0x3FB3];
	_ =	sdelay $0x3  }
0x36: {  	p1 =	seq.s32 s10, $0x1;
	s10 =	sld [smem:$0x3FB4];
	_ =	sdelay $0x3  }
0x37: {  	[smem:$0x3FB4] =	sst s10  }
0x38: {  	s10 =	sld [smem:$0x3FB5]  }
0x39: {  	_ = 	snop;
	(pc) =	sbr.ind lr, $3  }
0x3a: {  	_ = 	snop  }
0x3b: {  	_ = 	snop  }
0x3c: {  	p2 =	seq.s32 s10, $0x1;
	s10 =	sld [smem:$0x3FB4]  }
0x3d: {  	_ =	shalt  }
0x3e: {  	_ =	shalt  }
0x3f: {  	_ =	shalt  }
0x40: {  	_ =	shalt  }
0x41: {  	_ =	shalt  }
0x42: {  	_ =	shalt  }
0x43: {  	_ =	shalt  }
0x44: {  	_ =	shalt  }
0x45: {  	_ =	shalt  }
0x46: {  	_ =	shalt  }
0x47: {  	_ =	shalt  }
0x48: {  	_ =	shalt  }
0x49: {  	_ =	shalt  }
0x4a: {  	_ =	shalt  }
0x4b: {  	_ =	shalt  }
0x4c: {  	_ =	shalt  }
0x4d: {  	_ =	shalt  }
0x4e: {  	_ =	shalt  }
0x4f: {  	_ =	shalt  }
0x50: {  	_ =	shalt  }
0x51: {  	_ =	shalt  }
0x52: {  	_ =	shalt  }
0x53: {  	_ =	shalt  }
0x54: {  	_ =	shalt  }
0x55: {  	_ =	shalt  }
0x56: {  	_ =	shalt  }
0x57: {  	_ =	shalt  }
0x58: {  	_ =	shalt  }
0x59: {  	_ =	shalt  }
0x5a: {  	_ =	shalt  }
0x5b: {  	_ =	shalt  }
0x5c: {  	_ =	shalt  }
0x5d: {  	_ =	shalt  }
0x5e: {  	_ =	shalt  }
0x5f: {  	_ =	shalt  }
0x60: {  	_ =	shalt  }
0x61: {  	_ =	shalt  }
0x62: {  	_ =	shalt  }
0x63: {  	_ =	shalt  }
0x64: {  	_ =	shalt  }
0x65: {  	_ =	shalt  }
0x66: {  	_ =	shalt  }
0x67: {  	_ =	shalt  }
0x68: {  	_ =	shalt  }
0x69: {  	_ =	shalt  }
0x6a: {  	_ =	shalt  }
0x6b: {  	_ =	shalt  }
0x6c: {  	_ =	shalt  }
0x6d: {  	_ =	shalt  }
0x6e: {  	_ =	shalt  }
0x6f: {  	_ =	shalt  }
0x70: {  	_ =	shalt  }
0x71: {  	_ =	shalt  }
0x72: {  	_ =	shalt  }
0x73: {  	_ =	shalt  }
0x74: {  	_ =	shalt  }
0x75: {  	_ =	shalt  }
0x76: {  	_ =	shalt  }
0x77: {  	_ =	shalt  }
0x78: {  	_ =	shalt  }
0x79: {  	_ =	shalt  }
0x7a: {  	_ =	shalt  }
0x7b: {  	_ =	shalt  }
0x7c: {  	_ =	shalt  }
0x7d: {  	_ =	shalt  }
0x7e: {  	_ =	shalt  }
0x7f: {  	_ =	shalt  }
0x80: {  	_ =	shalt  }
0x81: {  	_ =	shalt  }
0x82: {  	_ =	shalt  }
0x83: {  	_ =	shalt  }
0x84: {  	_ =	shalt  }
0x85: {  	_ =	shalt  }
0x86: {  	_ =	shalt  }
0x87: {  	_ =	shalt  }
.Lfunc_end0:
.L_simem_size_0:
called_computation.1_lowered:
.L_overlay_start_0:
0x88: {  	s2 =	sld [smem:$0x3FD9]  }
0x89: {  	s3 =	sld [smem:$0x3FFE];
	_ =	sdelay $0x1  }
0x8a: {  	s1 =	srdreg.scid  }
0x8b: {  	s0 =	sand.u32 $0x1, s1  }
0x8c: {  	s17 =	sshll.u32 s0, $0xA;
	s2 =	sadd.s32 s3, s2  }
0x8d: {  	s2 =	sadd.s32 s2, s17  }
0x8e: {  	[smem:$0x3FC0] =	sst s2  }
0x8f: {  	_ = 	snop  }
0x90: {  	s18 =	sld [smem:$0x3FC9];
	(tm) =	ssettm $0x1  }
0x91: {  	s19 =	sld [smem:$0x3FFB];
	_ =	sdelay $0x3  }
0x92: {  	_ =	strace s19  }
0x93: {  	s2 =	sld [smem:$0x3FFC];
	_ =	sdelay $0x3  }
0x94: {  	_ =	strace s2  }
0x95: {  	s2 =	sld [smem:$0x3FFD];
	_ =	sdelay $0x3  }
0x96: {  	_ =	strace s2  }
0x97: {  	_ =	strace $0x8FFFFFFF  }
0x98: {  	s20 =	sld [smem:$0x3FDB];
	_ =	sdelay $0x1  }
0x99: {  	s4 =	simm.s32 $_scs_section_size  }
0x9a: {  	s5 =	simm.s32 $_size__tile_overlayer_lowered;
	s6 =	simm.s32 $_tile_overlayer_lowered  }
0x9b: {  	s7 =	simm.s32 $0x1BFF;
	s21 =	sshll.u32 s6, $0x1;
	s4 =	sadd.s32 s4, s20  }
0x9c: {  	s22 =	simm.s32 $0x0;
	s5 =	sshll.u32 s5, $0x1;
	s6 =	sadd.s32 s21, s4  }
0x9d: {  	[timem:s22], [sflag:s7] =	dma.local [hbm:s6], s5  }
0x9e: {  	_ =	swait.ge [sflag:s7], s5  }
0x9f: {  	s5 =	ssub.s32 $0x0, s5;
	[sflag:s7] =	ssyncset.done $0x0  }
0xa0: {  	[sflag:s7] =	ssyncadd.s32 s5;
	_ =	sdelay $0x1  }
0xa1: {  	s23 =	simm.s32 $0x1B8B  }
0xa2: {  	_ =	swait.ge [sflag:s23], $0x1  }
0xa3: {  	[sflag:s23] =	ssyncset.done $0x0  }
0xa4: {  	[sflag:s23] =	ssyncadd.s32 $0xFFFFFFFF  }
0xa5: {  	s5 =	sld [smem:$0x0]  }
0xa6: {  	s6 =	sand.u32 $0xFFFFFFFE, s1  }
0xa7: {  	p0 =	sne.s32 s1, s6  }
0xa8: {  	s6 =	sshll.u32 @p0 s6, $0xE  }
0xa9: {  	s6 =	sadd.s32 @p0 $0x11B8D, s6;
	s7 =	sshll.u32 @p0 s5, $0x11  }
0xaa: {  	s6 =	sor.u32 @p0 s7, s6  }
0xab: {  	[sflag:s6] =	ssyncadd.remote.s32 @p0 $0x1;
	_ =	sdelay $0x1  }
0xac: {  	s6 =	simm.s32 @p0 $0x1B8D  }
0xad: {  	_ =	swait.eq @p0 [sflag:s6], $0x1  }
0xae: {  	[sflag:s6] =	ssyncadd.s32 @p0 $0xFFFFFFFF  }
0xaf: {  	s7 =	sshll.u32 @!p0 s1, $0xE  }
0xb0: {  	s7 =	sor.u32 @!p0 $0x4000, s7;
	s6 =	simm.s32 @!p0 $0x1B8D  }
0xb1: {  	s5 =	sshll.u32 @!p0 s5, $0x11;
	s7 =	sadd.s32 @!p0 $0x11B8D, s7;
	_ =	swait.eq @!p0 [sflag:s6], $0x1  }
0xb2: {  	s5 =	sor.u32 @!p0 s5, s7;
	[sflag:s6] =	ssyncadd.s32 @!p0 $0xFFFFFFFF  }
0xb3: {  	s25 =	simm.s32 $0x1B8E;
	s24 =	sld [smem:$0x3FFE];
	[sflag:s5] =	ssyncadd.remote.s32 @!p0 $0x1  }
0xb4: {  	s26 =	simm.s32 $execute0_lowered;
	[smem:$0x3FD2] =	sst s25  }
0xb5: {  	s6 =	sshll.u32 s26, $0x1;
	_ =	strace $0x80000049;
	[dreg:$0x1] =	wrdreg $0xFFFFFFFF  }
0xb6: {  	s28 =	simm.s32 $_size_execute0_lowered;
	s4 =	sadd.s32 s4, s6;
	[dreg:$0x0] =	wrdreg $0x0  }
0xb7: {  	s6 =	sshll.u32 s28, $0x1;
	[dreg:$0x2] =	wrdreg s4  }
0xb8: {  	[dreg:$0x3] =	wrdreg s6  }
0xb9: {  	[dreg:$0x4] =	wrdreg $0xC0  }
0xba: {  	_ =	task [dreg:s22], $0x5FFFF  }
0xbb: {  	[dreg:$0x1] =	wrdreg $0xFFFFFFFF  }
0xbc: {  	[dreg:$0x0] =	wrdreg $0x60  }
0xbd: {  	[dreg:$0x2] =	wrdreg s18  }
0xbe: {  	[dreg:$0x3] =	wrdreg s24  }
0xbf: {  	[dreg:$0x4] =	wrdreg $0x90000  }
0xc0: {  	[dreg:$0x5] =	wrdreg $0xA  }
0xc1: {  	_ =	task.clear_ibuf [dreg:s22], $0x6FFFF;
	_ =	strace $0x90000049  }
0xc2: {  	s29 =	simm.s32 $0xA;
	_ =	strace $0x8000004B  }
0xc3: {  	_ =	swait.ge [sflag:s29], $0x1  }
0xc4: {  	[sflag:s29] =	ssyncadd.s32 $0xFFFFFFFF  }
0xc5: {  	_ =	strace $0x9000004B  }
0xc6: {  	_ =	sfence  }
0xc7: {  	s30 =	sld [smem:$0x0];
	_ =	sdelay $0x2  }
0xc8: {  	s31 =	sshll.u32 s1, $0xD;
	s1 =	sshrl.u32 s1, $0x2  }
0xc9: {  	s4 =	sand.u32 $0x4000, s31;
	s1 =	sadd.s32 s1, s30  }
0xca: {  	s0 =	sor.u32 s4, s0;
	s1 =	sshll.u32 s1, $0x11  }
0xcb: {  	s0 =	sor.u32 s1, s0  }
0xcc: {  	s0 =	sadd.s32 $0x8F2B, s0  }
0xcd: {  	[sflag:s0] =	ssyncadd.remote.s32 $0x1  }
0xce: {  	_ =	sfence.sel $0xFFFF  }
0xcf: {  	[dreg:$0x0] =	wrdreg $0xFFFFFFFF;
	(pc) =	sbr.abs _section_cstart, $3  }
0xd0: {  	[dreg:$0x1] =	wrdreg $0xFFFFFFFF  }
0xd1: {  	_ =	task.clear_ibuf [dreg:s22], $0x2FFFF;
	_ =	strace $0x9FFFFFFF  }
0xd2: {  	(tm) =	ssettm $0x7FFFFFFF  }
0xd3: {  	_ =	shalt  }
tec
execute0_lowered:
.L_overlay_start_1:
0x0: {  	(tag) =	ssettag $0x1  }
0x1: {  	s1 =	rddreg [dreg:$0x0];
	s0 =	srdreg.scid  }
0x2: {  	s2 =	rddreg [dreg:$0x1];
	s10 =	stileid.u32  }
0x3: {  	s3 =	rddreg [dreg:$0x2];
	s4 =	simm.s32 $0x0;
	s13 =	simm.s32 $0x100  }
0x4: {  	s15 =	simm.s32 $0x880;
	s17 =	simm.s32 $0x180;
	s18 =	simm.s32 $0x900  }
0x5: {  	s19 =	simm.s32 $0x200;
	s20 =	simm.s32 $0x980;
	[smem:$0x7FF] =	sst s4  }
0x6: {  	s21 =	simm.s32 $0x280;
	_ =	strace $0x8000004A;
	[dreg:$0x6] =	wrdreg s13  }
0x7: {  	s22 =	simm.s32 $0xA00;
	s23 =	simm.s32 $0x300;
	[dreg:$0x7] =	wrdreg s15  }
0x8: {  	s24 =	simm.s32 $0xA80;
	s28 =	simm.s32 $0x680;
	[dreg:$0x8] =	wrdreg s17  }
0x9: {  	s29 =	simm.s32 $0xE00;
	s30 =	simm.s32 $0x700;
	[dreg:$0x9] =	wrdreg s18  }
0xa: {  	s31 =	simm.s32 $0xE80;
	s6 =	smul.u32 $0x2800, s10;
	[dreg:$0xa] =	wrdreg s19  }
0xb: {  	s0 =	sand.u32 $0x1, s0;
	s25 =	smul.u32 $0x13C00, s10;
	[dreg:$0xb] =	wrdreg s20  }
0xc: {  	s9 =	smul.u32 $0x4F000, s10;
	s16 =	sshll.u32 s10, $0x6;
	[dreg:$0xc] =	wrdreg s21  }
0xd: {  	s10 =	simm.s32 $0x3;
	s5 =	smul.u32 $0x28000, s0;
	[dreg:$0xd] =	wrdreg s22  }
0xe: {  	s7 =	smul.u32 $0x13C000, s0;
	s0 =	ssub.s32 $0x2, s0;
	[dreg:$0xe] =	wrdreg s23  }
0xf: {  	s13 =	simm.s32 $0x1000;
	[dreg:$0xf] =	wrdreg s24;
	s15 =	simm.s32 $0x1  }
0x10: {  	s17 =	simm.s32 $0x400;
	s18 =	simm.s32 $0xB80;
	s19 =	simm.s32 $0x480  }
0x11: {  	s20 =	simm.s32 $0xC00;
	s21 =	simm.s32 $0x500;
	s22 =	simm.s32 $0xC80  }
0x12: {  	s23 =	simm.s32 $0x580;
	s24 =	simm.s32 $0xD00;
	s8 =	sshrl.u32 s25, $0x3  }
0x13: {  	s26 =	sshrl.u32 s0, $0x1;
	s11 =	sshrl.u32 s9, $0x2;
	s9 =	simm.s32 $0x0  }
0x14: {  	s5 =	sadd.s32 s6, s5;
	s8 =	sadd.s32 s8, s2;
	s6 =	sadd.s32 s25, s7  }
0x15: {  	s0 =	ssub.s32 s0, s26;
	s12 =	sadd.s32 s11, s3;
	s11 =	simm.s32 $0x800  }
0x16: {  	s25 =	simm.s32 $0x380;
	s26 =	simm.s32 $0xB00;
	s5 =	sshrl.u32 s5, $0x3  }
0x17: {  	s6 =	sshrl.u32 s6, $0x3;
	s14 =	sadd.s32 $0x16200, s8;
	[dreg:$0x10] =	wrdreg s25  }
0x18: {  	s0 =	smax.u32 s0, $0x1;
	s8 =	sshrl.u32 s12, $0x3;
	[dreg:$0x11] =	wrdreg s26  }
0x19: {  	s12 =	simm.s32 $0x80;
	s25 =	simm.s32 $0x600;
	[dreg:$0x12] =	wrdreg s14  }
0x1a: {  	s26 =	simm.s32 $0xD80;
	s5 =	sadd.s32 s5, s2;
	[dreg:$0x15] =	wrdreg s0  }
0x1b: {  	s2 =	sadd.s32 s6, s2;
	[dreg:$0x16] =	wrdreg s8;
	s7 =	sadd.s32 $0xC200, s5  }
0x1c: {  	s14 =	simm.s32 $0x5000;
	s5 =	sadd.s32 $0x2200, s5;
	[dreg:$0x4] =	wrdreg s7  }
0x1d: {  	s0 =	simm.s32 $0xF00;
	s2 =	sadd.s32 $0x8CA00, s2;
	[dreg:$0x5] =	wrdreg s5  }
0x1e: {  	s7 =	sor.u32 $0x1C03, s16;
	[dreg:$0x14] =	wrdreg s2;
	s16 =	simm.s32 $0x2  }
0x1f: {  	s2 =	simm.s32 $0x780;
	s5 =	simm.s32 $0xF80;
	[dreg:$0x13] =	wrdreg s7  }
.LBB2_1:
0x20: {  	[dreg:$0x17] =	wrdreg s9  }
0x21: {  	s6 =	rddreg [dreg:$0x12]  }
0x22: {  	[spmem:s8], [sflag:s7] =	dma.local [hbm:s6], $0x2780  }
0x23: {  	_ =	swait.ge [sflag:s10], $0x2780  }
0x24: {  	[sflag:s10] =	ssyncset.done $0x0  }
0x25: {  	[sflag:s10] =	ssyncadd.s32 $0xFFFFD880  }
0x26: {  	[bflag:$0x0] =	sbarrier.arrive $0xFFFF  }
0x27: {  	s8 =	rddreg [dreg:$0x5]  }
0x28: {  	s6 =	sadd.s32 $0x0, s8  }
0x29: {  	[tilespmem:s4], [sflag:$0x3] =	stream.linear.gather [hbm4b:s6+s4], $0x800, $0x38;
	[tilespmem:$0x1CC00] =	vst v63  }
0x2a: {  	_ =	swait.ge [sflag:s10], $0x800  }
0x2b: {  	s9 =	rddreg [dreg:$0x4];
	[sflag:s10] =	ssyncset.done $0x0  }
0x2c: {  	[sflag:s10] =	ssyncadd.s32 $0xFFFFF800;
	s6 =	sadd.s32 $0x0, s9  }
0x2d: {  	[tilespmem:s11], [sflag:$0x3] =	stream.linear.gather [hbm4b:s6+s4], $0x800, $0x38;
	[tilespmem:$0x1CC00] =	vst v63  }
0x2e: {  	_ =	swait.ge [sflag:s10], $0x800  }
0x2f: {  	[sflag:s10] =	ssyncset.done $0x0  }
0x30: {  	[sflag:s10] =	ssyncadd.s32 $0xFFFFF800  }
0x31: {  	[tilespmem:s13], [sflag:$0x1] =	stream.indirect.gather [hbm4b:s1+s12], $0x80, s4, s12, $0xb8;
	[tilespmem:$0x1CC00] =	vst v63  }
0x32: {  	_ = 	snop  }
0x33: {  	[tilespmem:s14], [sflag:$0x2] =	stream.indirect.gather [hbm4b:s1+s12], $0x80, s12, s12, $0xb8;
	[tilespmem:$0x1CC00] =	vst v63  }
0x34: {  	_ =	swait.ge [sflag:s15], $0x4000  }
0x35: {  	[sflag:s15] =	ssyncset.done $0x0  }
0x36: {  	[sflag:s15] =	ssyncadd.s32 $0xFFFFC000  }
0x37: {  	[spmem:s3] =	stream.indirect.scatter.add.f32 [tilespmem:s13], [sflag:$0x3], $0x80, s11, s12, $0xb8;
	[tilespmem:$0x1CC00] =	vst v63  }
0x38: {  	_ =	swait.ge [sflag:s10], $0x4000  }
0x39: {  	[sflag:s10] =	ssyncset.done $0x0  }
0x3a: {  	s7 =	rddreg [dreg:$0x6];
	[sflag:s10] =	ssyncadd.s32 $0xFFFFC000  }
0x3b: {  	[tilespmem:s13], [sflag:$0x1] =	stream.indirect.gather [hbm4b:s1+s12], $0x80, s7, s12, $0xb8;
	[tilespmem:$0x1CC00] =	vst v63  }
0x3c: {  	_ =	swait.ge [sflag:s16], $0x4000  }
0x3d: {  	[sflag:s16] =	ssyncset.done $0x0  }
0x3e: {  	s8 =	rddreg [dreg:$0x7];
	[sflag:s16] =	ssyncadd.s32 $0xFFFFC000  }
0x3f: {  	[spmem:s3] =	stream.indirect.scatter.add.f32 [tilespmem:s14], [sflag:$0x3], $0x80, s8, s12, $0xb8;
	[tilespmem:$0x1CC00] =	vst v63  }
0x40: {  	_ =	swait.ge [sflag:s10], $0x4000  }
0x41: {  	[sflag:s10] =	ssyncset.done $0x0  }
0x42: {  	s9 =	rddreg [dreg:$0x8];
	[sflag:s10] =	ssyncadd.s32 $0xFFFFC000  }
0x43: {  	[tilespmem:s14], [sflag:$0x2] =	stream.indirect.gather [hbm4b:s1+s12], $0x80, s9, s12, $0xb8;
	[tilespmem:$0x1CC00] =	vst v63  }
0x44: {  	_ =	swait.ge [sflag:s15], $0x4000  }
0x45: {  	[sflag:s15] =	ssyncset.done $0x0  }
0x46: {  	s7 =	rddreg [dreg:$0x9];
	[sflag:s15] =	ssyncadd.s32 $0xFFFFC000  }
0x47: {  	[spmem:s3] =	stream.indirect.scatter.add.f32 [tilespmem:s13], [sflag:$0x3], $0x80, s7, s12, $0xb8;
	[tilespmem:$0x1CC00] =	vst v63  }
0x48: {  	_ =	swait.ge [sflag:s10], $0x4000  }
0x49: {  	[sflag:s10] =	ssyncset.done $0x0  }
0x4a: {  	s8 =	rddreg [dreg:$0xa];
	[sflag:s10] =	ssyncadd.s32 $0xFFFFC000  }
0x4b: {  	[tilespmem:s13], [sflag:$0x1] =	stream.indirect.gather [hbm4b:s1+s12], $0x80, s8, s12, $0xb8;
	[tilespmem:$0x1CC00] =	vst v63  }
0x4c: {  	_ =	swait.ge [sflag:s16], $0x4000  }
0x4d: {  	[sflag:s16] =	ssyncset.done $0x0  }
0x4e: {  	s9 =	rddreg [dreg:$0xb];
	[sflag:s16] =	ssyncadd.s32 $0xFFFFC000  }
0x4f: {  	[spmem:s3] =	stream.indirect.scatter.add.f32 [tilespmem:s14], [sflag:$0x3], $0x80, s9, s12, $0xb8;
	[tilespmem:$0x1CC00] =	vst v63  }
0x50: {  	_ =	swait.ge [sflag:s10], $0x4000  }
0x51: {  	[sflag:s10] =	ssyncset.done $0x0  }
0x52: {  	s7 =	rddreg [dreg:$0xc];
	[sflag:s10] =	ssyncadd.s32 $0xFFFFC000  }
0x53: {  	[tilespmem:s14], [sflag:$0x2] =	stream.indirect.gather [hbm4b:s1+s12], $0x80, s7, s12, $0xb8;
	[tilespmem:$0x1CC00] =	vst v63  }
0x54: {  	_ =	swait.ge [sflag:s15], $0x4000  }
0x55: {  	[sflag:s15] =	ssyncset.done $0x0  }
0x56: {  	s8 =	rddreg [dreg:$0xd];
	[sflag:s15] =	ssyncadd.s32 $0xFFFFC000  }
0x57: {  	[spmem:s3] =	stream.indirect.scatter.add.f32 [tilespmem:s13], [sflag:$0x3], $0x80, s8, s12, $0xb8;
	[tilespmem:$0x1CC00] =	vst v63  }
0x58: {  	_ =	swait.ge [sflag:s10], $0x4000  }
0x59: {  	[sflag:s10] =	ssyncset.done $0x0  }
0x5a: {  	s9 =	rddreg [dreg:$0xe];
	[sflag:s10] =	ssyncadd.s32 $0xFFFFC000  }
0x5b: {  	[tilespmem:s13], [sflag:$0x1] =	stream.indirect.gather [hbm4b:s1+s12], $0x80, s9, s12, $0xb8;
	[tilespmem:$0x1CC00] =	vst v63  }
0x5c: {  	_ =	swait.ge [sflag:s16], $0x4000  }
0x5d: {  	[sflag:s16] =	ssyncset.done $0x0  }
0x5e: {  	s7 =	rddreg [dreg:$0xf];
	[sflag:s16] =	ssyncadd.s32 $0xFFFFC000  }
0x5f: {  	[spmem:s3] =	stream.indirect.scatter.add.f32 [tilespmem:s14], [sflag:$0x3], $0x80, s7, s12, $0xb8;
	[tilespmem:$0x1CC00] =	vst v63  }
0x60: {  	_ =	swait.ge [sflag:s10], $0x4000  }
0x61: {  	[sflag:s10] =	ssyncset.done $0x0  }
0x62: {  	s8 =	rddreg [dreg:$0x10];
	[sflag:s10] =	ssyncadd.s32 $0xFFFFC000  }
0x63: {  	[tilespmem:s14], [sflag:$0x2] =	stream.indirect.gather [hbm4b:s1+s12], $0x80, s8, s12, $0xb8;
	[tilespmem:$0x1CC00] =	vst v63  }
0x64: {  	_ =	swait.ge [sflag:s15], $0x4000  }
0x65: {  	[sflag:s15] =	ssyncset.done $0x0  }
0x66: {  	s9 =	rddreg [dreg:$0x11];
	[sflag:s15] =	ssyncadd.s32 $0xFFFFC000  }
0x67: {  	[spmem:s3] =	stream.indirect.scatter.add.f32 [tilespmem:s13], [sflag:$0x3], $0x80, s9, s12, $0xb8;
	[tilespmem:$0x1CC00] =	vst v63  }
0x68: {  	_ =	swait.ge [sflag:s10], $0x4000  }
0x69: {  	[sflag:s10] =	ssyncset.done $0x0  }
0x6a: {  	[sflag:s10] =	ssyncadd.s32 $0xFFFFC000  }
0x6b: {  	[tilespmem:s13], [sflag:$0x1] =	stream.indirect.gather [hbm4b:s1+s12], $0x80, s17, s12, $0xb8;
	[tilespmem:$0x1CC00] =	vst v63  }
0x6c: {  	_ =	swait.ge [sflag:s16], $0x4000  }
0x6d: {  	[sflag:s16] =	ssyncset.done $0x0  }
0x6e: {  	[sflag:s16] =	ssyncadd.s32 $0xFFFFC000  }
0x6f: {  	[spmem:s3] =	stream.indirect.scatter.add.f32 [tilespmem:s14], [sflag:$0x3], $0x80, s18, s12, $0xb8;
	[tilespmem:$0x1CC00] =	vst v63  }
0x70: {  	_ =	swait.ge [sflag:s10], $0x4000  }
0x71: {  	[sflag:s10] =	ssyncset.done $0x0  }
0x72: {  	[sflag:s10] =	ssyncadd.s32 $0xFFFFC000  }
0x73: {  	[tilespmem:s14], [sflag:$0x2] =	stream.indirect.gather [hbm4b:s1+s12], $0x80, s19, s12, $0xb8;
	[tilespmem:$0x1CC00] =	vst v63  }
0x74: {  	_ =	swait.ge [sflag:s15], $0x4000  }
0x75: {  	[sflag:s15] =	ssyncset.done $0x0  }
0x76: {  	[sflag:s15] =	ssyncadd.s32 $0xFFFFC000  }
0x77: {  	[spmem:s3] =	stream.indirect.scatter.add.f32 [tilespmem:s13], [sflag:$0x3], $0x80, s20, s12, $0xb8;
	[tilespmem:$0x1CC00] =	vst v63  }
0x78: {  	_ =	swait.ge [sflag:s10], $0x4000  }
0x79: {  	[sflag:s10] =	ssyncset.done $0x0  }
0x7a: {  	[sflag:s10] =	ssyncadd.s32 $0xFFFFC000  }
0x7b: {  	[tilespmem:s13], [sflag:$0x1] =	stream.indirect.gather [hbm4b:s1+s12], $0x80, s21, s12, $0xb8;
	[tilespmem:$0x1CC00] =	vst v63  }
0x7c: {  	_ =	swait.ge [sflag:s16], $0x4000  }
0x7d: {  	[sflag:s16] =	ssyncset.done $0x0  }
0x7e: {  	[sflag:s16] =	ssyncadd.s32 $0xFFFFC000  }
0x7f: {  	[spmem:s3] =	stream.indirect.scatter.add.f32 [tilespmem:s14], [sflag:$0x3], $0x80, s22, s12, $0xb8;
	[tilespmem:$0x1CC00] =	vst v63  }
0x80: {  	_ =	swait.ge [sflag:s10], $0x4000  }
0x81: {  	[sflag:s10] =	ssyncset.done $0x0  }
0x82: {  	[sflag:s10] =	ssyncadd.s32 $0xFFFFC000  }
0x83: {  	[tilespmem:s14], [sflag:$0x2] =	stream.indirect.gather [hbm4b:s1+s12], $0x80, s23, s12, $0xb8;
	[tilespmem:$0x1CC00] =	vst v63  }
0x84: {  	_ =	swait.ge [sflag:s15], $0x4000  }
0x85: {  	[sflag:s15] =	ssyncset.done $0x0  }
0x86: {  	[sflag:s15] =	ssyncadd.s32 $0xFFFFC000  }
0x87: {  	[spmem:s3] =	stream.indirect.scatter.add.f32 [tilespmem:s13], [sflag:$0x3], $0x80, s24, s12, $0xb8;
	[tilespmem:$0x1CC00] =	vst v63  }
0x88: {  	_ =	swait.ge [sflag:s10], $0x4000  }
0x89: {  	[sflag:s10] =	ssyncset.done $0x0  }
0x8a: {  	[sflag:s10] =	ssyncadd.s32 $0xFFFFC000  }
0x8b: {  	[tilespmem:s13], [sflag:$0x1] =	stream.indirect.gather [hbm4b:s1+s12], $0x80, s25, s12, $0xb8;
	[tilespmem:$0x1CC00] =	vst v63  }
0x8c: {  	_ =	swait.ge [sflag:s16], $0x4000  }
0x8d: {  	[sflag:s16] =	ssyncset.done $0x0  }
0x8e: {  	[sflag:s16] =	ssyncadd.s32 $0xFFFFC000  }
0x8f: {  	[spmem:s3] =	stream.indirect.scatter.add.f32 [tilespmem:s14], [sflag:$0x3], $0x80, s26, s12, $0xb8;
	[tilespmem:$0x1CC00] =	vst v63  }
0x90: {  	_ =	swait.ge [sflag:s10], $0x4000  }
0x91: {  	[sflag:s10] =	ssyncset.done $0x0  }
0x92: {  	[sflag:s10] =	ssyncadd.s32 $0xFFFFC000  }
0x93: {  	[tilespmem:s14], [sflag:$0x2] =	stream.indirect.gather [hbm4b:s1+s12], $0x80, s28, s12, $0xb8;
	[tilespmem:$0x1CC00] =	vst v63  }
0x94: {  	_ =	swait.ge [sflag:s15], $0x4000  }
0x95: {  	[sflag:s15] =	ssyncset.done $0x0  }
0x96: {  	[sflag:s15] =	ssyncadd.s32 $0xFFFFC000  }
0x97: {  	[spmem:s3] =	stream.indirect.scatter.add.f32 [tilespmem:s13], [sflag:$0x3], $0x80, s29, s12, $0xb8;
	[tilespmem:$0x1CC00] =	vst v63  }
0x98: {  	_ =	swait.ge [sflag:s10], $0x4000  }
0x99: {  	[sflag:s10] =	ssyncset.done $0x0  }
0x9a: {  	[sflag:s10] =	ssyncadd.s32 $0xFFFFC000  }
0x9b: {  	[tilespmem:s13], [sflag:$0x1] =	stream.indirect.gather [hbm4b:s1+s12], $0x80, s30, s12, $0xb8;
	[tilespmem:$0x1CC00] =	vst v63  }
0x9c: {  	_ =	swait.ge [sflag:s16], $0x4000  }
0x9d: {  	[sflag:s16] =	ssyncset.done $0x0  }
0x9e: {  	[sflag:s16] =	ssyncadd.s32 $0xFFFFC000  }
0x9f: {  	[spmem:s3] =	stream.indirect.scatter.add.f32 [tilespmem:s14], [sflag:$0x3], $0x80, s31, s12, $0xb8;
	[tilespmem:$0x1CC00] =	vst v63  }
0xa0: {  	_ =	swait.ge [sflag:s10], $0x4000  }
0xa1: {  	[sflag:s10] =	ssyncset.done $0x0  }
0xa2: {  	[sflag:s10] =	ssyncadd.s32 $0xFFFFC000  }
0xa3: {  	[tilespmem:s14], [sflag:$0x2] =	stream.indirect.gather [hbm4b:s1+s12], $0x80, s2, s12, $0xb8;
	[tilespmem:$0x1CC00] =	vst v63  }
0xa4: {  	_ =	swait.ge [sflag:s15], $0x4000  }
0xa5: {  	[sflag:s15] =	ssyncset.done $0x0  }
0xa6: {  	[sflag:s15] =	ssyncadd.s32 $0xFFFFC000  }
0xa7: {  	[spmem:s3] =	stream.indirect.scatter.add.f32 [tilespmem:s13], [sflag:$0x3], $0x80, s0, s12, $0xb8;
	[tilespmem:$0x1CC00] =	vst v63  }
0xa8: {  	_ =	swait.ge [sflag:s10], $0x4000  }
0xa9: {  	[sflag:s10] =	ssyncset.done $0x0  }
0xaa: {  	[sflag:s10] =	ssyncadd.s32 $0xFFFFC000  }
0xab: {  	_ =	swait.ge [sflag:s16], $0x4000  }
0xac: {  	[sflag:s16] =	ssyncset.done $0x0  }
0xad: {  	[sflag:s16] =	ssyncadd.s32 $0xFFFFC000  }
0xae: {  	[spmem:s3] =	stream.indirect.scatter.add.f32 [tilespmem:s14], [sflag:$0x3], $0x80, s5, s12, $0xb8;
	[tilespmem:$0x1CC00] =	vst v63  }
0xaf: {  	s6 =	simm.s32 $0x200;
	_ =	swait.ge [sflag:s10], $0x4000  }
0xb0: {  	s8 =	simm.s32 $0x100;
	s9 =	rddreg [dreg:$0x5];
	[sflag:s10] =	ssyncset.done $0x0  }
.LBB2_2:
0xb1: {  	[sflag:s10] =	ssyncadd.s32 $0xFFFFC000;
	s9 =	sadd.s32 s8, s9  }
0xb2: {  	[tilespmem:s4], [sflag:$0x3] =	stream.linear.gather [hbm4b:s9+s4], $0x800, $0x38;
	[tilespmem:$0x1CC00] =	vst v63  }
0xb3: {  	_ =	swait.ge [sflag:s10], $0x800  }
0xb4: {  	s9 =	rddreg [dreg:$0x4];
	[sflag:s10] =	ssyncset.done $0x0  }
0xb5: {  	[sflag:s10] =	ssyncadd.s32 $0xFFFFF800;
	s9 =	sadd.s32 s8, s9  }
0xb6: {  	[tilespmem:s11], [sflag:$0x3] =	stream.linear.gather [hbm4b:s9+s4], $0x800, $0x38;
	[tilespmem:$0x1CC00] =	vst v63  }
0xb7: {  	_ =	swait.ge [sflag:s10], $0x800  }
0xb8: {  	[sflag:s10] =	ssyncset.done $0x0  }
0xb9: {  	[sflag:s10] =	ssyncadd.s32 $0xFFFFF800  }
0xba: {  	[tilespmem:s13], [sflag:$0x1] =	stream.indirect.gather [hbm4b:s1+s12], $0x80, s4, s12, $0xb8;
	[tilespmem:$0x1CC00] =	vst v63  }
0xbb: {  	_ = 	snop  }
0xbc: {  	[tilespmem:s14], [sflag:$0x2] =	stream.indirect.gather [hbm4b:s1+s12], $0x80, s12, s12, $0xb8;
	[tilespmem:$0x1CC00] =	vst v63  }
0xbd: {  	_ =	swait.ge [sflag:s15], $0x4000  }
0xbe: {  	[sflag:s15] =	ssyncset.done $0x0  }
0xbf: {  	[sflag:s15] =	ssyncadd.s32 $0xFFFFC000  }
0xc0: {  	[spmem:s3] =	stream.indirect.scatter.add.f32 [tilespmem:s13], [sflag:$0x3], $0x80, s11, s12, $0xb8;
	[tilespmem:$0x1CC00] =	vst v63  }
0xc1: {  	_ =	swait.ge [sflag:s10], $0x4000  }
0xc2: {  	[sflag:s10] =	ssyncset.done $0x0  }
0xc3: {  	s9 =	rddreg [dreg:$0x6];
	[sflag:s10] =	ssyncadd.s32 $0xFFFFC000  }
0xc4: {  	[tilespmem:s13], [sflag:$0x1] =	stream.indirect.gather [hbm4b:s1+s12], $0x80, s9, s12, $0xb8;
	[tilespmem:$0x1CC00] =	vst v63  }
0xc5: {  	_ =	swait.ge [sflag:s16], $0x4000  }
0xc6: {  	[sflag:s16] =	ssyncset.done $0x0  }
0xc7: {  	s9 =	rddreg [dreg:$0x7];
	[sflag:s16] =	ssyncadd.s32 $0xFFFFC000  }
0xc8: {  	[spmem:s3] =	stream.indirect.scatter.add.f32 [tilespmem:s14], [sflag:$0x3], $0x80, s9, s12, $0xb8;
	[tilespmem:$0x1CC00] =	vst v63  }
0xc9: {  	_ =	swait.ge [sflag:s10], $0x4000  }
0xca: {  	[sflag:s10] =	ssyncset.done $0x0  }
0xcb: {  	s9 =	rddreg [dreg:$0x8];
	[sflag:s10] =	ssyncadd.s32 $0xFFFFC000  }
0xcc: {  	[tilespmem:s14], [sflag:$0x2] =	stream.indirect.gather [hbm4b:s1+s12], $0x80, s9, s12, $0xb8;
	[tilespmem:$0x1CC00] =	vst v63  }
0xcd: {  	_ =	swait.ge [sflag:s15], $0x4000  }
0xce: {  	[sflag:s15] =	ssyncset.done $0x0  }
0xcf: {  	s9 =	rddreg [dreg:$0x9];
	[sflag:s15] =	ssyncadd.s32 $0xFFFFC000  }
0xd0: {  	[spmem:s3] =	stream.indirect.scatter.add.f32 [tilespmem:s13], [sflag:$0x3], $0x80, s9, s12, $0xb8;
	[tilespmem:$0x1CC00] =	vst v63  }
0xd1: {  	_ =	swait.ge [sflag:s10], $0x4000  }
0xd2: {  	[sflag:s10] =	ssyncset.done $0x0  }
0xd3: {  	s9 =	rddreg [dreg:$0xa];
	[sflag:s10] =	ssyncadd.s32 $0xFFFFC000  }
0xd4: {  	[tilespmem:s13], [sflag:$0x1] =	stream.indirect.gather [hbm4b:s1+s12], $0x80, s9, s12, $0xb8;
	[tilespmem:$0x1CC00] =	vst v63  }
0xd5: {  	_ =	swait.ge [sflag:s16], $0x4000  }
0xd6: {  	[sflag:s16] =	ssyncset.done $0x0  }
0xd7: {  	s9 =	rddreg [dreg:$0xb];
	[sflag:s16] =	ssyncadd.s32 $0xFFFFC000  }
0xd8: {  	[spmem:s3] =	stream.indirect.scatter.add.f32 [tilespmem:s14], [sflag:$0x3], $0x80, s9, s12, $0xb8;
	[tilespmem:$0x1CC00] =	vst v63  }
0xd9: {  	_ =	swait.ge [sflag:s10], $0x4000  }
0xda: {  	[sflag:s10] =	ssyncset.done $0x0  }
0xdb: {  	s9 =	rddreg [dreg:$0xc];
	[sflag:s10] =	ssyncadd.s32 $0xFFFFC000  }
0xdc: {  	[tilespmem:s14], [sflag:$0x2] =	stream.indirect.gather [hbm4b:s1+s12], $0x80, s9, s12, $0xb8;
	[tilespmem:$0x1CC00] =	vst v63  }
0xdd: {  	_ =	swait.ge [sflag:s15], $0x4000  }
0xde: {  	[sflag:s15] =	ssyncset.done $0x0  }
0xdf: {  	s9 =	rddreg [dreg:$0xd];
	[sflag:s15] =	ssyncadd.s32 $0xFFFFC000  }
0xe0: {  	[spmem:s3] =	stream.indirect.scatter.add.f32 [tilespmem:s13], [sflag:$0x3], $0x80, s9, s12, $0xb8;
	[tilespmem:$0x1CC00] =	vst v63  }
0xe1: {  	_ =	swait.ge [sflag:s10], $0x4000  }
0xe2: {  	[sflag:s10] =	ssyncset.done $0x0  }
0xe3: {  	s9 =	rddreg [dreg:$0xe];
	[sflag:s10] =	ssyncadd.s32 $0xFFFFC000  }
0xe4: {  	[tilespmem:s13], [sflag:$0x1] =	stream.indirect.gather [hbm4b:s1+s12], $0x80, s9, s12, $0xb8;
	[tilespmem:$0x1CC00] =	vst v63  }
0xe5: {  	_ =	swait.ge [sflag:s16], $0x4000  }
0xe6: {  	[sflag:s16] =	ssyncset.done $0x0  }
0xe7: {  	s9 =	rddreg [dreg:$0xf];
	[sflag:s16] =	ssyncadd.s32 $0xFFFFC000  }
0xe8: {  	[spmem:s3] =	stream.indirect.scatter.add.f32 [tilespmem:s14], [sflag:$0x3], $0x80, s9, s12, $0xb8;
	[tilespmem:$0x1CC00] =	vst v63  }
0xe9: {  	_ =	swait.ge [sflag:s10], $0x4000  }
0xea: {  	[sflag:s10] =	ssyncset.done $0x0  }
0xeb: {  	s9 =	rddreg [dreg:$0x10];
	[sflag:s10] =	ssyncadd.s32 $0xFFFFC000  }
0xec: {  	[tilespmem:s14], [sflag:$0x2] =	stream.indirect.gather [hbm4b:s1+s12], $0x80, s9, s12, $0xb8;
	[tilespmem:$0x1CC00] =	vst v63  }
0xed: {  	_ =	swait.ge [sflag:s15], $0x4000  }
0xee: {  	[sflag:s15] =	ssyncset.done $0x0  }
0xef: {  	s9 =	rddreg [dreg:$0x11];
	[sflag:s15] =	ssyncadd.s32 $0xFFFFC000  }
0xf0: {  	[spmem:s3] =	stream.indirect.scatter.add.f32 [tilespmem:s13], [sflag:$0x3], $0x80, s9, s12, $0xb8;
	[tilespmem:$0x1CC00] =	vst v63  }
0xf1: {  	_ =	swait.ge [sflag:s10], $0x4000  }
0xf2: {  	[sflag:s10] =	ssyncset.done $0x0  }
0xf3: {  	[sflag:s10] =	ssyncadd.s32 $0xFFFFC000  }
0xf4: {  	[tilespmem:s13], [sflag:$0x1] =	stream.indirect.gather [hbm4b:s1+s12], $0x80, s17, s12, $0xb8;
	[tilespmem:$0x1CC00] =	vst v63  }
0xf5: {  	_ =	swait.ge [sflag:s16], $0x4000  }
0xf6: {  	[sflag:s16] =	ssyncset.done $0x0  }
0xf7: {  	[sflag:s16] =	ssyncadd.s32 $0xFFFFC000  }
0xf8: {  	[spmem:s3] =	stream.indirect.scatter.add.f32 [tilespmem:s14], [sflag:$0x3], $0x80, s18, s12, $0xb8;
	[tilespmem:$0x1CC00] =	vst v63  }
0xf9: {  	_ =	swait.ge [sflag:s10], $0x4000  }
0xfa: {  	[sflag:s10] =	ssyncset.done $0x0  }
0xfb: {  	[sflag:s10] =	ssyncadd.s32 $0xFFFFC000  }
0xfc: {  	[tilespmem:s14], [sflag:$0x2] =	stream.indirect.gather [hbm4b:s1+s12], $0x80, s19, s12, $0xb8;
	[tilespmem:$0x1CC00] =	vst v63  }
0xfd: {  	_ =	swait.ge [sflag:s15], $0x4000  }
0xfe: {  	[sflag:s15] =	ssyncset.done $0x0  }
0xff: {  	[sflag:s15] =	ssyncadd.s32 $0xFFFFC000  }
0x100: {  	[spmem:s3] =	stream.indirect.scatter.add.f32 [tilespmem:s13], [sflag:$0x3], $0x80, s20, s12, $0xb8;
	[tilespmem:$0x1CC00] =	vst v63  }
0x101: {  	_ =	swait.ge [sflag:s10], $0x4000  }
0x102: {  	[sflag:s10] =	ssyncset.done $0x0  }
0x103: {  	[sflag:s10] =	ssyncadd.s32 $0xFFFFC000  }
0x104: {  	[tilespmem:s13], [sflag:$0x1] =	stream.indirect.gather [hbm4b:s1+s12], $0x80, s21, s12, $0xb8;
	[tilespmem:$0x1CC00] =	vst v63  }
0x105: {  	_ =	swait.ge [sflag:s16], $0x4000  }
0x106: {  	[sflag:s16] =	ssyncset.done $0x0  }
0x107: {  	[sflag:s16] =	ssyncadd.s32 $0xFFFFC000  }
0x108: {  	[spmem:s3] =	stream.indirect.scatter.add.f32 [tilespmem:s14], [sflag:$0x3], $0x80, s22, s12, $0xb8;
	[tilespmem:$0x1CC00] =	vst v63  }
0x109: {  	_ =	swait.ge [sflag:s10], $0x4000  }
0x10a: {  	[sflag:s10] =	ssyncset.done $0x0  }
0x10b: {  	[sflag:s10] =	ssyncadd.s32 $0xFFFFC000  }
0x10c: {  	[tilespmem:s14], [sflag:$0x2] =	stream.indirect.gather [hbm4b:s1+s12], $0x80, s23, s12, $0xb8;
	[tilespmem:$0x1CC00] =	vst v63  }
0x10d: {  	_ =	swait.ge [sflag:s15], $0x4000  }
0x10e: {  	[sflag:s15] =	ssyncset.done $0x0  }
0x10f: {  	[sflag:s15] =	ssyncadd.s32 $0xFFFFC000  }
0x110: {  	[spmem:s3] =	stream.indirect.scatter.add.f32 [tilespmem:s13], [sflag:$0x3], $0x80, s24, s12, $0xb8;
	[tilespmem:$0x1CC00] =	vst v63  }
0x111: {  	_ =	swait.ge [sflag:s10], $0x4000  }
0x112: {  	[sflag:s10] =	ssyncset.done $0x0  }
0x113: {  	[sflag:s10] =	ssyncadd.s32 $0xFFFFC000  }
0x114: {  	[tilespmem:s13], [sflag:$0x1] =	stream.indirect.gather [hbm4b:s1+s12], $0x80, s25, s12, $0xb8;
	[tilespmem:$0x1CC00] =	vst v63  }
0x115: {  	_ =	swait.ge [sflag:s16], $0x4000  }
0x116: {  	[sflag:s16] =	ssyncset.done $0x0  }
0x117: {  	[sflag:s16] =	ssyncadd.s32 $0xFFFFC000  }
0x118: {  	[spmem:s3] =	stream.indirect.scatter.add.f32 [tilespmem:s14], [sflag:$0x3], $0x80, s26, s12, $0xb8;
	[tilespmem:$0x1CC00] =	vst v63  }
0x119: {  	_ =	swait.ge [sflag:s10], $0x4000  }
0x11a: {  	[sflag:s10] =	ssyncset.done $0x0  }
0x11b: {  	[sflag:s10] =	ssyncadd.s32 $0xFFFFC000  }
0x11c: {  	[tilespmem:s14], [sflag:$0x2] =	stream.indirect.gather [hbm4b:s1+s12], $0x80, s28, s12, $0xb8;
	[tilespmem:$0x1CC00] =	vst v63  }
0x11d: {  	_ =	swait.ge [sflag:s15], $0x4000  }
0x11e: {  	[sflag:s15] =	ssyncset.done $0x0  }
0x11f: {  	[sflag:s15] =	ssyncadd.s32 $0xFFFFC000  }
0x120: {  	[spmem:s3] =	stream.indirect.scatter.add.f32 [tilespmem:s13], [sflag:$0x3], $0x80, s29, s12, $0xb8;
	[tilespmem:$0x1CC00] =	vst v63  }
0x121: {  	_ =	swait.ge [sflag:s10], $0x4000  }
0x122: {  	[sflag:s10] =	ssyncset.done $0x0  }
0x123: {  	[sflag:s10] =	ssyncadd.s32 $0xFFFFC000  }
0x124: {  	[tilespmem:s13], [sflag:$0x1] =	stream.indirect.gather [hbm4b:s1+s12], $0x80, s30, s12, $0xb8;
	[tilespmem:$0x1CC00] =	vst v63  }
0x125: {  	_ =	swait.ge [sflag:s16], $0x4000  }
0x126: {  	[sflag:s16] =	ssyncset.done $0x0  }
0x127: {  	[sflag:s16] =	ssyncadd.s32 $0xFFFFC000  }
0x128: {  	[spmem:s3] =	stream.indirect.scatter.add.f32 [tilespmem:s14], [sflag:$0x3], $0x80, s31, s12, $0xb8;
	[tilespmem:$0x1CC00] =	vst v63  }
0x129: {  	_ =	swait.ge [sflag:s10], $0x4000  }
0x12a: {  	[sflag:s10] =	ssyncset.done $0x0  }
0x12b: {  	[sflag:s10] =	ssyncadd.s32 $0xFFFFC000  }
0x12c: {  	[tilespmem:s14], [sflag:$0x2] =	stream.indirect.gather [hbm4b:s1+s12], $0x80, s2, s12, $0xb8;
	[tilespmem:$0x1CC00] =	vst v63  }
0x12d: {  	_ =	swait.ge [sflag:s15], $0x4000  }
0x12e: {  	[sflag:s15] =	ssyncset.done $0x0  }
0x12f: {  	[sflag:s15] =	ssyncadd.s32 $0xFFFFC000  }
0x130: {  	[spmem:s3] =	stream.indirect.scatter.add.f32 [tilespmem:s13], [sflag:$0x3], $0x80, s0, s12, $0xb8;
	[tilespmem:$0x1CC00] =	vst v63  }
0x131: {  	_ =	swait.ge [sflag:s10], $0x4000  }
0x132: {  	[sflag:s10] =	ssyncset.done $0x0  }
0x133: {  	[sflag:s10] =	ssyncadd.s32 $0xFFFFC000  }
0x134: {  	p0 =	sne.s32 s6, $0x400;
	_ =	swait.ge [sflag:s16], $0x4000  }
.Ltmp0:
0x135: {  	[sflag:s16] =	ssyncset.done $0x0;
	(pc) =	sbr.rel @p0 .LBB2_2-.Ltmp0, $4  }
0x136: {  	[sflag:s16] =	ssyncadd.s32 $0xFFFFC000  }
0x137: {  	[spmem:s3] =	stream.indirect.scatter.add.f32 [tilespmem:s14], [sflag:$0x3], $0x80, s5, s12, $0xb8;
	[tilespmem:$0x1CC00] =	vst v63  }
0x138: {  	s7 =	smov.u32 s6;
	s6 =	sadd.s32 $0x100, s6;
	_ =	swait.ge [sflag:s10], $0x4000  }
0x139: {  	s8 =	smov.u32 s7;
	s9 =	rddreg [dreg:$0x5];
	[sflag:s10] =	ssyncset.done $0x0  }
0x13a: {  	[sflag:s10] =	ssyncadd.s32 $0xFFFFC000;
	s6 =	sadd.s32 s8, s9  }
0x13b: {  	[tilespmem:s4], [sflag:$0x3] =	stream.linear.gather [hbm4b:s6+s4], $0x800, $0x38;
	[tilespmem:$0x1CC00] =	vst v63  }
0x13c: {  	_ =	swait.ge [sflag:s10], $0x800  }
0x13d: {  	s7 =	rddreg [dreg:$0x4];
	[sflag:s10] =	ssyncset.done $0x0  }
0x13e: {  	s6 =	sadd.s32 s8, s7;
	[sflag:s10] =	ssyncadd.s32 $0xFFFFF800  }
0x13f: {  	[tilespmem:s11], [sflag:$0x3] =	stream.linear.gather [hbm4b:s6+s4], $0x800, $0x38;
	[tilespmem:$0x1CC00] =	vst v63  }
0x140: {  	_ =	swait.ge [sflag:s10], $0x800  }
0x141: {  	[sflag:s10] =	ssyncset.done $0x0  }
0x142: {  	[sflag:s10] =	ssyncadd.s32 $0xFFFFF800  }
0x143: {  	[tilespmem:s13], [sflag:$0x1] =	stream.indirect.gather [hbm4b:s1+s12], $0x80, s4, s12, $0xb8;
	[tilespmem:$0x1CC00] =	vst v63  }
0x144: {  	_ = 	snop  }
0x145: {  	[tilespmem:s14], [sflag:$0x2] =	stream.indirect.gather [hbm4b:s1+s12], $0x80, s12, s12, $0xb8;
	[tilespmem:$0x1CC00] =	vst v63  }
0x146: {  	_ =	swait.ge [sflag:s15], $0x4000  }
0x147: {  	[sflag:s15] =	ssyncset.done $0x0  }
0x148: {  	[sflag:s15] =	ssyncadd.s32 $0xFFFFC000  }
0x149: {  	[spmem:s3] =	stream.indirect.scatter.add.f32 [tilespmem:s13], [sflag:$0x3], $0x80, s11, s12, $0xb8;
	[tilespmem:$0x1CC00] =	vst v63  }
0x14a: {  	_ =	swait.ge [sflag:s10], $0x4000  }
0x14b: {  	[sflag:s10] =	ssyncset.done $0x0  }
0x14c: {  	s9 =	rddreg [dreg:$0x6];
	[sflag:s10] =	ssyncadd.s32 $0xFFFFC000  }
0x14d: {  	[tilespmem:s13], [sflag:$0x1] =	stream.indirect.gather [hbm4b:s1+s12], $0x80, s9, s12, $0xb8;
	[tilespmem:$0x1CC00] =	vst v63  }
0x14e: {  	_ =	swait.ge [sflag:s16], $0x4000  }
0x14f: {  	[sflag:s16] =	ssyncset.done $0x0  }
0x150: {  	s7 =	rddreg [dreg:$0x7];
	[sflag:s16] =	ssyncadd.s32 $0xFFFFC000  }
0x151: {  	[spmem:s3] =	stream.indirect.scatter.add.f32 [tilespmem:s14], [sflag:$0x3], $0x80, s7, s12, $0xb8;
	[tilespmem:$0x1CC00] =	vst v63  }
0x152: {  	_ =	swait.ge [sflag:s10], $0x4000  }
0x153: {  	[sflag:s10] =	ssyncset.done $0x0  }
0x154: {  	s8 =	rddreg [dreg:$0x8];
	[sflag:s10] =	ssyncadd.s32 $0xFFFFC000  }
0x155: {  	[tilespmem:s14], [sflag:$0x2] =	stream.indirect.gather [hbm4b:s1+s12], $0x80, s8, s12, $0xb8;
	[tilespmem:$0x1CC00] =	vst v63  }
0x156: {  	_ =	swait.ge [sflag:s15], $0x4000  }
0x157: {  	[sflag:s15] =	ssyncset.done $0x0  }
0x158: {  	s9 =	rddreg [dreg:$0x9];
	[sflag:s15] =	ssyncadd.s32 $0xFFFFC000  }
0x159: {  	[spmem:s3] =	stream.indirect.scatter.add.f32 [tilespmem:s13], [sflag:$0x3], $0x80, s9, s12, $0xb8;
	[tilespmem:$0x1CC00] =	vst v63  }
0x15a: {  	_ =	swait.ge [sflag:s10], $0x4000  }
0x15b: {  	[sflag:s10] =	ssyncset.done $0x0  }
0x15c: {  	s7 =	rddreg [dreg:$0xa];
	[sflag:s10] =	ssyncadd.s32 $0xFFFFC000  }
0x15d: {  	[tilespmem:s13], [sflag:$0x1] =	stream.indirect.gather [hbm4b:s1+s12], $0x80, s7, s12, $0xb8;
	[tilespmem:$0x1CC00] =	vst v63  }
0x15e: {  	_ =	swait.ge [sflag:s16], $0x4000  }
0x15f: {  	[sflag:s16] =	ssyncset.done $0x0  }
0x160: {  	s8 =	rddreg [dreg:$0xb];
	[sflag:s16] =	ssyncadd.s32 $0xFFFFC000  }
0x161: {  	[spmem:s3] =	stream.indirect.scatter.add.f32 [tilespmem:s14], [sflag:$0x3], $0x80, s8, s12, $0xb8;
	[tilespmem:$0x1CC00] =	vst v63  }
0x162: {  	_ =	swait.ge [sflag:s10], $0x4000  }
0x163: {  	[sflag:s10] =	ssyncset.done $0x0  }
0x164: {  	s9 =	rddreg [dreg:$0xc];
	[sflag:s10] =	ssyncadd.s32 $0xFFFFC000  }
0x165: {  	[tilespmem:s14], [sflag:$0x2] =	stream.indirect.gather [hbm4b:s1+s12], $0x80, s9, s12, $0xb8;
	[tilespmem:$0x1CC00] =	vst v63  }
0x166: {  	_ =	swait.ge [sflag:s15], $0x4000  }
0x167: {  	[sflag:s15] =	ssyncset.done $0x0  }
0x168: {  	s7 =	rddreg [dreg:$0xd];
	[sflag:s15] =	ssyncadd.s32 $0xFFFFC000  }
0x169: {  	[spmem:s3] =	stream.indirect.scatter.add.f32 [tilespmem:s13], [sflag:$0x3], $0x80, s7, s12, $0xb8;
	[tilespmem:$0x1CC00] =	vst v63  }
0x16a: {  	_ =	swait.ge [sflag:s10], $0x4000  }
0x16b: {  	[sflag:s10] =	ssyncset.done $0x0  }
0x16c: {  	s8 =	rddreg [dreg:$0xe];
	[sflag:s10] =	ssyncadd.s32 $0xFFFFC000  }
0x16d: {  	[tilespmem:s13], [sflag:$0x1] =	stream.indirect.gather [hbm4b:s1+s12], $0x80, s8, s12, $0xb8;
	[tilespmem:$0x1CC00] =	vst v63  }
0x16e: {  	_ =	swait.ge [sflag:s16], $0x4000  }
0x16f: {  	[sflag:s16] =	ssyncset.done $0x0  }
0x170: {  	s9 =	rddreg [dreg:$0xf];
	[sflag:s16] =	ssyncadd.s32 $0xFFFFC000  }
0x171: {  	[spmem:s3] =	stream.indirect.scatter.add.f32 [tilespmem:s14], [sflag:$0x3], $0x80, s9, s12, $0xb8;
	[tilespmem:$0x1CC00] =	vst v63  }
0x172: {  	_ =	swait.ge [sflag:s10], $0x4000  }
0x173: {  	[sflag:s10] =	ssyncset.done $0x0  }
0x174: {  	s7 =	rddreg [dreg:$0x10];
	[sflag:s10] =	ssyncadd.s32 $0xFFFFC000  }
0x175: {  	[tilespmem:s14], [sflag:$0x2] =	stream.indirect.gather [hbm4b:s1+s12], $0x80, s7, s12, $0xb8;
	[tilespmem:$0x1CC00] =	vst v63  }
0x176: {  	_ =	swait.ge [sflag:s15], $0x4000  }
0x177: {  	[sflag:s15] =	ssyncset.done $0x0  }
0x178: {  	s8 =	rddreg [dreg:$0x11];
	[sflag:s15] =	ssyncadd.s32 $0xFFFFC000  }
0x179: {  	[spmem:s3] =	stream.indirect.scatter.add.f32 [tilespmem:s13], [sflag:$0x3], $0x80, s8, s12, $0xb8;
	[tilespmem:$0x1CC00] =	vst v63  }
0x17a: {  	_ =	swait.ge [sflag:s10], $0x4000  }
0x17b: {  	[sflag:s10] =	ssyncset.done $0x0  }
0x17c: {  	[sflag:s10] =	ssyncadd.s32 $0xFFFFC000  }
0x17d: {  	[tilespmem:s13], [sflag:$0x1] =	stream.indirect.gather [hbm4b:s1+s12], $0x80, s17, s12, $0xb8;
	[tilespmem:$0x1CC00] =	vst v63  }
0x17e: {  	_ =	swait.ge [sflag:s16], $0x4000  }
0x17f: {  	[sflag:s16] =	ssyncset.done $0x0  }
0x180: {  	[sflag:s16] =	ssyncadd.s32 $0xFFFFC000  }
0x181: {  	[spmem:s3] =	stream.indirect.scatter.add.f32 [tilespmem:s14], [sflag:$0x3], $0x80, s18, s12, $0xb8;
	[tilespmem:$0x1CC00] =	vst v63  }
0x182: {  	_ =	swait.ge [sflag:s10], $0x4000  }
0x183: {  	[sflag:s10] =	ssyncset.done $0x0  }
0x184: {  	[sflag:s10] =	ssyncadd.s32 $0xFFFFC000  }
0x185: {  	[tilespmem:s14], [sflag:$0x2] =	stream.indirect.gather [hbm4b:s1+s12], $0x80, s19, s12, $0xb8;
	[tilespmem:$0x1CC00] =	vst v63  }
0x186: {  	_ =	swait.ge [sflag:s15], $0x4000  }
0x187: {  	[sflag:s15] =	ssyncset.done $0x0  }
0x188: {  	[sflag:s15] =	ssyncadd.s32 $0xFFFFC000  }
0x189: {  	[spmem:s3] =	stream.indirect.scatter.add.f32 [tilespmem:s13], [sflag:$0x3], $0x80, s20, s12, $0xb8;
	[tilespmem:$0x1CC00] =	vst v63  }
0x18a: {  	_ =	swait.ge [sflag:s10], $0x4000  }
0x18b: {  	[sflag:s10] =	ssyncset.done $0x0  }
0x18c: {  	[sflag:s10] =	ssyncadd.s32 $0xFFFFC000  }
0x18d: {  	[tilespmem:s13], [sflag:$0x1] =	stream.indirect.gather [hbm4b:s1+s12], $0x80, s21, s12, $0xb8;
	[tilespmem:$0x1CC00] =	vst v63  }
0x18e: {  	_ =	swait.ge [sflag:s16], $0x4000  }
0x18f: {  	[sflag:s16] =	ssyncset.done $0x0  }
0x190: {  	[sflag:s16] =	ssyncadd.s32 $0xFFFFC000  }
0x191: {  	[spmem:s3] =	stream.indirect.scatter.add.f32 [tilespmem:s14], [sflag:$0x3], $0x80, s22, s12, $0xb8;
	[tilespmem:$0x1CC00] =	vst v63  }
0x192: {  	_ =	swait.ge [sflag:s10], $0x4000  }
0x193: {  	[sflag:s10] =	ssyncset.done $0x0  }
0x194: {  	[sflag:s10] =	ssyncadd.s32 $0xFFFFC000  }
0x195: {  	[tilespmem:s14], [sflag:$0x2] =	stream.indirect.gather [hbm4b:s1+s12], $0x80, s23, s12, $0xb8;
	[tilespmem:$0x1CC00] =	vst v63  }
0x196: {  	_ =	swait.ge [sflag:s15], $0x4000  }
0x197: {  	[sflag:s15] =	ssyncset.done $0x0  }
0x198: {  	[sflag:s15] =	ssyncadd.s32 $0xFFFFC000  }
0x199: {  	[spmem:s3] =	stream.indirect.scatter.add.f32 [tilespmem:s13], [sflag:$0x3], $0x80, s24, s12, $0xb8;
	[tilespmem:$0x1CC00] =	vst v63  }
0x19a: {  	_ =	swait.ge [sflag:s10], $0x4000  }
0x19b: {  	[sflag:s10] =	ssyncset.done $0x0  }
0x19c: {  	[sflag:s10] =	ssyncadd.s32 $0xFFFFC000  }
0x19d: {  	[tilespmem:s13], [sflag:$0x1] =	stream.indirect.gather [hbm4b:s1+s12], $0x80, s25, s12, $0xb8;
	[tilespmem:$0x1CC00] =	vst v63  }
0x19e: {  	_ =	swait.ge [sflag:s16], $0x4000  }
0x19f: {  	[sflag:s16] =	ssyncset.done $0x0  }
0x1a0: {  	[sflag:s16] =	ssyncadd.s32 $0xFFFFC000  }
0x1a1: {  	[spmem:s3] =	stream.indirect.scatter.add.f32 [tilespmem:s14], [sflag:$0x3], $0x80, s26, s12, $0xb8;
	[tilespmem:$0x1CC00] =	vst v63  }
0x1a2: {  	_ =	swait.ge [sflag:s10], $0x4000  }
0x1a3: {  	[sflag:s10] =	ssyncset.done $0x0  }
0x1a4: {  	[sflag:s10] =	ssyncadd.s32 $0xFFFFC000  }
0x1a5: {  	[tilespmem:s14], [sflag:$0x2] =	stream.indirect.gather [hbm4b:s1+s12], $0x80, s28, s12, $0xb8;
	[tilespmem:$0x1CC00] =	vst v63  }
0x1a6: {  	_ =	swait.ge [sflag:s15], $0x4000  }
0x1a7: {  	[sflag:s15] =	ssyncset.done $0x0  }
0x1a8: {  	[sflag:s15] =	ssyncadd.s32 $0xFFFFC000  }
0x1a9: {  	[spmem:s3] =	stream.indirect.scatter.add.f32 [tilespmem:s13], [sflag:$0x3], $0x80, s29, s12, $0xb8;
	[tilespmem:$0x1CC00] =	vst v63  }
0x1aa: {  	_ =	swait.ge [sflag:s10], $0x4000  }
0x1ab: {  	[sflag:s10] =	ssyncset.done $0x0  }
0x1ac: {  	[sflag:s10] =	ssyncadd.s32 $0xFFFFC000  }
0x1ad: {  	[tilespmem:s13], [sflag:$0x1] =	stream.indirect.gather [hbm4b:s1+s12], $0x80, s30, s12, $0xb8;
	[tilespmem:$0x1CC00] =	vst v63  }
0x1ae: {  	_ =	swait.ge [sflag:s16], $0x4000  }
0x1af: {  	[sflag:s16] =	ssyncset.done $0x0  }
0x1b0: {  	[sflag:s16] =	ssyncadd.s32 $0xFFFFC000  }
0x1b1: {  	[spmem:s3] =	stream.indirect.scatter.add.f32 [tilespmem:s14], [sflag:$0x3], $0x80, s31, s12, $0xb8;
	[tilespmem:$0x1CC00] =	vst v63  }
0x1b2: {  	_ =	swait.ge [sflag:s10], $0x4000  }
0x1b3: {  	[sflag:s10] =	ssyncset.done $0x0  }
0x1b4: {  	[sflag:s10] =	ssyncadd.s32 $0xFFFFC000  }
0x1b5: {  	[tilespmem:s14], [sflag:$0x2] =	stream.indirect.gather [hbm4b:s1+s12], $0x80, s2, s12, $0xb8;
	[tilespmem:$0x1CC00] =	vst v63  }
0x1b6: {  	_ =	swait.ge [sflag:s15], $0x4000  }
0x1b7: {  	[sflag:s15] =	ssyncset.done $0x0  }
0x1b8: {  	[sflag:s15] =	ssyncadd.s32 $0xFFFFC000  }
0x1b9: {  	[spmem:s3] =	stream.indirect.scatter.add.f32 [tilespmem:s13], [sflag:$0x3], $0x80, s0, s12, $0xb8;
	[tilespmem:$0x1CC00] =	vst v63  }
0x1ba: {  	_ =	swait.ge [sflag:s10], $0x4000  }
0x1bb: {  	[sflag:s10] =	ssyncset.done $0x0  }
0x1bc: {  	[sflag:s10] =	ssyncadd.s32 $0xFFFFC000  }
0x1bd: {  	_ =	swait.ge [sflag:s16], $0x4000  }
0x1be: {  	[sflag:s16] =	ssyncset.done $0x0  }
0x1bf: {  	[sflag:s16] =	ssyncadd.s32 $0xFFFFC000  }
0x1c0: {  	[spmem:s3] =	stream.indirect.scatter.add.f32 [tilespmem:s14], [sflag:$0x3], $0x80, s5, s12, $0xb8;
	[tilespmem:$0x1CC00] =	vst v63  }
0x1c1: {  	_ =	swait.ge [sflag:s10], $0x4000  }
0x1c2: {  	[sflag:s10] =	ssyncset.done $0x0  }
0x1c3: {  	[sflag:s10] =	ssyncadd.s32 $0xFFFFC000  }
0x1c4: {  	[bflag:$0x0] =	sbarrier.arrive $0xFFFF  }
0x1c5: {  	s7 =	rddreg [dreg:$0x13]  }
0x1c6: {  	s9 =	rddreg [dreg:$0x14]  }
0x1c7: {  	s8 =	rddreg [dreg:$0x16]  }
0x1c8: {  	[hbm:s9], [sflag:s7] =	dma.local [spmem:s8], $0x2780  }
0x1c9: {  	_ =	swait.ge [sflag:s10], $0x2780  }
0x1ca: {  	s6 =	rddreg [dreg:$0x17]  }
0x1cb: {  	s9 =	sadd.s32 $0x1, s6;
	s6 =	rddreg [dreg:$0x15]  }
0x1cc: {  	p0 =	sne.s32 s9, s6  }
.Ltmp1:
0x1cd: {  	_ = 	snop;
	(pc) =	sbr.rel @p0 .LBB2_1-.Ltmp1, $3  }
0x1ce: {  	_ =	sdelay $0x1  }
0x1cf: {  	[sflag:s10] =	ssyncset.done $0x0  }
0x1d0: {  	[sflag:s10] =	ssyncadd.s32 $0xFFFFD880  }
0x1d1: {  	_ =	sfence.sel $0x180000  }
0x1d2: {  	[bflag:$0x0] =	sbarrier.arrive $0xFFFF  }
0x1d3: {  	_ =	strace $0x9000004A  }
0x1d4: {  	s0 =	stileid.u32;
	[bflag:$0x2] =	sbarrier.arrive $0xFFFF  }
0x1d5: {  	p0 =	sne.s32 s0, $0x0;
	s0 =	rddreg [dreg:$0x3]  }
0x1d6: {  	s0 =	sadd.s32 @!p0 $0x100000, s0  }
0x1d7: {  	[sflag:s0] =	ssyncadd.tile.s32 @!p0 $0x1;
	_ =	shalt  }
.Lfunc_end2:
_tile_overlayer_lowered:
.L_overlay_start_2:
0x1d8: {  	(tag) =	ssettag $0x2  }
0x1d9: {  	s0 =	rddreg [dreg:$0x0];
	s2 =	stileid.u32  }
0x1da: {  	s1 =	rddreg [dreg:$0x1];
	p0 =	sne.s32 s2, $0x0  }
0x1db: {  	s3 =	rddreg [dreg:$0x2];
	[bflag:$0x3] =	sbarrier.arrive $0xFFFF;
	s2 =	simm.s32 @!p0 $0x1C03  }
0x1dc: {  	[timem:s3], [sflag:s2] =	dma.local @!p0 [hbm:s0], s1  }
0x1dd: {  	s0 =	simm.s32 @!p0 $0x3  }
0x1de: {  	_ =	swait.ge @!p0 [sflag:s0], s1  }
0x1df: {  	s1 =	ssub.s32 @!p0 $0x0, s1;
	[sflag:s0] =	ssyncset.done @!p0 $0x0  }
0x1e0: {  	[sflag:s0] =	ssyncadd.s32 @!p0 s1  }
0x1e1: {  	[bflag:$0x3] =	sbarrier.arrive $0xFFFF  }
0x1e2: {  	_ =	shalt  }

// kernel: kernel.13.cloned.1.call-start
scs
__scs_entry_jumppad:
0x0: {  	(pc) =	sbr.rel $0x88, $3  }
0x1: {  	(tag) =	ssettag $0x0;
	lr =	simm.s32 $0x1  }
0x2: {  	[smem:$0x3F99] =	sst lr;
	_ =	strace $0xD0000000  }
0x3: {  	_ = 	snop  }
0x4: {  	_ = 	snop  }
0x5: {  	_ = 	snop  }
0x6: {  	_ = 	snop  }
0x7: {  	_ = 	snop  }
__scs_overlays_trampoline_lowered:
0x8: {  	[smem:$0x3FA8] =	sst s0  }
0x9: {  	[smem:$0x3FA9] =	sst s1  }
0xa: {  	[smem:$0x3FAA] =	sst s2  }
0xb: {  	[smem:$0x3FAB] =	sst s3  }
0xc: {  	[smem:$0x3FAC] =	sst s4  }
0xd: {  	[smem:$0x3FAD] =	sst s5  }
0xe: {  	[smem:$0x3FAE] =	sst s6  }
0xf: {  	[smem:$0x3FAF] =	sst s7  }
0x10: {  	[smem:$0x3FB0] =	sst s8  }
0x11: {  	[smem:$0x3FB1] =	sst s9;
	s0 =	simm.s32 @!p0 $0x0  }
0x12: {  	s1 =	sld [smem:$0x3F97];
	s0 =	simm.s32 @p0 $0x1  }
0x13: {  	[smem:$0x3FB2] =	sst s0;
	s0 =	simm.s32 @!p1 $0x0  }
0x14: {  	s2 =	sld [smem:$0x3F96];
	s0 =	simm.s32 @p1 $0x1  }
0x15: {  	[smem:$0x3FB3] =	sst s0;
	s0 =	simm.s32 @!p2 $0x0  }
0x16: {  	s3 =	sld [smem:$0x3FDB];
	s0 =	simm.s32 @p2 $0x1  }
0x17: {  	s4 =	simm.s32 $0x1BF5;
	[smem:$0x3FB5] =	sst s0  }
0x18: {  	s0 =	sld [smem:$0x3F98];
	_ =	swait.ge [sflag:s4], $0x0  }
0x19: {  	s7 =	sld [smem:$0x3F99]  }
0x1a: {  	s8 =	sadd.s32 $0xFFFFE003, lr  }
0x1b: {  	s9 =	sadd.s32 $0xFFFFFEF7, lr;
	s5 =	simm.s32 $0xFFFFFFFF;
	p2 =	slt.u32 s8, $0xFFFFF086  }
0x1c: {  	p1 =	slt.u32 s9, $0xF7A;
	s5 =	simm.s32 @!p2 $0x0  }
0x1d: {  	s5 =	simm.s32 @p1 $0x1;
	p0 =	seq.s32 s7, s2  }
0x1e: {  	s7 =	smul.u32 @!p0 $0xF7A, s2;
	p2 =	seq.s32 @!p0 s5, $0x0  }
0x1f: {  	s9 =	smul.u32 $0xF7A, s1;
	s8 =	simm.s32 @!p0 $0x1BF5;
	p2 =	por !p2, p0  }
0x20: {  	[sflag:s8] =	ssyncset.s32 @!p0 $0xFFFFF086;
	s6 =	sadd.s32 @!p0 s3, s7;
	s7 =	simm.s32 @!p0 $0x108  }
0x21: {  	s3 =	sadd.s32 s3, s9;
	s6 =	sadd.s32 @!p0 $0x88, s6;
	s7 =	simm.s32 @p2 $0x1082  }
0x22: {  	[simem:s7], [sflag:s8] =	dma.local @!p0 [hbm:s6], $0xF7A  }
0x23: {  	s9 =	sor.u32 $0xD0000000, s2;
	s6 =	simm.s32 $0x108;
	_ =	swait.ge @!p0 [sflag:s8], $0x0  }
0x24: {  	s3 =	sadd.s32 $0x88, s3;
	s6 =	simm.s32 @!p1 $0x1082;
	[sflag:s4] =	ssyncset.s32 $0xFFFFF086  }
0x25: {  	[simem:s6], [sflag:s4] =	dma.local [hbm:s3], $0xF7A  }
0x26: {  	[smem:$0x3F99] =	sst s1;
	(tag) =	ssettag s2;
	_ =	strace s9  }
0x27: {  	s1 =	sld [smem:$0x3FA9]  }
0x28: {  	s2 =	sld [smem:$0x3FAA]  }
0x29: {  	s4 =	sld [smem:$0x3FAC]  }
0x2a: {  	p0 =	seq.s32 s5, $0x0;
	s5 =	sld [smem:$0x3FAD]  }
0x2b: {  	s6 =	sld [smem:$0x3FAE]  }
0x2c: {  	s7 =	sld [smem:$0x3FAF]  }
0x2d: {  	s3 =	simm.s32 $0x108;
	s8 =	sld [smem:$0x3FB0]  }
0x2e: {  	s3 =	simm.s32 @!p0 $0x1082;
	s9 =	sld [smem:$0x3FB1]  }
0x2f: {  	lr =	sadd.s32 s0, s3;
	s0 =	sld [smem:$0x3FA8]  }
0x30: {  	s3 =	sld [smem:$0x3FAB]  }
0x31: {  	[smem:$0x3FB4] =	sst s10  }
0x32: {  	s10 =	sld [smem:$0x3FB2];
	_ =	sdelay $0x3  }
0x33: {  	p0 =	seq.s32 s10, $0x1;
	s10 =	sld [smem:$0x3FB4];
	_ =	sdelay $0x3  }
0x34: {  	[smem:$0x3FB4] =	sst s10  }
0x35: {  	s10 =	sld [smem:$0x3FB3];
	_ =	sdelay $0x3  }
0x36: {  	p1 =	seq.s32 s10, $0x1;
	s10 =	sld [smem:$0x3FB4];
	_ =	sdelay $0x3  }
0x37: {  	[smem:$0x3FB4] =	sst s10  }
0x38: {  	s10 =	sld [smem:$0x3FB5]  }
0x39: {  	_ = 	snop;
	(pc) =	sbr.ind lr, $3  }
0x3a: {  	_ = 	snop  }
0x3b: {  	_ = 	snop  }
0x3c: {  	p2 =	seq.s32 s10, $0x1;
	s10 =	sld [smem:$0x3FB4]  }
0x3d: {  	_ =	shalt  }
0x3e: {  	_ =	shalt  }
0x3f: {  	_ =	shalt  }
0x40: {  	_ =	shalt  }
0x41: {  	_ =	shalt  }
0x42: {  	_ =	shalt  }
0x43: {  	_ =	shalt  }
0x44: {  	_ =	shalt  }
0x45: {  	_ =	shalt  }
0x46: {  	_ =	shalt  }
0x47: {  	_ =	shalt  }
0x48: {  	_ =	shalt  }
0x49: {  	_ =	shalt  }
0x4a: {  	_ =	shalt  }
0x4b: {  	_ =	shalt  }
0x4c: {  	_ =	shalt  }
0x4d: {  	_ =	shalt  }
0x4e: {  	_ =	shalt  }
0x4f: {  	_ =	shalt  }
0x50: {  	_ =	shalt  }
0x51: {  	_ =	shalt  }
0x52: {  	_ =	shalt  }
0x53: {  	_ =	shalt  }
0x54: {  	_ =	shalt  }
0x55: {  	_ =	shalt  }
0x56: {  	_ =	shalt  }
0x57: {  	_ =	shalt  }
0x58: {  	_ =	shalt  }
0x59: {  	_ =	shalt  }
0x5a: {  	_ =	shalt  }
0x5b: {  	_ =	shalt  }
0x5c: {  	_ =	shalt  }
0x5d: {  	_ =	shalt  }
0x5e: {  	_ =	shalt  }
0x5f: {  	_ =	shalt  }
0x60: {  	_ =	shalt  }
0x61: {  	_ =	shalt  }
0x62: {  	_ =	shalt  }
0x63: {  	_ =	shalt  }
0x64: {  	_ =	shalt  }
0x65: {  	_ =	shalt  }
0x66: {  	_ =	shalt  }
0x67: {  	_ =	shalt  }
0x68: {  	_ =	shalt  }
0x69: {  	_ =	shalt  }
0x6a: {  	_ =	shalt  }
0x6b: {  	_ =	shalt  }
0x6c: {  	_ =	shalt  }
0x6d: {  	_ =	shalt  }
0x6e: {  	_ =	shalt  }
0x6f: {  	_ =	shalt  }
0x70: {  	_ =	shalt  }
0x71: {  	_ =	shalt  }
0x72: {  	_ =	shalt  }
0x73: {  	_ =	shalt  }
0x74: {  	_ =	shalt  }
0x75: {  	_ =	shalt  }
0x76: {  	_ =	shalt  }
0x77: {  	_ =	shalt  }
0x78: {  	_ =	shalt  }
0x79: {  	_ =	shalt  }
0x7a: {  	_ =	shalt  }
0x7b: {  	_ =	shalt  }
0x7c: {  	_ =	shalt  }
0x7d: {  	_ =	shalt  }
0x7e: {  	_ =	shalt  }
0x7f: {  	_ =	shalt  }
0x80: {  	_ =	shalt  }
0x81: {  	_ =	shalt  }
0x82: {  	_ =	shalt  }
0x83: {  	_ =	shalt  }
0x84: {  	_ =	shalt  }
0x85: {  	_ =	shalt  }
0x86: {  	_ =	shalt  }
0x87: {  	_ =	shalt  }
.Lfunc_end0:
.L_simem_size_0:
called_computation.2_lowered:
.L_overlay_start_0:
0x88: {  	s2 =	sld [smem:$0x3FD9]  }
0x89: {  	s3 =	sld [smem:$0x3FFE];
	_ =	sdelay $0x1  }
0x8a: {  	s1 =	srdreg.scid  }
0x8b: {  	s0 =	sand.u32 $0x1, s1  }
0x8c: {  	s17 =	sshll.u32 s0, $0xA;
	s2 =	sadd.s32 s3, s2  }
0x8d: {  	s2 =	sadd.s32 s2, s17  }
0x8e: {  	[smem:$0x3FC0] =	sst s2  }
0x8f: {  	_ = 	snop  }
0x90: {  	s2 =	sld [smem:$0x3FD0];
	(tm) =	ssettm $0x1  }
0x91: {  	s18 =	sld [smem:$0x3FFB];
	_ =	sdelay $0x3  }
0x92: {  	_ =	strace s18  }
0x93: {  	s3 =	sld [smem:$0x3FFC];
	_ =	sdelay $0x3  }
0x94: {  	_ =	strace s3  }
0x95: {  	s3 =	sld [smem:$0x3FFD];
	_ =	sdelay $0x3  }
0x96: {  	_ =	strace s3  }
0x97: {  	_ =	strace $0x8FFFFFFF  }
0x98: {  	s19 =	sld [smem:$0x3FDB];
	_ =	sdelay $0x1  }
0x99: {  	s4 =	simm.s32 $_scs_section_size  }
0x9a: {  	s5 =	simm.s32 $_size__tile_overlayer_lowered;
	s6 =	simm.s32 $_tile_overlayer_lowered  }
0x9b: {  	s22 =	simm.s32 $0x1BFF;
	s21 =	sshll.u32 s6, $0x1;
	s3 =	sadd.s32 s4, s19  }
0x9c: {  	s7 =	simm.s32 $0x0;
	s20 =	sshll.u32 s5, $0x1;
	s5 =	sadd.s32 s21, s3  }
0x9d: {  	[timem:s7], [sflag:s22] =	dma.local [hbm:s5], s20  }
0x9e: {  	_ =	swait.ge [sflag:s22], s20  }
0x9f: {  	s4 =	ssub.s32 $0x0, s20;
	[sflag:s22] =	ssyncset.done $0x0  }
0xa0: {  	[sflag:s22] =	ssyncadd.s32 s4;
	_ =	sdelay $0x1  }
0xa1: {  	s23 =	simm.s32 $0x1B8B  }
0xa2: {  	_ =	swait.ge [sflag:s23], $0x1  }
0xa3: {  	[sflag:s23] =	ssyncset.done $0x0  }
0xa4: {  	s25 =	simm.s32 $0x1B8E;
	s24 =	sld [smem:$0x3FFE];
	[sflag:s23] =	ssyncadd.s32 $0xFFFFFFFF  }
0xa5: {  	s26 =	simm.s32 $execute0_lowered;
	[smem:$0x3FD2] =	sst s25  }
0xa6: {  	s5 =	sshll.u32 s26, $0x1;
	_ =	strace $0x8000004C;
	[dreg:$0x1] =	wrdreg $0xFFFFFFFF  }
0xa7: {  	s28 =	simm.s32 $_size_execute0_lowered;
	s3 =	sadd.s32 s3, s5;
	[dreg:$0x0] =	wrdreg $0x0  }
0xa8: {  	s5 =	sshll.u32 s28, $0x1;
	[dreg:$0x2] =	wrdreg s3  }
0xa9: {  	[dreg:$0x3] =	wrdreg s5  }
0xaa: {  	[dreg:$0x4] =	wrdreg $0xC0  }
0xab: {  	_ =	task [dreg:s7], $0x5FFFF  }
0xac: {  	[dreg:$0x1] =	wrdreg $0xFFFFFFFF  }
0xad: {  	[dreg:$0x0] =	wrdreg $0x60  }
0xae: {  	[dreg:$0x2] =	wrdreg s2  }
0xaf: {  	[dreg:$0x3] =	wrdreg s24  }
0xb0: {  	[dreg:$0x4] =	wrdreg $0x90000  }
0xb1: {  	[dreg:$0x5] =	wrdreg $0x9  }
0xb2: {  	_ =	task.clear_ibuf [dreg:s7], $0x6FFFF;
	_ =	strace $0x9000004C  }
0xb3: {  	s29 =	simm.s32 $0x9;
	_ =	strace $0x8000004E  }
0xb4: {  	_ =	swait.ge [sflag:s29], $0x1  }
0xb5: {  	[sflag:s29] =	ssyncadd.s32 $0xFFFFFFFF  }
0xb6: {  	_ =	strace $0x9000004E  }
0xb7: {  	_ =	sfence  }
0xb8: {  	s30 =	sld [smem:$0x0];
	_ =	sdelay $0x2  }
0xb9: {  	s31 =	sshll.u32 s1, $0xD;
	s1 =	sshrl.u32 s1, $0x2  }
0xba: {  	s3 =	sand.u32 $0x4000, s31;
	s1 =	sadd.s32 s1, s30  }
0xbb: {  	s0 =	sor.u32 s3, s0;
	s1 =	sshll.u32 s1, $0x11  }
0xbc: {  	s0 =	sor.u32 s1, s0  }
0xbd: {  	s0 =	sadd.s32 $0x8F2B, s0  }
0xbe: {  	[sflag:s0] =	ssyncadd.remote.s32 $0x1  }
0xbf: {  	_ =	sfence.sel $0xFFFF  }
0xc0: {  	[dreg:$0x0] =	wrdreg $0xFFFFFFFF;
	(pc) =	sbr.abs _section_cstart, $3  }
0xc1: {  	[dreg:$0x1] =	wrdreg $0xFFFFFFFF  }
0xc2: {  	_ =	task.clear_ibuf [dreg:s7], $0x2FFFF;
	_ =	strace $0x9FFFFFFF  }
0xc3: {  	(tm) =	ssettm $0x7FFFFFFF  }
tec
execute0_lowered:
.L_overlay_start_1:
0x0: {  	(tag) =	ssettag $0x1  }
0x1: {  	s1 =	rddreg [dreg:$0x0];
	s0 =	srdreg.scid  }
0x2: {  	s2 =	rddreg [dreg:$0x1];
	s10 =	stileid.u32  }
0x3: {  	s3 =	rddreg [dreg:$0x2];
	s4 =	simm.s32 $0x0;
	s13 =	simm.s32 $0x100  }
0x4: {  	s15 =	simm.s32 $0x880;
	s17 =	simm.s32 $0x180;
	s18 =	simm.s32 $0x900  }
0x5: {  	s19 =	simm.s32 $0x200;
	s20 =	simm.s32 $0x980;
	[smem:$0x7FF] =	sst s4  }
0x6: {  	s21 =	simm.s32 $0x280;
	_ =	strace $0x8000004D;
	[dreg:$0x6] =	wrdreg s13  }
0x7: {  	s22 =	simm.s32 $0xA00;
	s23 =	simm.s32 $0x300;
	[dreg:$0x7] =	wrdreg s15  }
0x8: {  	s24 =	simm.s32 $0xA80;
	s28 =	simm.s32 $0x680;
	[dreg:$0x8] =	wrdreg s17  }
0x9: {  	s29 =	simm.s32 $0xE00;
	s30 =	simm.s32 $0x700;
	[dreg:$0x9] =	wrdreg s18  }
0xa: {  	s31 =	simm.s32 $0xE80;
	s6 =	smul.u32 $0x2800, s10;
	[dreg:$0xa] =	wrdreg s19  }
0xb: {  	s0 =	sand.u32 $0x1, s0;
	s25 =	smul.u32 $0x13C00, s10;
	[dreg:$0xb] =	wrdreg s20  }
0xc: {  	s9 =	smul.u32 $0x4F000, s10;
	s16 =	sshll.u32 s10, $0x6;
	[dreg:$0xc] =	wrdreg s21  }
0xd: {  	s10 =	simm.s32 $0x3;
	s5 =	smul.u32 $0x28000, s0;
	[dreg:$0xd] =	wrdreg s22  }
0xe: {  	s7 =	smul.u32 $0x13C000, s0;
	s0 =	ssub.s32 $0x2, s0;
	[dreg:$0xe] =	wrdreg s23  }
0xf: {  	s13 =	simm.s32 $0x1000;
	[dreg:$0xf] =	wrdreg s24;
	s15 =	simm.s32 $0x1  }
0x10: {  	s17 =	simm.s32 $0x400;
	s18 =	simm.s32 $0xB80;
	s19 =	simm.s32 $0x480  }
0x11: {  	s20 =	simm.s32 $0xC00;
	s21 =	simm.s32 $0x500;
	s22 =	simm.s32 $0xC80  }
0x12: {  	s23 =	simm.s32 $0x580;
	s24 =	simm.s32 $0xD00;
	s8 =	sshrl.u32 s25, $0x3  }
0x13: {  	s26 =	sshrl.u32 s0, $0x1;
	s11 =	sshrl.u32 s9, $0x2;
	s9 =	simm.s32 $0x0  }
0x14: {  	s5 =	sadd.s32 s6, s5;
	s8 =	sadd.s32 s8, s2;
	s6 =	sadd.s32 s25, s7  }
0x15: {  	s0 =	ssub.s32 s0, s26;
	s12 =	sadd.s32 s11, s3;
	s11 =	simm.s32 $0x800  }
0x16: {  	s25 =	simm.s32 $0x380;
	s26 =	simm.s32 $0xB00;
	s5 =	sshrl.u32 s5, $0x3  }
0x17: {  	s6 =	sshrl.u32 s6, $0x3;
	s14 =	sadd.s32 $0x16200, s8;
	[dreg:$0x10] =	wrdreg s25  }
0x18: {  	s0 =	smax.u32 s0, $0x1;
	s8 =	sshrl.u32 s12, $0x3;
	[dreg:$0x11] =	wrdreg s26  }
0x19: {  	s12 =	simm.s32 $0x80;
	s25 =	simm.s32 $0x600;
	[dreg:$0x12] =	wrdreg s14  }
0x1a: {  	s26 =	simm.s32 $0xD80;
	s5 =	sadd.s32 s5, s2;
	[dreg:$0x15] =	wrdreg s0  }
0x1b: {  	s2 =	sadd.s32 s6, s2;
	[dreg:$0x16] =	wrdreg s8;
	s7 =	sadd.s32 $0xC200, s5  }
0x1c: {  	s14 =	simm.s32 $0x5000;
	s5 =	sadd.s32 $0x2200, s5;
	[dreg:$0x4] =	wrdreg s7  }
0x1d: {  	s0 =	simm.s32 $0xF00;
	s2 =	sadd.s32 $0x8CA00, s2;
	[dreg:$0x5] =	wrdreg s5  }
0x1e: {  	s7 =	sor.u32 $0x1C03, s16;
	[dreg:$0x14] =	wrdreg s2;
	s16 =	simm.s32 $0x2  }
0x1f: {  	s2 =	simm.s32 $0x780;
	s5 =	simm.s32 $0xF80;
	[dreg:$0x13] =	wrdreg s7  }
.LBB2_1:
0x20: {  	[dreg:$0x17] =	wrdreg s9  }
0x21: {  	s6 =	rddreg [dreg:$0x12]  }
0x22: {  	[spmem:s8], [sflag:s7] =	dma.local [hbm:s6], $0x2780  }
0x23: {  	_ =	swait.ge [sflag:s10], $0x2780  }
0x24: {  	[sflag:s10] =	ssyncset.done $0x0  }
0x25: {  	[sflag:s10] =	ssyncadd.s32 $0xFFFFD880  }
0x26: {  	[bflag:$0x0] =	sbarrier.arrive $0xFFFF  }
0x27: {  	s8 =	rddreg [dreg:$0x5]  }
0x28: {  	s6 =	sadd.s32 $0x0, s8  }
0x29: {  	[tilespmem:s4], [sflag:$0x3] =	stream.linear.gather [hbm4b:s6+s4], $0x800, $0x38;
	[tilespmem:$0x1CC00] =	vst v63  }
0x2a: {  	_ =	swait.ge [sflag:s10], $0x800  }
0x2b: {  	s9 =	rddreg [dreg:$0x4];
	[sflag:s10] =	ssyncset.done $0x0  }
0x2c: {  	[sflag:s10] =	ssyncadd.s32 $0xFFFFF800;
	s6 =	sadd.s32 $0x0, s9  }
0x2d: {  	[tilespmem:s11], [sflag:$0x3] =	stream.linear.gather [hbm4b:s6+s4], $0x800, $0x38;
	[tilespmem:$0x1CC00] =	vst v63  }
0x2e: {  	_ =	swait.ge [sflag:s10], $0x800  }
0x2f: {  	[sflag:s10] =	ssyncset.done $0x0  }
0x30: {  	[sflag:s10] =	ssyncadd.s32 $0xFFFFF800  }
0x31: {  	[tilespmem:s13], [sflag:$0x1] =	stream.indirect.gather [hbm4b:s1+s12], $0x80, s4, s12, $0xb8;
	[tilespmem:$0x1CC00] =	vst v63  }
0x32: {  	_ = 	snop  }
0x33: {  	[tilespmem:s14], [sflag:$0x2] =	stream.indirect.gather [hbm4b:s1+s12], $0x80, s12, s12, $0xb8;
	[tilespmem:$0x1CC00] =	vst v63  }
0x34: {  	_ =	swait.ge [sflag:s15], $0x4000  }
0x35: {  	[sflag:s15] =	ssyncset.done $0x0  }
0x36: {  	[sflag:s15] =	ssyncadd.s32 $0xFFFFC000  }
0x37: {  	[spmem:s3] =	stream.indirect.scatter.add.f32 [tilespmem:s13], [sflag:$0x3], $0x80, s11, s12, $0xb8;
	[tilespmem:$0x1CC00] =	vst v63  }
0x38: {  	_ =	swait.ge [sflag:s10], $0x4000  }
0x39: {  	[sflag:s10] =	ssyncset.done $0x0  }
0x3a: {  	s7 =	rddreg [dreg:$0x6];
	[sflag:s10] =	ssyncadd.s32 $0xFFFFC000  }
0x3b: {  	[tilespmem:s13], [sflag:$0x1] =	stream.indirect.gather [hbm4b:s1+s12], $0x80, s7, s12, $0xb8;
	[tilespmem:$0x1CC00] =	vst v63  }
0x3c: {  	_ =	swait.ge [sflag:s16], $0x4000  }
0x3d: {  	[sflag:s16] =	ssyncset.done $0x0  }
0x3e: {  	s8 =	rddreg [dreg:$0x7];
	[sflag:s16] =	ssyncadd.s32 $0xFFFFC000  }
0x3f: {  	[spmem:s3] =	stream.indirect.scatter.add.f32 [tilespmem:s14], [sflag:$0x3], $0x80, s8, s12, $0xb8;
	[tilespmem:$0x1CC00] =	vst v63  }
0x40: {  	_ =	swait.ge [sflag:s10], $0x4000  }
0x41: {  	[sflag:s10] =	ssyncset.done $0x0  }
0x42: {  	s9 =	rddreg [dreg:$0x8];
	[sflag:s10] =	ssyncadd.s32 $0xFFFFC000  }
0x43: {  	[tilespmem:s14], [sflag:$0x2] =	stream.indirect.gather [hbm4b:s1+s12], $0x80, s9, s12, $0xb8;
	[tilespmem:$0x1CC00] =	vst v63  }
0x44: {  	_ =	swait.ge [sflag:s15], $0x4000  }
0x45: {  	[sflag:s15] =	ssyncset.done $0x0  }
0x46: {  	s7 =	rddreg [dreg:$0x9];
	[sflag:s15] =	ssyncadd.s32 $0xFFFFC000  }
0x47: {  	[spmem:s3] =	stream.indirect.scatter.add.f32 [tilespmem:s13], [sflag:$0x3], $0x80, s7, s12, $0xb8;
	[tilespmem:$0x1CC00] =	vst v63  }
0x48: {  	_ =	swait.ge [sflag:s10], $0x4000  }
0x49: {  	[sflag:s10] =	ssyncset.done $0x0  }
0x4a: {  	s8 =	rddreg [dreg:$0xa];
	[sflag:s10] =	ssyncadd.s32 $0xFFFFC000  }
0x4b: {  	[tilespmem:s13], [sflag:$0x1] =	stream.indirect.gather [hbm4b:s1+s12], $0x80, s8, s12, $0xb8;
	[tilespmem:$0x1CC00] =	vst v63  }
0x4c: {  	_ =	swait.ge [sflag:s16], $0x4000  }
0x4d: {  	[sflag:s16] =	ssyncset.done $0x0  }
0x4e: {  	s9 =	rddreg [dreg:$0xb];
	[sflag:s16] =	ssyncadd.s32 $0xFFFFC000  }
0x4f: {  	[spmem:s3] =	stream.indirect.scatter.add.f32 [tilespmem:s14], [sflag:$0x3], $0x80, s9, s12, $0xb8;
	[tilespmem:$0x1CC00] =	vst v63  }
0x50: {  	_ =	swait.ge [sflag:s10], $0x4000  }
0x51: {  	[sflag:s10] =	ssyncset.done $0x0  }
0x52: {  	s7 =	rddreg [dreg:$0xc];
	[sflag:s10] =	ssyncadd.s32 $0xFFFFC000  }
0x53: {  	[tilespmem:s14], [sflag:$0x2] =	stream.indirect.gather [hbm4b:s1+s12], $0x80, s7, s12, $0xb8;
	[tilespmem:$0x1CC00] =	vst v63  }
0x54: {  	_ =	swait.ge [sflag:s15], $0x4000  }
0x55: {  	[sflag:s15] =	ssyncset.done $0x0  }
0x56: {  	s8 =	rddreg [dreg:$0xd];
	[sflag:s15] =	ssyncadd.s32 $0xFFFFC000  }
0x57: {  	[spmem:s3] =	stream.indirect.scatter.add.f32 [tilespmem:s13], [sflag:$0x3], $0x80, s8, s12, $0xb8;
	[tilespmem:$0x1CC00] =	vst v63  }
0x58: {  	_ =	swait.ge [sflag:s10], $0x4000  }
0x59: {  	[sflag:s10] =	ssyncset.done $0x0  }
0x5a: {  	s9 =	rddreg [dreg:$0xe];
	[sflag:s10] =	ssyncadd.s32 $0xFFFFC000  }
0x5b: {  	[tilespmem:s13], [sflag:$0x1] =	stream.indirect.gather [hbm4b:s1+s12], $0x80, s9, s12, $0xb8;
	[tilespmem:$0x1CC00] =	vst v63  }
0x5c: {  	_ =	swait.ge [sflag:s16], $0x4000  }
0x5d: {  	[sflag:s16] =	ssyncset.done $0x0  }
0x5e: {  	s7 =	rddreg [dreg:$0xf];
	[sflag:s16] =	ssyncadd.s32 $0xFFFFC000  }
0x5f: {  	[spmem:s3] =	stream.indirect.scatter.add.f32 [tilespmem:s14], [sflag:$0x3], $0x80, s7, s12, $0xb8;
	[tilespmem:$0x1CC00] =	vst v63  }
0x60: {  	_ =	swait.ge [sflag:s10], $0x4000  }
0x61: {  	[sflag:s10] =	ssyncset.done $0x0  }
0x62: {  	s8 =	rddreg [dreg:$0x10];
	[sflag:s10] =	ssyncadd.s32 $0xFFFFC000  }
0x63: {  	[tilespmem:s14], [sflag:$0x2] =	stream.indirect.gather [hbm4b:s1+s12], $0x80, s8, s12, $0xb8;
	[tilespmem:$0x1CC00] =	vst v63  }
0x64: {  	_ =	swait.ge [sflag:s15], $0x4000  }
0x65: {  	[sflag:s15] =	ssyncset.done $0x0  }
0x66: {  	s9 =	rddreg [dreg:$0x11];
	[sflag:s15] =	ssyncadd.s32 $0xFFFFC000  }
0x67: {  	[spmem:s3] =	stream.indirect.scatter.add.f32 [tilespmem:s13], [sflag:$0x3], $0x80, s9, s12, $0xb8;
	[tilespmem:$0x1CC00] =	vst v63  }
0x68: {  	_ =	swait.ge [sflag:s10], $0x4000  }
0x69: {  	[sflag:s10] =	ssyncset.done $0x0  }
0x6a: {  	[sflag:s10] =	ssyncadd.s32 $0xFFFFC000  }
0x6b: {  	[tilespmem:s13], [sflag:$0x1] =	stream.indirect.gather [hbm4b:s1+s12], $0x80, s17, s12, $0xb8;
	[tilespmem:$0x1CC00] =	vst v63  }
0x6c: {  	_ =	swait.ge [sflag:s16], $0x4000  }
0x6d: {  	[sflag:s16] =	ssyncset.done $0x0  }
0x6e: {  	[sflag:s16] =	ssyncadd.s32 $0xFFFFC000  }
0x6f: {  	[spmem:s3] =	stream.indirect.scatter.add.f32 [tilespmem:s14], [sflag:$0x3], $0x80, s18, s12, $0xb8;
	[tilespmem:$0x1CC00] =	vst v63  }
0x70: {  	_ =	swait.ge [sflag:s10], $0x4000  }
0x71: {  	[sflag:s10] =	ssyncset.done $0x0  }
0x72: {  	[sflag:s10] =	ssyncadd.s32 $0xFFFFC000  }
0x73: {  	[tilespmem:s14], [sflag:$0x2] =	stream.indirect.gather [hbm4b:s1+s12], $0x80, s19, s12, $0xb8;
	[tilespmem:$0x1CC00] =	vst v63  }
0x74: {  	_ =	swait.ge [sflag:s15], $0x4000  }
0x75: {  	[sflag:s15] =	ssyncset.done $0x0  }
0x76: {  	[sflag:s15] =	ssyncadd.s32 $0xFFFFC000  }
0x77: {  	[spmem:s3] =	stream.indirect.scatter.add.f32 [tilespmem:s13], [sflag:$0x3], $0x80, s20, s12, $0xb8;
	[tilespmem:$0x1CC00] =	vst v63  }
0x78: {  	_ =	swait.ge [sflag:s10], $0x4000  }
0x79: {  	[sflag:s10] =	ssyncset.done $0x0  }
0x7a: {  	[sflag:s10] =	ssyncadd.s32 $0xFFFFC000  }
0x7b: {  	[tilespmem:s13], [sflag:$0x1] =	stream.indirect.gather [hbm4b:s1+s12], $0x80, s21, s12, $0xb8;
	[tilespmem:$0x1CC00] =	vst v63  }
0x7c: {  	_ =	swait.ge [sflag:s16], $0x4000  }
0x7d: {  	[sflag:s16] =	ssyncset.done $0x0  }
0x7e: {  	[sflag:s16] =	ssyncadd.s32 $0xFFFFC000  }
0x7f: {  	[spmem:s3] =	stream.indirect.scatter.add.f32 [tilespmem:s14], [sflag:$0x3], $0x80, s22, s12, $0xb8;
	[tilespmem:$0x1CC00] =	vst v63  }
0x80: {  	_ =	swait.ge [sflag:s10], $0x4000  }
0x81: {  	[sflag:s10] =	ssyncset.done $0x0  }
0x82: {  	[sflag:s10] =	ssyncadd.s32 $0xFFFFC000  }
0x83: {  	[tilespmem:s14], [sflag:$0x2] =	stream.indirect.gather [hbm4b:s1+s12], $0x80, s23, s12, $0xb8;
	[tilespmem:$0x1CC00] =	vst v63  }
0x84: {  	_ =	swait.ge [sflag:s15], $0x4000  }
0x85: {  	[sflag:s15] =	ssyncset.done $0x0  }
0x86: {  	[sflag:s15] =	ssyncadd.s32 $0xFFFFC000  }
0x87: {  	[spmem:s3] =	stream.indirect.scatter.add.f32 [tilespmem:s13], [sflag:$0x3], $0x80, s24, s12, $0xb8;
	[tilespmem:$0x1CC00] =	vst v63  }
0x88: {  	_ =	swait.ge [sflag:s10], $0x4000  }
0x89: {  	[sflag:s10] =	ssyncset.done $0x0  }
0x8a: {  	[sflag:s10] =	ssyncadd.s32 $0xFFFFC000  }
0x8b: {  	[tilespmem:s13], [sflag:$0x1] =	stream.indirect.gather [hbm4b:s1+s12], $0x80, s25, s12, $0xb8;
	[tilespmem:$0x1CC00] =	vst v63  }
0x8c: {  	_ =	swait.ge [sflag:s16], $0x4000  }
0x8d: {  	[sflag:s16] =	ssyncset.done $0x0  }
0x8e: {  	[sflag:s16] =	ssyncadd.s32 $0xFFFFC000  }
0x8f: {  	[spmem:s3] =	stream.indirect.scatter.add.f32 [tilespmem:s14], [sflag:$0x3], $0x80, s26, s12, $0xb8;
	[tilespmem:$0x1CC00] =	vst v63  }
0x90: {  	_ =	swait.ge [sflag:s10], $0x4000  }
0x91: {  	[sflag:s10] =	ssyncset.done $0x0  }
0x92: {  	[sflag:s10] =	ssyncadd.s32 $0xFFFFC000  }
0x93: {  	[tilespmem:s14], [sflag:$0x2] =	stream.indirect.gather [hbm4b:s1+s12], $0x80, s28, s12, $0xb8;
	[tilespmem:$0x1CC00] =	vst v63  }
0x94: {  	_ =	swait.ge [sflag:s15], $0x4000  }
0x95: {  	[sflag:s15] =	ssyncset.done $0x0  }
0x96: {  	[sflag:s15] =	ssyncadd.s32 $0xFFFFC000  }
0x97: {  	[spmem:s3] =	stream.indirect.scatter.add.f32 [tilespmem:s13], [sflag:$0x3], $0x80, s29, s12, $0xb8;
	[tilespmem:$0x1CC00] =	vst v63  }
0x98: {  	_ =	swait.ge [sflag:s10], $0x4000  }
0x99: {  	[sflag:s10] =	ssyncset.done $0x0  }
0x9a: {  	[sflag:s10] =	ssyncadd.s32 $0xFFFFC000  }
0x9b: {  	[tilespmem:s13], [sflag:$0x1] =	stream.indirect.gather [hbm4b:s1+s12], $0x80, s30, s12, $0xb8;
	[tilespmem:$0x1CC00] =	vst v63  }
0x9c: {  	_ =	swait.ge [sflag:s16], $0x4000  }
0x9d: {  	[sflag:s16] =	ssyncset.done $0x0  }
0x9e: {  	[sflag:s16] =	ssyncadd.s32 $0xFFFFC000  }
0x9f: {  	[spmem:s3] =	stream.indirect.scatter.add.f32 [tilespmem:s14], [sflag:$0x3], $0x80, s31, s12, $0xb8;
	[tilespmem:$0x1CC00] =	vst v63  }
0xa0: {  	_ =	swait.ge [sflag:s10], $0x4000  }
0xa1: {  	[sflag:s10] =	ssyncset.done $0x0  }
0xa2: {  	[sflag:s10] =	ssyncadd.s32 $0xFFFFC000  }
0xa3: {  	[tilespmem:s14], [sflag:$0x2] =	stream.indirect.gather [hbm4b:s1+s12], $0x80, s2, s12, $0xb8;
	[tilespmem:$0x1CC00] =	vst v63  }
0xa4: {  	_ =	swait.ge [sflag:s15], $0x4000  }
0xa5: {  	[sflag:s15] =	ssyncset.done $0x0  }
0xa6: {  	[sflag:s15] =	ssyncadd.s32 $0xFFFFC000  }
0xa7: {  	[spmem:s3] =	stream.indirect.scatter.add.f32 [tilespmem:s13], [sflag:$0x3], $0x80, s0, s12, $0xb8;
	[tilespmem:$0x1CC00] =	vst v63  }
0xa8: {  	_ =	swait.ge [sflag:s10], $0x4000  }
0xa9: {  	[sflag:s10] =	ssyncset.done $0x0  }
0xaa: {  	[sflag:s10] =	ssyncadd.s32 $0xFFFFC000  }
0xab: {  	_ =	swait.ge [sflag:s16], $0x4000  }
0xac: {  	[sflag:s16] =	ssyncset.done $0x0  }
0xad: {  	[sflag:s16] =	ssyncadd.s32 $0xFFFFC000  }
0xae: {  	[spmem:s3] =	stream.indirect.scatter.add.f32 [tilespmem:s14], [sflag:$0x3], $0x80, s5, s12, $0xb8;
	[tilespmem:$0x1CC00] =	vst v63  }
0xaf: {  	s6 =	simm.s32 $0x200;
	_ =	swait.ge [sflag:s10], $0x4000  }
0xb0: {  	s8 =	simm.s32 $0x100;
	s9 =	rddreg [dreg:$0x5];
	[sflag:s10] =	ssyncset.done $0x0  }
.LBB2_2:
0xb1: {  	[sflag:s10] =	ssyncadd.s32 $0xFFFFC000;
	s9 =	sadd.s32 s8, s9  }
0xb2: {  	[tilespmem:s4], [sflag:$0x3] =	stream.linear.gather [hbm4b:s9+s4], $0x800, $0x38;
	[tilespmem:$0x1CC00] =	vst v63  }
0xb3: {  	_ =	swait.ge [sflag:s10], $0x800  }
0xb4: {  	s9 =	rddreg [dreg:$0x4];
	[sflag:s10] =	ssyncset.done $0x0  }
0xb5: {  	[sflag:s10] =	ssyncadd.s32 $0xFFFFF800;
	s9 =	sadd.s32 s8, s9  }
0xb6: {  	[tilespmem:s11], [sflag:$0x3] =	stream.linear.gather [hbm4b:s9+s4], $0x800, $0x38;
	[tilespmem:$0x1CC00] =	vst v63  }
0xb7: {  	_ =	swait.ge [sflag:s10], $0x800  }
0xb8: {  	[sflag:s10] =	ssyncset.done $0x0  }
0xb9: {  	[sflag:s10] =	ssyncadd.s32 $0xFFFFF800  }
0xba: {  	[tilespmem:s13], [sflag:$0x1] =	stream.indirect.gather [hbm4b:s1+s12], $0x80, s4, s12, $0xb8;
	[tilespmem:$0x1CC00] =	vst v63  }
0xbb: {  	_ = 	snop  }
0xbc: {  	[tilespmem:s14], [sflag:$0x2] =	stream.indirect.gather [hbm4b:s1+s12], $0x80, s12, s12, $0xb8;
	[tilespmem:$0x1CC00] =	vst v63  }
0xbd: {  	_ =	swait.ge [sflag:s15], $0x4000  }
0xbe: {  	[sflag:s15] =	ssyncset.done $0x0  }
0xbf: {  	[sflag:s15] =	ssyncadd.s32 $0xFFFFC000  }
0xc0: {  	[spmem:s3] =	stream.indirect.scatter.add.f32 [tilespmem:s13], [sflag:$0x3], $0x80, s11, s12, $0xb8;
	[tilespmem:$0x1CC00] =	vst v63  }
0xc1: {  	_ =	swait.ge [sflag:s10], $0x4000  }
0xc2: {  	[sflag:s10] =	ssyncset.done $0x0  }
0xc3: {  	s9 =	rddreg [dreg:$0x6];
	[sflag:s10] =	ssyncadd.s32 $0xFFFFC000  }
0xc4: {  	[tilespmem:s13], [sflag:$0x1] =	stream.indirect.gather [hbm4b:s1+s12], $0x80, s9, s12, $0xb8;
	[tilespmem:$0x1CC00] =	vst v63  }
0xc5: {  	_ =	swait.ge [sflag:s16], $0x4000  }
0xc6: {  	[sflag:s16] =	ssyncset.done $0x0  }
0xc7: {  	s9 =	rddreg [dreg:$0x7];
	[sflag:s16] =	ssyncadd.s32 $0xFFFFC000  }
0xc8: {  	[spmem:s3] =	stream.indirect.scatter.add.f32 [tilespmem:s14], [sflag:$0x3], $0x80, s9, s12, $0xb8;
	[tilespmem:$0x1CC00] =	vst v63  }
0xc9: {  	_ =	swait.ge [sflag:s10], $0x4000  }
0xca: {  	[sflag:s10] =	ssyncset.done $0x0  }
0xcb: {  	s9 =	rddreg [dreg:$0x8];
	[sflag:s10] =	ssyncadd.s32 $0xFFFFC000  }
0xcc: {  	[tilespmem:s14], [sflag:$0x2] =	stream.indirect.gather [hbm4b:s1+s12], $0x80, s9, s12, $0xb8;
	[tilespmem:$0x1CC00] =	vst v63  }
0xcd: {  	_ =	swait.ge [sflag:s15], $0x4000  }
0xce: {  	[sflag:s15] =	ssyncset.done $0x0  }
0xcf: {  	s9 =	rddreg [dreg:$0x9];
	[sflag:s15] =	ssyncadd.s32 $0xFFFFC000  }
0xd0: {  	[spmem:s3] =	stream.indirect.scatter.add.f32 [tilespmem:s13], [sflag:$0x3], $0x80, s9, s12, $0xb8;
	[tilespmem:$0x1CC00] =	vst v63  }
0xd1: {  	_ =	swait.ge [sflag:s10], $0x4000  }
0xd2: {  	[sflag:s10] =	ssyncset.done $0x0  }
0xd3: {  	s9 =	rddreg [dreg:$0xa];
	[sflag:s10] =	ssyncadd.s32 $0xFFFFC000  }
0xd4: {  	[tilespmem:s13], [sflag:$0x1] =	stream.indirect.gather [hbm4b:s1+s12], $0x80, s9, s12, $0xb8;
	[tilespmem:$0x1CC00] =	vst v63  }
0xd5: {  	_ =	swait.ge [sflag:s16], $0x4000  }
0xd6: {  	[sflag:s16] =	ssyncset.done $0x0  }
0xd7: {  	s9 =	rddreg [dreg:$0xb];
	[sflag:s16] =	ssyncadd.s32 $0xFFFFC000  }
0xd8: {  	[spmem:s3] =	stream.indirect.scatter.add.f32 [tilespmem:s14], [sflag:$0x3], $0x80, s9, s12, $0xb8;
	[tilespmem:$0x1CC00] =	vst v63  }
0xd9: {  	_ =	swait.ge [sflag:s10], $0x4000  }
0xda: {  	[sflag:s10] =	ssyncset.done $0x0  }
0xdb: {  	s9 =	rddreg [dreg:$0xc];
	[sflag:s10] =	ssyncadd.s32 $0xFFFFC000  }
0xdc: {  	[tilespmem:s14], [sflag:$0x2] =	stream.indirect.gather [hbm4b:s1+s12], $0x80, s9, s12, $0xb8;
	[tilespmem:$0x1CC00] =	vst v63  }
0xdd: {  	_ =	swait.ge [sflag:s15], $0x4000  }
0xde: {  	[sflag:s15] =	ssyncset.done $0x0  }
0xdf: {  	s9 =	rddreg [dreg:$0xd];
	[sflag:s15] =	ssyncadd.s32 $0xFFFFC000  }
0xe0: {  	[spmem:s3] =	stream.indirect.scatter.add.f32 [tilespmem:s13], [sflag:$0x3], $0x80, s9, s12, $0xb8;
	[tilespmem:$0x1CC00] =	vst v63  }
0xe1: {  	_ =	swait.ge [sflag:s10], $0x4000  }
0xe2: {  	[sflag:s10] =	ssyncset.done $0x0  }
0xe3: {  	s9 =	rddreg [dreg:$0xe];
	[sflag:s10] =	ssyncadd.s32 $0xFFFFC000  }
0xe4: {  	[tilespmem:s13], [sflag:$0x1] =	stream.indirect.gather [hbm4b:s1+s12], $0x80, s9, s12, $0xb8;
	[tilespmem:$0x1CC00] =	vst v63  }
0xe5: {  	_ =	swait.ge [sflag:s16], $0x4000  }
0xe6: {  	[sflag:s16] =	ssyncset.done $0x0  }
0xe7: {  	s9 =	rddreg [dreg:$0xf];
	[sflag:s16] =	ssyncadd.s32 $0xFFFFC000  }
0xe8: {  	[spmem:s3] =	stream.indirect.scatter.add.f32 [tilespmem:s14], [sflag:$0x3], $0x80, s9, s12, $0xb8;
	[tilespmem:$0x1CC00] =	vst v63  }
0xe9: {  	_ =	swait.ge [sflag:s10], $0x4000  }
0xea: {  	[sflag:s10] =	ssyncset.done $0x0  }
0xeb: {  	s9 =	rddreg [dreg:$0x10];
	[sflag:s10] =	ssyncadd.s32 $0xFFFFC000  }
0xec: {  	[tilespmem:s14], [sflag:$0x2] =	stream.indirect.gather [hbm4b:s1+s12], $0x80, s9, s12, $0xb8;
	[tilespmem:$0x1CC00] =	vst v63  }
0xed: {  	_ =	swait.ge [sflag:s15], $0x4000  }
0xee: {  	[sflag:s15] =	ssyncset.done $0x0  }
0xef: {  	s9 =	rddreg [dreg:$0x11];
	[sflag:s15] =	ssyncadd.s32 $0xFFFFC000  }
0xf0: {  	[spmem:s3] =	stream.indirect.scatter.add.f32 [tilespmem:s13], [sflag:$0x3], $0x80, s9, s12, $0xb8;
	[tilespmem:$0x1CC00] =	vst v63  }
0xf1: {  	_ =	swait.ge [sflag:s10], $0x4000  }
0xf2: {  	[sflag:s10] =	ssyncset.done $0x0  }
0xf3: {  	[sflag:s10] =	ssyncadd.s32 $0xFFFFC000  }
0xf4: {  	[tilespmem:s13], [sflag:$0x1] =	stream.indirect.gather [hbm4b:s1+s12], $0x80, s17, s12, $0xb8;
	[tilespmem:$0x1CC00] =	vst v63  }
0xf5: {  	_ =	swait.ge [sflag:s16], $0x4000  }
0xf6: {  	[sflag:s16] =	ssyncset.done $0x0  }
0xf7: {  	[sflag:s16] =	ssyncadd.s32 $0xFFFFC000  }
0xf8: {  	[spmem:s3] =	stream.indirect.scatter.add.f32 [tilespmem:s14], [sflag:$0x3], $0x80, s18, s12, $0xb8;
	[tilespmem:$0x1CC00] =	vst v63  }
0xf9: {  	_ =	swait.ge [sflag:s10], $0x4000  }
0xfa: {  	[sflag:s10] =	ssyncset.done $0x0  }
0xfb: {  	[sflag:s10] =	ssyncadd.s32 $0xFFFFC000  }
0xfc: {  	[tilespmem:s14], [sflag:$0x2] =	stream.indirect.gather [hbm4b:s1+s12], $0x80, s19, s12, $0xb8;
	[tilespmem:$0x1CC00] =	vst v63  }
0xfd: {  	_ =	swait.ge [sflag:s15], $0x4000  }
0xfe: {  	[sflag:s15] =	ssyncset.done $0x0  }
0xff: {  	[sflag:s15] =	ssyncadd.s32 $0xFFFFC000  }
0x100: {  	[spmem:s3] =	stream.indirect.scatter.add.f32 [tilespmem:s13], [sflag:$0x3], $0x80, s20, s12, $0xb8;
	[tilespmem:$0x1CC00] =	vst v63  }
0x101: {  	_ =	swait.ge [sflag:s10], $0x4000  }
0x102: {  	[sflag:s10] =	ssyncset.done $0x0  }
0x103: {  	[sflag:s10] =	ssyncadd.s32 $0xFFFFC000  }
0x104: {  	[tilespmem:s13], [sflag:$0x1] =	stream.indirect.gather [hbm4b:s1+s12], $0x80, s21, s12, $0xb8;
	[tilespmem:$0x1CC00] =	vst v63  }
0x105: {  	_ =	swait.ge [sflag:s16], $0x4000  }
0x106: {  	[sflag:s16] =	ssyncset.done $0x0  }
0x107: {  	[sflag:s16] =	ssyncadd.s32 $0xFFFFC000  }
0x108: {  	[spmem:s3] =	stream.indirect.scatter.add.f32 [tilespmem:s14], [sflag:$0x3], $0x80, s22, s12, $0xb8;
	[tilespmem:$0x1CC00] =	vst v63  }
0x109: {  	_ =	swait.ge [sflag:s10], $0x4000  }
0x10a: {  	[sflag:s10] =	ssyncset.done $0x0  }
0x10b: {  	[sflag:s10] =	ssyncadd.s32 $0xFFFFC000  }
0x10c: {  	[tilespmem:s14], [sflag:$0x2] =	stream.indirect.gather [hbm4b:s1+s12], $0x80, s23, s12, $0xb8;
	[tilespmem:$0x1CC00] =	vst v63  }
0x10d: {  	_ =	swait.ge [sflag:s15], $0x4000  }
0x10e: {  	[sflag:s15] =	ssyncset.done $0x0  }
0x10f: {  	[sflag:s15] =	ssyncadd.s32 $0xFFFFC000  }
0x110: {  	[spmem:s3] =	stream.indirect.scatter.add.f32 [tilespmem:s13], [sflag:$0x3], $0x80, s24, s12, $0xb8;
	[tilespmem:$0x1CC00] =	vst v63  }
0x111: {  	_ =	swait.ge [sflag:s10], $0x4000  }
0x112: {  	[sflag:s10] =	ssyncset.done $0x0  }
0x113: {  	[sflag:s10] =	ssyncadd.s32 $0xFFFFC000  }
0x114: {  	[tilespmem:s13], [sflag:$0x1] =	stream.indirect.gather [hbm4b:s1+s12], $0x80, s25, s12, $0xb8;
	[tilespmem:$0x1CC00] =	vst v63  }
0x115: {  	_ =	swait.ge [sflag:s16], $0x4000  }
0x116: {  	[sflag:s16] =	ssyncset.done $0x0  }
0x117: {  	[sflag:s16] =	ssyncadd.s32 $0xFFFFC000  }
0x118: {  	[spmem:s3] =	stream.indirect.scatter.add.f32 [tilespmem:s14], [sflag:$0x3], $0x80, s26, s12, $0xb8;
	[tilespmem:$0x1CC00] =	vst v63  }
0x119: {  	_ =	swait.ge [sflag:s10], $0x4000  }
0x11a: {  	[sflag:s10] =	ssyncset.done $0x0  }
0x11b: {  	[sflag:s10] =	ssyncadd.s32 $0xFFFFC000  }
0x11c: {  	[tilespmem:s14], [sflag:$0x2] =	stream.indirect.gather [hbm4b:s1+s12], $0x80, s28, s12, $0xb8;
	[tilespmem:$0x1CC00] =	vst v63  }
0x11d: {  	_ =	swait.ge [sflag:s15], $0x4000  }
0x11e: {  	[sflag:s15] =	ssyncset.done $0x0  }
0x11f: {  	[sflag:s15] =	ssyncadd.s32 $0xFFFFC000  }
0x120: {  	[spmem:s3] =	stream.indirect.scatter.add.f32 [tilespmem:s13], [sflag:$0x3], $0x80, s29, s12, $0xb8;
	[tilespmem:$0x1CC00] =	vst v63  }
0x121: {  	_ =	swait.ge [sflag:s10], $0x4000  }
0x122: {  	[sflag:s10] =	ssyncset.done $0x0  }
0x123: {  	[sflag:s10] =	ssyncadd.s32 $0xFFFFC000  }
0x124: {  	[tilespmem:s13], [sflag:$0x1] =	stream.indirect.gather [hbm4b:s1+s12], $0x80, s30, s12, $0xb8;
	[tilespmem:$0x1CC00] =	vst v63  }
0x125: {  	_ =	swait.ge [sflag:s16], $0x4000  }
0x126: {  	[sflag:s16] =	ssyncset.done $0x0  }
0x127: {  	[sflag:s16] =	ssyncadd.s32 $0xFFFFC000  }
0x128: {  	[spmem:s3] =	stream.indirect.scatter.add.f32 [tilespmem:s14], [sflag:$0x3], $0x80, s31, s12, $0xb8;
	[tilespmem:$0x1CC00] =	vst v63  }
0x129: {  	_ =	swait.ge [sflag:s10], $0x4000  }
0x12a: {  	[sflag:s10] =	ssyncset.done $0x0  }
0x12b: {  	[sflag:s10] =	ssyncadd.s32 $0xFFFFC000  }
0x12c: {  	[tilespmem:s14], [sflag:$0x2] =	stream.indirect.gather [hbm4b:s1+s12], $0x80, s2, s12, $0xb8;
	[tilespmem:$0x1CC00] =	vst v63  }
0x12d: {  	_ =	swait.ge [sflag:s15], $0x4000  }
0x12e: {  	[sflag:s15] =	ssyncset.done $0x0  }
0x12f: {  	[sflag:s15] =	ssyncadd.s32 $0xFFFFC000  }
0x130: {  	[spmem:s3] =	stream.indirect.scatter.add.f32 [tilespmem:s13], [sflag:$0x3], $0x80, s0, s12, $0xb8;
	[tilespmem:$0x1CC00] =	vst v63  }
0x131: {  	_ =	swait.ge [sflag:s10], $0x4000  }
0x132: {  	[sflag:s10] =	ssyncset.done $0x0  }
0x133: {  	[sflag:s10] =	ssyncadd.s32 $0xFFFFC000  }
0x134: {  	p0 =	sne.s32 s6, $0x400;
	_ =	swait.ge [sflag:s16], $0x4000  }
.Ltmp0:
0x135: {  	[sflag:s16] =	ssyncset.done $0x0;
	(pc) =	sbr.rel @p0 .LBB2_2-.Ltmp0, $4  }
0x136: {  	[sflag:s16] =	ssyncadd.s32 $0xFFFFC000  }
0x137: {  	[spmem:s3] =	stream.indirect.scatter.add.f32 [tilespmem:s14], [sflag:$0x3], $0x80, s5, s12, $0xb8;
	[tilespmem:$0x1CC00] =	vst v63  }
0x138: {  	s7 =	smov.u32 s6;
	s6 =	sadd.s32 $0x100, s6;
	_ =	swait.ge [sflag:s10], $0x4000  }
0x139: {  	s8 =	smov.u32 s7;
	s9 =	rddreg [dreg:$0x5];
	[sflag:s10] =	ssyncset.done $0x0  }
0x13a: {  	[sflag:s10] =	ssyncadd.s32 $0xFFFFC000;
	s6 =	sadd.s32 s8, s9  }
0x13b: {  	[tilespmem:s4], [sflag:$0x3] =	stream.linear.gather [hbm4b:s6+s4], $0x800, $0x38;
	[tilespmem:$0x1CC00] =	vst v63  }
0x13c: {  	_ =	swait.ge [sflag:s10], $0x800  }
0x13d: {  	s7 =	rddreg [dreg:$0x4];
	[sflag:s10] =	ssyncset.done $0x0  }
0x13e: {  	s6 =	sadd.s32 s8, s7;
	[sflag:s10] =	ssyncadd.s32 $0xFFFFF800  }
0x13f: {  	[tilespmem:s11], [sflag:$0x3] =	stream.linear.gather [hbm4b:s6+s4], $0x800, $0x38;
	[tilespmem:$0x1CC00] =	vst v63  }
0x140: {  	_ =	swait.ge [sflag:s10], $0x800  }
0x141: {  	[sflag:s10] =	ssyncset.done $0x0  }
0x142: {  	[sflag:s10] =	ssyncadd.s32 $0xFFFFF800  }
0x143: {  	[tilespmem:s13], [sflag:$0x1] =	stream.indirect.gather [hbm4b:s1+s12], $0x80, s4, s12, $0xb8;
	[tilespmem:$0x1CC00] =	vst v63  }
0x144: {  	_ = 	snop  }
0x145: {  	[tilespmem:s14], [sflag:$0x2] =	stream.indirect.gather [hbm4b:s1+s12], $0x80, s12, s12, $0xb8;
	[tilespmem:$0x1CC00] =	vst v63  }
0x146: {  	_ =	swait.ge [sflag:s15], $0x4000  }
0x147: {  	[sflag:s15] =	ssyncset.done $0x0  }
0x148: {  	[sflag:s15] =	ssyncadd.s32 $0xFFFFC000  }
0x149: {  	[spmem:s3] =	stream.indirect.scatter.add.f32 [tilespmem:s13], [sflag:$0x3], $0x80, s11, s12, $0xb8;
	[tilespmem:$0x1CC00] =	vst v63  }
0x14a: {  	_ =	swait.ge [sflag:s10], $0x4000  }
0x14b: {  	[sflag:s10] =	ssyncset.done $0x0  }
0x14c: {  	s9 =	rddreg [dreg:$0x6];
	[sflag:s10] =	ssyncadd.s32 $0xFFFFC000  }
0x14d: {  	[tilespmem:s13], [sflag:$0x1] =	stream.indirect.gather [hbm4b:s1+s12], $0x80, s9, s12, $0xb8;
	[tilespmem:$0x1CC00] =	vst v63  }
0x14e: {  	_ =	swait.ge [sflag:s16], $0x4000  }
0x14f: {  	[sflag:s16] =	ssyncset.done $0x0  }
0x150: {  	s7 =	rddreg [dreg:$0x7];
	[sflag:s16] =	ssyncadd.s32 $0xFFFFC000  }
0x151: {  	[spmem:s3] =	stream.indirect.scatter.add.f32 [tilespmem:s14], [sflag:$0x3], $0x80, s7, s12, $0xb8;
	[tilespmem:$0x1CC00] =	vst v63  }
0x152: {  	_ =	swait.ge [sflag:s10], $0x4000  }
0x153: {  	[sflag:s10] =	ssyncset.done $0x0  }
0x154: {  	s8 =	rddreg [dreg:$0x8];
	[sflag:s10] =	ssyncadd.s32 $0xFFFFC000  }
0x155: {  	[tilespmem:s14], [sflag:$0x2] =	stream.indirect.gather [hbm4b:s1+s12], $0x80, s8, s12, $0xb8;
	[tilespmem:$0x1CC00] =	vst v63  }
0x156: {  	_ =	swait.ge [sflag:s15], $0x4000  }
0x157: {  	[sflag:s15] =	ssyncset.done $0x0  }
0x158: {  	s9 =	rddreg [dreg:$0x9];
	[sflag:s15] =	ssyncadd.s32 $0xFFFFC000  }
0x159: {  	[spmem:s3] =	stream.indirect.scatter.add.f32 [tilespmem:s13], [sflag:$0x3], $0x80, s9, s12, $0xb8;
	[tilespmem:$0x1CC00] =	vst v63  }
0x15a: {  	_ =	swait.ge [sflag:s10], $0x4000  }
0x15b: {  	[sflag:s10] =	ssyncset.done $0x0  }
0x15c: {  	s7 =	rddreg [dreg:$0xa];
	[sflag:s10] =	ssyncadd.s32 $0xFFFFC000  }
0x15d: {  	[tilespmem:s13], [sflag:$0x1] =	stream.indirect.gather [hbm4b:s1+s12], $0x80, s7, s12, $0xb8;
	[tilespmem:$0x1CC00] =	vst v63  }
0x15e: {  	_ =	swait.ge [sflag:s16], $0x4000  }
0x15f: {  	[sflag:s16] =	ssyncset.done $0x0  }
0x160: {  	s8 =	rddreg [dreg:$0xb];
	[sflag:s16] =	ssyncadd.s32 $0xFFFFC000  }
0x161: {  	[spmem:s3] =	stream.indirect.scatter.add.f32 [tilespmem:s14], [sflag:$0x3], $0x80, s8, s12, $0xb8;
	[tilespmem:$0x1CC00] =	vst v63  }
0x162: {  	_ =	swait.ge [sflag:s10], $0x4000  }
0x163: {  	[sflag:s10] =	ssyncset.done $0x0  }
0x164: {  	s9 =	rddreg [dreg:$0xc];
	[sflag:s10] =	ssyncadd.s32 $0xFFFFC000  }
0x165: {  	[tilespmem:s14], [sflag:$0x2] =	stream.indirect.gather [hbm4b:s1+s12], $0x80, s9, s12, $0xb8;
	[tilespmem:$0x1CC00] =	vst v63  }
0x166: {  	_ =	swait.ge [sflag:s15], $0x4000  }
0x167: {  	[sflag:s15] =	ssyncset.done $0x0  }
0x168: {  	s7 =	rddreg [dreg:$0xd];
	[sflag:s15] =	ssyncadd.s32 $0xFFFFC000  }
0x169: {  	[spmem:s3] =	stream.indirect.scatter.add.f32 [tilespmem:s13], [sflag:$0x3], $0x80, s7, s12, $0xb8;
	[tilespmem:$0x1CC00] =	vst v63  }
0x16a: {  	_ =	swait.ge [sflag:s10], $0x4000  }
0x16b: {  	[sflag:s10] =	ssyncset.done $0x0  }
0x16c: {  	s8 =	rddreg [dreg:$0xe];
	[sflag:s10] =	ssyncadd.s32 $0xFFFFC000  }
0x16d: {  	[tilespmem:s13], [sflag:$0x1] =	stream.indirect.gather [hbm4b:s1+s12], $0x80, s8, s12, $0xb8;
	[tilespmem:$0x1CC00] =	vst v63  }
0x16e: {  	_ =	swait.ge [sflag:s16], $0x4000  }
0x16f: {  	[sflag:s16] =	ssyncset.done $0x0  }
0x170: {  	s9 =	rddreg [dreg:$0xf];
	[sflag:s16] =	ssyncadd.s32 $0xFFFFC000  }
0x171: {  	[spmem:s3] =	stream.indirect.scatter.add.f32 [tilespmem:s14], [sflag:$0x3], $0x80, s9, s12, $0xb8;
	[tilespmem:$0x1CC00] =	vst v63  }
0x172: {  	_ =	swait.ge [sflag:s10], $0x4000  }
0x173: {  	[sflag:s10] =	ssyncset.done $0x0  }
0x174: {  	s7 =	rddreg [dreg:$0x10];
	[sflag:s10] =	ssyncadd.s32 $0xFFFFC000  }
0x175: {  	[tilespmem:s14], [sflag:$0x2] =	stream.indirect.gather [hbm4b:s1+s12], $0x80, s7, s12, $0xb8;
	[tilespmem:$0x1CC00] =	vst v63  }
0x176: {  	_ =	swait.ge [sflag:s15], $0x4000  }
0x177: {  	[sflag:s15] =	ssyncset.done $0x0  }
0x178: {  	s8 =	rddreg [dreg:$0x11];
	[sflag:s15] =	ssyncadd.s32 $0xFFFFC000  }
0x179: {  	[spmem:s3] =	stream.indirect.scatter.add.f32 [tilespmem:s13], [sflag:$0x3], $0x80, s8, s12, $0xb8;
	[tilespmem:$0x1CC00] =	vst v63  }
0x17a: {  	_ =	swait.ge [sflag:s10], $0x4000  }
0x17b: {  	[sflag:s10] =	ssyncset.done $0x0  }
0x17c: {  	[sflag:s10] =	ssyncadd.s32 $0xFFFFC000  }
0x17d: {  	[tilespmem:s13], [sflag:$0x1] =	stream.indirect.gather [hbm4b:s1+s12], $0x80, s17, s12, $0xb8;
	[tilespmem:$0x1CC00] =	vst v63  }
0x17e: {  	_ =	swait.ge [sflag:s16], $0x4000  }
0x17f: {  	[sflag:s16] =	ssyncset.done $0x0  }
0x180: {  	[sflag:s16] =	ssyncadd.s32 $0xFFFFC000  }
0x181: {  	[spmem:s3] =	stream.indirect.scatter.add.f32 [tilespmem:s14], [sflag:$0x3], $0x80, s18, s12, $0xb8;
	[tilespmem:$0x1CC00] =	vst v63  }
0x182: {  	_ =	swait.ge [sflag:s10], $0x4000  }
0x183: {  	[sflag:s10] =	ssyncset.done $0x0  }
0x184: {  	[sflag:s10] =	ssyncadd.s32 $0xFFFFC000  }
0x185: {  	[tilespmem:s14], [sflag:$0x2] =	stream.indirect.gather [hbm4b:s1+s12], $0x80, s19, s12, $0xb8;
	[tilespmem:$0x1CC00] =	vst v63  }
0x186: {  	_ =	swait.ge [sflag:s15], $0x4000  }
0x187: {  	[sflag:s15] =	ssyncset.done $0x0  }
0x188: {  	[sflag:s15] =	ssyncadd.s32 $0xFFFFC000  }
0x189: {  	[spmem:s3] =	stream.indirect.scatter.add.f32 [tilespmem:s13], [sflag:$0x3], $0x80, s20, s12, $0xb8;
	[tilespmem:$0x1CC00] =	vst v63  }
0x18a: {  	_ =	swait.ge [sflag:s10], $0x4000  }
0x18b: {  	[sflag:s10] =	ssyncset.done $0x0  }
0x18c: {  	[sflag:s10] =	ssyncadd.s32 $0xFFFFC000  }
0x18d: {  	[tilespmem:s13], [sflag:$0x1] =	stream.indirect.gather [hbm4b:s1+s12], $0x80, s21, s12, $0xb8;
	[tilespmem:$0x1CC00] =	vst v63  }
0x18e: {  	_ =	swait.ge [sflag:s16], $0x4000  }
0x18f: {  	[sflag:s16] =	ssyncset.done $0x0  }
0x190: {  	[sflag:s16] =	ssyncadd.s32 $0xFFFFC000  }
0x191: {  	[spmem:s3] =	stream.indirect.scatter.add.f32 [tilespmem:s14], [sflag:$0x3], $0x80, s22, s12, $0xb8;
	[tilespmem:$0x1CC00] =	vst v63  }
0x192: {  	_ =	swait.ge [sflag:s10], $0x4000  }
0x193: {  	[sflag:s10] =	ssyncset.done $0x0  }
0x194: {  	[sflag:s10] =	ssyncadd.s32 $0xFFFFC000  }
0x195: {  	[tilespmem:s14], [sflag:$0x2] =	stream.indirect.gather [hbm4b:s1+s12], $0x80, s23, s12, $0xb8;
	[tilespmem:$0x1CC00] =	vst v63  }
0x196: {  	_ =	swait.ge [sflag:s15], $0x4000  }
0x197: {  	[sflag:s15] =	ssyncset.done $0x0  }
0x198: {  	[sflag:s15] =	ssyncadd.s32 $0xFFFFC000  }
0x199: {  	[spmem:s3] =	stream.indirect.scatter.add.f32 [tilespmem:s13], [sflag:$0x3], $0x80, s24, s12, $0xb8;
	[tilespmem:$0x1CC00] =	vst v63  }
0x19a: {  	_ =	swait.ge [sflag:s10], $0x4000  }
0x19b: {  	[sflag:s10] =	ssyncset.done $0x0  }
0x19c: {  	[sflag:s10] =	ssyncadd.s32 $0xFFFFC000  }
0x19d: {  	[tilespmem:s13], [sflag:$0x1] =	stream.indirect.gather [hbm4b:s1+s12], $0x80, s25, s12, $0xb8;
	[tilespmem:$0x1CC00] =	vst v63  }
0x19e: {  	_ =	swait.ge [sflag:s16], $0x4000  }
0x19f: {  	[sflag:s16] =	ssyncset.done $0x0  }
0x1a0: {  	[sflag:s16] =	ssyncadd.s32 $0xFFFFC000  }
0x1a1: {  	[spmem:s3] =	stream.indirect.scatter.add.f32 [tilespmem:s14], [sflag:$0x3], $0x80, s26, s12, $0xb8;
	[tilespmem:$0x1CC00] =	vst v63  }
0x1a2: {  	_ =	swait.ge [sflag:s10], $0x4000  }
0x1a3: {  	[sflag:s10] =	ssyncset.done $0x0  }
0x1a4: {  	[sflag:s10] =	ssyncadd.s32 $0xFFFFC000  }
0x1a5: {  	[tilespmem:s14], [sflag:$0x2] =	stream.indirect.gather [hbm4b:s1+s12], $0x80, s28, s12, $0xb8;
	[tilespmem:$0x1CC00] =	vst v63  }
0x1a6: {  	_ =	swait.ge [sflag:s15], $0x4000  }
0x1a7: {  	[sflag:s15] =	ssyncset.done $0x0  }
0x1a8: {  	[sflag:s15] =	ssyncadd.s32 $0xFFFFC000  }
0x1a9: {  	[spmem:s3] =	stream.indirect.scatter.add.f32 [tilespmem:s13], [sflag:$0x3], $0x80, s29, s12, $0xb8;
	[tilespmem:$0x1CC00] =	vst v63  }
0x1aa: {  	_ =	swait.ge [sflag:s10], $0x4000  }
0x1ab: {  	[sflag:s10] =	ssyncset.done $0x0  }
0x1ac: {  	[sflag:s10] =	ssyncadd.s32 $0xFFFFC000  }
0x1ad: {  	[tilespmem:s13], [sflag:$0x1] =	stream.indirect.gather [hbm4b:s1+s12], $0x80, s30, s12, $0xb8;
	[tilespmem:$0x1CC00] =	vst v63  }
0x1ae: {  	_ =	swait.ge [sflag:s16], $0x4000  }
0x1af: {  	[sflag:s16] =	ssyncset.done $0x0  }
0x1b0: {  	[sflag:s16] =	ssyncadd.s32 $0xFFFFC000  }
0x1b1: {  	[spmem:s3] =	stream.indirect.scatter.add.f32 [tilespmem:s14], [sflag:$0x3], $0x80, s31, s12, $0xb8;
	[tilespmem:$0x1CC00] =	vst v63  }
0x1b2: {  	_ =	swait.ge [sflag:s10], $0x4000  }
0x1b3: {  	[sflag:s10] =	ssyncset.done $0x0  }
0x1b4: {  	[sflag:s10] =	ssyncadd.s32 $0xFFFFC000  }
0x1b5: {  	[tilespmem:s14], [sflag:$0x2] =	stream.indirect.gather [hbm4b:s1+s12], $0x80, s2, s12, $0xb8;
	[tilespmem:$0x1CC00] =	vst v63  }
0x1b6: {  	_ =	swait.ge [sflag:s15], $0x4000  }
0x1b7: {  	[sflag:s15] =	ssyncset.done $0x0  }
0x1b8: {  	[sflag:s15] =	ssyncadd.s32 $0xFFFFC000  }
0x1b9: {  	[spmem:s3] =	stream.indirect.scatter.add.f32 [tilespmem:s13], [sflag:$0x3], $0x80, s0, s12, $0xb8;
	[tilespmem:$0x1CC00] =	vst v63  }
0x1ba: {  	_ =	swait.ge [sflag:s10], $0x4000  }
0x1bb: {  	[sflag:s10] =	ssyncset.done $0x0  }
0x1bc: {  	[sflag:s10] =	ssyncadd.s32 $0xFFFFC000  }
0x1bd: {  	_ =	swait.ge [sflag:s16], $0x4000  }
0x1be: {  	[sflag:s16] =	ssyncset.done $0x0  }
0x1bf: {  	[sflag:s16] =	ssyncadd.s32 $0xFFFFC000  }
0x1c0: {  	[spmem:s3] =	stream.indirect.scatter.add.f32 [tilespmem:s14], [sflag:$0x3], $0x80, s5, s12, $0xb8;
	[tilespmem:$0x1CC00] =	vst v63  }
0x1c1: {  	_ =	swait.ge [sflag:s10], $0x4000  }
0x1c2: {  	[sflag:s10] =	ssyncset.done $0x0  }
0x1c3: {  	[sflag:s10] =	ssyncadd.s32 $0xFFFFC000  }
0x1c4: {  	[bflag:$0x0] =	sbarrier.arrive $0xFFFF  }
0x1c5: {  	s7 =	rddreg [dreg:$0x13]  }
0x1c6: {  	s9 =	rddreg [dreg:$0x14]  }
0x1c7: {  	s8 =	rddreg [dreg:$0x16]  }
0x1c8: {  	[hbm:s9], [sflag:s7] =	dma.local [spmem:s8], $0x2780  }
0x1c9: {  	_ =	swait.ge [sflag:s10], $0x2780  }
0x1ca: {  	s6 =	rddreg [dreg:$0x17]  }
0x1cb: {  	s9 =	sadd.s32 $0x1, s6;
	s6 =	rddreg [dreg:$0x15]  }
0x1cc: {  	p0 =	sne.s32 s9, s6  }
.Ltmp1:
0x1cd: {  	_ = 	snop;
	(pc) =	sbr.rel @p0 .LBB2_1-.Ltmp1, $3  }
0x1ce: {  	_ =	sdelay $0x1  }
0x1cf: {  	[sflag:s10] =	ssyncset.done $0x0  }
0x1d0: {  	[sflag:s10] =	ssyncadd.s32 $0xFFFFD880  }
0x1d1: {  	_ =	sfence.sel $0x180000  }
0x1d2: {  	[bflag:$0x0] =	sbarrier.arrive $0xFFFF  }
0x1d3: {  	_ =	strace $0x9000004D  }
0x1d4: {  	s0 =	stileid.u32;
	[bflag:$0x2] =	sbarrier.arrive $0xFFFF  }
0x1d5: {  	p0 =	sne.s32 s0, $0x0;
	s0 =	rddreg [dreg:$0x3]  }
0x1d6: {  	s0 =	sadd.s32 @!p0 $0x100000, s0  }
0x1d7: {  	[sflag:s0] =	ssyncadd.tile.s32 @!p0 $0x1;
	_ =	shalt  }
.Lfunc_end2:
_tile_overlayer_lowered:
.L_overlay_start_2:
0x1d8: {  	(tag) =	ssettag $0x2  }
0x1d9: {  	s0 =	rddreg [dreg:$0x0];
	s2 =	stileid.u32  }
0x1da: {  	s1 =	rddreg [dreg:$0x1];
	p0 =	sne.s32 s2, $0x0  }
0x1db: {  	s3 =	rddreg [dreg:$0x2];
	[bflag:$0x3] =	sbarrier.arrive $0xFFFF;
	s2 =	simm.s32 @!p0 $0x1C03  }
0x1dc: {  	[timem:s3], [sflag:s2] =	dma.local @!p0 [hbm:s0], s1  }
0x1dd: {  	s0 =	simm.s32 @!p0 $0x3  }
0x1de: {  	_ =	swait.ge @!p0 [sflag:s0], s1  }
0x1df: {  	s1 =	ssub.s32 @!p0 $0x0, s1;
	[sflag:s0] =	ssyncset.done @!p0 $0x0  }
0x1e0: {  	[sflag:s0] =	ssyncadd.s32 @!p0 s1  }
0x1e1: {  	[bflag:$0x3] =	sbarrier.arrive $0xFFFF  }
0x1e2: {  	_ =	shalt  }

// kernel: kernel.7.cloned.1.call-start
scs
__scs_entry_jumppad:
0x0: {  	(pc) =	sbr.rel $0x88, $3  }
0x1: {  	(tag) =	ssettag $0x0;
	lr =	simm.s32 $0x1  }
0x2: {  	[smem:$0x3F99] =	sst lr;
	_ =	strace $0xD0000000  }
0x3: {  	_ = 	snop  }
0x4: {  	_ = 	snop  }
0x5: {  	_ = 	snop  }
0x6: {  	_ = 	snop  }
0x7: {  	_ = 	snop  }
__scs_overlays_trampoline_lowered:
0x8: {  	[smem:$0x3FA8] =	sst s0  }
0x9: {  	[smem:$0x3FA9] =	sst s1  }
0xa: {  	[smem:$0x3FAA] =	sst s2  }
0xb: {  	[smem:$0x3FAB] =	sst s3  }
0xc: {  	[smem:$0x3FAC] =	sst s4  }
0xd: {  	[smem:$0x3FAD] =	sst s5  }
0xe: {  	[smem:$0x3FAE] =	sst s6  }
0xf: {  	[smem:$0x3FAF] =	sst s7  }
0x10: {  	[smem:$0x3FB0] =	sst s8  }
0x11: {  	[smem:$0x3FB1] =	sst s9;
	s0 =	simm.s32 @!p0 $0x0  }
0x12: {  	s1 =	sld [smem:$0x3F97];
	s0 =	simm.s32 @p0 $0x1  }
0x13: {  	[smem:$0x3FB2] =	sst s0;
	s0 =	simm.s32 @!p1 $0x0  }
0x14: {  	s2 =	sld [smem:$0x3F96];
	s0 =	simm.s32 @p1 $0x1  }
0x15: {  	[smem:$0x3FB3] =	sst s0;
	s0 =	simm.s32 @!p2 $0x0  }
0x16: {  	s3 =	sld [smem:$0x3FDB];
	s0 =	simm.s32 @p2 $0x1  }
0x17: {  	s4 =	simm.s32 $0x1BF5;
	[smem:$0x3FB5] =	sst s0  }
0x18: {  	s0 =	sld [smem:$0x3F98];
	_ =	swait.ge [sflag:s4], $0x0  }
0x19: {  	s7 =	sld [smem:$0x3F99]  }
0x1a: {  	s8 =	sadd.s32 $0xFFFFE003, lr  }
0x1b: {  	s9 =	sadd.s32 $0xFFFFFEF7, lr;
	s5 =	simm.s32 $0xFFFFFFFF;
	p2 =	slt.u32 s8, $0xFFFFF086  }
0x1c: {  	p1 =	slt.u32 s9, $0xF7A;
	s5 =	simm.s32 @!p2 $0x0  }
0x1d: {  	s5 =	simm.s32 @p1 $0x1;
	p0 =	seq.s32 s7, s2  }
0x1e: {  	s7 =	smul.u32 @!p0 $0xF7A, s2;
	p2 =	seq.s32 @!p0 s5, $0x0  }
0x1f: {  	s9 =	smul.u32 $0xF7A, s1;
	s8 =	simm.s32 @!p0 $0x1BF5;
	p2 =	por !p2, p0  }
0x20: {  	[sflag:s8] =	ssyncset.s32 @!p0 $0xFFFFF086;
	s6 =	sadd.s32 @!p0 s3, s7;
	s7 =	simm.s32 @!p0 $0x108  }
0x21: {  	s3 =	sadd.s32 s3, s9;
	s6 =	sadd.s32 @!p0 $0x88, s6;
	s7 =	simm.s32 @p2 $0x1082  }
0x22: {  	[simem:s7], [sflag:s8] =	dma.local @!p0 [hbm:s6], $0xF7A  }
0x23: {  	s9 =	sor.u32 $0xD0000000, s2;
	s6 =	simm.s32 $0x108;
	_ =	swait.ge @!p0 [sflag:s8], $0x0  }
0x24: {  	s3 =	sadd.s32 $0x88, s3;
	s6 =	simm.s32 @!p1 $0x1082;
	[sflag:s4] =	ssyncset.s32 $0xFFFFF086  }
0x25: {  	[simem:s6], [sflag:s4] =	dma.local [hbm:s3], $0xF7A  }
0x26: {  	[smem:$0x3F99] =	sst s1;
	(tag) =	ssettag s2;
	_ =	strace s9  }
0x27: {  	s1 =	sld [smem:$0x3FA9]  }
0x28: {  	s2 =	sld [smem:$0x3FAA]  }
0x29: {  	s4 =	sld [smem:$0x3FAC]  }
0x2a: {  	p0 =	seq.s32 s5, $0x0;
	s5 =	sld [smem:$0x3FAD]  }
0x2b: {  	s6 =	sld [smem:$0x3FAE]  }
0x2c: {  	s7 =	sld [smem:$0x3FAF]  }
0x2d: {  	s3 =	simm.s32 $0x108;
	s8 =	sld [smem:$0x3FB0]  }
0x2e: {  	s3 =	simm.s32 @!p0 $0x1082;
	s9 =	sld [smem:$0x3FB1]  }
0x2f: {  	lr =	sadd.s32 s0, s3;
	s0 =	sld [smem:$0x3FA8]  }
0x30: {  	s3 =	sld [smem:$0x3FAB]  }
0x31: {  	[smem:$0x3FB4] =	sst s10  }
0x32: {  	s10 =	sld [smem:$0x3FB2];
	_ =	sdelay $0x3  }
0x33: {  	p0 =	seq.s32 s10, $0x1;
	s10 =	sld [smem:$0x3FB4];
	_ =	sdelay $0x3  }
0x34: {  	[smem:$0x3FB4] =	sst s10  }
0x35: {  	s10 =	sld [smem:$0x3FB3];
	_ =	sdelay $0x3  }
0x36: {  	p1 =	seq.s32 s10, $0x1;
	s10 =	sld [smem:$0x3FB4];
	_ =	sdelay $0x3  }
0x37: {  	[smem:$0x3FB4] =	sst s10  }
0x38: {  	s10 =	sld [smem:$0x3FB5]  }
0x39: {  	_ = 	snop;
	(pc) =	sbr.ind lr, $3  }
0x3a: {  	_ = 	snop  }
0x3b: {  	_ = 	snop  }
0x3c: {  	p2 =	seq.s32 s10, $0x1;
	s10 =	sld [smem:$0x3FB4]  }
0x3d: {  	_ =	shalt  }
0x3e: {  	_ =	shalt  }
0x3f: {  	_ =	shalt  }
0x40: {  	_ =	shalt  }
0x41: {  	_ =	shalt  }
0x42: {  	_ =	shalt  }
0x43: {  	_ =	shalt  }
0x44: {  	_ =	shalt  }
0x45: {  	_ =	shalt  }
0x46: {  	_ =	shalt  }
0x47: {  	_ =	shalt  }
0x48: {  	_ =	shalt  }
0x49: {  	_ =	shalt  }
0x4a: {  	_ =	shalt  }
0x4b: {  	_ =	shalt  }
0x4c: {  	_ =	shalt  }
0x4d: {  	_ =	shalt  }
0x4e: {  	_ =	shalt  }
0x4f: {  	_ =	shalt  }
0x50: {  	_ =	shalt  }
0x51: {  	_ =	shalt  }
0x52: {  	_ =	shalt  }
0x53: {  	_ =	shalt  }
0x54: {  	_ =	shalt  }
0x55: {  	_ =	shalt  }
0x56: {  	_ =	shalt  }
0x57: {  	_ =	shalt  }
0x58: {  	_ =	shalt  }
0x59: {  	_ =	shalt  }
0x5a: {  	_ =	shalt  }
0x5b: {  	_ =	shalt  }
0x5c: {  	_ =	shalt  }
0x5d: {  	_ =	shalt  }
0x5e: {  	_ =	shalt  }
0x5f: {  	_ =	shalt  }
0x60: {  	_ =	shalt  }
0x61: {  	_ =	shalt  }
0x62: {  	_ =	shalt  }
0x63: {  	_ =	shalt  }
0x64: {  	_ =	shalt  }
0x65: {  	_ =	shalt  }
0x66: {  	_ =	shalt  }
0x67: {  	_ =	shalt  }
0x68: {  	_ =	shalt  }
0x69: {  	_ =	shalt  }
0x6a: {  	_ =	shalt  }
0x6b: {  	_ =	shalt  }
0x6c: {  	_ =	shalt  }
0x6d: {  	_ =	shalt  }
0x6e: {  	_ =	shalt  }
0x6f: {  	_ =	shalt  }
0x70: {  	_ =	shalt  }
0x71: {  	_ =	shalt  }
0x72: {  	_ =	shalt  }
0x73: {  	_ =	shalt  }
0x74: {  	_ =	shalt  }
0x75: {  	_ =	shalt  }
0x76: {  	_ =	shalt  }
0x77: {  	_ =	shalt  }
0x78: {  	_ =	shalt  }
0x79: {  	_ =	shalt  }
0x7a: {  	_ =	shalt  }
0x7b: {  	_ =	shalt  }
0x7c: {  	_ =	shalt  }
0x7d: {  	_ =	shalt  }
0x7e: {  	_ =	shalt  }
0x7f: {  	_ =	shalt  }
0x80: {  	_ =	shalt  }
0x81: {  	_ =	shalt  }
0x82: {  	_ =	shalt  }
0x83: {  	_ =	shalt  }
0x84: {  	_ =	shalt  }
0x85: {  	_ =	shalt  }
0x86: {  	_ =	shalt  }
0x87: {  	_ =	shalt  }
.Lfunc_end0:
.L_simem_size_0:
called_computation_lowered:
.L_overlay_start_0:
0x88: {  	s2 =	sld [smem:$0x3FD9]  }
0x89: {  	s3 =	sld [smem:$0x3FFE];
	_ =	sdelay $0x1  }
0x8a: {  	s1 =	srdreg.scid  }
0x8b: {  	s0 =	sand.u32 $0x1, s1  }
0x8c: {  	s17 =	sshll.u32 s0, $0xA;
	s2 =	sadd.s32 s3, s2  }
0x8d: {  	s2 =	sadd.s32 s2, s17  }
0x8e: {  	[smem:$0x3FC0] =	sst s2  }
0x8f: {  	_ = 	snop  }
0x90: {  	s2 =	sld [smem:$0x3FD0];
	(tm) =	ssettm $0x1  }
0x91: {  	s18 =	sld [smem:$0x3FFB];
	_ =	sdelay $0x3  }
0x92: {  	_ =	strace s18  }
0x93: {  	s3 =	sld [smem:$0x3FFC];
	_ =	sdelay $0x3  }
0x94: {  	_ =	strace s3  }
0x95: {  	s3 =	sld [smem:$0x3FFD];
	_ =	sdelay $0x3  }
0x96: {  	_ =	strace s3  }
0x97: {  	_ =	strace $0x8FFFFFFF  }
0x98: {  	s19 =	sld [smem:$0x3FDB];
	_ =	sdelay $0x1  }
0x99: {  	s4 =	simm.s32 $_scs_section_size  }
0x9a: {  	s5 =	simm.s32 $_size__tile_overlayer_lowered;
	s6 =	simm.s32 $_tile_overlayer_lowered  }
0x9b: {  	s22 =	simm.s32 $0x1BFF;
	s21 =	sshll.u32 s6, $0x1;
	s3 =	sadd.s32 s4, s19  }
0x9c: {  	s7 =	simm.s32 $0x0;
	s20 =	sshll.u32 s5, $0x1;
	s5 =	sadd.s32 s21, s3  }
0x9d: {  	[timem:s7], [sflag:s22] =	dma.local [hbm:s5], s20  }
0x9e: {  	_ =	swait.ge [sflag:s22], s20  }
0x9f: {  	s4 =	ssub.s32 $0x0, s20;
	[sflag:s22] =	ssyncset.done $0x0  }
0xa0: {  	[sflag:s22] =	ssyncadd.s32 s4;
	_ =	sdelay $0x1  }
0xa1: {  	s23 =	simm.s32 $0x1B8B  }
0xa2: {  	_ =	swait.ge [sflag:s23], $0x1  }
0xa3: {  	[sflag:s23] =	ssyncset.done $0x0  }
0xa4: {  	s25 =	simm.s32 $0x1B8E;
	s24 =	sld [smem:$0x3FFE];
	[sflag:s23] =	ssyncadd.s32 $0xFFFFFFFF  }
0xa5: {  	s26 =	simm.s32 $execute0_lowered;
	[smem:$0x3FD2] =	sst s25  }
0xa6: {  	s5 =	sshll.u32 s26, $0x1;
	_ =	strace $0x80000046;
	[dreg:$0x1] =	wrdreg $0xFFFFFFFF  }
0xa7: {  	s28 =	simm.s32 $_size_execute0_lowered;
	s3 =	sadd.s32 s3, s5;
	[dreg:$0x0] =	wrdreg $0x0  }
0xa8: {  	s5 =	sshll.u32 s28, $0x1;
	[dreg:$0x2] =	wrdreg s3  }
0xa9: {  	[dreg:$0x3] =	wrdreg s5  }
0xaa: {  	[dreg:$0x4] =	wrdreg $0xC0  }
0xab: {  	_ =	task [dreg:s7], $0x5FFFF  }
0xac: {  	[dreg:$0x1] =	wrdreg $0xFFFFFFFF  }
0xad: {  	[dreg:$0x0] =	wrdreg $0x60  }
0xae: {  	[dreg:$0x2] =	wrdreg s2  }
0xaf: {  	[dreg:$0x3] =	wrdreg s24  }
0xb0: {  	[dreg:$0x4] =	wrdreg $0x48000  }
0xb1: {  	[dreg:$0x5] =	wrdreg $0x9  }
0xb2: {  	_ =	task.clear_ibuf [dreg:s7], $0x6FFFF;
	_ =	strace $0x90000046  }
0xb3: {  	s29 =	simm.s32 $0x9;
	_ =	strace $0x80000048  }
0xb4: {  	_ =	swait.ge [sflag:s29], $0x1  }
0xb5: {  	[sflag:s29] =	ssyncadd.s32 $0xFFFFFFFF  }
0xb6: {  	_ =	strace $0x90000048  }
0xb7: {  	_ =	sfence  }
0xb8: {  	s30 =	sld [smem:$0x0];
	_ =	sdelay $0x2  }
0xb9: {  	s31 =	sshll.u32 s1, $0xD;
	s1 =	sshrl.u32 s1, $0x2  }
0xba: {  	s3 =	sand.u32 $0x4000, s31;
	s1 =	sadd.s32 s1, s30  }
0xbb: {  	s0 =	sor.u32 s3, s0;
	s1 =	sshll.u32 s1, $0x11  }
0xbc: {  	s0 =	sor.u32 s1, s0  }
0xbd: {  	s0 =	sadd.s32 $0x8F2B, s0  }
0xbe: {  	[sflag:s0] =	ssyncadd.remote.s32 $0x1  }
0xbf: {  	_ =	sfence.sel $0xFFFF  }
0xc0: {  	[dreg:$0x0] =	wrdreg $0xFFFFFFFF;
	(pc) =	sbr.abs _section_cstart, $3  }
0xc1: {  	[dreg:$0x1] =	wrdreg $0xFFFFFFFF  }
0xc2: {  	_ =	task.clear_ibuf [dreg:s7], $0x2FFFF;
	_ =	strace $0x9FFFFFFF  }
0xc3: {  	(tm) =	ssettm $0x7FFFFFFF  }
tec
execute0_lowered:
.L_overlay_start_1:
0x0: {  	(tag) =	ssettag $0x1  }
0x1: {  	s1 =	rddreg [dreg:$0x0];
	s0 =	srdreg.scid  }
0x2: {  	s2 =	rddreg [dreg:$0x1];
	s23 =	stileid.u32  }
0x3: {  	s3 =	rddreg [dreg:$0x2];
	s4 =	simm.s32 $0x0;
	s12 =	simm.s32 $0x800  }
0x4: {  	s13 =	simm.s32 $0x80;
	s14 =	simm.s32 $0x100;
	s15 =	simm.s32 $0x180  }
0x5: {  	s16 =	simm.s32 $0x200;
	s17 =	simm.s32 $0x280;
	s18 =	simm.s32 $0x300  }
0x6: {  	s19 =	simm.s32 $0x380;
	s20 =	simm.s32 $0x400;
	s7 =	smul.u32 $0x2800, s23  }
0x7: {  	s21 =	simm.s32 $0x480;
	s22 =	simm.s32 $0x500;
	s24 =	smul.u32 $0x13C00, s23  }
0x8: {  	s28 =	simm.s32 $0x780;
	s5 =	sand.u32 $0x1, s0;
	s26 =	smul.u32 $0x4F000, s23  }
0x9: {  	s29 =	simm.s32 $0x0;
	[smem:$0x7FF] =	sst s4;
	s6 =	smul.u32 $0x28000, s5  }
0xa: {  	s31 =	sshll.u32 s23, $0x6;
	s23 =	simm.s32 $0x580;
	s8 =	smul.u32 $0x13C000, s5  }
0xb: {  	_ =	strace $0x80000047;
	s5 =	ssub.s32 $0x2, s5;
	s25 =	sshrl.u32 s24, $0x3  }
0xc: {  	s30 =	sshrl.u32 s5, $0x1;
	s6 =	sadd.s32 s7, s6;
	s7 =	sadd.s32 s24, s8  }
0xd: {  	s8 =	sshrl.u32 s26, $0x2;
	s10 =	ssub.s32 s5, s30;
	s24 =	simm.s32 $0x600  }
0xe: {  	s26 =	simm.s32 $0x700;
	s6 =	sshrl.u32 s6, $0x3;
	s7 =	sshrl.u32 s7, $0x3  }
0xf: {  	s11 =	sadd.s32 s8, s3;
	s8 =	smax.u32 s10, $0x1;
	s9 =	sadd.s32 s6, s2  }
0x10: {  	s6 =	sadd.s32 s25, s2;
	s2 =	sadd.s32 s7, s2;
	s10 =	sshrl.u32 s11, $0x3  }
0x11: {  	s11 =	simm.s32 $0x1;
	s25 =	simm.s32 $0x680;
	s5 =	sadd.s32 $0x16200, s6  }
0x12: {  	s6 =	sor.u32 $0x1C01, s31;
	s7 =	sadd.s32 $0x3DA00, s2;
	s9 =	sadd.s32 $0xC200, s9  }
.LBB2_1:
0x13: {  	[spmem:s10], [sflag:s6] =	dma.local [hbm:s5], $0x2780  }
0x14: {  	_ =	swait.ge [sflag:s11], $0x2780  }
0x15: {  	[sflag:s11] =	ssyncset.done $0x0  }
0x16: {  	[sflag:s11] =	ssyncadd.s32 $0xFFFFD880  }
0x17: {  	[tilespmem:s12], [sflag:$0x1] =	stream.linear.gather [hbm4b:s1+s4], $0x4000, $0x38;
	[tilespmem:$0x18400] =	vst v63  }
0x18: {  	_ =	swait.ge [sflag:s11], $0x4000  }
0x19: {  	[sflag:s11] =	ssyncset.done $0x0  }
0x1a: {  	[sflag:s11] =	ssyncadd.s32 $0xFFFFC000  }
0x1b: {  	s2 =	sadd.s32 $0x0, s9;
	[bflag:$0x0] =	sbarrier.arrive $0xFFFF  }
0x1c: {  	[tilespmem:s4], [sflag:$0x1] =	stream.linear.gather [hbm4b:s2+s4], $0x800, $0x38;
	[tilespmem:$0x18400] =	vst v63  }
0x1d: {  	_ =	swait.ge [sflag:s11], $0x800  }
0x1e: {  	[sflag:s11] =	ssyncset.done $0x0  }
0x1f: {  	[sflag:s11] =	ssyncadd.s32 $0xFFFFF800  }
0x20: {  	[spmem:s3] =	stream.indirect.scatter.add.f32 [tilespmem:s12], [sflag:$0x1], $0x80, s4, s13, $0xb8;
	[tilespmem:$0x18400] =	vst v63  }
0x21: {  	_ =	swait.ge [sflag:s11], $0x4000  }
0x22: {  	[sflag:s11] =	ssyncset.done $0x0  }
0x23: {  	[sflag:s11] =	ssyncadd.s32 $0xFFFFC000  }
0x24: {  	[spmem:s3] =	stream.indirect.scatter.add.f32 [tilespmem:s12], [sflag:$0x1], $0x80, s13, s13, $0xb8;
	[tilespmem:$0x18400] =	vst v63  }
0x25: {  	_ =	swait.ge [sflag:s11], $0x4000  }
0x26: {  	[sflag:s11] =	ssyncset.done $0x0  }
0x27: {  	[sflag:s11] =	ssyncadd.s32 $0xFFFFC000  }
0x28: {  	[spmem:s3] =	stream.indirect.scatter.add.f32 [tilespmem:s12], [sflag:$0x1], $0x80, s14, s13, $0xb8;
	[tilespmem:$0x18400] =	vst v63  }
0x29: {  	_ =	swait.ge [sflag:s11], $0x4000  }
0x2a: {  	[sflag:s11] =	ssyncset.done $0x0  }
0x2b: {  	[sflag:s11] =	ssyncadd.s32 $0xFFFFC000  }
0x2c: {  	[spmem:s3] =	stream.indirect.scatter.add.f32 [tilespmem:s12], [sflag:$0x1], $0x80, s15, s13, $0xb8;
	[tilespmem:$0x18400] =	vst v63  }
0x2d: {  	_ =	swait.ge [sflag:s11], $0x4000  }
0x2e: {  	[sflag:s11] =	ssyncset.done $0x0  }
0x2f: {  	[sflag:s11] =	ssyncadd.s32 $0xFFFFC000  }
0x30: {  	[spmem:s3] =	stream.indirect.scatter.add.f32 [tilespmem:s12], [sflag:$0x1], $0x80, s16, s13, $0xb8;
	[tilespmem:$0x18400] =	vst v63  }
0x31: {  	_ =	swait.ge [sflag:s11], $0x4000  }
0x32: {  	[sflag:s11] =	ssyncset.done $0x0  }
0x33: {  	[sflag:s11] =	ssyncadd.s32 $0xFFFFC000  }
0x34: {  	[spmem:s3] =	stream.indirect.scatter.add.f32 [tilespmem:s12], [sflag:$0x1], $0x80, s17, s13, $0xb8;
	[tilespmem:$0x18400] =	vst v63  }
0x35: {  	_ =	swait.ge [sflag:s11], $0x4000  }
0x36: {  	[sflag:s11] =	ssyncset.done $0x0  }
0x37: {  	[sflag:s11] =	ssyncadd.s32 $0xFFFFC000  }
0x38: {  	[spmem:s3] =	stream.indirect.scatter.add.f32 [tilespmem:s12], [sflag:$0x1], $0x80, s18, s13, $0xb8;
	[tilespmem:$0x18400] =	vst v63  }
0x39: {  	_ =	swait.ge [sflag:s11], $0x4000  }
0x3a: {  	[sflag:s11] =	ssyncset.done $0x0  }
0x3b: {  	[sflag:s11] =	ssyncadd.s32 $0xFFFFC000  }
0x3c: {  	[spmem:s3] =	stream.indirect.scatter.add.f32 [tilespmem:s12], [sflag:$0x1], $0x80, s19, s13, $0xb8;
	[tilespmem:$0x18400] =	vst v63  }
0x3d: {  	_ =	swait.ge [sflag:s11], $0x4000  }
0x3e: {  	[sflag:s11] =	ssyncset.done $0x0  }
0x3f: {  	[sflag:s11] =	ssyncadd.s32 $0xFFFFC000  }
0x40: {  	[spmem:s3] =	stream.indirect.scatter.add.f32 [tilespmem:s12], [sflag:$0x1], $0x80, s20, s13, $0xb8;
	[tilespmem:$0x18400] =	vst v63  }
0x41: {  	_ =	swait.ge [sflag:s11], $0x4000  }
0x42: {  	[sflag:s11] =	ssyncset.done $0x0  }
0x43: {  	[sflag:s11] =	ssyncadd.s32 $0xFFFFC000  }
0x44: {  	[spmem:s3] =	stream.indirect.scatter.add.f32 [tilespmem:s12], [sflag:$0x1], $0x80, s21, s13, $0xb8;
	[tilespmem:$0x18400] =	vst v63  }
0x45: {  	_ =	swait.ge [sflag:s11], $0x4000  }
0x46: {  	[sflag:s11] =	ssyncset.done $0x0  }
0x47: {  	[sflag:s11] =	ssyncadd.s32 $0xFFFFC000  }
0x48: {  	[spmem:s3] =	stream.indirect.scatter.add.f32 [tilespmem:s12], [sflag:$0x1], $0x80, s22, s13, $0xb8;
	[tilespmem:$0x18400] =	vst v63  }
0x49: {  	_ =	swait.ge [sflag:s11], $0x4000  }
0x4a: {  	[sflag:s11] =	ssyncset.done $0x0  }
0x4b: {  	[sflag:s11] =	ssyncadd.s32 $0xFFFFC000  }
0x4c: {  	[spmem:s3] =	stream.indirect.scatter.add.f32 [tilespmem:s12], [sflag:$0x1], $0x80, s23, s13, $0xb8;
	[tilespmem:$0x18400] =	vst v63  }
0x4d: {  	_ =	swait.ge [sflag:s11], $0x4000  }
0x4e: {  	[sflag:s11] =	ssyncset.done $0x0  }
0x4f: {  	[sflag:s11] =	ssyncadd.s32 $0xFFFFC000  }
0x50: {  	[spmem:s3] =	stream.indirect.scatter.add.f32 [tilespmem:s12], [sflag:$0x1], $0x80, s24, s13, $0xb8;
	[tilespmem:$0x18400] =	vst v63  }
0x51: {  	_ =	swait.ge [sflag:s11], $0x4000  }
0x52: {  	[sflag:s11] =	ssyncset.done $0x0  }
0x53: {  	[sflag:s11] =	ssyncadd.s32 $0xFFFFC000  }
0x54: {  	[spmem:s3] =	stream.indirect.scatter.add.f32 [tilespmem:s12], [sflag:$0x1], $0x80, s25, s13, $0xb8;
	[tilespmem:$0x18400] =	vst v63  }
0x55: {  	_ =	swait.ge [sflag:s11], $0x4000  }
0x56: {  	[sflag:s11] =	ssyncset.done $0x0  }
0x57: {  	[sflag:s11] =	ssyncadd.s32 $0xFFFFC000  }
0x58: {  	[spmem:s3] =	stream.indirect.scatter.add.f32 [tilespmem:s12], [sflag:$0x1], $0x80, s26, s13, $0xb8;
	[tilespmem:$0x18400] =	vst v63  }
0x59: {  	_ =	swait.ge [sflag:s11], $0x4000  }
0x5a: {  	[sflag:s11] =	ssyncset.done $0x0  }
0x5b: {  	[sflag:s11] =	ssyncadd.s32 $0xFFFFC000  }
0x5c: {  	[spmem:s3] =	stream.indirect.scatter.add.f32 [tilespmem:s12], [sflag:$0x1], $0x80, s28, s13, $0xb8;
	[tilespmem:$0x18400] =	vst v63  }
0x5d: {  	_ =	swait.ge [sflag:s11], $0x4000  }
0x5e: {  	s30 =	simm.s32 $0x100;
	s31 =	simm.s32 $0x200;
	[sflag:s11] =	ssyncset.done $0x0  }
.LBB2_2:
0x5f: {  	s0 =	sadd.s32 s30, s9  }
0x60: {  	[sflag:s11] =	ssyncadd.s32 $0xFFFFC000;
	s30 =	smov.u32 s31;
	s2 =	sadd.s32 $0x100, s31  }
0x61: {  	[tilespmem:s4], [sflag:$0x1] =	stream.linear.gather [hbm4b:s0+s4], $0x800, $0x38;
	[tilespmem:$0x18400] =	vst v63  }
0x62: {  	p0 =	sne.s32 s31, $0x400;
	_ =	swait.ge [sflag:s11], $0x800  }
0x63: {  	[sflag:s11] =	ssyncset.done $0x0  }
0x64: {  	[sflag:s11] =	ssyncadd.s32 $0xFFFFF800  }
0x65: {  	[spmem:s3] =	stream.indirect.scatter.add.f32 [tilespmem:s12], [sflag:$0x1], $0x80, s4, s13, $0xb8;
	[tilespmem:$0x18400] =	vst v63  }
0x66: {  	_ =	swait.ge [sflag:s11], $0x4000  }
0x67: {  	[sflag:s11] =	ssyncset.done $0x0  }
0x68: {  	[sflag:s11] =	ssyncadd.s32 $0xFFFFC000  }
0x69: {  	[spmem:s3] =	stream.indirect.scatter.add.f32 [tilespmem:s12], [sflag:$0x1], $0x80, s13, s13, $0xb8;
	[tilespmem:$0x18400] =	vst v63  }
0x6a: {  	_ =	swait.ge [sflag:s11], $0x4000  }
0x6b: {  	[sflag:s11] =	ssyncset.done $0x0  }
0x6c: {  	[sflag:s11] =	ssyncadd.s32 $0xFFFFC000  }
0x6d: {  	[spmem:s3] =	stream.indirect.scatter.add.f32 [tilespmem:s12], [sflag:$0x1], $0x80, s14, s13, $0xb8;
	[tilespmem:$0x18400] =	vst v63  }
0x6e: {  	_ =	swait.ge [sflag:s11], $0x4000  }
0x6f: {  	[sflag:s11] =	ssyncset.done $0x0  }
0x70: {  	[sflag:s11] =	ssyncadd.s32 $0xFFFFC000  }
0x71: {  	[spmem:s3] =	stream.indirect.scatter.add.f32 [tilespmem:s12], [sflag:$0x1], $0x80, s15, s13, $0xb8;
	[tilespmem:$0x18400] =	vst v63  }
0x72: {  	_ =	swait.ge [sflag:s11], $0x4000  }
0x73: {  	[sflag:s11] =	ssyncset.done $0x0  }
0x74: {  	[sflag:s11] =	ssyncadd.s32 $0xFFFFC000  }
0x75: {  	[spmem:s3] =	stream.indirect.scatter.add.f32 [tilespmem:s12], [sflag:$0x1], $0x80, s16, s13, $0xb8;
	[tilespmem:$0x18400] =	vst v63  }
0x76: {  	_ =	swait.ge [sflag:s11], $0x4000  }
0x77: {  	[sflag:s11] =	ssyncset.done $0x0  }
0x78: {  	[sflag:s11] =	ssyncadd.s32 $0xFFFFC000  }
0x79: {  	[spmem:s3] =	stream.indirect.scatter.add.f32 [tilespmem:s12], [sflag:$0x1], $0x80, s17, s13, $0xb8;
	[tilespmem:$0x18400] =	vst v63  }
0x7a: {  	_ =	swait.ge [sflag:s11], $0x4000  }
0x7b: {  	[sflag:s11] =	ssyncset.done $0x0  }
0x7c: {  	[sflag:s11] =	ssyncadd.s32 $0xFFFFC000  }
0x7d: {  	[spmem:s3] =	stream.indirect.scatter.add.f32 [tilespmem:s12], [sflag:$0x1], $0x80, s18, s13, $0xb8;
	[tilespmem:$0x18400] =	vst v63  }
0x7e: {  	_ =	swait.ge [sflag:s11], $0x4000  }
0x7f: {  	[sflag:s11] =	ssyncset.done $0x0  }
0x80: {  	[sflag:s11] =	ssyncadd.s32 $0xFFFFC000  }
0x81: {  	[spmem:s3] =	stream.indirect.scatter.add.f32 [tilespmem:s12], [sflag:$0x1], $0x80, s19, s13, $0xb8;
	[tilespmem:$0x18400] =	vst v63  }
0x82: {  	_ =	swait.ge [sflag:s11], $0x4000  }
0x83: {  	[sflag:s11] =	ssyncset.done $0x0  }
0x84: {  	[sflag:s11] =	ssyncadd.s32 $0xFFFFC000  }
0x85: {  	[spmem:s3] =	stream.indirect.scatter.add.f32 [tilespmem:s12], [sflag:$0x1], $0x80, s20, s13, $0xb8;
	[tilespmem:$0x18400] =	vst v63  }
0x86: {  	_ =	swait.ge [sflag:s11], $0x4000  }
0x87: {  	[sflag:s11] =	ssyncset.done $0x0  }
0x88: {  	[sflag:s11] =	ssyncadd.s32 $0xFFFFC000  }
0x89: {  	[spmem:s3] =	stream.indirect.scatter.add.f32 [tilespmem:s12], [sflag:$0x1], $0x80, s21, s13, $0xb8;
	[tilespmem:$0x18400] =	vst v63  }
0x8a: {  	_ =	swait.ge [sflag:s11], $0x4000  }
0x8b: {  	[sflag:s11] =	ssyncset.done $0x0  }
0x8c: {  	[sflag:s11] =	ssyncadd.s32 $0xFFFFC000  }
0x8d: {  	[spmem:s3] =	stream.indirect.scatter.add.f32 [tilespmem:s12], [sflag:$0x1], $0x80, s22, s13, $0xb8;
	[tilespmem:$0x18400] =	vst v63  }
0x8e: {  	_ =	swait.ge [sflag:s11], $0x4000  }
0x8f: {  	[sflag:s11] =	ssyncset.done $0x0  }
0x90: {  	[sflag:s11] =	ssyncadd.s32 $0xFFFFC000  }
0x91: {  	[spmem:s3] =	stream.indirect.scatter.add.f32 [tilespmem:s12], [sflag:$0x1], $0x80, s23, s13, $0xb8;
	[tilespmem:$0x18400] =	vst v63  }
0x92: {  	_ =	swait.ge [sflag:s11], $0x4000  }
0x93: {  	[sflag:s11] =	ssyncset.done $0x0  }
0x94: {  	[sflag:s11] =	ssyncadd.s32 $0xFFFFC000  }
0x95: {  	[spmem:s3] =	stream.indirect.scatter.add.f32 [tilespmem:s12], [sflag:$0x1], $0x80, s24, s13, $0xb8;
	[tilespmem:$0x18400] =	vst v63  }
0x96: {  	_ =	swait.ge [sflag:s11], $0x4000  }
0x97: {  	[sflag:s11] =	ssyncset.done $0x0  }
0x98: {  	[sflag:s11] =	ssyncadd.s32 $0xFFFFC000  }
0x99: {  	[spmem:s3] =	stream.indirect.scatter.add.f32 [tilespmem:s12], [sflag:$0x1], $0x80, s25, s13, $0xb8;
	[tilespmem:$0x18400] =	vst v63  }
0x9a: {  	_ =	swait.ge [sflag:s11], $0x4000  }
0x9b: {  	[sflag:s11] =	ssyncset.done $0x0  }
0x9c: {  	[sflag:s11] =	ssyncadd.s32 $0xFFFFC000  }
0x9d: {  	[spmem:s3] =	stream.indirect.scatter.add.f32 [tilespmem:s12], [sflag:$0x1], $0x80, s26, s13, $0xb8;
	[tilespmem:$0x18400] =	vst v63  }
0x9e: {  	_ =	swait.ge [sflag:s11], $0x4000  }
.Ltmp0:
0x9f: {  	[sflag:s11] =	ssyncset.done $0x0;
	(pc) =	sbr.rel @p0 .LBB2_2-.Ltmp0, $4  }
0xa0: {  	[sflag:s11] =	ssyncadd.s32 $0xFFFFC000  }
0xa1: {  	[spmem:s3] =	stream.indirect.scatter.add.f32 [tilespmem:s12], [sflag:$0x1], $0x80, s28, s13, $0xb8;
	[tilespmem:$0x18400] =	vst v63  }
0xa2: {  	_ =	swait.ge [sflag:s11], $0x4000  }
0xa3: {  	s31 =	smov.u32 s2;
	[sflag:s11] =	ssyncset.done $0x0  }
0xa4: {  	s0 =	sadd.s32 s30, s9;
	[sflag:s11] =	ssyncadd.s32 $0xFFFFC000  }
0xa5: {  	[tilespmem:s4], [sflag:$0x1] =	stream.linear.gather [hbm4b:s0+s4], $0x800, $0x38;
	[tilespmem:$0x18400] =	vst v63  }
0xa6: {  	_ =	swait.ge [sflag:s11], $0x800  }
0xa7: {  	[sflag:s11] =	ssyncset.done $0x0  }
0xa8: {  	[sflag:s11] =	ssyncadd.s32 $0xFFFFF800  }
0xa9: {  	[spmem:s3] =	stream.indirect.scatter.add.f32 [tilespmem:s12], [sflag:$0x1], $0x80, s4, s13, $0xb8;
	[tilespmem:$0x18400] =	vst v63  }
0xaa: {  	_ =	swait.ge [sflag:s11], $0x4000  }
0xab: {  	[sflag:s11] =	ssyncset.done $0x0  }
0xac: {  	[sflag:s11] =	ssyncadd.s32 $0xFFFFC000  }
0xad: {  	[spmem:s3] =	stream.indirect.scatter.add.f32 [tilespmem:s12], [sflag:$0x1], $0x80, s13, s13, $0xb8;
	[tilespmem:$0x18400] =	vst v63  }
0xae: {  	_ =	swait.ge [sflag:s11], $0x4000  }
0xaf: {  	[sflag:s11] =	ssyncset.done $0x0  }
0xb0: {  	[sflag:s11] =	ssyncadd.s32 $0xFFFFC000  }
0xb1: {  	[spmem:s3] =	stream.indirect.scatter.add.f32 [tilespmem:s12], [sflag:$0x1], $0x80, s14, s13, $0xb8;
	[tilespmem:$0x18400] =	vst v63  }
0xb2: {  	_ =	swait.ge [sflag:s11], $0x4000  }
0xb3: {  	[sflag:s11] =	ssyncset.done $0x0  }
0xb4: {  	[sflag:s11] =	ssyncadd.s32 $0xFFFFC000  }
0xb5: {  	[spmem:s3] =	stream.indirect.scatter.add.f32 [tilespmem:s12], [sflag:$0x1], $0x80, s15, s13, $0xb8;
	[tilespmem:$0x18400] =	vst v63  }
0xb6: {  	_ =	swait.ge [sflag:s11], $0x4000  }
0xb7: {  	[sflag:s11] =	ssyncset.done $0x0  }
0xb8: {  	[sflag:s11] =	ssyncadd.s32 $0xFFFFC000  }
0xb9: {  	[spmem:s3] =	stream.indirect.scatter.add.f32 [tilespmem:s12], [sflag:$0x1], $0x80, s16, s13, $0xb8;
	[tilespmem:$0x18400] =	vst v63  }
0xba: {  	_ =	swait.ge [sflag:s11], $0x4000  }
0xbb: {  	[sflag:s11] =	ssyncset.done $0x0  }
0xbc: {  	[sflag:s11] =	ssyncadd.s32 $0xFFFFC000  }
0xbd: {  	[spmem:s3] =	stream.indirect.scatter.add.f32 [tilespmem:s12], [sflag:$0x1], $0x80, s17, s13, $0xb8;
	[tilespmem:$0x18400] =	vst v63  }
0xbe: {  	_ =	swait.ge [sflag:s11], $0x4000  }
0xbf: {  	[sflag:s11] =	ssyncset.done $0x0  }
0xc0: {  	[sflag:s11] =	ssyncadd.s32 $0xFFFFC000  }
0xc1: {  	[spmem:s3] =	stream.indirect.scatter.add.f32 [tilespmem:s12], [sflag:$0x1], $0x80, s18, s13, $0xb8;
	[tilespmem:$0x18400] =	vst v63  }
0xc2: {  	_ =	swait.ge [sflag:s11], $0x4000  }
0xc3: {  	[sflag:s11] =	ssyncset.done $0x0  }
0xc4: {  	[sflag:s11] =	ssyncadd.s32 $0xFFFFC000  }
0xc5: {  	[spmem:s3] =	stream.indirect.scatter.add.f32 [tilespmem:s12], [sflag:$0x1], $0x80, s19, s13, $0xb8;
	[tilespmem:$0x18400] =	vst v63  }
0xc6: {  	_ =	swait.ge [sflag:s11], $0x4000  }
0xc7: {  	[sflag:s11] =	ssyncset.done $0x0  }
0xc8: {  	[sflag:s11] =	ssyncadd.s32 $0xFFFFC000  }
0xc9: {  	[spmem:s3] =	stream.indirect.scatter.add.f32 [tilespmem:s12], [sflag:$0x1], $0x80, s20, s13, $0xb8;
	[tilespmem:$0x18400] =	vst v63  }
0xca: {  	_ =	swait.ge [sflag:s11], $0x4000  }
0xcb: {  	[sflag:s11] =	ssyncset.done $0x0  }
0xcc: {  	[sflag:s11] =	ssyncadd.s32 $0xFFFFC000  }
0xcd: {  	[spmem:s3] =	stream.indirect.scatter.add.f32 [tilespmem:s12], [sflag:$0x1], $0x80, s21, s13, $0xb8;
	[tilespmem:$0x18400] =	vst v63  }
0xce: {  	_ =	swait.ge [sflag:s11], $0x4000  }
0xcf: {  	[sflag:s11] =	ssyncset.done $0x0  }
0xd0: {  	[sflag:s11] =	ssyncadd.s32 $0xFFFFC000  }
0xd1: {  	[spmem:s3] =	stream.indirect.scatter.add.f32 [tilespmem:s12], [sflag:$0x1], $0x80, s22, s13, $0xb8;
	[tilespmem:$0x18400] =	vst v63  }
0xd2: {  	_ =	swait.ge [sflag:s11], $0x4000  }
0xd3: {  	[sflag:s11] =	ssyncset.done $0x0  }
0xd4: {  	[sflag:s11] =	ssyncadd.s32 $0xFFFFC000  }
0xd5: {  	[spmem:s3] =	stream.indirect.scatter.add.f32 [tilespmem:s12], [sflag:$0x1], $0x80, s23, s13, $0xb8;
	[tilespmem:$0x18400] =	vst v63  }
0xd6: {  	_ =	swait.ge [sflag:s11], $0x4000  }
0xd7: {  	[sflag:s11] =	ssyncset.done $0x0  }
0xd8: {  	[sflag:s11] =	ssyncadd.s32 $0xFFFFC000  }
0xd9: {  	[spmem:s3] =	stream.indirect.scatter.add.f32 [tilespmem:s12], [sflag:$0x1], $0x80, s24, s13, $0xb8;
	[tilespmem:$0x18400] =	vst v63  }
0xda: {  	_ =	swait.ge [sflag:s11], $0x4000  }
0xdb: {  	[sflag:s11] =	ssyncset.done $0x0  }
0xdc: {  	[sflag:s11] =	ssyncadd.s32 $0xFFFFC000  }
0xdd: {  	[spmem:s3] =	stream.indirect.scatter.add.f32 [tilespmem:s12], [sflag:$0x1], $0x80, s25, s13, $0xb8;
	[tilespmem:$0x18400] =	vst v63  }
0xde: {  	_ =	swait.ge [sflag:s11], $0x4000  }
0xdf: {  	[sflag:s11] =	ssyncset.done $0x0  }
0xe0: {  	[sflag:s11] =	ssyncadd.s32 $0xFFFFC000  }
0xe1: {  	[spmem:s3] =	stream.indirect.scatter.add.f32 [tilespmem:s12], [sflag:$0x1], $0x80, s26, s13, $0xb8;
	[tilespmem:$0x18400] =	vst v63  }
0xe2: {  	_ =	swait.ge [sflag:s11], $0x4000  }
0xe3: {  	[sflag:s11] =	ssyncset.done $0x0  }
0xe4: {  	[sflag:s11] =	ssyncadd.s32 $0xFFFFC000  }
0xe5: {  	[spmem:s3] =	stream.indirect.scatter.add.f32 [tilespmem:s12], [sflag:$0x1], $0x80, s28, s13, $0xb8;
	[tilespmem:$0x18400] =	vst v63  }
0xe6: {  	_ =	swait.ge [sflag:s11], $0x4000  }
0xe7: {  	s29 =	sadd.s32 $0x1, s29;
	[sflag:s11] =	ssyncset.done $0x0  }
0xe8: {  	p0 =	sne.s32 s29, s8;
	[sflag:s11] =	ssyncadd.s32 $0xFFFFC000  }
.Ltmp1:
0xe9: {  	[bflag:$0x0] =	sbarrier.arrive $0xFFFF;
	(pc) =	sbr.rel @p0 .LBB2_1-.Ltmp1, $4  }
0xea: {  	[hbm:s7], [sflag:s6] =	dma.local [spmem:s10], $0x2780  }
0xeb: {  	_ =	swait.ge [sflag:s11], $0x2780  }
0xec: {  	[sflag:s11] =	ssyncset.done $0x0  }
0xed: {  	[sflag:s11] =	ssyncadd.s32 $0xFFFFD880  }
0xee: {  	_ =	sfence.sel $0x180000  }
0xef: {  	[bflag:$0x0] =	sbarrier.arrive $0xFFFF  }
0xf0: {  	_ =	strace $0x90000047  }
0xf1: {  	s0 =	stileid.u32;
	[bflag:$0x2] =	sbarrier.arrive $0xFFFF  }
0xf2: {  	p0 =	sne.s32 s0, $0x0;
	s0 =	rddreg [dreg:$0x3]  }
0xf3: {  	s0 =	sadd.s32 @!p0 $0x100000, s0  }
0xf4: {  	[sflag:s0] =	ssyncadd.tile.s32 @!p0 $0x1;
	_ =	shalt  }
.Lfunc_end2:
_tile_overlayer_lowered:
.L_overlay_start_2:
0xf5: {  	(tag) =	ssettag $0x2  }
0xf6: {  	s0 =	rddreg [dreg:$0x0];
	s2 =	stileid.u32  }
0xf7: {  	s1 =	rddreg [dreg:$0x1];
	p0 =	sne.s32 s2, $0x0  }
0xf8: {  	s3 =	rddreg [dreg:$0x2];
	[bflag:$0x3] =	sbarrier.arrive $0xFFFF;
	s2 =	simm.s32 @!p0 $0x1C01  }
0xf9: {  	[timem:s3], [sflag:s2] =	dma.local @!p0 [hbm:s0], s1  }
0xfa: {  	s0 =	simm.s32 @!p0 $0x1  }
0xfb: {  	_ =	swait.ge @!p0 [sflag:s0], s1  }
0xfc: {  	s1 =	ssub.s32 @!p0 $0x0, s1;
	[sflag:s0] =	ssyncset.done @!p0 $0x0  }
0xfd: {  	[sflag:s0] =	ssyncadd.s32 @!p0 s1  }
0xfe: {  	[bflag:$0x3] =	sbarrier.arrive $0xFFFF  }
0xff: {  	_ =	shalt  }

</sc_bundles>
